<compile_context>
chip_gen: v7x
topology: tpu7x:2x2x1
jax: 0.10.2.dev20260603
libtpu: 0.0.44.dev20260713+nightly
codegen_flags: <defaults>
</compile_context>

<pallas_src>
import functools

import jax
import jax.numpy as jnp
from jax import lax
from jax.experimental import pallas as pl
from jax.experimental.pallas import tpu as pltpu
from jax.experimental.pallas import tpu_sc as plsc


def _tree_sum(terms):
    while len(terms) > 1:
        nxt = [a + b for a, b in zip(terms[::2], terms[1::2])]
        if len(terms) % 2:
            nxt.append(terms[-1])
        terms = nxt
    return terms[0]


def _score_body(f_ref, w1_ref, b1_ref, w2_ref, b2_ref, o_ref):
    f = f_ref[...]
    h = jnp.maximum(
        jnp.dot(f, w1_ref[...], preferred_element_type=jnp.float32)
        + b1_ref[...][None, :], 0.0)
    o_ref[...] = (jnp.dot(h, w2_ref[...], preferred_element_type=jnp.float32)
                  + b2_ref[...][None, :])


def _row_scores(feats, w1, b1, w2, b2, block=2000):
    n, d = feats.shape
    hid = w1.shape[1]
    grid = pl.cdiv(n, block)
    out = pl.pallas_call(
        _score_body,
        grid=(grid,),
        in_specs=[
            pl.BlockSpec((block, d), lambda i: (i, 0)),
            pl.BlockSpec((d, hid), lambda i: (0, 0)),
            pl.BlockSpec((hid,), lambda i: (0,)),
            pl.BlockSpec((hid, 1), lambda i: (0, 0)),
            pl.BlockSpec((1,), lambda i: (0,)),
        ],
        out_specs=pl.BlockSpec((block, 1), lambda i: (i, 0)),
        out_shape=jax.ShapeDtypeStruct((n, 1), jnp.float32),
    )(feats, w1, b1, w2, b2)
    return out.reshape(n)


def _make_gather_kernel(n_total, d, s_dim, k_dim, npad, nw, nc, gpw, kc):
    b_t = npad // nw
    mesh = plsc.VectorSubcoreMesh(core_axis_name="core", subcore_axis_name="sub")
    kr = k_dim * 16

    @functools.partial(
        pl.kernel, mesh=mesh,
        compiler_params=pltpu.CompilerParams(needs_layout_passes=False),
        out_type=jax.ShapeDtypeStruct((npad, s_dim * d), jnp.float32),
        scratch_types=[
            pltpu.VMEM((n_total,), jnp.float32),
            pltpu.VMEM((b_t,), jnp.int32),
            pltpu.VMEM((16,), jnp.int32),
            pltpu.VMEM((16,), jnp.int32),
            pltpu.VMEM((16, kc), jnp.int32),
            pltpu.VMEM((16, kc), jnp.int32),
            pltpu.VMEM((kr,), jnp.int32),
            pltpu.VMEM((kr,), jnp.int32),
            pltpu.VMEM((kr, d), jnp.float32),
            pltpu.VMEM((kr, d), jnp.float32),
            pltpu.VMEM((k_dim, 16), jnp.float32),
            pltpu.VMEM((k_dim, 16), jnp.float32),
            pltpu.VMEM((16, s_dim * d), jnp.float32),
            pltpu.SemaphoreType.DMA,
            pltpu.SemaphoreType.DMA,
            pltpu.SemaphoreType.DMA,
        ],
    )
    def gather_kernel(ids_hbm, adj_hbm, sv_hbm, feats_hbm, out_hbm,
                      sv_v, ids_v, ig0, ig1, ag0, ag1, ri0, ri1, rb0, rb1,
                      wb0, wb1, xstage, sem0, sem1, sema):
        wid = lax.axis_index("sub") * nc + lax.axis_index("core")
        base = wid * b_t
        pltpu.sync_copy(sv_hbm, sv_v)
        pltpu.sync_copy(ids_hbm.at[pl.ds(base, b_t)], ids_v)
        lanes = lax.iota(jnp.int32, 16)
        rowsel = [k * 16 + lanes for k in range(k_dim)]
        bufs = ((ri0, rb0, wb0, sem0), (ri1, rb1, wb1, sem1))
        adjg = (ig0, ag0), (ig1, ag1)

        def adj_fetch(g2, pa):
            ig, ag = adjg[pa]
            ig[...] = ids_v[pl.ds(g2 * 16, 16)]
            return pltpu.async_copy(adj_hbm.at[ig], ag, sema)

        def issue(pa, s2, ri, rb, wb, sem):
            ag = adjg[pa][1]
            idxv = []
            for k in range(k_dim):
                col = jnp.full((16,), s2 * k_dim + k, jnp.int32)
                ik = plsc.load_gather(ag, [lanes, col])
                ri[pl.ds(k * 16, 16)] = ik
                idxv.append(ik)
            cp = pltpu.async_copy(feats_hbm.at[ri], rb, sem)
            sq = [plsc.load_gather(sv_v, [ik]) for ik in idxv]
            m = sq[0]
            for t in sq[1:]:
                m = jnp.maximum(m, t)
            es = [jnp.exp(t - m) for t in sq]
            inv = 1.0 / _tree_sum(es)
            for k in range(k_dim):
                wb[k, :] = es[k] * inv
            return cp

        def group_step(g, pa):
            gb = g * 16

            @pl.when(g + 1 < gpw)
            def _():
                adj_fetch(g + 1, 1 - pa)

            for sp in range(0, s_dim, 2):
                for b in range(2):
                    s = sp + b
                    ri, rb, wb, sem = bufs[b]
                    pltpu.make_async_copy(feats_hbm.at[ri], rb, sem).wait()
                    wv = [wb[k, :] for k in range(k_dim)]

                    @plsc.parallel_loop(0, 16, 1, unroll=4)
                    def col_body(p, _wv=wv, _rb=rb, _s=s):
                        colp = jnp.full((16,), p, jnp.int32)
                        acc = _wv[0] * plsc.load_gather(
                            _rb, [rowsel[0], colp])
                        plsc.store_scatter(
                            xstage, [lanes, colp + _s * d], acc)

                    if s < s_dim - 2:
                        issue(pa, s + 2, ri, rb, wb, sem)
                    else:
                        @pl.when(g + 1 < gpw)
                        def _():
                            if s == s_dim - 2:
                                ig, ag = adjg[1 - pa]
                                pltpu.make_async_copy(
                                    adj_hbm.at[ig], ag, sema).wait()
                            issue(1 - pa, s + 2 - s_dim, ri, rb, wb, sem)
            pltpu.sync_copy(xstage, out_hbm.at[pl.ds(base + gb, 16), :])

        adj_fetch(jnp.int32(0), 0).wait()
        issue(0, 0, *bufs[0])
        issue(0, 1, *bufs[1])

        def pair_body(h, carry):
            group_step(2 * h, 0)
            group_step(2 * h + 1, 1)
            return carry
        lax.fori_loop(0, gpw // 2, pair_body, 0)
        if gpw % 2:
            group_step(jnp.int32(gpw - 1), 0)

    return gather_kernel


def _make_final_body(s_dim, d):
    def final_body(x_ref, w1_ref, b1_ref, w2_ref, b2_ref, fw_ref, fb_ref,
                   o_ref):
        xb = x_ref[...]
        xs_s = [xb[:, s * d:(s + 1) * d] for s in range(s_dim)]
        b1 = b1_ref[...][None, :]
        b2 = b2_ref[...][None, :]
        sc = []
        for s in range(s_dim):
            h = jnp.maximum(
                jnp.dot(xs_s[s], w1_ref[...],
                        preferred_element_type=jnp.float32) + b1, 0.0)
            sc.append(jnp.dot(h, w2_ref[...],
                              preferred_element_type=jnp.float32) + b2)
        m = sc[0]
        for t in sc[1:]:
            m = jnp.maximum(m, t)
        es = [jnp.exp(t - m) for t in sc]
        inv = 1.0 / _tree_sum(es)
        xw = _tree_sum([(es[s] * inv) * xs_s[s] for s in range(s_dim)])
        o_ref[...] = jnp.maximum(
            jnp.dot(xw, fw_ref[...], preferred_element_type=jnp.float32)
            + fb_ref[...][None, :], 0.0)
    return final_body


def _final_stage(xw, n_out, s_dim, d, w1, b1, w2, b2, fw, fb, block=512):
    hid = w1.shape[1]
    grid = pl.cdiv(n_out, block)
    return pl.pallas_call(
        _make_final_body(s_dim, d),
        grid=(grid,),
        in_specs=[
            pl.BlockSpec((block, s_dim * d), lambda i: (i, 0)),
            pl.BlockSpec((d, hid), lambda i: (0, 0)),
            pl.BlockSpec((hid,), lambda i: (0,)),
            pl.BlockSpec((hid, 1), lambda i: (0, 0)),
            pl.BlockSpec((1,), lambda i: (0,)),
            pl.BlockSpec((d, d), lambda i: (0, 0)),
            pl.BlockSpec((d,), lambda i: (0,)),
        ],
        out_specs=pl.BlockSpec((block, d), lambda i: (i, 0)),
        out_shape=jax.ShapeDtypeStruct((n_out, d), jnp.float32),
    )(xw, w1, b1, w2, b2, fw, fb)


def kernel(ids, feats, edge_dict, adj, fc_W, fc_b,
           ec_w1, ec_b1, ec_w2, ec_b2, vc_w1, vc_b1, vc_w2, vc_b2):
    n_total, d = feats.shape
    n_ids = ids.shape[0]
    s_dim, k_dim = adj.shape[1], adj.shape[2]

    nc, ns = 2, 16
    nw = nc * ns
    gpw = pl.cdiv(n_ids, nw * 16)
    npad = nw * 16 * gpw

    sv = _row_scores(feats, vc_w1, vc_b1, vc_w2, vc_b2)

    ids_p = jnp.concatenate(
        [ids, jnp.zeros((npad - n_ids,), jnp.int32)]) if npad > n_ids else ids
    kc = 128
    adj_p = jnp.pad(adj.reshape(n_total, s_dim * k_dim),
                    ((0, 0), (0, kc - s_dim * k_dim)))

    gk = _make_gather_kernel(n_total, d, s_dim, k_dim, npad, nw, nc, gpw, kc)
    xw = gk(ids_p, adj_p, sv, feats)

    return _final_stage(xw, n_ids, s_dim, d,
                        ec_w1, ec_b1, ec_w2, ec_b2, fc_W, fc_b)

# --- scband reference (transcript-rebuilt; emitter-appended) ---
"""Pipeline reference for scband-dhglayer-47090021433857 (READ-ONLY COPY).

The authoritative reference and input builder live on the scoring server;
editing this copy changes nothing except your own understanding.
"""

import jax, jax.numpy as jnp
import numpy as np

N_TOTAL, D, S, K = 50000, 128, 6, 10
N_IDS = 10000
HID_EC = D // 4
HID_VC = 9


def setup_inputs(seed: int = 0) -> dict:
    key = jax.random.key(seed)
    ks = jax.random.split(key, 16)
    feats = jax.random.normal(ks[0], (N_TOTAL, D), dtype=jnp.float32)
    ids = jax.random.randint(ks[1], (N_IDS,), 0, N_TOTAL, dtype=jnp.int32)
    adj = jax.random.randint(ks[2], (N_TOTAL, S, K), 0, N_TOTAL, dtype=jnp.int32)
    edge_dict = jnp.zeros((1,), dtype=jnp.int32)
    sc = 0.05
    fc_W = jax.random.normal(ks[3], (D, D), dtype=jnp.float32) * sc
    fc_b = jax.random.normal(ks[4], (D,), dtype=jnp.float32) * sc
    ec_w1 = jax.random.normal(ks[5], (D, HID_EC), dtype=jnp.float32) * sc
    ec_b1 = jax.random.normal(ks[6], (HID_EC,), dtype=jnp.float32) * sc
    ec_w2 = jax.random.normal(ks[7], (HID_EC, 1), dtype=jnp.float32) * sc
    ec_b2 = jax.random.normal(ks[8], (1,), dtype=jnp.float32) * sc
    vc_w1 = jax.random.normal(ks[9], (D, HID_VC), dtype=jnp.float32) * sc
    vc_b1 = jax.random.normal(ks[10], (HID_VC,), dtype=jnp.float32) * sc
    vc_w2 = jax.random.normal(ks[11], (HID_VC, 1), dtype=jnp.float32) * sc
    vc_b2 = jax.random.normal(ks[12], (1,), dtype=jnp.float32) * sc
    return {"ids": ids, "feats": feats, "edge_dict": edge_dict, "adj": adj,
            "fc_W": fc_W, "fc_b": fc_b,
            "ec_w1": ec_w1, "ec_b1": ec_b1, "ec_w2": ec_w2, "ec_b2": ec_b2,
            "vc_w1": vc_w1, "vc_b1": vc_b1, "vc_w2": vc_w2, "vc_b2": vc_b2}


def _edge_conv(feats3, w1, b1, w2, b2):
    # feats3: (N, t, d); self-attention weighted mean over axis 1
    h = jax.nn.relu(feats3 @ w1 + b1)        # (N, t, hidden)
    scores = h @ w2 + b2                     # (N, t, 1)
    scores = jax.nn.softmax(scores, axis=1)  # softmax over the t hyperedges
    return (scores * feats3).sum(axis=1)     # (N, d)


def reference(ids, feats, edge_dict, adj, fc_W, fc_b,
              ec_w1, ec_b1, ec_w2, ec_b2,
              vc_w1, vc_b1, vc_w2, vc_b2):
    adj_sel = adj[ids]                               # (N, s, k)
    N, s, k = adj_sel.shape
    d = feats.shape[1]
    rf = feats[adj_sel.reshape(-1)].reshape(N, s, k, d)
    hyperedge_feats = []
    for i in range(s):
        conv = _edge_conv(rf[:, i, :, :], vc_w1, vc_b1, vc_w2, vc_b2)  # (N, d)
        hyperedge_feats.append(conv[:, None, :])
    x = jnp.concatenate(hyperedge_feats, axis=1)     # (N, s, d)
    x = _edge_conv(x, ec_w1, ec_b1, ec_w2, ec_b2)    # (N, d)
    # dropout is identity in eval mode
    x = jax.nn.relu(x @ fc_W + fc_b)                 # (N, dim_out)
    return x

if __name__ == "__main__":
    import jax
    _d = setup_inputs()
    print(jax.jit(kernel)(*tuple(_d.values())))

</pallas_src>

<mosaic_0001>
#map = affine_map<(d0, d1) -> (0)>
#map1 = affine_map<(d0, d1) -> (0, 0)>
module attributes {stable_mosaic.version = 14 : i64} {
  func.func @gather_kernel(%arg0: i32, %arg1: i32, %arg2: memref<10240xi32, #tpu.memory_space<hbm>>, %arg3: memref<50000x128xi32, #tpu.memory_space<hbm>>, %arg4: memref<50000xf32, #tpu.memory_space<hbm>>, %arg5: memref<50000x128xf32, #tpu.memory_space<hbm>>, %arg6: memref<10240x768xf32, #tpu.memory_space<hbm>>, %arg7: memref<50000xf32, #tpu.memory_space<vmem>>, %arg8: memref<320xi32, #tpu.memory_space<vmem>>, %arg9: memref<16xi32, #tpu.memory_space<vmem>>, %arg10: memref<16xi32, #tpu.memory_space<vmem>>, %arg11: memref<16x128xi32, #tpu.memory_space<vmem>>, %arg12: memref<16x128xi32, #tpu.memory_space<vmem>>, %arg13: memref<160xi32, #tpu.memory_space<vmem>>, %arg14: memref<160xi32, #tpu.memory_space<vmem>>, %arg15: memref<160x128xf32, #tpu.memory_space<vmem>>, %arg16: memref<160x128xf32, #tpu.memory_space<vmem>>, %arg17: memref<10x16xf32, #tpu.memory_space<vmem>>, %arg18: memref<10x16xf32, #tpu.memory_space<vmem>>, %arg19: memref<16x768xf32, #tpu.memory_space<vmem>>, %arg20: memref<!tpu.dma_semaphore, #tpu.memory_space<semaphore_mem>>, %arg21: memref<!tpu.dma_semaphore, #tpu.memory_space<semaphore_mem>>, %arg22: memref<!tpu.dma_semaphore, #tpu.memory_space<semaphore_mem>>) attributes {dimension_semantics = [#tpu.dimension_semantics<core_parallel>, #tpu.dimension_semantics<subcore_parallel>], iteration_bounds = array<i64: 2, 16>, scalar_prefetch = 0 : i64, scratch_operands = 16 : i64, tpu.core_type = #tpu.core_type<sc_vector_subcore>, window_params = [{transform_indices = #map}, {transform_indices = #map1}, {transform_indices = #map}, {transform_indices = #map1}, {transform_indices = #map1}]} {
    %mul3A = arith.constant 2 : i32
    %mul3A_0 = arith.muli %arg1, %mul3A : i32
    %add3A = arith.addi %mul3A_0, %arg0 : i32
    %mul3A_1 = arith.constant 320 : i32
    %mul3A_2 = arith.muli %add3A, %mul3A_1 : i32
    "tpu.region"() ({
      %run_scoped3A = tpu.sem_alloc : memref<!tpu.dma_semaphore, #tpu.memory_space<semaphore_mem>>
      tpu.enqueue_dma source(%arg4 : memref<50000xf32, #tpu.memory_space<hbm>>) target(%arg7 : memref<50000xf32, #tpu.memory_space<vmem>>) target_semaphore(%run_scoped3A : memref<!tpu.dma_semaphore, #tpu.memory_space<semaphore_mem>>)
      tpu.wait_dma2 semaphore(%run_scoped3A : memref<!tpu.dma_semaphore, #tpu.memory_space<semaphore_mem>>) src(%arg4 : memref<50000xf32, #tpu.memory_space<hbm>>) dst(%arg7 : memref<50000xf32, #tpu.memory_space<vmem>>)
      tpu.yield
    }) : () -> ()
    "tpu.region"() ({
      %run_scoped3A = tpu.sem_alloc : memref<!tpu.dma_semaphore, #tpu.memory_space<semaphore_mem>>
      %dma_start3A_349 = tpu.memref_slice %arg2[%mul3A_2] : memref<10240xi32, #tpu.memory_space<hbm>> -> memref<320xi32, #tpu.memory_space<hbm>>
      %dma_start3A_350 = tpu.memref_slice %arg2[%mul3A_2] : memref<10240xi32, #tpu.memory_space<hbm>> -> memref<320xi32, #tpu.memory_space<hbm>>
      tpu.enqueue_dma source(%dma_start3A_350 : memref<320xi32, #tpu.memory_space<hbm>>) target(%arg8 : memref<320xi32, #tpu.memory_space<vmem>>) target_semaphore(%run_scoped3A : memref<!tpu.dma_semaphore, #tpu.memory_space<semaphore_mem>>)
      %dma_wait3A_351 = tpu.memref_slice %arg2[%mul3A_2] : memref<10240xi32, #tpu.memory_space<hbm>> -> memref<320xi32, #tpu.memory_space<hbm>>
      %dma_wait3A_352 = tpu.memref_slice %arg2[%mul3A_2] : memref<10240xi32, #tpu.memory_space<hbm>> -> memref<320xi32, #tpu.memory_space<hbm>>
      tpu.wait_dma2 semaphore(%run_scoped3A : memref<!tpu.dma_semaphore, #tpu.memory_space<semaphore_mem>>) src(%dma_wait3A_352 : memref<320xi32, #tpu.memory_space<hbm>>) dst(%arg8 : memref<320xi32, #tpu.memory_space<vmem>>)
      tpu.yield
    }) : () -> ()
    %iota3A = tpu.iota {dimensions = array<i32: 0>} : vector<16xi32>
    %add3A_3 = arith.constant 0 : i32
    %add3A_4 = vector.broadcast %add3A_3 : i32 to vector<16xi32>
    %add3A_5 = arith.addi %add3A_4, %iota3A : vector<16xi32>
    %add3A_6 = arith.constant 16 : i32
    %add3A_7 = vector.broadcast %add3A_6 : i32 to vector<16xi32>
    %add3A_8 = arith.addi %add3A_7, %iota3A : vector<16xi32>
    %add3A_9 = arith.constant 32 : i32
    %add3A_10 = vector.broadcast %add3A_9 : i32 to vector<16xi32>
    %add3A_11 = arith.addi %add3A_10, %iota3A : vector<16xi32>
    %add3A_12 = arith.constant 48 : i32
    %add3A_13 = vector.broadcast %add3A_12 : i32 to vector<16xi32>
    %add3A_14 = arith.addi %add3A_13, %iota3A : vector<16xi32>
    %add3A_15 = arith.constant 64 : i32
    %add3A_16 = vector.broadcast %add3A_15 : i32 to vector<16xi32>
    %add3A_17 = arith.addi %add3A_16, %iota3A : vector<16xi32>
    %add3A_18 = arith.constant 80 : i32
    %add3A_19 = vector.broadcast %add3A_18 : i32 to vector<16xi32>
    %add3A_20 = arith.addi %add3A_19, %iota3A : vector<16xi32>
    %add3A_21 = arith.constant 96 : i32
    %add3A_22 = vector.broadcast %add3A_21 : i32 to vector<16xi32>
    %add3A_23 = arith.addi %add3A_22, %iota3A : vector<16xi32>
    %add3A_24 = arith.constant 112 : i32
    %add3A_25 = vector.broadcast %add3A_24 : i32 to vector<16xi32>
    %add3A_26 = arith.addi %add3A_25, %iota3A : vector<16xi32>
    %add3A_27 = arith.constant 128 : i32
    %add3A_28 = vector.broadcast %add3A_27 : i32 to vector<16xi32>
    %add3A_29 = arith.addi %add3A_28, %iota3A : vector<16xi32>
    %add3A_30 = arith.constant 144 : i32
    %add3A_31 = vector.broadcast %add3A_30 : i32 to vector<16xi32>
    %add3A_32 = arith.addi %add3A_31, %iota3A : vector<16xi32>
    %mul3A_33 = arith.constant 0 : i32
    %mul3A_34 = arith.constant 16 : i32
    %mul3A_35 = arith.muli %mul3A_33, %mul3A_34 : i32
    %get3A = arith.index_cast %mul3A_35 : i32 to index
    %get3A_36 = tpu.vector_load %arg8[%get3A] {strides = array<i32>} : memref<320xi32, #tpu.memory_space<vmem>>, vector<16xi32>,
    %swap3A = arith.constant 0 : index
    %swap3A_37 = tpu.vector_load %arg9[%swap3A] {strides = array<i32>} : memref<16xi32, #tpu.memory_space<vmem>>, vector<16xi32>,
    tpu.vector_store %arg9[%swap3A], %get3A_36 {strides = array<i32>} : memref<16xi32, #tpu.memory_space<vmem>>, vector<16xi32>,
    %dma_start3A = arith.constant 0 : i32
    %dma_start3A_38 = arith.constant 0 : i32
    %dma_start3A_39 = tpu.memref_slice %arg3[%dma_start3A, %dma_start3A_38] : memref<50000x128xi32, #tpu.memory_space<hbm>> -> memref<50000x128xi32, #tpu.memory_space<hbm>>
    tpu.enqueue_indirect_dma source(%dma_start3A_39 : memref<50000x128xi32, #tpu.memory_space<hbm>>) target(%arg11 : memref<16x128xi32, #tpu.memory_space<vmem>>) offsets(%arg9 : memref<16xi32, #tpu.memory_space<vmem>>) semaphore(%arg22 : memref<!tpu.dma_semaphore, #tpu.memory_space<semaphore_mem>>)
    %dma_wait3A = arith.constant 0 : i32
    %dma_wait3A_40 = arith.constant 0 : i32
    %dma_wait3A_41 = tpu.memref_slice %arg3[%dma_wait3A, %dma_wait3A_40] : memref<50000x128xi32, #tpu.memory_space<hbm>> -> memref<50000x128xi32, #tpu.memory_space<hbm>>
    tpu.wait_indirect_dma semaphore(%arg22 : memref<!tpu.dma_semaphore, #tpu.memory_space<semaphore_mem>>) src(%dma_wait3A_41 : memref<50000x128xi32, #tpu.memory_space<hbm>>) dst(%arg11 : memref<16x128xi32, #tpu.memory_space<vmem>>)
    %broadcast_in_dim3A = arith.constant 0 : i32
    %broadcast_in_dim3A_42 = vector.broadcast %broadcast_in_dim3A : i32 to vector<16xi32>
    %gather3A = tpu.vector_load_idx %arg11[%iota3A, %broadcast_in_dim3A_42] : memref<16x128xi32, #tpu.memory_space<vmem>>[vector<16xi32>, vector<16xi32>], vector<16xi32>,
    %swap3A_43 = arith.constant 0 : index
    %swap3A_44 = tpu.vector_load %arg13[%swap3A_43] {strides = array<i32>} : memref<160xi32, #tpu.memory_space<vmem>>, vector<16xi32>,
    tpu.vector_store %arg13[%swap3A_43], %gather3A {strides = array<i32>} : memref<160xi32, #tpu.memory_space<vmem>>, vector<16xi32>,
    %broadcast_in_dim3A_45 = arith.constant 1 : i32
    %broadcast_in_dim3A_46 = vector.broadcast %broadcast_in_dim3A_45 : i32 to vector<16xi32>
    %gather3A_47 = tpu.vector_load_idx %arg11[%iota3A, %broadcast_in_dim3A_46] : memref<16x128xi32, #tpu.memory_space<vmem>>[vector<16xi32>, vector<16xi32>], vector<16xi32>,
    %swap3A_48 = arith.constant 16 : index
    %swap3A_49 = tpu.vector_load %arg13[%swap3A_48] {strides = array<i32>} : memref<160xi32, #tpu.memory_space<vmem>>, vector<16xi32>,
    tpu.vector_store %arg13[%swap3A_48], %gather3A_47 {strides = array<i32>} : memref<160xi32, #tpu.memory_space<vmem>>, vector<16xi32>,
    %broadcast_in_dim3A_50 = arith.constant 2 : i32
    %broadcast_in_dim3A_51 = vector.broadcast %broadcast_in_dim3A_50 : i32 to vector<16xi32>
    %gather3A_52 = tpu.vector_load_idx %arg11[%iota3A, %broadcast_in_dim3A_51] : memref<16x128xi32, #tpu.memory_space<vmem>>[vector<16xi32>, vector<16xi32>], vector<16xi32>,
    %swap3A_53 = arith.constant 32 : index
    %swap3A_54 = tpu.vector_load %arg13[%swap3A_53] {strides = array<i32>} : memref<160xi32, #tpu.memory_space<vmem>>, vector<16xi32>,
    tpu.vector_store %arg13[%swap3A_53], %gather3A_52 {strides = array<i32>} : memref<160xi32, #tpu.memory_space<vmem>>, vector<16xi32>,
    %broadcast_in_dim3A_55 = arith.constant 3 : i32
    %broadcast_in_dim3A_56 = vector.broadcast %broadcast_in_dim3A_55 : i32 to vector<16xi32>
    %gather3A_57 = tpu.vector_load_idx %arg11[%iota3A, %broadcast_in_dim3A_56] : memref<16x128xi32, #tpu.memory_space<vmem>>[vector<16xi32>, vector<16xi32>], vector<16xi32>,
    %swap3A_58 = arith.constant 48 : index
    %swap3A_59 = tpu.vector_load %arg13[%swap3A_58] {strides = array<i32>} : memref<160xi32, #tpu.memory_space<vmem>>, vector<16xi32>,
    tpu.vector_store %arg13[%swap3A_58], %gather3A_57 {strides = array<i32>} : memref<160xi32, #tpu.memory_space<vmem>>, vector<16xi32>,
    %broadcast_in_dim3A_60 = arith.constant 4 : i32
    %broadcast_in_dim3A_61 = vector.broadcast %broadcast_in_dim3A_60 : i32 to vector<16xi32>
    %gather3A_62 = tpu.vector_load_idx %arg11[%iota3A, %broadcast_in_dim3A_61] : memref<16x128xi32, #tpu.memory_space<vmem>>[vector<16xi32>, vector<16xi32>], vector<16xi32>,
    %swap3A_63 = arith.constant 64 : index
    %swap3A_64 = tpu.vector_load %arg13[%swap3A_63] {strides = array<i32>} : memref<160xi32, #tpu.memory_space<vmem>>, vector<16xi32>,
    tpu.vector_store %arg13[%swap3A_63], %gather3A_62 {strides = array<i32>} : memref<160xi32, #tpu.memory_space<vmem>>, vector<16xi32>,
    %broadcast_in_dim3A_65 = arith.constant 5 : i32
    %broadcast_in_dim3A_66 = vector.broadcast %broadcast_in_dim3A_65 : i32 to vector<16xi32>
    %gather3A_67 = tpu.vector_load_idx %arg11[%iota3A, %broadcast_in_dim3A_66] : memref<16x128xi32, #tpu.memory_space<vmem>>[vector<16xi32>, vector<16xi32>], vector<16xi32>,
    %swap3A_68 = arith.constant 80 : index
    %swap3A_69 = tpu.vector_load %arg13[%swap3A_68] {strides = array<i32>} : memref<160xi32, #tpu.memory_space<vmem>>, vector<16xi32>,
    tpu.vector_store %arg13[%swap3A_68], %gather3A_67 {strides = array<i32>} : memref<160xi32, #tpu.memory_space<vmem>>, vector<16xi32>,
    %broadcast_in_dim3A_70 = arith.constant 6 : i32
    %broadcast_in_dim3A_71 = vector.broadcast %broadcast_in_dim3A_70 : i32 to vector<16xi32>
    %gather3A_72 = tpu.vector_load_idx %arg11[%iota3A, %broadcast_in_dim3A_71] : memref<16x128xi32, #tpu.memory_space<vmem>>[vector<16xi32>, vector<16xi32>], vector<16xi32>,
    %swap3A_73 = arith.constant 96 : index
    %swap3A_74 = tpu.vector_load %arg13[%swap3A_73] {strides = array<i32>} : memref<160xi32, #tpu.memory_space<vmem>>, vector<16xi32>,
    tpu.vector_store %arg13[%swap3A_73], %gather3A_72 {strides = array<i32>} : memref<160xi32, #tpu.memory_space<vmem>>, vector<16xi32>,
    %broadcast_in_dim3A_75 = arith.constant 7 : i32
    %broadcast_in_dim3A_76 = vector.broadcast %broadcast_in_dim3A_75 : i32 to vector<16xi32>
    %gather3A_77 = tpu.vector_load_idx %arg11[%iota3A, %broadcast_in_dim3A_76] : memref<16x128xi32, #tpu.memory_space<vmem>>[vector<16xi32>, vector<16xi32>], vector<16xi32>,
    %swap3A_78 = arith.constant 112 : index
    %swap3A_79 = tpu.vector_load %arg13[%swap3A_78] {strides = array<i32>} : memref<160xi32, #tpu.memory_space<vmem>>, vector<16xi32>,
    tpu.vector_store %arg13[%swap3A_78], %gather3A_77 {strides = array<i32>} : memref<160xi32, #tpu.memory_space<vmem>>, vector<16xi32>,
    %broadcast_in_dim3A_80 = arith.constant 8 : i32
    %broadcast_in_dim3A_81 = vector.broadcast %broadcast_in_dim3A_80 : i32 to vector<16xi32>
    %gather3A_82 = tpu.vector_load_idx %arg11[%iota3A, %broadcast_in_dim3A_81] : memref<16x128xi32, #tpu.memory_space<vmem>>[vector<16xi32>, vector<16xi32>], vector<16xi32>,
    %swap3A_83 = arith.constant 128 : index
    %swap3A_84 = tpu.vector_load %arg13[%swap3A_83] {strides = array<i32>} : memref<160xi32, #tpu.memory_space<vmem>>, vector<16xi32>,
    tpu.vector_store %arg13[%swap3A_83], %gather3A_82 {strides = array<i32>} : memref<160xi32, #tpu.memory_space<vmem>>, vector<16xi32>,
    %broadcast_in_dim3A_85 = arith.constant 9 : i32
    %broadcast_in_dim3A_86 = vector.broadcast %broadcast_in_dim3A_85 : i32 to vector<16xi32>
    %gather3A_87 = tpu.vector_load_idx %arg11[%iota3A, %broadcast_in_dim3A_86] : memref<16x128xi32, #tpu.memory_space<vmem>>[vector<16xi32>, vector<16xi32>], vector<16xi32>,
    %swap3A_88 = arith.constant 144 : index
    %swap3A_89 = tpu.vector_load %arg13[%swap3A_88] {strides = array<i32>} : memref<160xi32, #tpu.memory_space<vmem>>, vector<16xi32>,
    tpu.vector_store %arg13[%swap3A_88], %gather3A_87 {strides = array<i32>} : memref<160xi32, #tpu.memory_space<vmem>>, vector<16xi32>,
    %dma_start3A_90 = arith.constant 0 : i32
    %dma_start3A_91 = arith.constant 0 : i32
    %dma_start3A_92 = tpu.memref_slice %arg5[%dma_start3A_90, %dma_start3A_91] : memref<50000x128xf32, #tpu.memory_space<hbm>> -> memref<50000x128xf32, #tpu.memory_space<hbm>>
    tpu.enqueue_indirect_dma source(%dma_start3A_92 : memref<50000x128xf32, #tpu.memory_space<hbm>>) target(%arg15 : memref<160x128xf32, #tpu.memory_space<vmem>>) offsets(%arg13 : memref<160xi32, #tpu.memory_space<vmem>>) semaphore(%arg20 : memref<!tpu.dma_semaphore, #tpu.memory_space<semaphore_mem>>)
    %gather3A_93 = tpu.vector_load_idx %arg7[%gather3A] : memref<50000xf32, #tpu.memory_space<vmem>>[vector<16xi32>], vector<16xf32>,
    %gather3A_94 = tpu.vector_load_idx %arg7[%gather3A_47] : memref<50000xf32, #tpu.memory_space<vmem>>[vector<16xi32>], vector<16xf32>,
    %gather3A_95 = tpu.vector_load_idx %arg7[%gather3A_52] : memref<50000xf32, #tpu.memory_space<vmem>>[vector<16xi32>], vector<16xf32>,
    %gather3A_96 = tpu.vector_load_idx %arg7[%gather3A_57] : memref<50000xf32, #tpu.memory_space<vmem>>[vector<16xi32>], vector<16xf32>,
    %gather3A_97 = tpu.vector_load_idx %arg7[%gather3A_62] : memref<50000xf32, #tpu.memory_space<vmem>>[vector<16xi32>], vector<16xf32>,
    %gather3A_98 = tpu.vector_load_idx %arg7[%gather3A_67] : memref<50000xf32, #tpu.memory_space<vmem>>[vector<16xi32>], vector<16xf32>,
    %gather3A_99 = tpu.vector_load_idx %arg7[%gather3A_72] : memref<50000xf32, #tpu.memory_space<vmem>>[vector<16xi32>], vector<16xf32>,
    %gather3A_100 = tpu.vector_load_idx %arg7[%gather3A_77] : memref<50000xf32, #tpu.memory_space<vmem>>[vector<16xi32>], vector<16xf32>,
    %gather3A_101 = tpu.vector_load_idx %arg7[%gather3A_82] : memref<50000xf32, #tpu.memory_space<vmem>>[vector<16xi32>], vector<16xf32>,
    %gather3A_102 = tpu.vector_load_idx %arg7[%gather3A_87] : memref<50000xf32, #tpu.memory_space<vmem>>[vector<16xi32>], vector<16xf32>,
    %max3A = arith.maximumf %gather3A_93, %gather3A_94 : vector<16xf32>
    %max3A_103 = arith.maximumf %max3A, %gather3A_95 : vector<16xf32>
    %max3A_104 = arith.maximumf %max3A_103, %gather3A_96 : vector<16xf32>
    %max3A_105 = arith.maximumf %max3A_104, %gather3A_97 : vector<16xf32>
    %max3A_106 = arith.maximumf %max3A_105, %gather3A_98 : vector<16xf32>
    %max3A_107 = arith.maximumf %max3A_106, %gather3A_99 : vector<16xf32>
    %max3A_108 = arith.maximumf %max3A_107, %gather3A_100 : vector<16xf32>
    %max3A_109 = arith.maximumf %max3A_108, %gather3A_101 : vector<16xf32>
    %max3A_110 = arith.maximumf %max3A_109, %gather3A_102 : vector<16xf32>
    %sub3A = arith.subf %gather3A_93, %max3A_110 : vector<16xf32>
    %exp3A = math.exp %sub3A : vector<16xf32>
    %sub3A_111 = arith.subf %gather3A_94, %max3A_110 : vector<16xf32>
    %exp3A_112 = math.exp %sub3A_111 : vector<16xf32>
    %sub3A_113 = arith.subf %gather3A_95, %max3A_110 : vector<16xf32>
    %exp3A_114 = math.exp %sub3A_113 : vector<16xf32>
    %sub3A_115 = arith.subf %gather3A_96, %max3A_110 : vector<16xf32>
    %exp3A_116 = math.exp %sub3A_115 : vector<16xf32>
    %sub3A_117 = arith.subf %gather3A_97, %max3A_110 : vector<16xf32>
    %exp3A_118 = math.exp %sub3A_117 : vector<16xf32>
    %sub3A_119 = arith.subf %gather3A_98, %max3A_110 : vector<16xf32>
    %exp3A_120 = math.exp %sub3A_119 : vector<16xf32>
    %sub3A_121 = arith.subf %gather3A_99, %max3A_110 : vector<16xf32>
    %exp3A_122 = math.exp %sub3A_121 : vector<16xf32>
    %sub3A_123 = arith.subf %gather3A_100, %max3A_110 : vector<16xf32>
    %exp3A_124 = math.exp %sub3A_123 : vector<16xf32>
    %sub3A_125 = arith.subf %gather3A_101, %max3A_110 : vector<16xf32>
    %exp3A_126 = math.exp %sub3A_125 : vector<16xf32>
    %sub3A_127 = arith.subf %gather3A_102, %max3A_110 : vector<16xf32>
    %exp3A_128 = math.exp %sub3A_127 : vector<16xf32>
    %add3A_129 = arith.addf %exp3A, %exp3A_112 : vector<16xf32>
    %add3A_130 = arith.addf %exp3A_114, %exp3A_116 : vector<16xf32>
    %add3A_131 = arith.addf %exp3A_118, %exp3A_120 : vector<16xf32>
    %add3A_132 = arith.addf %exp3A_122, %exp3A_124 : vector<16xf32>
    %add3A_133 = arith.addf %exp3A_126, %exp3A_128 : vector<16xf32>
    %add3A_134 = arith.addf %add3A_129, %add3A_130 : vector<16xf32>
    %add3A_135 = arith.addf %add3A_131, %add3A_132 : vector<16xf32>
    %add3A_136 = arith.addf %add3A_134, %add3A_135 : vector<16xf32>
    %add3A_137 = arith.addf %add3A_136, %add3A_133 : vector<16xf32>
    %div3A = arith.constant 1.000000e+00 : f32
    %div3A_138 = vector.broadcast %div3A : f32 to vector<16xf32>
    %div3A_139 = arith.divf %div3A_138, %add3A_137 : vector<16xf32>
    %mul3A_140 = arith.mulf %exp3A, %div3A_139 : vector<16xf32>
    %swap3A_141 = arith.constant 0 : i32
    %swap3A_142 = arith.index_cast %swap3A_141 : i32 to index
    %swap3A_143 = arith.constant 0 : index
    %swap3A_144 = tpu.vector_load %arg17[%swap3A_142, %swap3A_143] {strides = array<i32>} : memref<10x16xf32, #tpu.memory_space<vmem>>, vector<16xf32>,
    tpu.vector_store %arg17[%swap3A_142, %swap3A_143], %mul3A_140 {strides = array<i32>} : memref<10x16xf32, #tpu.memory_space<vmem>>, vector<16xf32>,
    %mul3A_145 = arith.mulf %exp3A_112, %div3A_139 : vector<16xf32>
    %swap3A_146 = arith.constant 1 : i32
    %swap3A_147 = arith.index_cast %swap3A_146 : i32 to index
    %swap3A_148 = arith.constant 0 : index
    %swap3A_149 = tpu.vector_load %arg17[%swap3A_147, %swap3A_148] {strides = array<i32>} : memref<10x16xf32, #tpu.memory_space<vmem>>, vector<16xf32>,
    tpu.vector_store %arg17[%swap3A_147, %swap3A_148], %mul3A_145 {strides = array<i32>} : memref<10x16xf32, #tpu.memory_space<vmem>>, vector<16xf32>,
    %mul3A_150 = arith.mulf %exp3A_114, %div3A_139 : vector<16xf32>
    %swap3A_151 = arith.constant 2 : i32
    %swap3A_152 = arith.index_cast %swap3A_151 : i32 to index
    %swap3A_153 = arith.constant 0 : index
    %swap3A_154 = tpu.vector_load %arg17[%swap3A_152, %swap3A_153] {strides = array<i32>} : memref<10x16xf32, #tpu.memory_space<vmem>>, vector<16xf32>,
    tpu.vector_store %arg17[%swap3A_152, %swap3A_153], %mul3A_150 {strides = array<i32>} : memref<10x16xf32, #tpu.memory_space<vmem>>, vector<16xf32>,
    %mul3A_155 = arith.mulf %exp3A_116, %div3A_139 : vector<16xf32>
    %swap3A_156 = arith.constant 3 : i32
    %swap3A_157 = arith.index_cast %swap3A_156 : i32 to index
    %swap3A_158 = arith.constant 0 : index
    %swap3A_159 = tpu.vector_load %arg17[%swap3A_157, %swap3A_158] {strides = array<i32>} : memref<10x16xf32, #tpu.memory_space<vmem>>, vector<16xf32>,
    tpu.vector_store %arg17[%swap3A_157, %swap3A_158], %mul3A_155 {strides = array<i32>} : memref<10x16xf32, #tpu.memory_space<vmem>>, vector<16xf32>,
    %mul3A_160 = arith.mulf %exp3A_118, %div3A_139 : vector<16xf32>
    %swap3A_161 = arith.constant 4 : i32
    %swap3A_162 = arith.index_cast %swap3A_161 : i32 to index
    %swap3A_163 = arith.constant 0 : index
    %swap3A_164 = tpu.vector_load %arg17[%swap3A_162, %swap3A_163] {strides = array<i32>} : memref<10x16xf32, #tpu.memory_space<vmem>>, vector<16xf32>,
    tpu.vector_store %arg17[%swap3A_162, %swap3A_163], %mul3A_160 {strides = array<i32>} : memref<10x16xf32, #tpu.memory_space<vmem>>, vector<16xf32>,
    %mul3A_165 = arith.mulf %exp3A_120, %div3A_139 : vector<16xf32>
    %swap3A_166 = arith.constant 5 : i32
    %swap3A_167 = arith.index_cast %swap3A_166 : i32 to index
    %swap3A_168 = arith.constant 0 : index
    %swap3A_169 = tpu.vector_load %arg17[%swap3A_167, %swap3A_168] {strides = array<i32>} : memref<10x16xf32, #tpu.memory_space<vmem>>, vector<16xf32>,
    tpu.vector_store %arg17[%swap3A_167, %swap3A_168], %mul3A_165 {strides = array<i32>} : memref<10x16xf32, #tpu.memory_space<vmem>>, vector<16xf32>,
    %mul3A_170 = arith.mulf %exp3A_122, %div3A_139 : vector<16xf32>
    %swap3A_171 = arith.constant 6 : i32
    %swap3A_172 = arith.index_cast %swap3A_171 : i32 to index
    %swap3A_173 = arith.constant 0 : index
    %swap3A_174 = tpu.vector_load %arg17[%swap3A_172, %swap3A_173] {strides = array<i32>} : memref<10x16xf32, #tpu.memory_space<vmem>>, vector<16xf32>,
    tpu.vector_store %arg17[%swap3A_172, %swap3A_173], %mul3A_170 {strides = array<i32>} : memref<10x16xf32, #tpu.memory_space<vmem>>, vector<16xf32>,
    %mul3A_175 = arith.mulf %exp3A_124, %div3A_139 : vector<16xf32>
    %swap3A_176 = arith.constant 7 : i32
    %swap3A_177 = arith.index_cast %swap3A_176 : i32 to index
    %swap3A_178 = arith.constant 0 : index
    %swap3A_179 = tpu.vector_load %arg17[%swap3A_177, %swap3A_178] {strides = array<i32>} : memref<10x16xf32, #tpu.memory_space<vmem>>, vector<16xf32>,
    tpu.vector_store %arg17[%swap3A_177, %swap3A_178], %mul3A_175 {strides = array<i32>} : memref<10x16xf32, #tpu.memory_space<vmem>>, vector<16xf32>,
    %mul3A_180 = arith.mulf %exp3A_126, %div3A_139 : vector<16xf32>
    %swap3A_181 = arith.constant 8 : i32
    %swap3A_182 = arith.index_cast %swap3A_181 : i32 to index
    %swap3A_183 = arith.constant 0 : index
    %swap3A_184 = tpu.vector_load %arg17[%swap3A_182, %swap3A_183] {strides = array<i32>} : memref<10x16xf32, #tpu.memory_space<vmem>>, vector<16xf32>,
    tpu.vector_store %arg17[%swap3A_182, %swap3A_183], %mul3A_180 {strides = array<i32>} : memref<10x16xf32, #tpu.memory_space<vmem>>, vector<16xf32>,
    %mul3A_185 = arith.mulf %exp3A_128, %div3A_139 : vector<16xf32>
    %swap3A_186 = arith.constant 9 : i32
    %swap3A_187 = arith.index_cast %swap3A_186 : i32 to index
    %swap3A_188 = arith.constant 0 : index
    %swap3A_189 = tpu.vector_load %arg17[%swap3A_187, %swap3A_188] {strides = array<i32>} : memref<10x16xf32, #tpu.memory_space<vmem>>, vector<16xf32>,
    tpu.vector_store %arg17[%swap3A_187, %swap3A_188], %mul3A_185 {strides = array<i32>} : memref<10x16xf32, #tpu.memory_space<vmem>>, vector<16xf32>,
    %broadcast_in_dim3A_190 = arith.constant 10 : i32
    %broadcast_in_dim3A_191 = vector.broadcast %broadcast_in_dim3A_190 : i32 to vector<16xi32>
    %gather3A_192 = tpu.vector_load_idx %arg11[%iota3A, %broadcast_in_dim3A_191] : memref<16x128xi32, #tpu.memory_space<vmem>>[vector<16xi32>, vector<16xi32>], vector<16xi32>,
    %swap3A_193 = arith.constant 0 : index
    %swap3A_194 = tpu.vector_load %arg14[%swap3A_193] {strides = array<i32>} : memref<160xi32, #tpu.memory_space<vmem>>, vector<16xi32>,
    tpu.vector_store %arg14[%swap3A_193], %gather3A_192 {strides = array<i32>} : memref<160xi32, #tpu.memory_space<vmem>>, vector<16xi32>,
    %broadcast_in_dim3A_195 = arith.constant 11 : i32
    %broadcast_in_dim3A_196 = vector.broadcast %broadcast_in_dim3A_195 : i32 to vector<16xi32>
    %gather3A_197 = tpu.vector_load_idx %arg11[%iota3A, %broadcast_in_dim3A_196] : memref<16x128xi32, #tpu.memory_space<vmem>>[vector<16xi32>, vector<16xi32>], vector<16xi32>,
    %swap3A_198 = arith.constant 16 : index
    %swap3A_199 = tpu.vector_load %arg14[%swap3A_198] {strides = array<i32>} : memref<160xi32, #tpu.memory_space<vmem>>, vector<16xi32>,
    tpu.vector_store %arg14[%swap3A_198], %gather3A_197 {strides = array<i32>} : memref<160xi32, #tpu.memory_space<vmem>>, vector<16xi32>,
    %broadcast_in_dim3A_200 = arith.constant 12 : i32
    %broadcast_in_dim3A_201 = vector.broadcast %broadcast_in_dim3A_200 : i32 to vector<16xi32>
    %gather3A_202 = tpu.vector_load_idx %arg11[%iota3A, %broadcast_in_dim3A_201] : memref<16x128xi32, #tpu.memory_space<vmem>>[vector<16xi32>, vector<16xi32>], vector<16xi32>,
    %swap3A_203 = arith.constant 32 : index
    %swap3A_204 = tpu.vector_load %arg14[%swap3A_203] {strides = array<i32>} : memref<160xi32, #tpu.memory_space<vmem>>, vector<16xi32>,
    tpu.vector_store %arg14[%swap3A_203], %gather3A_202 {strides = array<i32>} : memref<160xi32, #tpu.memory_space<vmem>>, vector<16xi32>,
    %broadcast_in_dim3A_205 = arith.constant 13 : i32
    %broadcast_in_dim3A_206 = vector.broadcast %broadcast_in_dim3A_205 : i32 to vector<16xi32>
    %gather3A_207 = tpu.vector_load_idx %arg11[%iota3A, %broadcast_in_dim3A_206] : memref<16x128xi32, #tpu.memory_space<vmem>>[vector<16xi32>, vector<16xi32>], vector<16xi32>,
    %swap3A_208 = arith.constant 48 : index
    %swap3A_209 = tpu.vector_load %arg14[%swap3A_208] {strides = array<i32>} : memref<160xi32, #tpu.memory_space<vmem>>, vector<16xi32>,
    tpu.vector_store %arg14[%swap3A_208], %gather3A_207 {strides = array<i32>} : memref<160xi32, #tpu.memory_space<vmem>>, vector<16xi32>,
    %broadcast_in_dim3A_210 = arith.constant 14 : i32
    %broadcast_in_dim3A_211 = vector.broadcast %broadcast_in_dim3A_210 : i32 to vector<16xi32>
    %gather3A_212 = tpu.vector_load_idx %arg11[%iota3A, %broadcast_in_dim3A_211] : memref<16x128xi32, #tpu.memory_space<vmem>>[vector<16xi32>, vector<16xi32>], vector<16xi32>,
    %swap3A_213 = arith.constant 64 : index
    %swap3A_214 = tpu.vector_load %arg14[%swap3A_213] {strides = array<i32>} : memref<160xi32, #tpu.memory_space<vmem>>, vector<16xi32>,
    tpu.vector_store %arg14[%swap3A_213], %gather3A_212 {strides = array<i32>} : memref<160xi32, #tpu.memory_space<vmem>>, vector<16xi32>,
    %broadcast_in_dim3A_215 = arith.constant 15 : i32
    %broadcast_in_dim3A_216 = vector.broadcast %broadcast_in_dim3A_215 : i32 to vector<16xi32>
    %gather3A_217 = tpu.vector_load_idx %arg11[%iota3A, %broadcast_in_dim3A_216] : memref<16x128xi32, #tpu.memory_space<vmem>>[vector<16xi32>, vector<16xi32>], vector<16xi32>,
    %swap3A_218 = arith.constant 80 : index
    %swap3A_219 = tpu.vector_load %arg14[%swap3A_218] {strides = array<i32>} : memref<160xi32, #tpu.memory_space<vmem>>, vector<16xi32>,
    tpu.vector_store %arg14[%swap3A_218], %gather3A_217 {strides = array<i32>} : memref<160xi32, #tpu.memory_space<vmem>>, vector<16xi32>,
    %broadcast_in_dim3A_220 = arith.constant 16 : i32
    %broadcast_in_dim3A_221 = vector.broadcast %broadcast_in_dim3A_220 : i32 to vector<16xi32>
    %gather3A_222 = tpu.vector_load_idx %arg11[%iota3A, %broadcast_in_dim3A_221] : memref<16x128xi32, #tpu.memory_space<vmem>>[vector<16xi32>, vector<16xi32>], vector<16xi32>,
    %swap3A_223 = arith.constant 96 : index
    %swap3A_224 = tpu.vector_load %arg14[%swap3A_223] {strides = array<i32>} : memref<160xi32, #tpu.memory_space<vmem>>, vector<16xi32>,
    tpu.vector_store %arg14[%swap3A_223], %gather3A_222 {strides = array<i32>} : memref<160xi32, #tpu.memory_space<vmem>>, vector<16xi32>,
    %broadcast_in_dim3A_225 = arith.constant 17 : i32
    %broadcast_in_dim3A_226 = vector.broadcast %broadcast_in_dim3A_225 : i32 to vector<16xi32>
    %gather3A_227 = tpu.vector_load_idx %arg11[%iota3A, %broadcast_in_dim3A_226] : memref<16x128xi32, #tpu.memory_space<vmem>>[vector<16xi32>, vector<16xi32>], vector<16xi32>,
    %swap3A_228 = arith.constant 112 : index
    %swap3A_229 = tpu.vector_load %arg14[%swap3A_228] {strides = array<i32>} : memref<160xi32, #tpu.memory_space<vmem>>, vector<16xi32>,
    tpu.vector_store %arg14[%swap3A_228], %gather3A_227 {strides = array<i32>} : memref<160xi32, #tpu.memory_space<vmem>>, vector<16xi32>,
    %broadcast_in_dim3A_230 = arith.constant 18 : i32
    %broadcast_in_dim3A_231 = vector.broadcast %broadcast_in_dim3A_230 : i32 to vector<16xi32>
    %gather3A_232 = tpu.vector_load_idx %arg11[%iota3A, %broadcast_in_dim3A_231] : memref<16x128xi32, #tpu.memory_space<vmem>>[vector<16xi32>, vector<16xi32>], vector<16xi32>,
    %swap3A_233 = arith.constant 128 : index
    %swap3A_234 = tpu.vector_load %arg14[%swap3A_233] {strides = array<i32>} : memref<160xi32, #tpu.memory_space<vmem>>, vector<16xi32>,
    tpu.vector_store %arg14[%swap3A_233], %gather3A_232 {strides = array<i32>} : memref<160xi32, #tpu.memory_space<vmem>>, vector<16xi32>,
    %broadcast_in_dim3A_235 = arith.constant 19 : i32
    %broadcast_in_dim3A_236 = vector.broadcast %broadcast_in_dim3A_235 : i32 to vector<16xi32>
    %gather3A_237 = tpu.vector_load_idx %arg11[%iota3A, %broadcast_in_dim3A_236] : memref<16x128xi32, #tpu.memory_space<vmem>>[vector<16xi32>, vector<16xi32>], vector<16xi32>,
    %swap3A_238 = arith.constant 144 : index
    %swap3A_239 = tpu.vector_load %arg14[%swap3A_238] {strides = array<i32>} : memref<160xi32, #tpu.memory_space<vmem>>, vector<16xi32>,
    tpu.vector_store %arg14[%swap3A_238], %gather3A_237 {strides = array<i32>} : memref<160xi32, #tpu.memory_space<vmem>>, vector<16xi32>,
    %dma_start3A_240 = arith.constant 0 : i32
    %dma_start3A_241 = arith.constant 0 : i32
    %dma_start3A_242 = tpu.memref_slice %arg5[%dma_start3A_240, %dma_start3A_241] : memref<50000x128xf32, #tpu.memory_space<hbm>> -> memref<50000x128xf32, #tpu.memory_space<hbm>>
    tpu.enqueue_indirect_dma source(%dma_start3A_242 : memref<50000x128xf32, #tpu.memory_space<hbm>>) target(%arg16 : memref<160x128xf32, #tpu.memory_space<vmem>>) offsets(%arg14 : memref<160xi32, #tpu.memory_space<vmem>>) semaphore(%arg21 : memref<!tpu.dma_semaphore, #tpu.memory_space<semaphore_mem>>)
    %gather3A_243 = tpu.vector_load_idx %arg7[%gather3A_192] : memref<50000xf32, #tpu.memory_space<vmem>>[vector<16xi32>], vector<16xf32>,
    %gather3A_244 = tpu.vector_load_idx %arg7[%gather3A_197] : memref<50000xf32, #tpu.memory_space<vmem>>[vector<16xi32>], vector<16xf32>,
    %gather3A_245 = tpu.vector_load_idx %arg7[%gather3A_202] : memref<50000xf32, #tpu.memory_space<vmem>>[vector<16xi32>], vector<16xf32>,
    %gather3A_246 = tpu.vector_load_idx %arg7[%gather3A_207] : memref<50000xf32, #tpu.memory_space<vmem>>[vector<16xi32>], vector<16xf32>,
    %gather3A_247 = tpu.vector_load_idx %arg7[%gather3A_212] : memref<50000xf32, #tpu.memory_space<vmem>>[vector<16xi32>], vector<16xf32>,
    %gather3A_248 = tpu.vector_load_idx %arg7[%gather3A_217] : memref<50000xf32, #tpu.memory_space<vmem>>[vector<16xi32>], vector<16xf32>,
    %gather3A_249 = tpu.vector_load_idx %arg7[%gather3A_222] : memref<50000xf32, #tpu.memory_space<vmem>>[vector<16xi32>], vector<16xf32>,
    %gather3A_250 = tpu.vector_load_idx %arg7[%gather3A_227] : memref<50000xf32, #tpu.memory_space<vmem>>[vector<16xi32>], vector<16xf32>,
    %gather3A_251 = tpu.vector_load_idx %arg7[%gather3A_232] : memref<50000xf32, #tpu.memory_space<vmem>>[vector<16xi32>], vector<16xf32>,
    %gather3A_252 = tpu.vector_load_idx %arg7[%gather3A_237] : memref<50000xf32, #tpu.memory_space<vmem>>[vector<16xi32>], vector<16xf32>,
    %max3A_253 = arith.maximumf %gather3A_243, %gather3A_244 : vector<16xf32>
    %max3A_254 = arith.maximumf %max3A_253, %gather3A_245 : vector<16xf32>
    %max3A_255 = arith.maximumf %max3A_254, %gather3A_246 : vector<16xf32>
    %max3A_256 = arith.maximumf %max3A_255, %gather3A_247 : vector<16xf32>
    %max3A_257 = arith.maximumf %max3A_256, %gather3A_248 : vector<16xf32>
    %max3A_258 = arith.maximumf %max3A_257, %gather3A_249 : vector<16xf32>
    %max3A_259 = arith.maximumf %max3A_258, %gather3A_250 : vector<16xf32>
    %max3A_260 = arith.maximumf %max3A_259, %gather3A_251 : vector<16xf32>
    %max3A_261 = arith.maximumf %max3A_260, %gather3A_252 : vector<16xf32>
    %sub3A_262 = arith.subf %gather3A_243, %max3A_261 : vector<16xf32>
    %exp3A_263 = math.exp %sub3A_262 : vector<16xf32>
    %sub3A_264 = arith.subf %gather3A_244, %max3A_261 : vector<16xf32>
    %exp3A_265 = math.exp %sub3A_264 : vector<16xf32>
    %sub3A_266 = arith.subf %gather3A_245, %max3A_261 : vector<16xf32>
    %exp3A_267 = math.exp %sub3A_266 : vector<16xf32>
    %sub3A_268 = arith.subf %gather3A_246, %max3A_261 : vector<16xf32>
    %exp3A_269 = math.exp %sub3A_268 : vector<16xf32>
    %sub3A_270 = arith.subf %gather3A_247, %max3A_261 : vector<16xf32>
    %exp3A_271 = math.exp %sub3A_270 : vector<16xf32>
    %sub3A_272 = arith.subf %gather3A_248, %max3A_261 : vector<16xf32>
    %exp3A_273 = math.exp %sub3A_272 : vector<16xf32>
    %sub3A_274 = arith.subf %gather3A_249, %max3A_261 : vector<16xf32>
    %exp3A_275 = math.exp %sub3A_274 : vector<16xf32>
    %sub3A_276 = arith.subf %gather3A_250, %max3A_261 : vector<16xf32>
    %exp3A_277 = math.exp %sub3A_276 : vector<16xf32>
    %sub3A_278 = arith.subf %gather3A_251, %max3A_261 : vector<16xf32>
    %exp3A_279 = math.exp %sub3A_278 : vector<16xf32>
    %sub3A_280 = arith.subf %gather3A_252, %max3A_261 : vector<16xf32>
    %exp3A_281 = math.exp %sub3A_280 : vector<16xf32>
    %add3A_282 = arith.addf %exp3A_263, %exp3A_265 : vector<16xf32>
    %add3A_283 = arith.addf %exp3A_267, %exp3A_269 : vector<16xf32>
    %add3A_284 = arith.addf %exp3A_271, %exp3A_273 : vector<16xf32>
    %add3A_285 = arith.addf %exp3A_275, %exp3A_277 : vector<16xf32>
    %add3A_286 = arith.addf %exp3A_279, %exp3A_281 : vector<16xf32>
    %add3A_287 = arith.addf %add3A_282, %add3A_283 : vector<16xf32>
    %add3A_288 = arith.addf %add3A_284, %add3A_285 : vector<16xf32>
    %add3A_289 = arith.addf %add3A_287, %add3A_288 : vector<16xf32>
    %add3A_290 = arith.addf %add3A_289, %add3A_286 : vector<16xf32>
    %div3A_291 = arith.constant 1.000000e+00 : f32
    %div3A_292 = vector.broadcast %div3A_291 : f32 to vector<16xf32>
    %div3A_293 = arith.divf %div3A_292, %add3A_290 : vector<16xf32>
    %mul3A_294 = arith.mulf %exp3A_263, %div3A_293 : vector<16xf32>
    %swap3A_295 = arith.constant 0 : i32
    %swap3A_296 = arith.index_cast %swap3A_295 : i32 to index
    %swap3A_297 = arith.constant 0 : index
    %swap3A_298 = tpu.vector_load %arg18[%swap3A_296, %swap3A_297] {strides = array<i32>} : memref<10x16xf32, #tpu.memory_space<vmem>>, vector<16xf32>,
    tpu.vector_store %arg18[%swap3A_296, %swap3A_297], %mul3A_294 {strides = array<i32>} : memref<10x16xf32, #tpu.memory_space<vmem>>, vector<16xf32>,
    %mul3A_299 = arith.mulf %exp3A_265, %div3A_293 : vector<16xf32>
    %swap3A_300 = arith.constant 1 : i32
    %swap3A_301 = arith.index_cast %swap3A_300 : i32 to index
    %swap3A_302 = arith.constant 0 : index
    %swap3A_303 = tpu.vector_load %arg18[%swap3A_301, %swap3A_302] {strides = array<i32>} : memref<10x16xf32, #tpu.memory_space<vmem>>, vector<16xf32>,
    tpu.vector_store %arg18[%swap3A_301, %swap3A_302], %mul3A_299 {strides = array<i32>} : memref<10x16xf32, #tpu.memory_space<vmem>>, vector<16xf32>,
    %mul3A_304 = arith.mulf %exp3A_267, %div3A_293 : vector<16xf32>
    %swap3A_305 = arith.constant 2 : i32
    %swap3A_306 = arith.index_cast %swap3A_305 : i32 to index
    %swap3A_307 = arith.constant 0 : index
    %swap3A_308 = tpu.vector_load %arg18[%swap3A_306, %swap3A_307] {strides = array<i32>} : memref<10x16xf32, #tpu.memory_space<vmem>>, vector<16xf32>,
    tpu.vector_store %arg18[%swap3A_306, %swap3A_307], %mul3A_304 {strides = array<i32>} : memref<10x16xf32, #tpu.memory_space<vmem>>, vector<16xf32>,
    %mul3A_309 = arith.mulf %exp3A_269, %div3A_293 : vector<16xf32>
    %swap3A_310 = arith.constant 3 : i32
    %swap3A_311 = arith.index_cast %swap3A_310 : i32 to index
    %swap3A_312 = arith.constant 0 : index
    %swap3A_313 = tpu.vector_load %arg18[%swap3A_311, %swap3A_312] {strides = array<i32>} : memref<10x16xf32, #tpu.memory_space<vmem>>, vector<16xf32>,
    tpu.vector_store %arg18[%swap3A_311, %swap3A_312], %mul3A_309 {strides = array<i32>} : memref<10x16xf32, #tpu.memory_space<vmem>>, vector<16xf32>,
    %mul3A_314 = arith.mulf %exp3A_271, %div3A_293 : vector<16xf32>
    %swap3A_315 = arith.constant 4 : i32
    %swap3A_316 = arith.index_cast %swap3A_315 : i32 to index
    %swap3A_317 = arith.constant 0 : index
    %swap3A_318 = tpu.vector_load %arg18[%swap3A_316, %swap3A_317] {strides = array<i32>} : memref<10x16xf32, #tpu.memory_space<vmem>>, vector<16xf32>,
    tpu.vector_store %arg18[%swap3A_316, %swap3A_317], %mul3A_314 {strides = array<i32>} : memref<10x16xf32, #tpu.memory_space<vmem>>, vector<16xf32>,
    %mul3A_319 = arith.mulf %exp3A_273, %div3A_293 : vector<16xf32>
    %swap3A_320 = arith.constant 5 : i32
    %swap3A_321 = arith.index_cast %swap3A_320 : i32 to index
    %swap3A_322 = arith.constant 0 : index
    %swap3A_323 = tpu.vector_load %arg18[%swap3A_321, %swap3A_322] {strides = array<i32>} : memref<10x16xf32, #tpu.memory_space<vmem>>, vector<16xf32>,
    tpu.vector_store %arg18[%swap3A_321, %swap3A_322], %mul3A_319 {strides = array<i32>} : memref<10x16xf32, #tpu.memory_space<vmem>>, vector<16xf32>,
    %mul3A_324 = arith.mulf %exp3A_275, %div3A_293 : vector<16xf32>
    %swap3A_325 = arith.constant 6 : i32
    %swap3A_326 = arith.index_cast %swap3A_325 : i32 to index
    %swap3A_327 = arith.constant 0 : index
    %swap3A_328 = tpu.vector_load %arg18[%swap3A_326, %swap3A_327] {strides = array<i32>} : memref<10x16xf32, #tpu.memory_space<vmem>>, vector<16xf32>,
    tpu.vector_store %arg18[%swap3A_326, %swap3A_327], %mul3A_324 {strides = array<i32>} : memref<10x16xf32, #tpu.memory_space<vmem>>, vector<16xf32>,
    %mul3A_329 = arith.mulf %exp3A_277, %div3A_293 : vector<16xf32>
    %swap3A_330 = arith.constant 7 : i32
    %swap3A_331 = arith.index_cast %swap3A_330 : i32 to index
    %swap3A_332 = arith.constant 0 : index
    %swap3A_333 = tpu.vector_load %arg18[%swap3A_331, %swap3A_332] {strides = array<i32>} : memref<10x16xf32, #tpu.memory_space<vmem>>, vector<16xf32>,
    tpu.vector_store %arg18[%swap3A_331, %swap3A_332], %mul3A_329 {strides = array<i32>} : memref<10x16xf32, #tpu.memory_space<vmem>>, vector<16xf32>,
    %mul3A_334 = arith.mulf %exp3A_279, %div3A_293 : vector<16xf32>
    %swap3A_335 = arith.constant 8 : i32
    %swap3A_336 = arith.index_cast %swap3A_335 : i32 to index
    %swap3A_337 = arith.constant 0 : index
    %swap3A_338 = tpu.vector_load %arg18[%swap3A_336, %swap3A_337] {strides = array<i32>} : memref<10x16xf32, #tpu.memory_space<vmem>>, vector<16xf32>,
    tpu.vector_store %arg18[%swap3A_336, %swap3A_337], %mul3A_334 {strides = array<i32>} : memref<10x16xf32, #tpu.memory_space<vmem>>, vector<16xf32>,
    %mul3A_339 = arith.mulf %exp3A_281, %div3A_293 : vector<16xf32>
    %swap3A_340 = arith.constant 9 : i32
    %swap3A_341 = arith.index_cast %swap3A_340 : i32 to index
    %swap3A_342 = arith.constant 0 : index
    %swap3A_343 = tpu.vector_load %arg18[%swap3A_341, %swap3A_342] {strides = array<i32>} : memref<10x16xf32, #tpu.memory_space<vmem>>, vector<16xf32>,
    tpu.vector_store %arg18[%swap3A_341, %swap3A_342], %mul3A_339 {strides = array<i32>} : memref<10x16xf32, #tpu.memory_space<vmem>>, vector<16xf32>,
    %scan3A = arith.constant 0 : i32
    %scan3A_344 = arith.constant 0 : i32
    %scan3A_345 = arith.constant 10 : i32
    %scan3A_346 = arith.addi %scan3A_344, %scan3A_345 : i32
    %scan3A_347 = arith.constant 1 : i32
    scf.for %scan3A_349 = %scan3A_344 to %scan3A_346 step %scan3A_347  : i32 {
      %mul3A_350 = arith.constant 2 : i32
      %mul3A_351 = arith.muli %mul3A_350, %scan3A_349 : i32
      %mul3A_352 = arith.constant 16 : i32
      %mul3A_353 = arith.muli %mul3A_351, %mul3A_352 : i32
      %add3A_354 = arith.constant 1 : i32
      %add3A_355 = arith.addi %mul3A_351, %add3A_354 : i32
      %lt3A = arith.constant 20 : i32
      %lt3A_356 = arith.cmpi slt, %add3A_355, %lt3A : i32
      %convert_element_type3A = arith.extui %lt3A_356 : i1 to i32
      %cond3A = arith.constant 0 : i32
      %cond3A_357 = arith.cmpi ne, %convert_element_type3A, %cond3A : i32
      scf.if %cond3A_357 {
        %add3A_2184 = arith.constant 1 : i32
        %add3A_2185 = arith.addi %mul3A_351, %add3A_2184 : i32
        %mul3A_2186 = arith.constant 16 : i32
        %mul3A_2187 = arith.muli %add3A_2185, %mul3A_2186 : i32
        %get3A_2188 = arith.index_cast %mul3A_2187 : i32 to index
        %get3A_2189 = tpu.vector_load %arg8[%get3A_2188] {strides = array<i32>} : memref<320xi32, #tpu.memory_space<vmem>>, vector<16xi32>,
        %swap3A_2190 = arith.constant 0 : index
        %swap3A_2191 = tpu.vector_load %arg10[%swap3A_2190] {strides = array<i32>} : memref<16xi32, #tpu.memory_space<vmem>>, vector<16xi32>,
        tpu.vector_store %arg10[%swap3A_2190], %get3A_2189 {strides = array<i32>} : memref<16xi32, #tpu.memory_space<vmem>>, vector<16xi32>,
        %dma_start3A_2192 = arith.constant 0 : i32
        %dma_start3A_2193 = arith.constant 0 : i32
        %dma_start3A_2194 = tpu.memref_slice %arg3[%dma_start3A_2192, %dma_start3A_2193] : memref<50000x128xi32, #tpu.memory_space<hbm>> -> memref<50000x128xi32, #tpu.memory_space<hbm>>
        tpu.enqueue_indirect_dma source(%dma_start3A_2194 : memref<50000x128xi32, #tpu.memory_space<hbm>>) target(%arg12 : memref<16x128xi32, #tpu.memory_space<vmem>>) offsets(%arg10 : memref<16xi32, #tpu.memory_space<vmem>>) semaphore(%arg22 : memref<!tpu.dma_semaphore, #tpu.memory_space<semaphore_mem>>)
      } else {
      }
      %dma_wait3A_358 = arith.constant 0 : i32
      %dma_wait3A_359 = arith.constant 0 : i32
      %dma_wait3A_360 = tpu.memref_slice %arg5[%dma_wait3A_358, %dma_wait3A_359] : memref<50000x128xf32, #tpu.memory_space<hbm>> -> memref<50000x128xf32, #tpu.memory_space<hbm>>
      tpu.wait_indirect_dma semaphore(%arg20 : memref<!tpu.dma_semaphore, #tpu.memory_space<semaphore_mem>>) src(%dma_wait3A_360 : memref<50000x128xf32, #tpu.memory_space<hbm>>) dst(%arg15 : memref<160x128xf32, #tpu.memory_space<vmem>>)
      %get3A_361 = arith.constant 0 : i32
      %get3A_362 = arith.index_cast %get3A_361 : i32 to index
      %get3A_363 = arith.constant 0 : index
      %get3A_364 = tpu.vector_load %arg17[%get3A_362, %get3A_363] {strides = array<i32>} : memref<10x16xf32, #tpu.memory_space<vmem>>, vector<16xf32>,
      %get3A_365 = arith.constant 1 : i32
      %get3A_366 = arith.index_cast %get3A_365 : i32 to index
      %get3A_367 = arith.constant 0 : index
      %get3A_368 = tpu.vector_load %arg17[%get3A_366, %get3A_367] {strides = array<i32>} : memref<10x16xf32, #tpu.memory_space<vmem>>, vector<16xf32>,
      %get3A_369 = arith.constant 2 : i32
      %get3A_370 = arith.index_cast %get3A_369 : i32 to index
      %get3A_371 = arith.constant 0 : index
      %get3A_372 = tpu.vector_load %arg17[%get3A_370, %get3A_371] {strides = array<i32>} : memref<10x16xf32, #tpu.memory_space<vmem>>, vector<16xf32>,
      %get3A_373 = arith.constant 3 : i32
      %get3A_374 = arith.index_cast %get3A_373 : i32 to index
      %get3A_375 = arith.constant 0 : index
      %get3A_376 = tpu.vector_load %arg17[%get3A_374, %get3A_375] {strides = array<i32>} : memref<10x16xf32, #tpu.memory_space<vmem>>, vector<16xf32>,
      %get3A_377 = arith.constant 4 : i32
      %get3A_378 = arith.index_cast %get3A_377 : i32 to index
      %get3A_379 = arith.constant 0 : index
      %get3A_380 = tpu.vector_load %arg17[%get3A_378, %get3A_379] {strides = array<i32>} : memref<10x16xf32, #tpu.memory_space<vmem>>, vector<16xf32>,
      %get3A_381 = arith.constant 5 : i32
      %get3A_382 = arith.index_cast %get3A_381 : i32 to index
      %get3A_383 = arith.constant 0 : index
      %get3A_384 = tpu.vector_load %arg17[%get3A_382, %get3A_383] {strides = array<i32>} : memref<10x16xf32, #tpu.memory_space<vmem>>, vector<16xf32>,
      %get3A_385 = arith.constant 6 : i32
      %get3A_386 = arith.index_cast %get3A_385 : i32 to index
      %get3A_387 = arith.constant 0 : index
      %get3A_388 = tpu.vector_load %arg17[%get3A_386, %get3A_387] {strides = array<i32>} : memref<10x16xf32, #tpu.memory_space<vmem>>, vector<16xf32>,
      %get3A_389 = arith.constant 7 : i32
      %get3A_390 = arith.index_cast %get3A_389 : i32 to index
      %get3A_391 = arith.constant 0 : index
      %get3A_392 = tpu.vector_load %arg17[%get3A_390, %get3A_391] {strides = array<i32>} : memref<10x16xf32, #tpu.memory_space<vmem>>, vector<16xf32>,
      %get3A_393 = arith.constant 8 : i32
      %get3A_394 = arith.index_cast %get3A_393 : i32 to index
      %get3A_395 = arith.constant 0 : index
      %get3A_396 = tpu.vector_load %arg17[%get3A_394, %get3A_395] {strides = array<i32>} : memref<10x16xf32, #tpu.memory_space<vmem>>, vector<16xf32>,
      %get3A_397 = arith.constant 9 : i32
      %get3A_398 = arith.index_cast %get3A_397 : i32 to index
      %get3A_399 = arith.constant 0 : index
      %get3A_400 = tpu.vector_load %arg17[%get3A_398, %get3A_399] {strides = array<i32>} : memref<10x16xf32, #tpu.memory_space<vmem>>, vector<16xf32>,
      %parallel_loop3A = arith.constant 0 : i32
      %parallel_loop3A_401 = arith.constant 16 : i32
      %parallel_loop3A_402 = arith.constant 1 : i32
      scf.for %parallel_loop3A_2184 = %parallel_loop3A to %parallel_loop3A_401 step %parallel_loop3A_402  : i32 {
        %parallel_loop3A_2185 = vector.broadcast %parallel_loop3A_2184 : i32 to vector<16xi32>
        %parallel_loop3A_2186 = tpu.vector_load_idx %arg15[%add3A_5, %parallel_loop3A_2185] : memref<160x128xf32, #tpu.memory_space<vmem>>[vector<16xi32>, vector<16xi32>], vector<16xf32>,
        %parallel_loop3A_2187 = arith.mulf %get3A_364, %parallel_loop3A_2186 : vector<16xf32>
        %parallel_loop3A_2188 = arith.constant 0 : i32
        %parallel_loop3A_2189 = vector.broadcast %parallel_loop3A_2188 : i32 to vector<16xi32>
        %parallel_loop3A_2190 = arith.addi %parallel_loop3A_2185, %parallel_loop3A_2189 : vector<16xi32>
        tpu.vector_store_idx %arg19[%iota3A, %parallel_loop3A_2190], %parallel_loop3A_2187 : memref<16x768xf32, #tpu.memory_space<vmem>>[vector<16xi32>, vector<16xi32>], vector<16xf32>,
      } {sc.loop_unroll_factor = 4 : i64, sc.parallel_access}
      %broadcast_in_dim3A_403 = arith.constant 20 : i32
      %broadcast_in_dim3A_404 = vector.broadcast %broadcast_in_dim3A_403 : i32 to vector<16xi32>
      %gather3A_405 = tpu.vector_load_idx %arg11[%iota3A, %broadcast_in_dim3A_404] : memref<16x128xi32, #tpu.memory_space<vmem>>[vector<16xi32>, vector<16xi32>], vector<16xi32>,
      %swap3A_406 = arith.constant 0 : index
      %swap3A_407 = tpu.vector_load %arg13[%swap3A_406] {strides = array<i32>} : memref<160xi32, #tpu.memory_space<vmem>>, vector<16xi32>,
      tpu.vector_store %arg13[%swap3A_406], %gather3A_405 {strides = array<i32>} : memref<160xi32, #tpu.memory_space<vmem>>, vector<16xi32>,
      %broadcast_in_dim3A_408 = arith.constant 21 : i32
      %broadcast_in_dim3A_409 = vector.broadcast %broadcast_in_dim3A_408 : i32 to vector<16xi32>
      %gather3A_410 = tpu.vector_load_idx %arg11[%iota3A, %broadcast_in_dim3A_409] : memref<16x128xi32, #tpu.memory_space<vmem>>[vector<16xi32>, vector<16xi32>], vector<16xi32>,
      %swap3A_411 = arith.constant 16 : index
      %swap3A_412 = tpu.vector_load %arg13[%swap3A_411] {strides = array<i32>} : memref<160xi32, #tpu.memory_space<vmem>>, vector<16xi32>,
      tpu.vector_store %arg13[%swap3A_411], %gather3A_410 {strides = array<i32>} : memref<160xi32, #tpu.memory_space<vmem>>, vector<16xi32>,
      %broadcast_in_dim3A_413 = arith.constant 22 : i32
      %broadcast_in_dim3A_414 = vector.broadcast %broadcast_in_dim3A_413 : i32 to vector<16xi32>
      %gather3A_415 = tpu.vector_load_idx %arg11[%iota3A, %broadcast_in_dim3A_414] : memref<16x128xi32, #tpu.memory_space<vmem>>[vector<16xi32>, vector<16xi32>], vector<16xi32>,
      %swap3A_416 = arith.constant 32 : index
      %swap3A_417 = tpu.vector_load %arg13[%swap3A_416] {strides = array<i32>} : memref<160xi32, #tpu.memory_space<vmem>>, vector<16xi32>,
      tpu.vector_store %arg13[%swap3A_416], %gather3A_415 {strides = array<i32>} : memref<160xi32, #tpu.memory_space<vmem>>, vector<16xi32>,
      %broadcast_in_dim3A_418 = arith.constant 23 : i32
      %broadcast_in_dim3A_419 = vector.broadcast %broadcast_in_dim3A_418 : i32 to vector<16xi32>
      %gather3A_420 = tpu.vector_load_idx %arg11[%iota3A, %broadcast_in_dim3A_419] : memref<16x128xi32, #tpu.memory_space<vmem>>[vector<16xi32>, vector<16xi32>], vector<16xi32>,
      %swap3A_421 = arith.constant 48 : index
      %swap3A_422 = tpu.vector_load %arg13[%swap3A_421] {strides = array<i32>} : memref<160xi32, #tpu.memory_space<vmem>>, vector<16xi32>,
      tpu.vector_store %arg13[%swap3A_421], %gather3A_420 {strides = array<i32>} : memref<160xi32, #tpu.memory_space<vmem>>, vector<16xi32>,
      %broadcast_in_dim3A_423 = arith.constant 24 : i32
      %broadcast_in_dim3A_424 = vector.broadcast %broadcast_in_dim3A_423 : i32 to vector<16xi32>
      %gather3A_425 = tpu.vector_load_idx %arg11[%iota3A, %broadcast_in_dim3A_424] : memref<16x128xi32, #tpu.memory_space<vmem>>[vector<16xi32>, vector<16xi32>], vector<16xi32>,
      %swap3A_426 = arith.constant 64 : index
      %swap3A_427 = tpu.vector_load %arg13[%swap3A_426] {strides = array<i32>} : memref<160xi32, #tpu.memory_space<vmem>>, vector<16xi32>,
      tpu.vector_store %arg13[%swap3A_426], %gather3A_425 {strides = array<i32>} : memref<160xi32, #tpu.memory_space<vmem>>, vector<16xi32>,
      %broadcast_in_dim3A_428 = arith.constant 25 : i32
      %broadcast_in_dim3A_429 = vector.broadcast %broadcast_in_dim3A_428 : i32 to vector<16xi32>
      %gather3A_430 = tpu.vector_load_idx %arg11[%iota3A, %broadcast_in_dim3A_429] : memref<16x128xi32, #tpu.memory_space<vmem>>[vector<16xi32>, vector<16xi32>], vector<16xi32>,
      %swap3A_431 = arith.constant 80 : index
      %swap3A_432 = tpu.vector_load %arg13[%swap3A_431] {strides = array<i32>} : memref<160xi32, #tpu.memory_space<vmem>>, vector<16xi32>,
      tpu.vector_store %arg13[%swap3A_431], %gather3A_430 {strides = array<i32>} : memref<160xi32, #tpu.memory_space<vmem>>, vector<16xi32>,
      %broadcast_in_dim3A_433 = arith.constant 26 : i32
      %broadcast_in_dim3A_434 = vector.broadcast %broadcast_in_dim3A_433 : i32 to vector<16xi32>
      %gather3A_435 = tpu.vector_load_idx %arg11[%iota3A, %broadcast_in_dim3A_434] : memref<16x128xi32, #tpu.memory_space<vmem>>[vector<16xi32>, vector<16xi32>], vector<16xi32>,
      %swap3A_436 = arith.constant 96 : index
      %swap3A_437 = tpu.vector_load %arg13[%swap3A_436] {strides = array<i32>} : memref<160xi32, #tpu.memory_space<vmem>>, vector<16xi32>,
      tpu.vector_store %arg13[%swap3A_436], %gather3A_435 {strides = array<i32>} : memref<160xi32, #tpu.memory_space<vmem>>, vector<16xi32>,
      %broadcast_in_dim3A_438 = arith.constant 27 : i32
      %broadcast_in_dim3A_439 = vector.broadcast %broadcast_in_dim3A_438 : i32 to vector<16xi32>
      %gather3A_440 = tpu.vector_load_idx %arg11[%iota3A, %broadcast_in_dim3A_439] : memref<16x128xi32, #tpu.memory_space<vmem>>[vector<16xi32>, vector<16xi32>], vector<16xi32>,
      %swap3A_441 = arith.constant 112 : index
      %swap3A_442 = tpu.vector_load %arg13[%swap3A_441] {strides = array<i32>} : memref<160xi32, #tpu.memory_space<vmem>>, vector<16xi32>,
      tpu.vector_store %arg13[%swap3A_441], %gather3A_440 {strides = array<i32>} : memref<160xi32, #tpu.memory_space<vmem>>, vector<16xi32>,
      %broadcast_in_dim3A_443 = arith.constant 28 : i32
      %broadcast_in_dim3A_444 = vector.broadcast %broadcast_in_dim3A_443 : i32 to vector<16xi32>
      %gather3A_445 = tpu.vector_load_idx %arg11[%iota3A, %broadcast_in_dim3A_444] : memref<16x128xi32, #tpu.memory_space<vmem>>[vector<16xi32>, vector<16xi32>], vector<16xi32>,
      %swap3A_446 = arith.constant 128 : index
      %swap3A_447 = tpu.vector_load %arg13[%swap3A_446] {strides = array<i32>} : memref<160xi32, #tpu.memory_space<vmem>>, vector<16xi32>,
      tpu.vector_store %arg13[%swap3A_446], %gather3A_445 {strides = array<i32>} : memref<160xi32, #tpu.memory_space<vmem>>, vector<16xi32>,
      %broadcast_in_dim3A_448 = arith.constant 29 : i32
      %broadcast_in_dim3A_449 = vector.broadcast %broadcast_in_dim3A_448 : i32 to vector<16xi32>
      %gather3A_450 = tpu.vector_load_idx %arg11[%iota3A, %broadcast_in_dim3A_449] : memref<16x128xi32, #tpu.memory_space<vmem>>[vector<16xi32>, vector<16xi32>], vector<16xi32>,
      %swap3A_451 = arith.constant 144 : index
      %swap3A_452 = tpu.vector_load %arg13[%swap3A_451] {strides = array<i32>} : memref<160xi32, #tpu.memory_space<vmem>>, vector<16xi32>,
      tpu.vector_store %arg13[%swap3A_451], %gather3A_450 {strides = array<i32>} : memref<160xi32, #tpu.memory_space<vmem>>, vector<16xi32>,
      %dma_start3A_453 = arith.constant 0 : i32
      %dma_start3A_454 = arith.constant 0 : i32
      %dma_start3A_455 = tpu.memref_slice %arg5[%dma_start3A_453, %dma_start3A_454] : memref<50000x128xf32, #tpu.memory_space<hbm>> -> memref<50000x128xf32, #tpu.memory_space<hbm>>
      tpu.enqueue_indirect_dma source(%dma_start3A_455 : memref<50000x128xf32, #tpu.memory_space<hbm>>) target(%arg15 : memref<160x128xf32, #tpu.memory_space<vmem>>) offsets(%arg13 : memref<160xi32, #tpu.memory_space<vmem>>) semaphore(%arg20 : memref<!tpu.dma_semaphore, #tpu.memory_space<semaphore_mem>>)
      %gather3A_456 = tpu.vector_load_idx %arg7[%gather3A_405] : memref<50000xf32, #tpu.memory_space<vmem>>[vector<16xi32>], vector<16xf32>,
      %gather3A_457 = tpu.vector_load_idx %arg7[%gather3A_410] : memref<50000xf32, #tpu.memory_space<vmem>>[vector<16xi32>], vector<16xf32>,
      %gather3A_458 = tpu.vector_load_idx %arg7[%gather3A_415] : memref<50000xf32, #tpu.memory_space<vmem>>[vector<16xi32>], vector<16xf32>,
      %gather3A_459 = tpu.vector_load_idx %arg7[%gather3A_420] : memref<50000xf32, #tpu.memory_space<vmem>>[vector<16xi32>], vector<16xf32>,
      %gather3A_460 = tpu.vector_load_idx %arg7[%gather3A_425] : memref<50000xf32, #tpu.memory_space<vmem>>[vector<16xi32>], vector<16xf32>,
      %gather3A_461 = tpu.vector_load_idx %arg7[%gather3A_430] : memref<50000xf32, #tpu.memory_space<vmem>>[vector<16xi32>], vector<16xf32>,
      %gather3A_462 = tpu.vector_load_idx %arg7[%gather3A_435] : memref<50000xf32, #tpu.memory_space<vmem>>[vector<16xi32>], vector<16xf32>,
      %gather3A_463 = tpu.vector_load_idx %arg7[%gather3A_440] : memref<50000xf32, #tpu.memory_space<vmem>>[vector<16xi32>], vector<16xf32>,
      %gather3A_464 = tpu.vector_load_idx %arg7[%gather3A_445] : memref<50000xf32, #tpu.memory_space<vmem>>[vector<16xi32>], vector<16xf32>,
      %gather3A_465 = tpu.vector_load_idx %arg7[%gather3A_450] : memref<50000xf32, #tpu.memory_space<vmem>>[vector<16xi32>], vector<16xf32>,
      %max3A_466 = arith.maximumf %gather3A_456, %gather3A_457 : vector<16xf32>
      %max3A_467 = arith.maximumf %max3A_466, %gather3A_458 : vector<16xf32>
      %max3A_468 = arith.maximumf %max3A_467, %gather3A_459 : vector<16xf32>
      %max3A_469 = arith.maximumf %max3A_468, %gather3A_460 : vector<16xf32>
      %max3A_470 = arith.maximumf %max3A_469, %gather3A_461 : vector<16xf32>
      %max3A_471 = arith.maximumf %max3A_470, %gather3A_462 : vector<16xf32>
      %max3A_472 = arith.maximumf %max3A_471, %gather3A_463 : vector<16xf32>
      %max3A_473 = arith.maximumf %max3A_472, %gather3A_464 : vector<16xf32>
      %max3A_474 = arith.maximumf %max3A_473, %gather3A_465 : vector<16xf32>
      %sub3A_475 = arith.subf %gather3A_456, %max3A_474 : vector<16xf32>
      %exp3A_476 = math.exp %sub3A_475 : vector<16xf32>
      %sub3A_477 = arith.subf %gather3A_457, %max3A_474 : vector<16xf32>
      %exp3A_478 = math.exp %sub3A_477 : vector<16xf32>
      %sub3A_479 = arith.subf %gather3A_458, %max3A_474 : vector<16xf32>
      %exp3A_480 = math.exp %sub3A_479 : vector<16xf32>
      %sub3A_481 = arith.subf %gather3A_459, %max3A_474 : vector<16xf32>
      %exp3A_482 = math.exp %sub3A_481 : vector<16xf32>
      %sub3A_483 = arith.subf %gather3A_460, %max3A_474 : vector<16xf32>
      %exp3A_484 = math.exp %sub3A_483 : vector<16xf32>
      %sub3A_485 = arith.subf %gather3A_461, %max3A_474 : vector<16xf32>
      %exp3A_486 = math.exp %sub3A_485 : vector<16xf32>
      %sub3A_487 = arith.subf %gather3A_462, %max3A_474 : vector<16xf32>
      %exp3A_488 = math.exp %sub3A_487 : vector<16xf32>
      %sub3A_489 = arith.subf %gather3A_463, %max3A_474 : vector<16xf32>
      %exp3A_490 = math.exp %sub3A_489 : vector<16xf32>
      %sub3A_491 = arith.subf %gather3A_464, %max3A_474 : vector<16xf32>
      %exp3A_492 = math.exp %sub3A_491 : vector<16xf32>
      %sub3A_493 = arith.subf %gather3A_465, %max3A_474 : vector<16xf32>
      %exp3A_494 = math.exp %sub3A_493 : vector<16xf32>
      %add3A_495 = arith.addf %exp3A_476, %exp3A_478 : vector<16xf32>
      %add3A_496 = arith.addf %exp3A_480, %exp3A_482 : vector<16xf32>
      %add3A_497 = arith.addf %exp3A_484, %exp3A_486 : vector<16xf32>
      %add3A_498 = arith.addf %exp3A_488, %exp3A_490 : vector<16xf32>
      %add3A_499 = arith.addf %exp3A_492, %exp3A_494 : vector<16xf32>
      %add3A_500 = arith.addf %add3A_495, %add3A_496 : vector<16xf32>
      %add3A_501 = arith.addf %add3A_497, %add3A_498 : vector<16xf32>
      %add3A_502 = arith.addf %add3A_500, %add3A_501 : vector<16xf32>
      %add3A_503 = arith.addf %add3A_502, %add3A_499 : vector<16xf32>
      %div3A_504 = arith.constant 1.000000e+00 : f32
      %div3A_505 = vector.broadcast %div3A_504 : f32 to vector<16xf32>
      %div3A_506 = arith.divf %div3A_505, %add3A_503 : vector<16xf32>
      %mul3A_507 = arith.mulf %exp3A_476, %div3A_506 : vector<16xf32>
      %swap3A_508 = arith.constant 0 : i32
      %swap3A_509 = arith.index_cast %swap3A_508 : i32 to index
      %swap3A_510 = arith.constant 0 : index
      %swap3A_511 = tpu.vector_load %arg17[%swap3A_509, %swap3A_510] {strides = array<i32>} : memref<10x16xf32, #tpu.memory_space<vmem>>, vector<16xf32>,
      tpu.vector_store %arg17[%swap3A_509, %swap3A_510], %mul3A_507 {strides = array<i32>} : memref<10x16xf32, #tpu.memory_space<vmem>>, vector<16xf32>,
      %mul3A_512 = arith.mulf %exp3A_478, %div3A_506 : vector<16xf32>
      %swap3A_513 = arith.constant 1 : i32
      %swap3A_514 = arith.index_cast %swap3A_513 : i32 to index
      %swap3A_515 = arith.constant 0 : index
      %swap3A_516 = tpu.vector_load %arg17[%swap3A_514, %swap3A_515] {strides = array<i32>} : memref<10x16xf32, #tpu.memory_space<vmem>>, vector<16xf32>,
      tpu.vector_store %arg17[%swap3A_514, %swap3A_515], %mul3A_512 {strides = array<i32>} : memref<10x16xf32, #tpu.memory_space<vmem>>, vector<16xf32>,
      %mul3A_517 = arith.mulf %exp3A_480, %div3A_506 : vector<16xf32>
      %swap3A_518 = arith.constant 2 : i32
      %swap3A_519 = arith.index_cast %swap3A_518 : i32 to index
      %swap3A_520 = arith.constant 0 : index
      %swap3A_521 = tpu.vector_load %arg17[%swap3A_519, %swap3A_520] {strides = array<i32>} : memref<10x16xf32, #tpu.memory_space<vmem>>, vector<16xf32>,
      tpu.vector_store %arg17[%swap3A_519, %swap3A_520], %mul3A_517 {strides = array<i32>} : memref<10x16xf32, #tpu.memory_space<vmem>>, vector<16xf32>,
      %mul3A_522 = arith.mulf %exp3A_482, %div3A_506 : vector<16xf32>
      %swap3A_523 = arith.constant 3 : i32
      %swap3A_524 = arith.index_cast %swap3A_523 : i32 to index
      %swap3A_525 = arith.constant 0 : index
      %swap3A_526 = tpu.vector_load %arg17[%swap3A_524, %swap3A_525] {strides = array<i32>} : memref<10x16xf32, #tpu.memory_space<vmem>>, vector<16xf32>,
      tpu.vector_store %arg17[%swap3A_524, %swap3A_525], %mul3A_522 {strides = array<i32>} : memref<10x16xf32, #tpu.memory_space<vmem>>, vector<16xf32>,
      %mul3A_527 = arith.mulf %exp3A_484, %div3A_506 : vector<16xf32>
      %swap3A_528 = arith.constant 4 : i32
      %swap3A_529 = arith.index_cast %swap3A_528 : i32 to index
      %swap3A_530 = arith.constant 0 : index
      %swap3A_531 = tpu.vector_load %arg17[%swap3A_529, %swap3A_530] {strides = array<i32>} : memref<10x16xf32, #tpu.memory_space<vmem>>, vector<16xf32>,
      tpu.vector_store %arg17[%swap3A_529, %swap3A_530], %mul3A_527 {strides = array<i32>} : memref<10x16xf32, #tpu.memory_space<vmem>>, vector<16xf32>,
      %mul3A_532 = arith.mulf %exp3A_486, %div3A_506 : vector<16xf32>
      %swap3A_533 = arith.constant 5 : i32
      %swap3A_534 = arith.index_cast %swap3A_533 : i32 to index
      %swap3A_535 = arith.constant 0 : index
      %swap3A_536 = tpu.vector_load %arg17[%swap3A_534, %swap3A_535] {strides = array<i32>} : memref<10x16xf32, #tpu.memory_space<vmem>>, vector<16xf32>,
      tpu.vector_store %arg17[%swap3A_534, %swap3A_535], %mul3A_532 {strides = array<i32>} : memref<10x16xf32, #tpu.memory_space<vmem>>, vector<16xf32>,
      %mul3A_537 = arith.mulf %exp3A_488, %div3A_506 : vector<16xf32>
      %swap3A_538 = arith.constant 6 : i32
      %swap3A_539 = arith.index_cast %swap3A_538 : i32 to index
      %swap3A_540 = arith.constant 0 : index
      %swap3A_541 = tpu.vector_load %arg17[%swap3A_539, %swap3A_540] {strides = array<i32>} : memref<10x16xf32, #tpu.memory_space<vmem>>, vector<16xf32>,
      tpu.vector_store %arg17[%swap3A_539, %swap3A_540], %mul3A_537 {strides = array<i32>} : memref<10x16xf32, #tpu.memory_space<vmem>>, vector<16xf32>,
      %mul3A_542 = arith.mulf %exp3A_490, %div3A_506 : vector<16xf32>
      %swap3A_543 = arith.constant 7 : i32
      %swap3A_544 = arith.index_cast %swap3A_543 : i32 to index
      %swap3A_545 = arith.constant 0 : index
      %swap3A_546 = tpu.vector_load %arg17[%swap3A_544, %swap3A_545] {strides = array<i32>} : memref<10x16xf32, #tpu.memory_space<vmem>>, vector<16xf32>,
      tpu.vector_store %arg17[%swap3A_544, %swap3A_545], %mul3A_542 {strides = array<i32>} : memref<10x16xf32, #tpu.memory_space<vmem>>, vector<16xf32>,
      %mul3A_547 = arith.mulf %exp3A_492, %div3A_506 : vector<16xf32>
      %swap3A_548 = arith.constant 8 : i32
      %swap3A_549 = arith.index_cast %swap3A_548 : i32 to index
      %swap3A_550 = arith.constant 0 : index
      %swap3A_551 = tpu.vector_load %arg17[%swap3A_549, %swap3A_550] {strides = array<i32>} : memref<10x16xf32, #tpu.memory_space<vmem>>, vector<16xf32>,
      tpu.vector_store %arg17[%swap3A_549, %swap3A_550], %mul3A_547 {strides = array<i32>} : memref<10x16xf32, #tpu.memory_space<vmem>>, vector<16xf32>,
      %mul3A_552 = arith.mulf %exp3A_494, %div3A_506 : vector<16xf32>
      %swap3A_553 = arith.constant 9 : i32
      %swap3A_554 = arith.index_cast %swap3A_553 : i32 to index
      %swap3A_555 = arith.constant 0 : index
      %swap3A_556 = tpu.vector_load %arg17[%swap3A_554, %swap3A_555] {strides = array<i32>} : memref<10x16xf32, #tpu.memory_space<vmem>>, vector<16xf32>,
      tpu.vector_store %arg17[%swap3A_554, %swap3A_555], %mul3A_552 {strides = array<i32>} : memref<10x16xf32, #tpu.memory_space<vmem>>, vector<16xf32>,
      %dma_wait3A_557 = arith.constant 0 : i32
      %dma_wait3A_558 = arith.constant 0 : i32
      %dma_wait3A_559 = tpu.memref_slice %arg5[%dma_wait3A_557, %dma_wait3A_558] : memref<50000x128xf32, #tpu.memory_space<hbm>> -> memref<50000x128xf32, #tpu.memory_space<hbm>>
      tpu.wait_indirect_dma semaphore(%arg21 : memref<!tpu.dma_semaphore, #tpu.memory_space<semaphore_mem>>) src(%dma_wait3A_559 : memref<50000x128xf32, #tpu.memory_space<hbm>>) dst(%arg16 : memref<160x128xf32, #tpu.memory_space<vmem>>)
      %get3A_560 = arith.constant 0 : i32
      %get3A_561 = arith.index_cast %get3A_560 : i32 to index
      %get3A_562 = arith.constant 0 : index
      %get3A_563 = tpu.vector_load %arg18[%get3A_561, %get3A_562] {strides = array<i32>} : memref<10x16xf32, #tpu.memory_space<vmem>>, vector<16xf32>,
      %get3A_564 = arith.constant 1 : i32
      %get3A_565 = arith.index_cast %get3A_564 : i32 to index
      %get3A_566 = arith.constant 0 : index
      %get3A_567 = tpu.vector_load %arg18[%get3A_565, %get3A_566] {strides = array<i32>} : memref<10x16xf32, #tpu.memory_space<vmem>>, vector<16xf32>,
      %get3A_568 = arith.constant 2 : i32
      %get3A_569 = arith.index_cast %get3A_568 : i32 to index
      %get3A_570 = arith.constant 0 : index
      %get3A_571 = tpu.vector_load %arg18[%get3A_569, %get3A_570] {strides = array<i32>} : memref<10x16xf32, #tpu.memory_space<vmem>>, vector<16xf32>,
      %get3A_572 = arith.constant 3 : i32
      %get3A_573 = arith.index_cast %get3A_572 : i32 to index
      %get3A_574 = arith.constant 0 : index
      %get3A_575 = tpu.vector_load %arg18[%get3A_573, %get3A_574] {strides = array<i32>} : memref<10x16xf32, #tpu.memory_space<vmem>>, vector<16xf32>,
      %get3A_576 = arith.constant 4 : i32
      %get3A_577 = arith.index_cast %get3A_576 : i32 to index
      %get3A_578 = arith.constant 0 : index
      %get3A_579 = tpu.vector_load %arg18[%get3A_577, %get3A_578] {strides = array<i32>} : memref<10x16xf32, #tpu.memory_space<vmem>>, vector<16xf32>,
      %get3A_580 = arith.constant 5 : i32
      %get3A_581 = arith.index_cast %get3A_580 : i32 to index
      %get3A_582 = arith.constant 0 : index
      %get3A_583 = tpu.vector_load %arg18[%get3A_581, %get3A_582] {strides = array<i32>} : memref<10x16xf32, #tpu.memory_space<vmem>>, vector<16xf32>,
      %get3A_584 = arith.constant 6 : i32
      %get3A_585 = arith.index_cast %get3A_584 : i32 to index
      %get3A_586 = arith.constant 0 : index
      %get3A_587 = tpu.vector_load %arg18[%get3A_585, %get3A_586] {strides = array<i32>} : memref<10x16xf32, #tpu.memory_space<vmem>>, vector<16xf32>,
      %get3A_588 = arith.constant 7 : i32
      %get3A_589 = arith.index_cast %get3A_588 : i32 to index
      %get3A_590 = arith.constant 0 : index
      %get3A_591 = tpu.vector_load %arg18[%get3A_589, %get3A_590] {strides = array<i32>} : memref<10x16xf32, #tpu.memory_space<vmem>>, vector<16xf32>,
      %get3A_592 = arith.constant 8 : i32
      %get3A_593 = arith.index_cast %get3A_592 : i32 to index
      %get3A_594 = arith.constant 0 : index
      %get3A_595 = tpu.vector_load %arg18[%get3A_593, %get3A_594] {strides = array<i32>} : memref<10x16xf32, #tpu.memory_space<vmem>>, vector<16xf32>,
      %get3A_596 = arith.constant 9 : i32
      %get3A_597 = arith.index_cast %get3A_596 : i32 to index
      %get3A_598 = arith.constant 0 : index
      %get3A_599 = tpu.vector_load %arg18[%get3A_597, %get3A_598] {strides = array<i32>} : memref<10x16xf32, #tpu.memory_space<vmem>>, vector<16xf32>,
      %parallel_loop3A_600 = arith.constant 0 : i32
      %parallel_loop3A_601 = arith.constant 16 : i32
      %parallel_loop3A_602 = arith.constant 1 : i32
      scf.for %parallel_loop3A_2184 = %parallel_loop3A_600 to %parallel_loop3A_601 step %parallel_loop3A_602  : i32 {
        %parallel_loop3A_2185 = vector.broadcast %parallel_loop3A_2184 : i32 to vector<16xi32>
        %parallel_loop3A_2186 = tpu.vector_load_idx %arg16[%add3A_5, %parallel_loop3A_2185] : memref<160x128xf32, #tpu.memory_space<vmem>>[vector<16xi32>, vector<16xi32>], vector<16xf32>,
        %parallel_loop3A_2187 = arith.mulf %get3A_563, %parallel_loop3A_2186 : vector<16xf32>
        %parallel_loop3A_2188 = arith.constant 128 : i32
        %parallel_loop3A_2189 = vector.broadcast %parallel_loop3A_2188 : i32 to vector<16xi32>
        %parallel_loop3A_2190 = arith.addi %parallel_loop3A_2185, %parallel_loop3A_2189 : vector<16xi32>
        tpu.vector_store_idx %arg19[%iota3A, %parallel_loop3A_2190], %parallel_loop3A_2187 : memref<16x768xf32, #tpu.memory_space<vmem>>[vector<16xi32>, vector<16xi32>], vector<16xf32>,
      } {sc.loop_unroll_factor = 4 : i64, sc.parallel_access}
      %broadcast_in_dim3A_603 = arith.constant 30 : i32
      %broadcast_in_dim3A_604 = vector.broadcast %broadcast_in_dim3A_603 : i32 to vector<16xi32>
      %gather3A_605 = tpu.vector_load_idx %arg11[%iota3A, %broadcast_in_dim3A_604] : memref<16x128xi32, #tpu.memory_space<vmem>>[vector<16xi32>, vector<16xi32>], vector<16xi32>,
      %swap3A_606 = arith.constant 0 : index
      %swap3A_607 = tpu.vector_load %arg14[%swap3A_606] {strides = array<i32>} : memref<160xi32, #tpu.memory_space<vmem>>, vector<16xi32>,
      tpu.vector_store %arg14[%swap3A_606], %gather3A_605 {strides = array<i32>} : memref<160xi32, #tpu.memory_space<vmem>>, vector<16xi32>,
      %broadcast_in_dim3A_608 = arith.constant 31 : i32
      %broadcast_in_dim3A_609 = vector.broadcast %broadcast_in_dim3A_608 : i32 to vector<16xi32>
      %gather3A_610 = tpu.vector_load_idx %arg11[%iota3A, %broadcast_in_dim3A_609] : memref<16x128xi32, #tpu.memory_space<vmem>>[vector<16xi32>, vector<16xi32>], vector<16xi32>,
      %swap3A_611 = arith.constant 16 : index
      %swap3A_612 = tpu.vector_load %arg14[%swap3A_611] {strides = array<i32>} : memref<160xi32, #tpu.memory_space<vmem>>, vector<16xi32>,
      tpu.vector_store %arg14[%swap3A_611], %gather3A_610 {strides = array<i32>} : memref<160xi32, #tpu.memory_space<vmem>>, vector<16xi32>,
      %broadcast_in_dim3A_613 = arith.constant 32 : i32
      %broadcast_in_dim3A_614 = vector.broadcast %broadcast_in_dim3A_613 : i32 to vector<16xi32>
      %gather3A_615 = tpu.vector_load_idx %arg11[%iota3A, %broadcast_in_dim3A_614] : memref<16x128xi32, #tpu.memory_space<vmem>>[vector<16xi32>, vector<16xi32>], vector<16xi32>,
      %swap3A_616 = arith.constant 32 : index
      %swap3A_617 = tpu.vector_load %arg14[%swap3A_616] {strides = array<i32>} : memref<160xi32, #tpu.memory_space<vmem>>, vector<16xi32>,
      tpu.vector_store %arg14[%swap3A_616], %gather3A_615 {strides = array<i32>} : memref<160xi32, #tpu.memory_space<vmem>>, vector<16xi32>,
      %broadcast_in_dim3A_618 = arith.constant 33 : i32
      %broadcast_in_dim3A_619 = vector.broadcast %broadcast_in_dim3A_618 : i32 to vector<16xi32>
      %gather3A_620 = tpu.vector_load_idx %arg11[%iota3A, %broadcast_in_dim3A_619] : memref<16x128xi32, #tpu.memory_space<vmem>>[vector<16xi32>, vector<16xi32>], vector<16xi32>,
      %swap3A_621 = arith.constant 48 : index
      %swap3A_622 = tpu.vector_load %arg14[%swap3A_621] {strides = array<i32>} : memref<160xi32, #tpu.memory_space<vmem>>, vector<16xi32>,
      tpu.vector_store %arg14[%swap3A_621], %gather3A_620 {strides = array<i32>} : memref<160xi32, #tpu.memory_space<vmem>>, vector<16xi32>,
      %broadcast_in_dim3A_623 = arith.constant 34 : i32
      %broadcast_in_dim3A_624 = vector.broadcast %broadcast_in_dim3A_623 : i32 to vector<16xi32>
      %gather3A_625 = tpu.vector_load_idx %arg11[%iota3A, %broadcast_in_dim3A_624] : memref<16x128xi32, #tpu.memory_space<vmem>>[vector<16xi32>, vector<16xi32>], vector<16xi32>,
      %swap3A_626 = arith.constant 64 : index
      %swap3A_627 = tpu.vector_load %arg14[%swap3A_626] {strides = array<i32>} : memref<160xi32, #tpu.memory_space<vmem>>, vector<16xi32>,
      tpu.vector_store %arg14[%swap3A_626], %gather3A_625 {strides = array<i32>} : memref<160xi32, #tpu.memory_space<vmem>>, vector<16xi32>,
      %broadcast_in_dim3A_628 = arith.constant 35 : i32
      %broadcast_in_dim3A_629 = vector.broadcast %broadcast_in_dim3A_628 : i32 to vector<16xi32>
      %gather3A_630 = tpu.vector_load_idx %arg11[%iota3A, %broadcast_in_dim3A_629] : memref<16x128xi32, #tpu.memory_space<vmem>>[vector<16xi32>, vector<16xi32>], vector<16xi32>,
      %swap3A_631 = arith.constant 80 : index
      %swap3A_632 = tpu.vector_load %arg14[%swap3A_631] {strides = array<i32>} : memref<160xi32, #tpu.memory_space<vmem>>, vector<16xi32>,
      tpu.vector_store %arg14[%swap3A_631], %gather3A_630 {strides = array<i32>} : memref<160xi32, #tpu.memory_space<vmem>>, vector<16xi32>,
      %broadcast_in_dim3A_633 = arith.constant 36 : i32
      %broadcast_in_dim3A_634 = vector.broadcast %broadcast_in_dim3A_633 : i32 to vector<16xi32>
      %gather3A_635 = tpu.vector_load_idx %arg11[%iota3A, %broadcast_in_dim3A_634] : memref<16x128xi32, #tpu.memory_space<vmem>>[vector<16xi32>, vector<16xi32>], vector<16xi32>,
      %swap3A_636 = arith.constant 96 : index
      %swap3A_637 = tpu.vector_load %arg14[%swap3A_636] {strides = array<i32>} : memref<160xi32, #tpu.memory_space<vmem>>, vector<16xi32>,
      tpu.vector_store %arg14[%swap3A_636], %gather3A_635 {strides = array<i32>} : memref<160xi32, #tpu.memory_space<vmem>>, vector<16xi32>,
      %broadcast_in_dim3A_638 = arith.constant 37 : i32
      %broadcast_in_dim3A_639 = vector.broadcast %broadcast_in_dim3A_638 : i32 to vector<16xi32>
      %gather3A_640 = tpu.vector_load_idx %arg11[%iota3A, %broadcast_in_dim3A_639] : memref<16x128xi32, #tpu.memory_space<vmem>>[vector<16xi32>, vector<16xi32>], vector<16xi32>,
      %swap3A_641 = arith.constant 112 : index
      %swap3A_642 = tpu.vector_load %arg14[%swap3A_641] {strides = array<i32>} : memref<160xi32, #tpu.memory_space<vmem>>, vector<16xi32>,
      tpu.vector_store %arg14[%swap3A_641], %gather3A_640 {strides = array<i32>} : memref<160xi32, #tpu.memory_space<vmem>>, vector<16xi32>,
      %broadcast_in_dim3A_643 = arith.constant 38 : i32
      %broadcast_in_dim3A_644 = vector.broadcast %broadcast_in_dim3A_643 : i32 to vector<16xi32>
      %gather3A_645 = tpu.vector_load_idx %arg11[%iota3A, %broadcast_in_dim3A_644] : memref<16x128xi32, #tpu.memory_space<vmem>>[vector<16xi32>, vector<16xi32>], vector<16xi32>,
      %swap3A_646 = arith.constant 128 : index
      %swap3A_647 = tpu.vector_load %arg14[%swap3A_646] {strides = array<i32>} : memref<160xi32, #tpu.memory_space<vmem>>, vector<16xi32>,
      tpu.vector_store %arg14[%swap3A_646], %gather3A_645 {strides = array<i32>} : memref<160xi32, #tpu.memory_space<vmem>>, vector<16xi32>,
      %broadcast_in_dim3A_648 = arith.constant 39 : i32
      %broadcast_in_dim3A_649 = vector.broadcast %broadcast_in_dim3A_648 : i32 to vector<16xi32>
      %gather3A_650 = tpu.vector_load_idx %arg11[%iota3A, %broadcast_in_dim3A_649] : memref<16x128xi32, #tpu.memory_space<vmem>>[vector<16xi32>, vector<16xi32>], vector<16xi32>,
      %swap3A_651 = arith.constant 144 : index
      %swap3A_652 = tpu.vector_load %arg14[%swap3A_651] {strides = array<i32>} : memref<160xi32, #tpu.memory_space<vmem>>, vector<16xi32>,
      tpu.vector_store %arg14[%swap3A_651], %gather3A_650 {strides = array<i32>} : memref<160xi32, #tpu.memory_space<vmem>>, vector<16xi32>,
      %dma_start3A_653 = arith.constant 0 : i32
      %dma_start3A_654 = arith.constant 0 : i32
      %dma_start3A_655 = tpu.memref_slice %arg5[%dma_start3A_653, %dma_start3A_654] : memref<50000x128xf32, #tpu.memory_space<hbm>> -> memref<50000x128xf32, #tpu.memory_space<hbm>>
      tpu.enqueue_indirect_dma source(%dma_start3A_655 : memref<50000x128xf32, #tpu.memory_space<hbm>>) target(%arg16 : memref<160x128xf32, #tpu.memory_space<vmem>>) offsets(%arg14 : memref<160xi32, #tpu.memory_space<vmem>>) semaphore(%arg21 : memref<!tpu.dma_semaphore, #tpu.memory_space<semaphore_mem>>)
      %gather3A_656 = tpu.vector_load_idx %arg7[%gather3A_605] : memref<50000xf32, #tpu.memory_space<vmem>>[vector<16xi32>], vector<16xf32>,
      %gather3A_657 = tpu.vector_load_idx %arg7[%gather3A_610] : memref<50000xf32, #tpu.memory_space<vmem>>[vector<16xi32>], vector<16xf32>,
      %gather3A_658 = tpu.vector_load_idx %arg7[%gather3A_615] : memref<50000xf32, #tpu.memory_space<vmem>>[vector<16xi32>], vector<16xf32>,
      %gather3A_659 = tpu.vector_load_idx %arg7[%gather3A_620] : memref<50000xf32, #tpu.memory_space<vmem>>[vector<16xi32>], vector<16xf32>,
      %gather3A_660 = tpu.vector_load_idx %arg7[%gather3A_625] : memref<50000xf32, #tpu.memory_space<vmem>>[vector<16xi32>], vector<16xf32>,
      %gather3A_661 = tpu.vector_load_idx %arg7[%gather3A_630] : memref<50000xf32, #tpu.memory_space<vmem>>[vector<16xi32>], vector<16xf32>,
      %gather3A_662 = tpu.vector_load_idx %arg7[%gather3A_635] : memref<50000xf32, #tpu.memory_space<vmem>>[vector<16xi32>], vector<16xf32>,
      %gather3A_663 = tpu.vector_load_idx %arg7[%gather3A_640] : memref<50000xf32, #tpu.memory_space<vmem>>[vector<16xi32>], vector<16xf32>,
      %gather3A_664 = tpu.vector_load_idx %arg7[%gather3A_645] : memref<50000xf32, #tpu.memory_space<vmem>>[vector<16xi32>], vector<16xf32>,
      %gather3A_665 = tpu.vector_load_idx %arg7[%gather3A_650] : memref<50000xf32, #tpu.memory_space<vmem>>[vector<16xi32>], vector<16xf32>,
      %max3A_666 = arith.maximumf %gather3A_656, %gather3A_657 : vector<16xf32>
      %max3A_667 = arith.maximumf %max3A_666, %gather3A_658 : vector<16xf32>
      %max3A_668 = arith.maximumf %max3A_667, %gather3A_659 : vector<16xf32>
      %max3A_669 = arith.maximumf %max3A_668, %gather3A_660 : vector<16xf32>
      %max3A_670 = arith.maximumf %max3A_669, %gather3A_661 : vector<16xf32>
      %max3A_671 = arith.maximumf %max3A_670, %gather3A_662 : vector<16xf32>
      %max3A_672 = arith.maximumf %max3A_671, %gather3A_663 : vector<16xf32>
      %max3A_673 = arith.maximumf %max3A_672, %gather3A_664 : vector<16xf32>
      %max3A_674 = arith.maximumf %max3A_673, %gather3A_665 : vector<16xf32>
      %sub3A_675 = arith.subf %gather3A_656, %max3A_674 : vector<16xf32>
      %exp3A_676 = math.exp %sub3A_675 : vector<16xf32>
      %sub3A_677 = arith.subf %gather3A_657, %max3A_674 : vector<16xf32>
      %exp3A_678 = math.exp %sub3A_677 : vector<16xf32>
      %sub3A_679 = arith.subf %gather3A_658, %max3A_674 : vector<16xf32>
      %exp3A_680 = math.exp %sub3A_679 : vector<16xf32>
      %sub3A_681 = arith.subf %gather3A_659, %max3A_674 : vector<16xf32>
      %exp3A_682 = math.exp %sub3A_681 : vector<16xf32>
      %sub3A_683 = arith.subf %gather3A_660, %max3A_674 : vector<16xf32>
      %exp3A_684 = math.exp %sub3A_683 : vector<16xf32>
      %sub3A_685 = arith.subf %gather3A_661, %max3A_674 : vector<16xf32>
      %exp3A_686 = math.exp %sub3A_685 : vector<16xf32>
      %sub3A_687 = arith.subf %gather3A_662, %max3A_674 : vector<16xf32>
      %exp3A_688 = math.exp %sub3A_687 : vector<16xf32>
      %sub3A_689 = arith.subf %gather3A_663, %max3A_674 : vector<16xf32>
      %exp3A_690 = math.exp %sub3A_689 : vector<16xf32>
      %sub3A_691 = arith.subf %gather3A_664, %max3A_674 : vector<16xf32>
      %exp3A_692 = math.exp %sub3A_691 : vector<16xf32>
      %sub3A_693 = arith.subf %gather3A_665, %max3A_674 : vector<16xf32>
      %exp3A_694 = math.exp %sub3A_693 : vector<16xf32>
      %add3A_695 = arith.addf %exp3A_676, %exp3A_678 : vector<16xf32>
      %add3A_696 = arith.addf %exp3A_680, %exp3A_682 : vector<16xf32>
      %add3A_697 = arith.addf %exp3A_684, %exp3A_686 : vector<16xf32>
      %add3A_698 = arith.addf %exp3A_688, %exp3A_690 : vector<16xf32>
      %add3A_699 = arith.addf %exp3A_692, %exp3A_694 : vector<16xf32>
      %add3A_700 = arith.addf %add3A_695, %add3A_696 : vector<16xf32>
      %add3A_701 = arith.addf %add3A_697, %add3A_698 : vector<16xf32>
      %add3A_702 = arith.addf %add3A_700, %add3A_701 : vector<16xf32>
      %add3A_703 = arith.addf %add3A_702, %add3A_699 : vector<16xf32>
      %div3A_704 = arith.constant 1.000000e+00 : f32
      %div3A_705 = vector.broadcast %div3A_704 : f32 to vector<16xf32>
      %div3A_706 = arith.divf %div3A_705, %add3A_703 : vector<16xf32>
      %mul3A_707 = arith.mulf %exp3A_676, %div3A_706 : vector<16xf32>
      %swap3A_708 = arith.constant 0 : i32
      %swap3A_709 = arith.index_cast %swap3A_708 : i32 to index
      %swap3A_710 = arith.constant 0 : index
      %swap3A_711 = tpu.vector_load %arg18[%swap3A_709, %swap3A_710] {strides = array<i32>} : memref<10x16xf32, #tpu.memory_space<vmem>>, vector<16xf32>,
      tpu.vector_store %arg18[%swap3A_709, %swap3A_710], %mul3A_707 {strides = array<i32>} : memref<10x16xf32, #tpu.memory_space<vmem>>, vector<16xf32>,
      %mul3A_712 = arith.mulf %exp3A_678, %div3A_706 : vector<16xf32>
      %swap3A_713 = arith.constant 1 : i32
      %swap3A_714 = arith.index_cast %swap3A_713 : i32 to index
      %swap3A_715 = arith.constant 0 : index
      %swap3A_716 = tpu.vector_load %arg18[%swap3A_714, %swap3A_715] {strides = array<i32>} : memref<10x16xf32, #tpu.memory_space<vmem>>, vector<16xf32>,
      tpu.vector_store %arg18[%swap3A_714, %swap3A_715], %mul3A_712 {strides = array<i32>} : memref<10x16xf32, #tpu.memory_space<vmem>>, vector<16xf32>,
      %mul3A_717 = arith.mulf %exp3A_680, %div3A_706 : vector<16xf32>
      %swap3A_718 = arith.constant 2 : i32
      %swap3A_719 = arith.index_cast %swap3A_718 : i32 to index
      %swap3A_720 = arith.constant 0 : index
      %swap3A_721 = tpu.vector_load %arg18[%swap3A_719, %swap3A_720] {strides = array<i32>} : memref<10x16xf32, #tpu.memory_space<vmem>>, vector<16xf32>,
      tpu.vector_store %arg18[%swap3A_719, %swap3A_720], %mul3A_717 {strides = array<i32>} : memref<10x16xf32, #tpu.memory_space<vmem>>, vector<16xf32>,
      %mul3A_722 = arith.mulf %exp3A_682, %div3A_706 : vector<16xf32>
      %swap3A_723 = arith.constant 3 : i32
      %swap3A_724 = arith.index_cast %swap3A_723 : i32 to index
      %swap3A_725 = arith.constant 0 : index
      %swap3A_726 = tpu.vector_load %arg18[%swap3A_724, %swap3A_725] {strides = array<i32>} : memref<10x16xf32, #tpu.memory_space<vmem>>, vector<16xf32>,
      tpu.vector_store %arg18[%swap3A_724, %swap3A_725], %mul3A_722 {strides = array<i32>} : memref<10x16xf32, #tpu.memory_space<vmem>>, vector<16xf32>,
      %mul3A_727 = arith.mulf %exp3A_684, %div3A_706 : vector<16xf32>
      %swap3A_728 = arith.constant 4 : i32
      %swap3A_729 = arith.index_cast %swap3A_728 : i32 to index
      %swap3A_730 = arith.constant 0 : index
      %swap3A_731 = tpu.vector_load %arg18[%swap3A_729, %swap3A_730] {strides = array<i32>} : memref<10x16xf32, #tpu.memory_space<vmem>>, vector<16xf32>,
      tpu.vector_store %arg18[%swap3A_729, %swap3A_730], %mul3A_727 {strides = array<i32>} : memref<10x16xf32, #tpu.memory_space<vmem>>, vector<16xf32>,
      %mul3A_732 = arith.mulf %exp3A_686, %div3A_706 : vector<16xf32>
      %swap3A_733 = arith.constant 5 : i32
      %swap3A_734 = arith.index_cast %swap3A_733 : i32 to index
      %swap3A_735 = arith.constant 0 : index
      %swap3A_736 = tpu.vector_load %arg18[%swap3A_734, %swap3A_735] {strides = array<i32>} : memref<10x16xf32, #tpu.memory_space<vmem>>, vector<16xf32>,
      tpu.vector_store %arg18[%swap3A_734, %swap3A_735], %mul3A_732 {strides = array<i32>} : memref<10x16xf32, #tpu.memory_space<vmem>>, vector<16xf32>,
      %mul3A_737 = arith.mulf %exp3A_688, %div3A_706 : vector<16xf32>
      %swap3A_738 = arith.constant 6 : i32
      %swap3A_739 = arith.index_cast %swap3A_738 : i32 to index
      %swap3A_740 = arith.constant 0 : index
      %swap3A_741 = tpu.vector_load %arg18[%swap3A_739, %swap3A_740] {strides = array<i32>} : memref<10x16xf32, #tpu.memory_space<vmem>>, vector<16xf32>,
      tpu.vector_store %arg18[%swap3A_739, %swap3A_740], %mul3A_737 {strides = array<i32>} : memref<10x16xf32, #tpu.memory_space<vmem>>, vector<16xf32>,
      %mul3A_742 = arith.mulf %exp3A_690, %div3A_706 : vector<16xf32>
      %swap3A_743 = arith.constant 7 : i32
      %swap3A_744 = arith.index_cast %swap3A_743 : i32 to index
      %swap3A_745 = arith.constant 0 : index
      %swap3A_746 = tpu.vector_load %arg18[%swap3A_744, %swap3A_745] {strides = array<i32>} : memref<10x16xf32, #tpu.memory_space<vmem>>, vector<16xf32>,
      tpu.vector_store %arg18[%swap3A_744, %swap3A_745], %mul3A_742 {strides = array<i32>} : memref<10x16xf32, #tpu.memory_space<vmem>>, vector<16xf32>,
      %mul3A_747 = arith.mulf %exp3A_692, %div3A_706 : vector<16xf32>
      %swap3A_748 = arith.constant 8 : i32
      %swap3A_749 = arith.index_cast %swap3A_748 : i32 to index
      %swap3A_750 = arith.constant 0 : index
      %swap3A_751 = tpu.vector_load %arg18[%swap3A_749, %swap3A_750] {strides = array<i32>} : memref<10x16xf32, #tpu.memory_space<vmem>>, vector<16xf32>,
      tpu.vector_store %arg18[%swap3A_749, %swap3A_750], %mul3A_747 {strides = array<i32>} : memref<10x16xf32, #tpu.memory_space<vmem>>, vector<16xf32>,
      %mul3A_752 = arith.mulf %exp3A_694, %div3A_706 : vector<16xf32>
      %swap3A_753 = arith.constant 9 : i32
      %swap3A_754 = arith.index_cast %swap3A_753 : i32 to index
      %swap3A_755 = arith.constant 0 : index
      %swap3A_756 = tpu.vector_load %arg18[%swap3A_754, %swap3A_755] {strides = array<i32>} : memref<10x16xf32, #tpu.memory_space<vmem>>, vector<16xf32>,
      tpu.vector_store %arg18[%swap3A_754, %swap3A_755], %mul3A_752 {strides = array<i32>} : memref<10x16xf32, #tpu.memory_space<vmem>>, vector<16xf32>,
      %dma_wait3A_757 = arith.constant 0 : i32
      %dma_wait3A_758 = arith.constant 0 : i32
      %dma_wait3A_759 = tpu.memref_slice %arg5[%dma_wait3A_757, %dma_wait3A_758] : memref<50000x128xf32, #tpu.memory_space<hbm>> -> memref<50000x128xf32, #tpu.memory_space<hbm>>
      tpu.wait_indirect_dma semaphore(%arg20 : memref<!tpu.dma_semaphore, #tpu.memory_space<semaphore_mem>>) src(%dma_wait3A_759 : memref<50000x128xf32, #tpu.memory_space<hbm>>) dst(%arg15 : memref<160x128xf32, #tpu.memory_space<vmem>>)
      %get3A_760 = arith.constant 0 : i32
      %get3A_761 = arith.index_cast %get3A_760 : i32 to index
      %get3A_762 = arith.constant 0 : index
      %get3A_763 = tpu.vector_load %arg17[%get3A_761, %get3A_762] {strides = array<i32>} : memref<10x16xf32, #tpu.memory_space<vmem>>, vector<16xf32>,
      %get3A_764 = arith.constant 1 : i32
      %get3A_765 = arith.index_cast %get3A_764 : i32 to index
      %get3A_766 = arith.constant 0 : index
      %get3A_767 = tpu.vector_load %arg17[%get3A_765, %get3A_766] {strides = array<i32>} : memref<10x16xf32, #tpu.memory_space<vmem>>, vector<16xf32>,
      %get3A_768 = arith.constant 2 : i32
      %get3A_769 = arith.index_cast %get3A_768 : i32 to index
      %get3A_770 = arith.constant 0 : index
      %get3A_771 = tpu.vector_load %arg17[%get3A_769, %get3A_770] {strides = array<i32>} : memref<10x16xf32, #tpu.memory_space<vmem>>, vector<16xf32>,
      %get3A_772 = arith.constant 3 : i32
      %get3A_773 = arith.index_cast %get3A_772 : i32 to index
      %get3A_774 = arith.constant 0 : index
      %get3A_775 = tpu.vector_load %arg17[%get3A_773, %get3A_774] {strides = array<i32>} : memref<10x16xf32, #tpu.memory_space<vmem>>, vector<16xf32>,
      %get3A_776 = arith.constant 4 : i32
      %get3A_777 = arith.index_cast %get3A_776 : i32 to index
      %get3A_778 = arith.constant 0 : index
      %get3A_779 = tpu.vector_load %arg17[%get3A_777, %get3A_778] {strides = array<i32>} : memref<10x16xf32, #tpu.memory_space<vmem>>, vector<16xf32>,
      %get3A_780 = arith.constant 5 : i32
      %get3A_781 = arith.index_cast %get3A_780 : i32 to index
      %get3A_782 = arith.constant 0 : index
      %get3A_783 = tpu.vector_load %arg17[%get3A_781, %get3A_782] {strides = array<i32>} : memref<10x16xf32, #tpu.memory_space<vmem>>, vector<16xf32>,
      %get3A_784 = arith.constant 6 : i32
      %get3A_785 = arith.index_cast %get3A_784 : i32 to index
      %get3A_786 = arith.constant 0 : index
      %get3A_787 = tpu.vector_load %arg17[%get3A_785, %get3A_786] {strides = array<i32>} : memref<10x16xf32, #tpu.memory_space<vmem>>, vector<16xf32>,
      %get3A_788 = arith.constant 7 : i32
      %get3A_789 = arith.index_cast %get3A_788 : i32 to index
      %get3A_790 = arith.constant 0 : index
      %get3A_791 = tpu.vector_load %arg17[%get3A_789, %get3A_790] {strides = array<i32>} : memref<10x16xf32, #tpu.memory_space<vmem>>, vector<16xf32>,
      %get3A_792 = arith.constant 8 : i32
      %get3A_793 = arith.index_cast %get3A_792 : i32 to index
      %get3A_794 = arith.constant 0 : index
      %get3A_795 = tpu.vector_load %arg17[%get3A_793, %get3A_794] {strides = array<i32>} : memref<10x16xf32, #tpu.memory_space<vmem>>, vector<16xf32>,
      %get3A_796 = arith.constant 9 : i32
      %get3A_797 = arith.index_cast %get3A_796 : i32 to index
      %get3A_798 = arith.constant 0 : index
      %get3A_799 = tpu.vector_load %arg17[%get3A_797, %get3A_798] {strides = array<i32>} : memref<10x16xf32, #tpu.memory_space<vmem>>, vector<16xf32>,
      %parallel_loop3A_800 = arith.constant 0 : i32
      %parallel_loop3A_801 = arith.constant 16 : i32
      %parallel_loop3A_802 = arith.constant 1 : i32
      scf.for %parallel_loop3A_2184 = %parallel_loop3A_800 to %parallel_loop3A_801 step %parallel_loop3A_802  : i32 {
        %parallel_loop3A_2185 = vector.broadcast %parallel_loop3A_2184 : i32 to vector<16xi32>
        %parallel_loop3A_2186 = tpu.vector_load_idx %arg15[%add3A_5, %parallel_loop3A_2185] : memref<160x128xf32, #tpu.memory_space<vmem>>[vector<16xi32>, vector<16xi32>], vector<16xf32>,
        %parallel_loop3A_2187 = arith.mulf %get3A_763, %parallel_loop3A_2186 : vector<16xf32>
        %parallel_loop3A_2188 = arith.constant 256 : i32
        %parallel_loop3A_2189 = vector.broadcast %parallel_loop3A_2188 : i32 to vector<16xi32>
        %parallel_loop3A_2190 = arith.addi %parallel_loop3A_2185, %parallel_loop3A_2189 : vector<16xi32>
        tpu.vector_store_idx %arg19[%iota3A, %parallel_loop3A_2190], %parallel_loop3A_2187 : memref<16x768xf32, #tpu.memory_space<vmem>>[vector<16xi32>, vector<16xi32>], vector<16xf32>,
      } {sc.loop_unroll_factor = 4 : i64, sc.parallel_access}
      %broadcast_in_dim3A_803 = arith.constant 40 : i32
      %broadcast_in_dim3A_804 = vector.broadcast %broadcast_in_dim3A_803 : i32 to vector<16xi32>
      %gather3A_805 = tpu.vector_load_idx %arg11[%iota3A, %broadcast_in_dim3A_804] : memref<16x128xi32, #tpu.memory_space<vmem>>[vector<16xi32>, vector<16xi32>], vector<16xi32>,
      %swap3A_806 = arith.constant 0 : index
      %swap3A_807 = tpu.vector_load %arg13[%swap3A_806] {strides = array<i32>} : memref<160xi32, #tpu.memory_space<vmem>>, vector<16xi32>,
      tpu.vector_store %arg13[%swap3A_806], %gather3A_805 {strides = array<i32>} : memref<160xi32, #tpu.memory_space<vmem>>, vector<16xi32>,
      %broadcast_in_dim3A_808 = arith.constant 41 : i32
      %broadcast_in_dim3A_809 = vector.broadcast %broadcast_in_dim3A_808 : i32 to vector<16xi32>
      %gather3A_810 = tpu.vector_load_idx %arg11[%iota3A, %broadcast_in_dim3A_809] : memref<16x128xi32, #tpu.memory_space<vmem>>[vector<16xi32>, vector<16xi32>], vector<16xi32>,
      %swap3A_811 = arith.constant 16 : index
      %swap3A_812 = tpu.vector_load %arg13[%swap3A_811] {strides = array<i32>} : memref<160xi32, #tpu.memory_space<vmem>>, vector<16xi32>,
      tpu.vector_store %arg13[%swap3A_811], %gather3A_810 {strides = array<i32>} : memref<160xi32, #tpu.memory_space<vmem>>, vector<16xi32>,
      %broadcast_in_dim3A_813 = arith.constant 42 : i32
      %broadcast_in_dim3A_814 = vector.broadcast %broadcast_in_dim3A_813 : i32 to vector<16xi32>
      %gather3A_815 = tpu.vector_load_idx %arg11[%iota3A, %broadcast_in_dim3A_814] : memref<16x128xi32, #tpu.memory_space<vmem>>[vector<16xi32>, vector<16xi32>], vector<16xi32>,
      %swap3A_816 = arith.constant 32 : index
      %swap3A_817 = tpu.vector_load %arg13[%swap3A_816] {strides = array<i32>} : memref<160xi32, #tpu.memory_space<vmem>>, vector<16xi32>,
      tpu.vector_store %arg13[%swap3A_816], %gather3A_815 {strides = array<i32>} : memref<160xi32, #tpu.memory_space<vmem>>, vector<16xi32>,
      %broadcast_in_dim3A_818 = arith.constant 43 : i32
      %broadcast_in_dim3A_819 = vector.broadcast %broadcast_in_dim3A_818 : i32 to vector<16xi32>
      %gather3A_820 = tpu.vector_load_idx %arg11[%iota3A, %broadcast_in_dim3A_819] : memref<16x128xi32, #tpu.memory_space<vmem>>[vector<16xi32>, vector<16xi32>], vector<16xi32>,
      %swap3A_821 = arith.constant 48 : index
      %swap3A_822 = tpu.vector_load %arg13[%swap3A_821] {strides = array<i32>} : memref<160xi32, #tpu.memory_space<vmem>>, vector<16xi32>,
      tpu.vector_store %arg13[%swap3A_821], %gather3A_820 {strides = array<i32>} : memref<160xi32, #tpu.memory_space<vmem>>, vector<16xi32>,
      %broadcast_in_dim3A_823 = arith.constant 44 : i32
      %broadcast_in_dim3A_824 = vector.broadcast %broadcast_in_dim3A_823 : i32 to vector<16xi32>
      %gather3A_825 = tpu.vector_load_idx %arg11[%iota3A, %broadcast_in_dim3A_824] : memref<16x128xi32, #tpu.memory_space<vmem>>[vector<16xi32>, vector<16xi32>], vector<16xi32>,
      %swap3A_826 = arith.constant 64 : index
      %swap3A_827 = tpu.vector_load %arg13[%swap3A_826] {strides = array<i32>} : memref<160xi32, #tpu.memory_space<vmem>>, vector<16xi32>,
      tpu.vector_store %arg13[%swap3A_826], %gather3A_825 {strides = array<i32>} : memref<160xi32, #tpu.memory_space<vmem>>, vector<16xi32>,
      %broadcast_in_dim3A_828 = arith.constant 45 : i32
      %broadcast_in_dim3A_829 = vector.broadcast %broadcast_in_dim3A_828 : i32 to vector<16xi32>
      %gather3A_830 = tpu.vector_load_idx %arg11[%iota3A, %broadcast_in_dim3A_829] : memref<16x128xi32, #tpu.memory_space<vmem>>[vector<16xi32>, vector<16xi32>], vector<16xi32>,
      %swap3A_831 = arith.constant 80 : index
      %swap3A_832 = tpu.vector_load %arg13[%swap3A_831] {strides = array<i32>} : memref<160xi32, #tpu.memory_space<vmem>>, vector<16xi32>,
      tpu.vector_store %arg13[%swap3A_831], %gather3A_830 {strides = array<i32>} : memref<160xi32, #tpu.memory_space<vmem>>, vector<16xi32>,
      %broadcast_in_dim3A_833 = arith.constant 46 : i32
      %broadcast_in_dim3A_834 = vector.broadcast %broadcast_in_dim3A_833 : i32 to vector<16xi32>
      %gather3A_835 = tpu.vector_load_idx %arg11[%iota3A, %broadcast_in_dim3A_834] : memref<16x128xi32, #tpu.memory_space<vmem>>[vector<16xi32>, vector<16xi32>], vector<16xi32>,
      %swap3A_836 = arith.constant 96 : index
      %swap3A_837 = tpu.vector_load %arg13[%swap3A_836] {strides = array<i32>} : memref<160xi32, #tpu.memory_space<vmem>>, vector<16xi32>,
      tpu.vector_store %arg13[%swap3A_836], %gather3A_835 {strides = array<i32>} : memref<160xi32, #tpu.memory_space<vmem>>, vector<16xi32>,
      %broadcast_in_dim3A_838 = arith.constant 47 : i32
      %broadcast_in_dim3A_839 = vector.broadcast %broadcast_in_dim3A_838 : i32 to vector<16xi32>
      %gather3A_840 = tpu.vector_load_idx %arg11[%iota3A, %broadcast_in_dim3A_839] : memref<16x128xi32, #tpu.memory_space<vmem>>[vector<16xi32>, vector<16xi32>], vector<16xi32>,
      %swap3A_841 = arith.constant 112 : index
      %swap3A_842 = tpu.vector_load %arg13[%swap3A_841] {strides = array<i32>} : memref<160xi32, #tpu.memory_space<vmem>>, vector<16xi32>,
      tpu.vector_store %arg13[%swap3A_841], %gather3A_840 {strides = array<i32>} : memref<160xi32, #tpu.memory_space<vmem>>, vector<16xi32>,
      %broadcast_in_dim3A_843 = arith.constant 48 : i32
      %broadcast_in_dim3A_844 = vector.broadcast %broadcast_in_dim3A_843 : i32 to vector<16xi32>
      %gather3A_845 = tpu.vector_load_idx %arg11[%iota3A, %broadcast_in_dim3A_844] : memref<16x128xi32, #tpu.memory_space<vmem>>[vector<16xi32>, vector<16xi32>], vector<16xi32>,
      %swap3A_846 = arith.constant 128 : index
      %swap3A_847 = tpu.vector_load %arg13[%swap3A_846] {strides = array<i32>} : memref<160xi32, #tpu.memory_space<vmem>>, vector<16xi32>,
      tpu.vector_store %arg13[%swap3A_846], %gather3A_845 {strides = array<i32>} : memref<160xi32, #tpu.memory_space<vmem>>, vector<16xi32>,
      %broadcast_in_dim3A_848 = arith.constant 49 : i32
      %broadcast_in_dim3A_849 = vector.broadcast %broadcast_in_dim3A_848 : i32 to vector<16xi32>
      %gather3A_850 = tpu.vector_load_idx %arg11[%iota3A, %broadcast_in_dim3A_849] : memref<16x128xi32, #tpu.memory_space<vmem>>[vector<16xi32>, vector<16xi32>], vector<16xi32>,
      %swap3A_851 = arith.constant 144 : index
      %swap3A_852 = tpu.vector_load %arg13[%swap3A_851] {strides = array<i32>} : memref<160xi32, #tpu.memory_space<vmem>>, vector<16xi32>,
      tpu.vector_store %arg13[%swap3A_851], %gather3A_850 {strides = array<i32>} : memref<160xi32, #tpu.memory_space<vmem>>, vector<16xi32>,
      %dma_start3A_853 = arith.constant 0 : i32
      %dma_start3A_854 = arith.constant 0 : i32
      %dma_start3A_855 = tpu.memref_slice %arg5[%dma_start3A_853, %dma_start3A_854] : memref<50000x128xf32, #tpu.memory_space<hbm>> -> memref<50000x128xf32, #tpu.memory_space<hbm>>
      tpu.enqueue_indirect_dma source(%dma_start3A_855 : memref<50000x128xf32, #tpu.memory_space<hbm>>) target(%arg15 : memref<160x128xf32, #tpu.memory_space<vmem>>) offsets(%arg13 : memref<160xi32, #tpu.memory_space<vmem>>) semaphore(%arg20 : memref<!tpu.dma_semaphore, #tpu.memory_space<semaphore_mem>>)
      %gather3A_856 = tpu.vector_load_idx %arg7[%gather3A_805] : memref<50000xf32, #tpu.memory_space<vmem>>[vector<16xi32>], vector<16xf32>,
      %gather3A_857 = tpu.vector_load_idx %arg7[%gather3A_810] : memref<50000xf32, #tpu.memory_space<vmem>>[vector<16xi32>], vector<16xf32>,
      %gather3A_858 = tpu.vector_load_idx %arg7[%gather3A_815] : memref<50000xf32, #tpu.memory_space<vmem>>[vector<16xi32>], vector<16xf32>,
      %gather3A_859 = tpu.vector_load_idx %arg7[%gather3A_820] : memref<50000xf32, #tpu.memory_space<vmem>>[vector<16xi32>], vector<16xf32>,
      %gather3A_860 = tpu.vector_load_idx %arg7[%gather3A_825] : memref<50000xf32, #tpu.memory_space<vmem>>[vector<16xi32>], vector<16xf32>,
      %gather3A_861 = tpu.vector_load_idx %arg7[%gather3A_830] : memref<50000xf32, #tpu.memory_space<vmem>>[vector<16xi32>], vector<16xf32>,
      %gather3A_862 = tpu.vector_load_idx %arg7[%gather3A_835] : memref<50000xf32, #tpu.memory_space<vmem>>[vector<16xi32>], vector<16xf32>,
      %gather3A_863 = tpu.vector_load_idx %arg7[%gather3A_840] : memref<50000xf32, #tpu.memory_space<vmem>>[vector<16xi32>], vector<16xf32>,
      %gather3A_864 = tpu.vector_load_idx %arg7[%gather3A_845] : memref<50000xf32, #tpu.memory_space<vmem>>[vector<16xi32>], vector<16xf32>,
      %gather3A_865 = tpu.vector_load_idx %arg7[%gather3A_850] : memref<50000xf32, #tpu.memory_space<vmem>>[vector<16xi32>], vector<16xf32>,
      %max3A_866 = arith.maximumf %gather3A_856, %gather3A_857 : vector<16xf32>
      %max3A_867 = arith.maximumf %max3A_866, %gather3A_858 : vector<16xf32>
      %max3A_868 = arith.maximumf %max3A_867, %gather3A_859 : vector<16xf32>
      %max3A_869 = arith.maximumf %max3A_868, %gather3A_860 : vector<16xf32>
      %max3A_870 = arith.maximumf %max3A_869, %gather3A_861 : vector<16xf32>
      %max3A_871 = arith.maximumf %max3A_870, %gather3A_862 : vector<16xf32>
      %max3A_872 = arith.maximumf %max3A_871, %gather3A_863 : vector<16xf32>
      %max3A_873 = arith.maximumf %max3A_872, %gather3A_864 : vector<16xf32>
      %max3A_874 = arith.maximumf %max3A_873, %gather3A_865 : vector<16xf32>
      %sub3A_875 = arith.subf %gather3A_856, %max3A_874 : vector<16xf32>
      %exp3A_876 = math.exp %sub3A_875 : vector<16xf32>
      %sub3A_877 = arith.subf %gather3A_857, %max3A_874 : vector<16xf32>
      %exp3A_878 = math.exp %sub3A_877 : vector<16xf32>
      %sub3A_879 = arith.subf %gather3A_858, %max3A_874 : vector<16xf32>
      %exp3A_880 = math.exp %sub3A_879 : vector<16xf32>
      %sub3A_881 = arith.subf %gather3A_859, %max3A_874 : vector<16xf32>
      %exp3A_882 = math.exp %sub3A_881 : vector<16xf32>
      %sub3A_883 = arith.subf %gather3A_860, %max3A_874 : vector<16xf32>
      %exp3A_884 = math.exp %sub3A_883 : vector<16xf32>
      %sub3A_885 = arith.subf %gather3A_861, %max3A_874 : vector<16xf32>
      %exp3A_886 = math.exp %sub3A_885 : vector<16xf32>
      %sub3A_887 = arith.subf %gather3A_862, %max3A_874 : vector<16xf32>
      %exp3A_888 = math.exp %sub3A_887 : vector<16xf32>
      %sub3A_889 = arith.subf %gather3A_863, %max3A_874 : vector<16xf32>
      %exp3A_890 = math.exp %sub3A_889 : vector<16xf32>
      %sub3A_891 = arith.subf %gather3A_864, %max3A_874 : vector<16xf32>
      %exp3A_892 = math.exp %sub3A_891 : vector<16xf32>
      %sub3A_893 = arith.subf %gather3A_865, %max3A_874 : vector<16xf32>
      %exp3A_894 = math.exp %sub3A_893 : vector<16xf32>
      %add3A_895 = arith.addf %exp3A_876, %exp3A_878 : vector<16xf32>
      %add3A_896 = arith.addf %exp3A_880, %exp3A_882 : vector<16xf32>
      %add3A_897 = arith.addf %exp3A_884, %exp3A_886 : vector<16xf32>
      %add3A_898 = arith.addf %exp3A_888, %exp3A_890 : vector<16xf32>
      %add3A_899 = arith.addf %exp3A_892, %exp3A_894 : vector<16xf32>
      %add3A_900 = arith.addf %add3A_895, %add3A_896 : vector<16xf32>
      %add3A_901 = arith.addf %add3A_897, %add3A_898 : vector<16xf32>
      %add3A_902 = arith.addf %add3A_900, %add3A_901 : vector<16xf32>
      %add3A_903 = arith.addf %add3A_902, %add3A_899 : vector<16xf32>
      %div3A_904 = arith.constant 1.000000e+00 : f32
      %div3A_905 = vector.broadcast %div3A_904 : f32 to vector<16xf32>
      %div3A_906 = arith.divf %div3A_905, %add3A_903 : vector<16xf32>
      %mul3A_907 = arith.mulf %exp3A_876, %div3A_906 : vector<16xf32>
      %swap3A_908 = arith.constant 0 : i32
      %swap3A_909 = arith.index_cast %swap3A_908 : i32 to index
      %swap3A_910 = arith.constant 0 : index
      %swap3A_911 = tpu.vector_load %arg17[%swap3A_909, %swap3A_910] {strides = array<i32>} : memref<10x16xf32, #tpu.memory_space<vmem>>, vector<16xf32>,
      tpu.vector_store %arg17[%swap3A_909, %swap3A_910], %mul3A_907 {strides = array<i32>} : memref<10x16xf32, #tpu.memory_space<vmem>>, vector<16xf32>,
      %mul3A_912 = arith.mulf %exp3A_878, %div3A_906 : vector<16xf32>
      %swap3A_913 = arith.constant 1 : i32
      %swap3A_914 = arith.index_cast %swap3A_913 : i32 to index
      %swap3A_915 = arith.constant 0 : index
      %swap3A_916 = tpu.vector_load %arg17[%swap3A_914, %swap3A_915] {strides = array<i32>} : memref<10x16xf32, #tpu.memory_space<vmem>>, vector<16xf32>,
      tpu.vector_store %arg17[%swap3A_914, %swap3A_915], %mul3A_912 {strides = array<i32>} : memref<10x16xf32, #tpu.memory_space<vmem>>, vector<16xf32>,
      %mul3A_917 = arith.mulf %exp3A_880, %div3A_906 : vector<16xf32>
      %swap3A_918 = arith.constant 2 : i32
      %swap3A_919 = arith.index_cast %swap3A_918 : i32 to index
      %swap3A_920 = arith.constant 0 : index
      %swap3A_921 = tpu.vector_load %arg17[%swap3A_919, %swap3A_920] {strides = array<i32>} : memref<10x16xf32, #tpu.memory_space<vmem>>, vector<16xf32>,
      tpu.vector_store %arg17[%swap3A_919, %swap3A_920], %mul3A_917 {strides = array<i32>} : memref<10x16xf32, #tpu.memory_space<vmem>>, vector<16xf32>,
      %mul3A_922 = arith.mulf %exp3A_882, %div3A_906 : vector<16xf32>
      %swap3A_923 = arith.constant 3 : i32
      %swap3A_924 = arith.index_cast %swap3A_923 : i32 to index
      %swap3A_925 = arith.constant 0 : index
      %swap3A_926 = tpu.vector_load %arg17[%swap3A_924, %swap3A_925] {strides = array<i32>} : memref<10x16xf32, #tpu.memory_space<vmem>>, vector<16xf32>,
      tpu.vector_store %arg17[%swap3A_924, %swap3A_925], %mul3A_922 {strides = array<i32>} : memref<10x16xf32, #tpu.memory_space<vmem>>, vector<16xf32>,
      %mul3A_927 = arith.mulf %exp3A_884, %div3A_906 : vector<16xf32>
      %swap3A_928 = arith.constant 4 : i32
      %swap3A_929 = arith.index_cast %swap3A_928 : i32 to index
      %swap3A_930 = arith.constant 0 : index
      %swap3A_931 = tpu.vector_load %arg17[%swap3A_929, %swap3A_930] {strides = array<i32>} : memref<10x16xf32, #tpu.memory_space<vmem>>, vector<16xf32>,
      tpu.vector_store %arg17[%swap3A_929, %swap3A_930], %mul3A_927 {strides = array<i32>} : memref<10x16xf32, #tpu.memory_space<vmem>>, vector<16xf32>,
      %mul3A_932 = arith.mulf %exp3A_886, %div3A_906 : vector<16xf32>
      %swap3A_933 = arith.constant 5 : i32
      %swap3A_934 = arith.index_cast %swap3A_933 : i32 to index
      %swap3A_935 = arith.constant 0 : index
      %swap3A_936 = tpu.vector_load %arg17[%swap3A_934, %swap3A_935] {strides = array<i32>} : memref<10x16xf32, #tpu.memory_space<vmem>>, vector<16xf32>,
      tpu.vector_store %arg17[%swap3A_934, %swap3A_935], %mul3A_932 {strides = array<i32>} : memref<10x16xf32, #tpu.memory_space<vmem>>, vector<16xf32>,
      %mul3A_937 = arith.mulf %exp3A_888, %div3A_906 : vector<16xf32>
      %swap3A_938 = arith.constant 6 : i32
      %swap3A_939 = arith.index_cast %swap3A_938 : i32 to index
      %swap3A_940 = arith.constant 0 : index
      %swap3A_941 = tpu.vector_load %arg17[%swap3A_939, %swap3A_940] {strides = array<i32>} : memref<10x16xf32, #tpu.memory_space<vmem>>, vector<16xf32>,
      tpu.vector_store %arg17[%swap3A_939, %swap3A_940], %mul3A_937 {strides = array<i32>} : memref<10x16xf32, #tpu.memory_space<vmem>>, vector<16xf32>,
      %mul3A_942 = arith.mulf %exp3A_890, %div3A_906 : vector<16xf32>
      %swap3A_943 = arith.constant 7 : i32
      %swap3A_944 = arith.index_cast %swap3A_943 : i32 to index
      %swap3A_945 = arith.constant 0 : index
      %swap3A_946 = tpu.vector_load %arg17[%swap3A_944, %swap3A_945] {strides = array<i32>} : memref<10x16xf32, #tpu.memory_space<vmem>>, vector<16xf32>,
      tpu.vector_store %arg17[%swap3A_944, %swap3A_945], %mul3A_942 {strides = array<i32>} : memref<10x16xf32, #tpu.memory_space<vmem>>, vector<16xf32>,
      %mul3A_947 = arith.mulf %exp3A_892, %div3A_906 : vector<16xf32>
      %swap3A_948 = arith.constant 8 : i32
      %swap3A_949 = arith.index_cast %swap3A_948 : i32 to index
      %swap3A_950 = arith.constant 0 : index
      %swap3A_951 = tpu.vector_load %arg17[%swap3A_949, %swap3A_950] {strides = array<i32>} : memref<10x16xf32, #tpu.memory_space<vmem>>, vector<16xf32>,
      tpu.vector_store %arg17[%swap3A_949, %swap3A_950], %mul3A_947 {strides = array<i32>} : memref<10x16xf32, #tpu.memory_space<vmem>>, vector<16xf32>,
      %mul3A_952 = arith.mulf %exp3A_894, %div3A_906 : vector<16xf32>
      %swap3A_953 = arith.constant 9 : i32
      %swap3A_954 = arith.index_cast %swap3A_953 : i32 to index
      %swap3A_955 = arith.constant 0 : index
      %swap3A_956 = tpu.vector_load %arg17[%swap3A_954, %swap3A_955] {strides = array<i32>} : memref<10x16xf32, #tpu.memory_space<vmem>>, vector<16xf32>,
      tpu.vector_store %arg17[%swap3A_954, %swap3A_955], %mul3A_952 {strides = array<i32>} : memref<10x16xf32, #tpu.memory_space<vmem>>, vector<16xf32>,
      %dma_wait3A_957 = arith.constant 0 : i32
      %dma_wait3A_958 = arith.constant 0 : i32
      %dma_wait3A_959 = tpu.memref_slice %arg5[%dma_wait3A_957, %dma_wait3A_958] : memref<50000x128xf32, #tpu.memory_space<hbm>> -> memref<50000x128xf32, #tpu.memory_space<hbm>>
      tpu.wait_indirect_dma semaphore(%arg21 : memref<!tpu.dma_semaphore, #tpu.memory_space<semaphore_mem>>) src(%dma_wait3A_959 : memref<50000x128xf32, #tpu.memory_space<hbm>>) dst(%arg16 : memref<160x128xf32, #tpu.memory_space<vmem>>)
      %get3A_960 = arith.constant 0 : i32
      %get3A_961 = arith.index_cast %get3A_960 : i32 to index
      %get3A_962 = arith.constant 0 : index
      %get3A_963 = tpu.vector_load %arg18[%get3A_961, %get3A_962] {strides = array<i32>} : memref<10x16xf32, #tpu.memory_space<vmem>>, vector<16xf32>,
      %get3A_964 = arith.constant 1 : i32
      %get3A_965 = arith.index_cast %get3A_964 : i32 to index
      %get3A_966 = arith.constant 0 : index
      %get3A_967 = tpu.vector_load %arg18[%get3A_965, %get3A_966] {strides = array<i32>} : memref<10x16xf32, #tpu.memory_space<vmem>>, vector<16xf32>,
      %get3A_968 = arith.constant 2 : i32
      %get3A_969 = arith.index_cast %get3A_968 : i32 to index
      %get3A_970 = arith.constant 0 : index
      %get3A_971 = tpu.vector_load %arg18[%get3A_969, %get3A_970] {strides = array<i32>} : memref<10x16xf32, #tpu.memory_space<vmem>>, vector<16xf32>,
      %get3A_972 = arith.constant 3 : i32
      %get3A_973 = arith.index_cast %get3A_972 : i32 to index
      %get3A_974 = arith.constant 0 : index
      %get3A_975 = tpu.vector_load %arg18[%get3A_973, %get3A_974] {strides = array<i32>} : memref<10x16xf32, #tpu.memory_space<vmem>>, vector<16xf32>,
      %get3A_976 = arith.constant 4 : i32
      %get3A_977 = arith.index_cast %get3A_976 : i32 to index
      %get3A_978 = arith.constant 0 : index
      %get3A_979 = tpu.vector_load %arg18[%get3A_977, %get3A_978] {strides = array<i32>} : memref<10x16xf32, #tpu.memory_space<vmem>>, vector<16xf32>,
      %get3A_980 = arith.constant 5 : i32
      %get3A_981 = arith.index_cast %get3A_980 : i32 to index
      %get3A_982 = arith.constant 0 : index
      %get3A_983 = tpu.vector_load %arg18[%get3A_981, %get3A_982] {strides = array<i32>} : memref<10x16xf32, #tpu.memory_space<vmem>>, vector<16xf32>,
      %get3A_984 = arith.constant 6 : i32
      %get3A_985 = arith.index_cast %get3A_984 : i32 to index
      %get3A_986 = arith.constant 0 : index
      %get3A_987 = tpu.vector_load %arg18[%get3A_985, %get3A_986] {strides = array<i32>} : memref<10x16xf32, #tpu.memory_space<vmem>>, vector<16xf32>,
      %get3A_988 = arith.constant 7 : i32
      %get3A_989 = arith.index_cast %get3A_988 : i32 to index
      %get3A_990 = arith.constant 0 : index
      %get3A_991 = tpu.vector_load %arg18[%get3A_989, %get3A_990] {strides = array<i32>} : memref<10x16xf32, #tpu.memory_space<vmem>>, vector<16xf32>,
      %get3A_992 = arith.constant 8 : i32
      %get3A_993 = arith.index_cast %get3A_992 : i32 to index
      %get3A_994 = arith.constant 0 : index
      %get3A_995 = tpu.vector_load %arg18[%get3A_993, %get3A_994] {strides = array<i32>} : memref<10x16xf32, #tpu.memory_space<vmem>>, vector<16xf32>,
      %get3A_996 = arith.constant 9 : i32
      %get3A_997 = arith.index_cast %get3A_996 : i32 to index
      %get3A_998 = arith.constant 0 : index
      %get3A_999 = tpu.vector_load %arg18[%get3A_997, %get3A_998] {strides = array<i32>} : memref<10x16xf32, #tpu.memory_space<vmem>>, vector<16xf32>,
      %parallel_loop3A_1000 = arith.constant 0 : i32
      %parallel_loop3A_1001 = arith.constant 16 : i32
      %parallel_loop3A_1002 = arith.constant 1 : i32
      scf.for %parallel_loop3A_2184 = %parallel_loop3A_1000 to %parallel_loop3A_1001 step %parallel_loop3A_1002  : i32 {
        %parallel_loop3A_2185 = vector.broadcast %parallel_loop3A_2184 : i32 to vector<16xi32>
        %parallel_loop3A_2186 = tpu.vector_load_idx %arg16[%add3A_5, %parallel_loop3A_2185] : memref<160x128xf32, #tpu.memory_space<vmem>>[vector<16xi32>, vector<16xi32>], vector<16xf32>,
        %parallel_loop3A_2187 = arith.mulf %get3A_963, %parallel_loop3A_2186 : vector<16xf32>
        %parallel_loop3A_2188 = arith.constant 384 : i32
        %parallel_loop3A_2189 = vector.broadcast %parallel_loop3A_2188 : i32 to vector<16xi32>
        %parallel_loop3A_2190 = arith.addi %parallel_loop3A_2185, %parallel_loop3A_2189 : vector<16xi32>
        tpu.vector_store_idx %arg19[%iota3A, %parallel_loop3A_2190], %parallel_loop3A_2187 : memref<16x768xf32, #tpu.memory_space<vmem>>[vector<16xi32>, vector<16xi32>], vector<16xf32>,
      } {sc.loop_unroll_factor = 4 : i64, sc.parallel_access}
      %broadcast_in_dim3A_1003 = arith.constant 50 : i32
      %broadcast_in_dim3A_1004 = vector.broadcast %broadcast_in_dim3A_1003 : i32 to vector<16xi32>
      %gather3A_1005 = tpu.vector_load_idx %arg11[%iota3A, %broadcast_in_dim3A_1004] : memref<16x128xi32, #tpu.memory_space<vmem>>[vector<16xi32>, vector<16xi32>], vector<16xi32>,
      %swap3A_1006 = arith.constant 0 : index
      %swap3A_1007 = tpu.vector_load %arg14[%swap3A_1006] {strides = array<i32>} : memref<160xi32, #tpu.memory_space<vmem>>, vector<16xi32>,
      tpu.vector_store %arg14[%swap3A_1006], %gather3A_1005 {strides = array<i32>} : memref<160xi32, #tpu.memory_space<vmem>>, vector<16xi32>,
      %broadcast_in_dim3A_1008 = arith.constant 51 : i32
      %broadcast_in_dim3A_1009 = vector.broadcast %broadcast_in_dim3A_1008 : i32 to vector<16xi32>
      %gather3A_1010 = tpu.vector_load_idx %arg11[%iota3A, %broadcast_in_dim3A_1009] : memref<16x128xi32, #tpu.memory_space<vmem>>[vector<16xi32>, vector<16xi32>], vector<16xi32>,
      %swap3A_1011 = arith.constant 16 : index
      %swap3A_1012 = tpu.vector_load %arg14[%swap3A_1011] {strides = array<i32>} : memref<160xi32, #tpu.memory_space<vmem>>, vector<16xi32>,
      tpu.vector_store %arg14[%swap3A_1011], %gather3A_1010 {strides = array<i32>} : memref<160xi32, #tpu.memory_space<vmem>>, vector<16xi32>,
      %broadcast_in_dim3A_1013 = arith.constant 52 : i32
      %broadcast_in_dim3A_1014 = vector.broadcast %broadcast_in_dim3A_1013 : i32 to vector<16xi32>
      %gather3A_1015 = tpu.vector_load_idx %arg11[%iota3A, %broadcast_in_dim3A_1014] : memref<16x128xi32, #tpu.memory_space<vmem>>[vector<16xi32>, vector<16xi32>], vector<16xi32>,
      %swap3A_1016 = arith.constant 32 : index
      %swap3A_1017 = tpu.vector_load %arg14[%swap3A_1016] {strides = array<i32>} : memref<160xi32, #tpu.memory_space<vmem>>, vector<16xi32>,
      tpu.vector_store %arg14[%swap3A_1016], %gather3A_1015 {strides = array<i32>} : memref<160xi32, #tpu.memory_space<vmem>>, vector<16xi32>,
      %broadcast_in_dim3A_1018 = arith.constant 53 : i32
      %broadcast_in_dim3A_1019 = vector.broadcast %broadcast_in_dim3A_1018 : i32 to vector<16xi32>
      %gather3A_1020 = tpu.vector_load_idx %arg11[%iota3A, %broadcast_in_dim3A_1019] : memref<16x128xi32, #tpu.memory_space<vmem>>[vector<16xi32>, vector<16xi32>], vector<16xi32>,
      %swap3A_1021 = arith.constant 48 : index
      %swap3A_1022 = tpu.vector_load %arg14[%swap3A_1021] {strides = array<i32>} : memref<160xi32, #tpu.memory_space<vmem>>, vector<16xi32>,
      tpu.vector_store %arg14[%swap3A_1021], %gather3A_1020 {strides = array<i32>} : memref<160xi32, #tpu.memory_space<vmem>>, vector<16xi32>,
      %broadcast_in_dim3A_1023 = arith.constant 54 : i32
      %broadcast_in_dim3A_1024 = vector.broadcast %broadcast_in_dim3A_1023 : i32 to vector<16xi32>
      %gather3A_1025 = tpu.vector_load_idx %arg11[%iota3A, %broadcast_in_dim3A_1024] : memref<16x128xi32, #tpu.memory_space<vmem>>[vector<16xi32>, vector<16xi32>], vector<16xi32>,
      %swap3A_1026 = arith.constant 64 : index
      %swap3A_1027 = tpu.vector_load %arg14[%swap3A_1026] {strides = array<i32>} : memref<160xi32, #tpu.memory_space<vmem>>, vector<16xi32>,
      tpu.vector_store %arg14[%swap3A_1026], %gather3A_1025 {strides = array<i32>} : memref<160xi32, #tpu.memory_space<vmem>>, vector<16xi32>,
      %broadcast_in_dim3A_1028 = arith.constant 55 : i32
      %broadcast_in_dim3A_1029 = vector.broadcast %broadcast_in_dim3A_1028 : i32 to vector<16xi32>
      %gather3A_1030 = tpu.vector_load_idx %arg11[%iota3A, %broadcast_in_dim3A_1029] : memref<16x128xi32, #tpu.memory_space<vmem>>[vector<16xi32>, vector<16xi32>], vector<16xi32>,
      %swap3A_1031 = arith.constant 80 : index
      %swap3A_1032 = tpu.vector_load %arg14[%swap3A_1031] {strides = array<i32>} : memref<160xi32, #tpu.memory_space<vmem>>, vector<16xi32>,
      tpu.vector_store %arg14[%swap3A_1031], %gather3A_1030 {strides = array<i32>} : memref<160xi32, #tpu.memory_space<vmem>>, vector<16xi32>,
      %broadcast_in_dim3A_1033 = arith.constant 56 : i32
      %broadcast_in_dim3A_1034 = vector.broadcast %broadcast_in_dim3A_1033 : i32 to vector<16xi32>
      %gather3A_1035 = tpu.vector_load_idx %arg11[%iota3A, %broadcast_in_dim3A_1034] : memref<16x128xi32, #tpu.memory_space<vmem>>[vector<16xi32>, vector<16xi32>], vector<16xi32>,
      %swap3A_1036 = arith.constant 96 : index
      %swap3A_1037 = tpu.vector_load %arg14[%swap3A_1036] {strides = array<i32>} : memref<160xi32, #tpu.memory_space<vmem>>, vector<16xi32>,
      tpu.vector_store %arg14[%swap3A_1036], %gather3A_1035 {strides = array<i32>} : memref<160xi32, #tpu.memory_space<vmem>>, vector<16xi32>,
      %broadcast_in_dim3A_1038 = arith.constant 57 : i32
      %broadcast_in_dim3A_1039 = vector.broadcast %broadcast_in_dim3A_1038 : i32 to vector<16xi32>
      %gather3A_1040 = tpu.vector_load_idx %arg11[%iota3A, %broadcast_in_dim3A_1039] : memref<16x128xi32, #tpu.memory_space<vmem>>[vector<16xi32>, vector<16xi32>], vector<16xi32>,
      %swap3A_1041 = arith.constant 112 : index
      %swap3A_1042 = tpu.vector_load %arg14[%swap3A_1041] {strides = array<i32>} : memref<160xi32, #tpu.memory_space<vmem>>, vector<16xi32>,
      tpu.vector_store %arg14[%swap3A_1041], %gather3A_1040 {strides = array<i32>} : memref<160xi32, #tpu.memory_space<vmem>>, vector<16xi32>,
      %broadcast_in_dim3A_1043 = arith.constant 58 : i32
      %broadcast_in_dim3A_1044 = vector.broadcast %broadcast_in_dim3A_1043 : i32 to vector<16xi32>
      %gather3A_1045 = tpu.vector_load_idx %arg11[%iota3A, %broadcast_in_dim3A_1044] : memref<16x128xi32, #tpu.memory_space<vmem>>[vector<16xi32>, vector<16xi32>], vector<16xi32>,
      %swap3A_1046 = arith.constant 128 : index
      %swap3A_1047 = tpu.vector_load %arg14[%swap3A_1046] {strides = array<i32>} : memref<160xi32, #tpu.memory_space<vmem>>, vector<16xi32>,
      tpu.vector_store %arg14[%swap3A_1046], %gather3A_1045 {strides = array<i32>} : memref<160xi32, #tpu.memory_space<vmem>>, vector<16xi32>,
      %broadcast_in_dim3A_1048 = arith.constant 59 : i32
      %broadcast_in_dim3A_1049 = vector.broadcast %broadcast_in_dim3A_1048 : i32 to vector<16xi32>
      %gather3A_1050 = tpu.vector_load_idx %arg11[%iota3A, %broadcast_in_dim3A_1049] : memref<16x128xi32, #tpu.memory_space<vmem>>[vector<16xi32>, vector<16xi32>], vector<16xi32>,
      %swap3A_1051 = arith.constant 144 : index
      %swap3A_1052 = tpu.vector_load %arg14[%swap3A_1051] {strides = array<i32>} : memref<160xi32, #tpu.memory_space<vmem>>, vector<16xi32>,
      tpu.vector_store %arg14[%swap3A_1051], %gather3A_1050 {strides = array<i32>} : memref<160xi32, #tpu.memory_space<vmem>>, vector<16xi32>,
      %dma_start3A_1053 = arith.constant 0 : i32
      %dma_start3A_1054 = arith.constant 0 : i32
      %dma_start3A_1055 = tpu.memref_slice %arg5[%dma_start3A_1053, %dma_start3A_1054] : memref<50000x128xf32, #tpu.memory_space<hbm>> -> memref<50000x128xf32, #tpu.memory_space<hbm>>
      tpu.enqueue_indirect_dma source(%dma_start3A_1055 : memref<50000x128xf32, #tpu.memory_space<hbm>>) target(%arg16 : memref<160x128xf32, #tpu.memory_space<vmem>>) offsets(%arg14 : memref<160xi32, #tpu.memory_space<vmem>>) semaphore(%arg21 : memref<!tpu.dma_semaphore, #tpu.memory_space<semaphore_mem>>)
      %gather3A_1056 = tpu.vector_load_idx %arg7[%gather3A_1005] : memref<50000xf32, #tpu.memory_space<vmem>>[vector<16xi32>], vector<16xf32>,
      %gather3A_1057 = tpu.vector_load_idx %arg7[%gather3A_1010] : memref<50000xf32, #tpu.memory_space<vmem>>[vector<16xi32>], vector<16xf32>,
      %gather3A_1058 = tpu.vector_load_idx %arg7[%gather3A_1015] : memref<50000xf32, #tpu.memory_space<vmem>>[vector<16xi32>], vector<16xf32>,
      %gather3A_1059 = tpu.vector_load_idx %arg7[%gather3A_1020] : memref<50000xf32, #tpu.memory_space<vmem>>[vector<16xi32>], vector<16xf32>,
      %gather3A_1060 = tpu.vector_load_idx %arg7[%gather3A_1025] : memref<50000xf32, #tpu.memory_space<vmem>>[vector<16xi32>], vector<16xf32>,
      %gather3A_1061 = tpu.vector_load_idx %arg7[%gather3A_1030] : memref<50000xf32, #tpu.memory_space<vmem>>[vector<16xi32>], vector<16xf32>,
      %gather3A_1062 = tpu.vector_load_idx %arg7[%gather3A_1035] : memref<50000xf32, #tpu.memory_space<vmem>>[vector<16xi32>], vector<16xf32>,
      %gather3A_1063 = tpu.vector_load_idx %arg7[%gather3A_1040] : memref<50000xf32, #tpu.memory_space<vmem>>[vector<16xi32>], vector<16xf32>,
      %gather3A_1064 = tpu.vector_load_idx %arg7[%gather3A_1045] : memref<50000xf32, #tpu.memory_space<vmem>>[vector<16xi32>], vector<16xf32>,
      %gather3A_1065 = tpu.vector_load_idx %arg7[%gather3A_1050] : memref<50000xf32, #tpu.memory_space<vmem>>[vector<16xi32>], vector<16xf32>,
      %max3A_1066 = arith.maximumf %gather3A_1056, %gather3A_1057 : vector<16xf32>
      %max3A_1067 = arith.maximumf %max3A_1066, %gather3A_1058 : vector<16xf32>
      %max3A_1068 = arith.maximumf %max3A_1067, %gather3A_1059 : vector<16xf32>
      %max3A_1069 = arith.maximumf %max3A_1068, %gather3A_1060 : vector<16xf32>
      %max3A_1070 = arith.maximumf %max3A_1069, %gather3A_1061 : vector<16xf32>
      %max3A_1071 = arith.maximumf %max3A_1070, %gather3A_1062 : vector<16xf32>
      %max3A_1072 = arith.maximumf %max3A_1071, %gather3A_1063 : vector<16xf32>
      %max3A_1073 = arith.maximumf %max3A_1072, %gather3A_1064 : vector<16xf32>
      %max3A_1074 = arith.maximumf %max3A_1073, %gather3A_1065 : vector<16xf32>
      %sub3A_1075 = arith.subf %gather3A_1056, %max3A_1074 : vector<16xf32>
      %exp3A_1076 = math.exp %sub3A_1075 : vector<16xf32>
      %sub3A_1077 = arith.subf %gather3A_1057, %max3A_1074 : vector<16xf32>
      %exp3A_1078 = math.exp %sub3A_1077 : vector<16xf32>
      %sub3A_1079 = arith.subf %gather3A_1058, %max3A_1074 : vector<16xf32>
      %exp3A_1080 = math.exp %sub3A_1079 : vector<16xf32>
      %sub3A_1081 = arith.subf %gather3A_1059, %max3A_1074 : vector<16xf32>
      %exp3A_1082 = math.exp %sub3A_1081 : vector<16xf32>
      %sub3A_1083 = arith.subf %gather3A_1060, %max3A_1074 : vector<16xf32>
      %exp3A_1084 = math.exp %sub3A_1083 : vector<16xf32>
      %sub3A_1085 = arith.subf %gather3A_1061, %max3A_1074 : vector<16xf32>
      %exp3A_1086 = math.exp %sub3A_1085 : vector<16xf32>
      %sub3A_1087 = arith.subf %gather3A_1062, %max3A_1074 : vector<16xf32>
      %exp3A_1088 = math.exp %sub3A_1087 : vector<16xf32>
      %sub3A_1089 = arith.subf %gather3A_1063, %max3A_1074 : vector<16xf32>
      %exp3A_1090 = math.exp %sub3A_1089 : vector<16xf32>
      %sub3A_1091 = arith.subf %gather3A_1064, %max3A_1074 : vector<16xf32>
      %exp3A_1092 = math.exp %sub3A_1091 : vector<16xf32>
      %sub3A_1093 = arith.subf %gather3A_1065, %max3A_1074 : vector<16xf32>
      %exp3A_1094 = math.exp %sub3A_1093 : vector<16xf32>
      %add3A_1095 = arith.addf %exp3A_1076, %exp3A_1078 : vector<16xf32>
      %add3A_1096 = arith.addf %exp3A_1080, %exp3A_1082 : vector<16xf32>
      %add3A_1097 = arith.addf %exp3A_1084, %exp3A_1086 : vector<16xf32>
      %add3A_1098 = arith.addf %exp3A_1088, %exp3A_1090 : vector<16xf32>
      %add3A_1099 = arith.addf %exp3A_1092, %exp3A_1094 : vector<16xf32>
      %add3A_1100 = arith.addf %add3A_1095, %add3A_1096 : vector<16xf32>
      %add3A_1101 = arith.addf %add3A_1097, %add3A_1098 : vector<16xf32>
      %add3A_1102 = arith.addf %add3A_1100, %add3A_1101 : vector<16xf32>
      %add3A_1103 = arith.addf %add3A_1102, %add3A_1099 : vector<16xf32>
      %div3A_1104 = arith.constant 1.000000e+00 : f32
      %div3A_1105 = vector.broadcast %div3A_1104 : f32 to vector<16xf32>
      %div3A_1106 = arith.divf %div3A_1105, %add3A_1103 : vector<16xf32>
      %mul3A_1107 = arith.mulf %exp3A_1076, %div3A_1106 : vector<16xf32>
      %swap3A_1108 = arith.constant 0 : i32
      %swap3A_1109 = arith.index_cast %swap3A_1108 : i32 to index
      %swap3A_1110 = arith.constant 0 : index
      %swap3A_1111 = tpu.vector_load %arg18[%swap3A_1109, %swap3A_1110] {strides = array<i32>} : memref<10x16xf32, #tpu.memory_space<vmem>>, vector<16xf32>,
      tpu.vector_store %arg18[%swap3A_1109, %swap3A_1110], %mul3A_1107 {strides = array<i32>} : memref<10x16xf32, #tpu.memory_space<vmem>>, vector<16xf32>,
      %mul3A_1112 = arith.mulf %exp3A_1078, %div3A_1106 : vector<16xf32>
      %swap3A_1113 = arith.constant 1 : i32
      %swap3A_1114 = arith.index_cast %swap3A_1113 : i32 to index
      %swap3A_1115 = arith.constant 0 : index
      %swap3A_1116 = tpu.vector_load %arg18[%swap3A_1114, %swap3A_1115] {strides = array<i32>} : memref<10x16xf32, #tpu.memory_space<vmem>>, vector<16xf32>,
      tpu.vector_store %arg18[%swap3A_1114, %swap3A_1115], %mul3A_1112 {strides = array<i32>} : memref<10x16xf32, #tpu.memory_space<vmem>>, vector<16xf32>,
      %mul3A_1117 = arith.mulf %exp3A_1080, %div3A_1106 : vector<16xf32>
      %swap3A_1118 = arith.constant 2 : i32
      %swap3A_1119 = arith.index_cast %swap3A_1118 : i32 to index
      %swap3A_1120 = arith.constant 0 : index
      %swap3A_1121 = tpu.vector_load %arg18[%swap3A_1119, %swap3A_1120] {strides = array<i32>} : memref<10x16xf32, #tpu.memory_space<vmem>>, vector<16xf32>,
      tpu.vector_store %arg18[%swap3A_1119, %swap3A_1120], %mul3A_1117 {strides = array<i32>} : memref<10x16xf32, #tpu.memory_space<vmem>>, vector<16xf32>,
      %mul3A_1122 = arith.mulf %exp3A_1082, %div3A_1106 : vector<16xf32>
      %swap3A_1123 = arith.constant 3 : i32
      %swap3A_1124 = arith.index_cast %swap3A_1123 : i32 to index
      %swap3A_1125 = arith.constant 0 : index
      %swap3A_1126 = tpu.vector_load %arg18[%swap3A_1124, %swap3A_1125] {strides = array<i32>} : memref<10x16xf32, #tpu.memory_space<vmem>>, vector<16xf32>,
      tpu.vector_store %arg18[%swap3A_1124, %swap3A_1125], %mul3A_1122 {strides = array<i32>} : memref<10x16xf32, #tpu.memory_space<vmem>>, vector<16xf32>,
      %mul3A_1127 = arith.mulf %exp3A_1084, %div3A_1106 : vector<16xf32>
      %swap3A_1128 = arith.constant 4 : i32
      %swap3A_1129 = arith.index_cast %swap3A_1128 : i32 to index
      %swap3A_1130 = arith.constant 0 : index
      %swap3A_1131 = tpu.vector_load %arg18[%swap3A_1129, %swap3A_1130] {strides = array<i32>} : memref<10x16xf32, #tpu.memory_space<vmem>>, vector<16xf32>,
      tpu.vector_store %arg18[%swap3A_1129, %swap3A_1130], %mul3A_1127 {strides = array<i32>} : memref<10x16xf32, #tpu.memory_space<vmem>>, vector<16xf32>,
      %mul3A_1132 = arith.mulf %exp3A_1086, %div3A_1106 : vector<16xf32>
      %swap3A_1133 = arith.constant 5 : i32
      %swap3A_1134 = arith.index_cast %swap3A_1133 : i32 to index
      %swap3A_1135 = arith.constant 0 : index
      %swap3A_1136 = tpu.vector_load %arg18[%swap3A_1134, %swap3A_1135] {strides = array<i32>} : memref<10x16xf32, #tpu.memory_space<vmem>>, vector<16xf32>,
      tpu.vector_store %arg18[%swap3A_1134, %swap3A_1135], %mul3A_1132 {strides = array<i32>} : memref<10x16xf32, #tpu.memory_space<vmem>>, vector<16xf32>,
      %mul3A_1137 = arith.mulf %exp3A_1088, %div3A_1106 : vector<16xf32>
      %swap3A_1138 = arith.constant 6 : i32
      %swap3A_1139 = arith.index_cast %swap3A_1138 : i32 to index
      %swap3A_1140 = arith.constant 0 : index
      %swap3A_1141 = tpu.vector_load %arg18[%swap3A_1139, %swap3A_1140] {strides = array<i32>} : memref<10x16xf32, #tpu.memory_space<vmem>>, vector<16xf32>,
      tpu.vector_store %arg18[%swap3A_1139, %swap3A_1140], %mul3A_1137 {strides = array<i32>} : memref<10x16xf32, #tpu.memory_space<vmem>>, vector<16xf32>,
      %mul3A_1142 = arith.mulf %exp3A_1090, %div3A_1106 : vector<16xf32>
      %swap3A_1143 = arith.constant 7 : i32
      %swap3A_1144 = arith.index_cast %swap3A_1143 : i32 to index
      %swap3A_1145 = arith.constant 0 : index
      %swap3A_1146 = tpu.vector_load %arg18[%swap3A_1144, %swap3A_1145] {strides = array<i32>} : memref<10x16xf32, #tpu.memory_space<vmem>>, vector<16xf32>,
      tpu.vector_store %arg18[%swap3A_1144, %swap3A_1145], %mul3A_1142 {strides = array<i32>} : memref<10x16xf32, #tpu.memory_space<vmem>>, vector<16xf32>,
      %mul3A_1147 = arith.mulf %exp3A_1092, %div3A_1106 : vector<16xf32>
      %swap3A_1148 = arith.constant 8 : i32
      %swap3A_1149 = arith.index_cast %swap3A_1148 : i32 to index
      %swap3A_1150 = arith.constant 0 : index
      %swap3A_1151 = tpu.vector_load %arg18[%swap3A_1149, %swap3A_1150] {strides = array<i32>} : memref<10x16xf32, #tpu.memory_space<vmem>>, vector<16xf32>,
      tpu.vector_store %arg18[%swap3A_1149, %swap3A_1150], %mul3A_1147 {strides = array<i32>} : memref<10x16xf32, #tpu.memory_space<vmem>>, vector<16xf32>,
      %mul3A_1152 = arith.mulf %exp3A_1094, %div3A_1106 : vector<16xf32>
      %swap3A_1153 = arith.constant 9 : i32
      %swap3A_1154 = arith.index_cast %swap3A_1153 : i32 to index
      %swap3A_1155 = arith.constant 0 : index
      %swap3A_1156 = tpu.vector_load %arg18[%swap3A_1154, %swap3A_1155] {strides = array<i32>} : memref<10x16xf32, #tpu.memory_space<vmem>>, vector<16xf32>,
      tpu.vector_store %arg18[%swap3A_1154, %swap3A_1155], %mul3A_1152 {strides = array<i32>} : memref<10x16xf32, #tpu.memory_space<vmem>>, vector<16xf32>,
      %dma_wait3A_1157 = arith.constant 0 : i32
      %dma_wait3A_1158 = arith.constant 0 : i32
      %dma_wait3A_1159 = tpu.memref_slice %arg5[%dma_wait3A_1157, %dma_wait3A_1158] : memref<50000x128xf32, #tpu.memory_space<hbm>> -> memref<50000x128xf32, #tpu.memory_space<hbm>>
      tpu.wait_indirect_dma semaphore(%arg20 : memref<!tpu.dma_semaphore, #tpu.memory_space<semaphore_mem>>) src(%dma_wait3A_1159 : memref<50000x128xf32, #tpu.memory_space<hbm>>) dst(%arg15 : memref<160x128xf32, #tpu.memory_space<vmem>>)
      %get3A_1160 = arith.constant 0 : i32
      %get3A_1161 = arith.index_cast %get3A_1160 : i32 to index
      %get3A_1162 = arith.constant 0 : index
      %get3A_1163 = tpu.vector_load %arg17[%get3A_1161, %get3A_1162] {strides = array<i32>} : memref<10x16xf32, #tpu.memory_space<vmem>>, vector<16xf32>,
      %get3A_1164 = arith.constant 1 : i32
      %get3A_1165 = arith.index_cast %get3A_1164 : i32 to index
      %get3A_1166 = arith.constant 0 : index
      %get3A_1167 = tpu.vector_load %arg17[%get3A_1165, %get3A_1166] {strides = array<i32>} : memref<10x16xf32, #tpu.memory_space<vmem>>, vector<16xf32>,
      %get3A_1168 = arith.constant 2 : i32
      %get3A_1169 = arith.index_cast %get3A_1168 : i32 to index
      %get3A_1170 = arith.constant 0 : index
      %get3A_1171 = tpu.vector_load %arg17[%get3A_1169, %get3A_1170] {strides = array<i32>} : memref<10x16xf32, #tpu.memory_space<vmem>>, vector<16xf32>,
      %get3A_1172 = arith.constant 3 : i32
      %get3A_1173 = arith.index_cast %get3A_1172 : i32 to index
      %get3A_1174 = arith.constant 0 : index
      %get3A_1175 = tpu.vector_load %arg17[%get3A_1173, %get3A_1174] {strides = array<i32>} : memref<10x16xf32, #tpu.memory_space<vmem>>, vector<16xf32>,
      %get3A_1176 = arith.constant 4 : i32
      %get3A_1177 = arith.index_cast %get3A_1176 : i32 to index
      %get3A_1178 = arith.constant 0 : index
      %get3A_1179 = tpu.vector_load %arg17[%get3A_1177, %get3A_1178] {strides = array<i32>} : memref<10x16xf32, #tpu.memory_space<vmem>>, vector<16xf32>,
      %get3A_1180 = arith.constant 5 : i32
      %get3A_1181 = arith.index_cast %get3A_1180 : i32 to index
      %get3A_1182 = arith.constant 0 : index
      %get3A_1183 = tpu.vector_load %arg17[%get3A_1181, %get3A_1182] {strides = array<i32>} : memref<10x16xf32, #tpu.memory_space<vmem>>, vector<16xf32>,
      %get3A_1184 = arith.constant 6 : i32
      %get3A_1185 = arith.index_cast %get3A_1184 : i32 to index
      %get3A_1186 = arith.constant 0 : index
      %get3A_1187 = tpu.vector_load %arg17[%get3A_1185, %get3A_1186] {strides = array<i32>} : memref<10x16xf32, #tpu.memory_space<vmem>>, vector<16xf32>,
      %get3A_1188 = arith.constant 7 : i32
      %get3A_1189 = arith.index_cast %get3A_1188 : i32 to index
      %get3A_1190 = arith.constant 0 : index
      %get3A_1191 = tpu.vector_load %arg17[%get3A_1189, %get3A_1190] {strides = array<i32>} : memref<10x16xf32, #tpu.memory_space<vmem>>, vector<16xf32>,
      %get3A_1192 = arith.constant 8 : i32
      %get3A_1193 = arith.index_cast %get3A_1192 : i32 to index
      %get3A_1194 = arith.constant 0 : index
      %get3A_1195 = tpu.vector_load %arg17[%get3A_1193, %get3A_1194] {strides = array<i32>} : memref<10x16xf32, #tpu.memory_space<vmem>>, vector<16xf32>,
      %get3A_1196 = arith.constant 9 : i32
      %get3A_1197 = arith.index_cast %get3A_1196 : i32 to index
      %get3A_1198 = arith.constant 0 : index
      %get3A_1199 = tpu.vector_load %arg17[%get3A_1197, %get3A_1198] {strides = array<i32>} : memref<10x16xf32, #tpu.memory_space<vmem>>, vector<16xf32>,
      %parallel_loop3A_1200 = arith.constant 0 : i32
      %parallel_loop3A_1201 = arith.constant 16 : i32
      %parallel_loop3A_1202 = arith.constant 1 : i32
      scf.for %parallel_loop3A_2184 = %parallel_loop3A_1200 to %parallel_loop3A_1201 step %parallel_loop3A_1202  : i32 {
        %parallel_loop3A_2185 = vector.broadcast %parallel_loop3A_2184 : i32 to vector<16xi32>
        %parallel_loop3A_2186 = tpu.vector_load_idx %arg15[%add3A_5, %parallel_loop3A_2185] : memref<160x128xf32, #tpu.memory_space<vmem>>[vector<16xi32>, vector<16xi32>], vector<16xf32>,
        %parallel_loop3A_2187 = arith.mulf %get3A_1163, %parallel_loop3A_2186 : vector<16xf32>
        %parallel_loop3A_2188 = arith.constant 512 : i32
        %parallel_loop3A_2189 = vector.broadcast %parallel_loop3A_2188 : i32 to vector<16xi32>
        %parallel_loop3A_2190 = arith.addi %parallel_loop3A_2185, %parallel_loop3A_2189 : vector<16xi32>
        tpu.vector_store_idx %arg19[%iota3A, %parallel_loop3A_2190], %parallel_loop3A_2187 : memref<16x768xf32, #tpu.memory_space<vmem>>[vector<16xi32>, vector<16xi32>], vector<16xf32>,
      } {sc.loop_unroll_factor = 4 : i64, sc.parallel_access}
      %add3A_1203 = arith.constant 1 : i32
      %add3A_1204 = arith.addi %mul3A_351, %add3A_1203 : i32
      %lt3A_1205 = arith.constant 20 : i32
      %lt3A_1206 = arith.cmpi slt, %add3A_1204, %lt3A_1205 : i32
      %convert_element_type3A_1207 = arith.extui %lt3A_1206 : i1 to i32
      %cond3A_1208 = arith.constant 0 : i32
      %cond3A_1209 = arith.cmpi ne, %convert_element_type3A_1207, %cond3A_1208 : i32
      scf.if %cond3A_1209 {
        %dma_wait3A_2184 = arith.constant 0 : i32
        %dma_wait3A_2185 = arith.constant 0 : i32
        %dma_wait3A_2186 = tpu.memref_slice %arg3[%dma_wait3A_2184, %dma_wait3A_2185] : memref<50000x128xi32, #tpu.memory_space<hbm>> -> memref<50000x128xi32, #tpu.memory_space<hbm>>
        tpu.wait_indirect_dma semaphore(%arg22 : memref<!tpu.dma_semaphore, #tpu.memory_space<semaphore_mem>>) src(%dma_wait3A_2186 : memref<50000x128xi32, #tpu.memory_space<hbm>>) dst(%arg12 : memref<16x128xi32, #tpu.memory_space<vmem>>)
        %broadcast_in_dim3A_2187 = arith.constant 0 : i32
        %broadcast_in_dim3A_2188 = vector.broadcast %broadcast_in_dim3A_2187 : i32 to vector<16xi32>
        %gather3A_2189 = tpu.vector_load_idx %arg12[%iota3A, %broadcast_in_dim3A_2188] : memref<16x128xi32, #tpu.memory_space<vmem>>[vector<16xi32>, vector<16xi32>], vector<16xi32>,
        %swap3A_2190 = arith.constant 0 : index
        %swap3A_2191 = tpu.vector_load %arg13[%swap3A_2190] {strides = array<i32>} : memref<160xi32, #tpu.memory_space<vmem>>, vector<16xi32>,
        tpu.vector_store %arg13[%swap3A_2190], %gather3A_2189 {strides = array<i32>} : memref<160xi32, #tpu.memory_space<vmem>>, vector<16xi32>,
        %broadcast_in_dim3A_2192 = arith.constant 1 : i32
        %broadcast_in_dim3A_2193 = vector.broadcast %broadcast_in_dim3A_2192 : i32 to vector<16xi32>
        %gather3A_2194 = tpu.vector_load_idx %arg12[%iota3A, %broadcast_in_dim3A_2193] : memref<16x128xi32, #tpu.memory_space<vmem>>[vector<16xi32>, vector<16xi32>], vector<16xi32>,
        %swap3A_2195 = arith.constant 16 : index
        %swap3A_2196 = tpu.vector_load %arg13[%swap3A_2195] {strides = array<i32>} : memref<160xi32, #tpu.memory_space<vmem>>, vector<16xi32>,
        tpu.vector_store %arg13[%swap3A_2195], %gather3A_2194 {strides = array<i32>} : memref<160xi32, #tpu.memory_space<vmem>>, vector<16xi32>,
        %broadcast_in_dim3A_2197 = arith.constant 2 : i32
        %broadcast_in_dim3A_2198 = vector.broadcast %broadcast_in_dim3A_2197 : i32 to vector<16xi32>
        %gather3A_2199 = tpu.vector_load_idx %arg12[%iota3A, %broadcast_in_dim3A_2198] : memref<16x128xi32, #tpu.memory_space<vmem>>[vector<16xi32>, vector<16xi32>], vector<16xi32>,
        %swap3A_2200 = arith.constant 32 : index
        %swap3A_2201 = tpu.vector_load %arg13[%swap3A_2200] {strides = array<i32>} : memref<160xi32, #tpu.memory_space<vmem>>, vector<16xi32>,
        tpu.vector_store %arg13[%swap3A_2200], %gather3A_2199 {strides = array<i32>} : memref<160xi32, #tpu.memory_space<vmem>>, vector<16xi32>,
        %broadcast_in_dim3A_2202 = arith.constant 3 : i32
        %broadcast_in_dim3A_2203 = vector.broadcast %broadcast_in_dim3A_2202 : i32 to vector<16xi32>
        %gather3A_2204 = tpu.vector_load_idx %arg12[%iota3A, %broadcast_in_dim3A_2203] : memref<16x128xi32, #tpu.memory_space<vmem>>[vector<16xi32>, vector<16xi32>], vector<16xi32>,
        %swap3A_2205 = arith.constant 48 : index
        %swap3A_2206 = tpu.vector_load %arg13[%swap3A_2205] {strides = array<i32>} : memref<160xi32, #tpu.memory_space<vmem>>, vector<16xi32>,
        tpu.vector_store %arg13[%swap3A_2205], %gather3A_2204 {strides = array<i32>} : memref<160xi32, #tpu.memory_space<vmem>>, vector<16xi32>,
        %broadcast_in_dim3A_2207 = arith.constant 4 : i32
        %broadcast_in_dim3A_2208 = vector.broadcast %broadcast_in_dim3A_2207 : i32 to vector<16xi32>
        %gather3A_2209 = tpu.vector_load_idx %arg12[%iota3A, %broadcast_in_dim3A_2208] : memref<16x128xi32, #tpu.memory_space<vmem>>[vector<16xi32>, vector<16xi32>], vector<16xi32>,
        %swap3A_2210 = arith.constant 64 : index
        %swap3A_2211 = tpu.vector_load %arg13[%swap3A_2210] {strides = array<i32>} : memref<160xi32, #tpu.memory_space<vmem>>, vector<16xi32>,
        tpu.vector_store %arg13[%swap3A_2210], %gather3A_2209 {strides = array<i32>} : memref<160xi32, #tpu.memory_space<vmem>>, vector<16xi32>,
        %broadcast_in_dim3A_2212 = arith.constant 5 : i32
        %broadcast_in_dim3A_2213 = vector.broadcast %broadcast_in_dim3A_2212 : i32 to vector<16xi32>
        %gather3A_2214 = tpu.vector_load_idx %arg12[%iota3A, %broadcast_in_dim3A_2213] : memref<16x128xi32, #tpu.memory_space<vmem>>[vector<16xi32>, vector<16xi32>], vector<16xi32>,
        %swap3A_2215 = arith.constant 80 : index
        %swap3A_2216 = tpu.vector_load %arg13[%swap3A_2215] {strides = array<i32>} : memref<160xi32, #tpu.memory_space<vmem>>, vector<16xi32>,
        tpu.vector_store %arg13[%swap3A_2215], %gather3A_2214 {strides = array<i32>} : memref<160xi32, #tpu.memory_space<vmem>>, vector<16xi32>,
        %broadcast_in_dim3A_2217 = arith.constant 6 : i32
        %broadcast_in_dim3A_2218 = vector.broadcast %broadcast_in_dim3A_2217 : i32 to vector<16xi32>
        %gather3A_2219 = tpu.vector_load_idx %arg12[%iota3A, %broadcast_in_dim3A_2218] : memref<16x128xi32, #tpu.memory_space<vmem>>[vector<16xi32>, vector<16xi32>], vector<16xi32>,
        %swap3A_2220 = arith.constant 96 : index
        %swap3A_2221 = tpu.vector_load %arg13[%swap3A_2220] {strides = array<i32>} : memref<160xi32, #tpu.memory_space<vmem>>, vector<16xi32>,
        tpu.vector_store %arg13[%swap3A_2220], %gather3A_2219 {strides = array<i32>} : memref<160xi32, #tpu.memory_space<vmem>>, vector<16xi32>,
        %broadcast_in_dim3A_2222 = arith.constant 7 : i32
        %broadcast_in_dim3A_2223 = vector.broadcast %broadcast_in_dim3A_2222 : i32 to vector<16xi32>
        %gather3A_2224 = tpu.vector_load_idx %arg12[%iota3A, %broadcast_in_dim3A_2223] : memref<16x128xi32, #tpu.memory_space<vmem>>[vector<16xi32>, vector<16xi32>], vector<16xi32>,
        %swap3A_2225 = arith.constant 112 : index
        %swap3A_2226 = tpu.vector_load %arg13[%swap3A_2225] {strides = array<i32>} : memref<160xi32, #tpu.memory_space<vmem>>, vector<16xi32>,
        tpu.vector_store %arg13[%swap3A_2225], %gather3A_2224 {strides = array<i32>} : memref<160xi32, #tpu.memory_space<vmem>>, vector<16xi32>,
        %broadcast_in_dim3A_2227 = arith.constant 8 : i32
        %broadcast_in_dim3A_2228 = vector.broadcast %broadcast_in_dim3A_2227 : i32 to vector<16xi32>
        %gather3A_2229 = tpu.vector_load_idx %arg12[%iota3A, %broadcast_in_dim3A_2228] : memref<16x128xi32, #tpu.memory_space<vmem>>[vector<16xi32>, vector<16xi32>], vector<16xi32>,
        %swap3A_2230 = arith.constant 128 : index
        %swap3A_2231 = tpu.vector_load %arg13[%swap3A_2230] {strides = array<i32>} : memref<160xi32, #tpu.memory_space<vmem>>, vector<16xi32>,
        tpu.vector_store %arg13[%swap3A_2230], %gather3A_2229 {strides = array<i32>} : memref<160xi32, #tpu.memory_space<vmem>>, vector<16xi32>,
        %broadcast_in_dim3A_2232 = arith.constant 9 : i32
        %broadcast_in_dim3A_2233 = vector.broadcast %broadcast_in_dim3A_2232 : i32 to vector<16xi32>
        %gather3A_2234 = tpu.vector_load_idx %arg12[%iota3A, %broadcast_in_dim3A_2233] : memref<16x128xi32, #tpu.memory_space<vmem>>[vector<16xi32>, vector<16xi32>], vector<16xi32>,
        %swap3A_2235 = arith.constant 144 : index
        %swap3A_2236 = tpu.vector_load %arg13[%swap3A_2235] {strides = array<i32>} : memref<160xi32, #tpu.memory_space<vmem>>, vector<16xi32>,
        tpu.vector_store %arg13[%swap3A_2235], %gather3A_2234 {strides = array<i32>} : memref<160xi32, #tpu.memory_space<vmem>>, vector<16xi32>,
        %dma_start3A_2237 = arith.constant 0 : i32
        %dma_start3A_2238 = arith.constant 0 : i32
        %dma_start3A_2239 = tpu.memref_slice %arg5[%dma_start3A_2237, %dma_start3A_2238] : memref<50000x128xf32, #tpu.memory_space<hbm>> -> memref<50000x128xf32, #tpu.memory_space<hbm>>
        tpu.enqueue_indirect_dma source(%dma_start3A_2239 : memref<50000x128xf32, #tpu.memory_space<hbm>>) target(%arg15 : memref<160x128xf32, #tpu.memory_space<vmem>>) offsets(%arg13 : memref<160xi32, #tpu.memory_space<vmem>>) semaphore(%arg20 : memref<!tpu.dma_semaphore, #tpu.memory_space<semaphore_mem>>)
        %gather3A_2240 = tpu.vector_load_idx %arg7[%gather3A_2189] : memref<50000xf32, #tpu.memory_space<vmem>>[vector<16xi32>], vector<16xf32>,
        %gather3A_2241 = tpu.vector_load_idx %arg7[%gather3A_2194] : memref<50000xf32, #tpu.memory_space<vmem>>[vector<16xi32>], vector<16xf32>,
        %gather3A_2242 = tpu.vector_load_idx %arg7[%gather3A_2199] : memref<50000xf32, #tpu.memory_space<vmem>>[vector<16xi32>], vector<16xf32>,
        %gather3A_2243 = tpu.vector_load_idx %arg7[%gather3A_2204] : memref<50000xf32, #tpu.memory_space<vmem>>[vector<16xi32>], vector<16xf32>,
        %gather3A_2244 = tpu.vector_load_idx %arg7[%gather3A_2209] : memref<50000xf32, #tpu.memory_space<vmem>>[vector<16xi32>], vector<16xf32>,
        %gather3A_2245 = tpu.vector_load_idx %arg7[%gather3A_2214] : memref<50000xf32, #tpu.memory_space<vmem>>[vector<16xi32>], vector<16xf32>,
        %gather3A_2246 = tpu.vector_load_idx %arg7[%gather3A_2219] : memref<50000xf32, #tpu.memory_space<vmem>>[vector<16xi32>], vector<16xf32>,
        %gather3A_2247 = tpu.vector_load_idx %arg7[%gather3A_2224] : memref<50000xf32, #tpu.memory_space<vmem>>[vector<16xi32>], vector<16xf32>,
        %gather3A_2248 = tpu.vector_load_idx %arg7[%gather3A_2229] : memref<50000xf32, #tpu.memory_space<vmem>>[vector<16xi32>], vector<16xf32>,
        %gather3A_2249 = tpu.vector_load_idx %arg7[%gather3A_2234] : memref<50000xf32, #tpu.memory_space<vmem>>[vector<16xi32>], vector<16xf32>,
        %max3A_2250 = arith.maximumf %gather3A_2240, %gather3A_2241 : vector<16xf32>
        %max3A_2251 = arith.maximumf %max3A_2250, %gather3A_2242 : vector<16xf32>
        %max3A_2252 = arith.maximumf %max3A_2251, %gather3A_2243 : vector<16xf32>
        %max3A_2253 = arith.maximumf %max3A_2252, %gather3A_2244 : vector<16xf32>
        %max3A_2254 = arith.maximumf %max3A_2253, %gather3A_2245 : vector<16xf32>
        %max3A_2255 = arith.maximumf %max3A_2254, %gather3A_2246 : vector<16xf32>
        %max3A_2256 = arith.maximumf %max3A_2255, %gather3A_2247 : vector<16xf32>
        %max3A_2257 = arith.maximumf %max3A_2256, %gather3A_2248 : vector<16xf32>
        %max3A_2258 = arith.maximumf %max3A_2257, %gather3A_2249 : vector<16xf32>
        %sub3A_2259 = arith.subf %gather3A_2240, %max3A_2258 : vector<16xf32>
        %exp3A_2260 = math.exp %sub3A_2259 : vector<16xf32>
        %sub3A_2261 = arith.subf %gather3A_2241, %max3A_2258 : vector<16xf32>
        %exp3A_2262 = math.exp %sub3A_2261 : vector<16xf32>
        %sub3A_2263 = arith.subf %gather3A_2242, %max3A_2258 : vector<16xf32>
        %exp3A_2264 = math.exp %sub3A_2263 : vector<16xf32>
        %sub3A_2265 = arith.subf %gather3A_2243, %max3A_2258 : vector<16xf32>
        %exp3A_2266 = math.exp %sub3A_2265 : vector<16xf32>
        %sub3A_2267 = arith.subf %gather3A_2244, %max3A_2258 : vector<16xf32>
        %exp3A_2268 = math.exp %sub3A_2267 : vector<16xf32>
        %sub3A_2269 = arith.subf %gather3A_2245, %max3A_2258 : vector<16xf32>
        %exp3A_2270 = math.exp %sub3A_2269 : vector<16xf32>
        %sub3A_2271 = arith.subf %gather3A_2246, %max3A_2258 : vector<16xf32>
        %exp3A_2272 = math.exp %sub3A_2271 : vector<16xf32>
        %sub3A_2273 = arith.subf %gather3A_2247, %max3A_2258 : vector<16xf32>
        %exp3A_2274 = math.exp %sub3A_2273 : vector<16xf32>
        %sub3A_2275 = arith.subf %gather3A_2248, %max3A_2258 : vector<16xf32>
        %exp3A_2276 = math.exp %sub3A_2275 : vector<16xf32>
        %sub3A_2277 = arith.subf %gather3A_2249, %max3A_2258 : vector<16xf32>
        %exp3A_2278 = math.exp %sub3A_2277 : vector<16xf32>
        %add3A_2279 = arith.addf %exp3A_2260, %exp3A_2262 : vector<16xf32>
        %add3A_2280 = arith.addf %exp3A_2264, %exp3A_2266 : vector<16xf32>
        %add3A_2281 = arith.addf %exp3A_2268, %exp3A_2270 : vector<16xf32>
        %add3A_2282 = arith.addf %exp3A_2272, %exp3A_2274 : vector<16xf32>
        %add3A_2283 = arith.addf %exp3A_2276, %exp3A_2278 : vector<16xf32>
        %add3A_2284 = arith.addf %add3A_2279, %add3A_2280 : vector<16xf32>
        %add3A_2285 = arith.addf %add3A_2281, %add3A_2282 : vector<16xf32>
        %add3A_2286 = arith.addf %add3A_2284, %add3A_2285 : vector<16xf32>
        %add3A_2287 = arith.addf %add3A_2286, %add3A_2283 : vector<16xf32>
        %div3A_2288 = arith.constant 1.000000e+00 : f32
        %div3A_2289 = vector.broadcast %div3A_2288 : f32 to vector<16xf32>
        %div3A_2290 = arith.divf %div3A_2289, %add3A_2287 : vector<16xf32>
        %mul3A_2291 = arith.mulf %exp3A_2260, %div3A_2290 : vector<16xf32>
        %swap3A_2292 = arith.constant 0 : i32
        %swap3A_2293 = arith.index_cast %swap3A_2292 : i32 to index
        %swap3A_2294 = arith.constant 0 : index
        %swap3A_2295 = tpu.vector_load %arg17[%swap3A_2293, %swap3A_2294] {strides = array<i32>} : memref<10x16xf32, #tpu.memory_space<vmem>>, vector<16xf32>,
        tpu.vector_store %arg17[%swap3A_2293, %swap3A_2294], %mul3A_2291 {strides = array<i32>} : memref<10x16xf32, #tpu.memory_space<vmem>>, vector<16xf32>,
        %mul3A_2296 = arith.mulf %exp3A_2262, %div3A_2290 : vector<16xf32>
        %swap3A_2297 = arith.constant 1 : i32
        %swap3A_2298 = arith.index_cast %swap3A_2297 : i32 to index
        %swap3A_2299 = arith.constant 0 : index
        %swap3A_2300 = tpu.vector_load %arg17[%swap3A_2298, %swap3A_2299] {strides = array<i32>} : memref<10x16xf32, #tpu.memory_space<vmem>>, vector<16xf32>,
        tpu.vector_store %arg17[%swap3A_2298, %swap3A_2299], %mul3A_2296 {strides = array<i32>} : memref<10x16xf32, #tpu.memory_space<vmem>>, vector<16xf32>,
        %mul3A_2301 = arith.mulf %exp3A_2264, %div3A_2290 : vector<16xf32>
        %swap3A_2302 = arith.constant 2 : i32
        %swap3A_2303 = arith.index_cast %swap3A_2302 : i32 to index
        %swap3A_2304 = arith.constant 0 : index
        %swap3A_2305 = tpu.vector_load %arg17[%swap3A_2303, %swap3A_2304] {strides = array<i32>} : memref<10x16xf32, #tpu.memory_space<vmem>>, vector<16xf32>,
        tpu.vector_store %arg17[%swap3A_2303, %swap3A_2304], %mul3A_2301 {strides = array<i32>} : memref<10x16xf32, #tpu.memory_space<vmem>>, vector<16xf32>,
        %mul3A_2306 = arith.mulf %exp3A_2266, %div3A_2290 : vector<16xf32>
        %swap3A_2307 = arith.constant 3 : i32
        %swap3A_2308 = arith.index_cast %swap3A_2307 : i32 to index
        %swap3A_2309 = arith.constant 0 : index
        %swap3A_2310 = tpu.vector_load %arg17[%swap3A_2308, %swap3A_2309] {strides = array<i32>} : memref<10x16xf32, #tpu.memory_space<vmem>>, vector<16xf32>,
        tpu.vector_store %arg17[%swap3A_2308, %swap3A_2309], %mul3A_2306 {strides = array<i32>} : memref<10x16xf32, #tpu.memory_space<vmem>>, vector<16xf32>,
        %mul3A_2311 = arith.mulf %exp3A_2268, %div3A_2290 : vector<16xf32>
        %swap3A_2312 = arith.constant 4 : i32
        %swap3A_2313 = arith.index_cast %swap3A_2312 : i32 to index
        %swap3A_2314 = arith.constant 0 : index
        %swap3A_2315 = tpu.vector_load %arg17[%swap3A_2313, %swap3A_2314] {strides = array<i32>} : memref<10x16xf32, #tpu.memory_space<vmem>>, vector<16xf32>,
        tpu.vector_store %arg17[%swap3A_2313, %swap3A_2314], %mul3A_2311 {strides = array<i32>} : memref<10x16xf32, #tpu.memory_space<vmem>>, vector<16xf32>,
        %mul3A_2316 = arith.mulf %exp3A_2270, %div3A_2290 : vector<16xf32>
        %swap3A_2317 = arith.constant 5 : i32
        %swap3A_2318 = arith.index_cast %swap3A_2317 : i32 to index
        %swap3A_2319 = arith.constant 0 : index
        %swap3A_2320 = tpu.vector_load %arg17[%swap3A_2318, %swap3A_2319] {strides = array<i32>} : memref<10x16xf32, #tpu.memory_space<vmem>>, vector<16xf32>,
        tpu.vector_store %arg17[%swap3A_2318, %swap3A_2319], %mul3A_2316 {strides = array<i32>} : memref<10x16xf32, #tpu.memory_space<vmem>>, vector<16xf32>,
        %mul3A_2321 = arith.mulf %exp3A_2272, %div3A_2290 : vector<16xf32>
        %swap3A_2322 = arith.constant 6 : i32
        %swap3A_2323 = arith.index_cast %swap3A_2322 : i32 to index
        %swap3A_2324 = arith.constant 0 : index
        %swap3A_2325 = tpu.vector_load %arg17[%swap3A_2323, %swap3A_2324] {strides = array<i32>} : memref<10x16xf32, #tpu.memory_space<vmem>>, vector<16xf32>,
        tpu.vector_store %arg17[%swap3A_2323, %swap3A_2324], %mul3A_2321 {strides = array<i32>} : memref<10x16xf32, #tpu.memory_space<vmem>>, vector<16xf32>,
        %mul3A_2326 = arith.mulf %exp3A_2274, %div3A_2290 : vector<16xf32>
        %swap3A_2327 = arith.constant 7 : i32
        %swap3A_2328 = arith.index_cast %swap3A_2327 : i32 to index
        %swap3A_2329 = arith.constant 0 : index
        %swap3A_2330 = tpu.vector_load %arg17[%swap3A_2328, %swap3A_2329] {strides = array<i32>} : memref<10x16xf32, #tpu.memory_space<vmem>>, vector<16xf32>,
        tpu.vector_store %arg17[%swap3A_2328, %swap3A_2329], %mul3A_2326 {strides = array<i32>} : memref<10x16xf32, #tpu.memory_space<vmem>>, vector<16xf32>,
        %mul3A_2331 = arith.mulf %exp3A_2276, %div3A_2290 : vector<16xf32>
        %swap3A_2332 = arith.constant 8 : i32
        %swap3A_2333 = arith.index_cast %swap3A_2332 : i32 to index
        %swap3A_2334 = arith.constant 0 : index
        %swap3A_2335 = tpu.vector_load %arg17[%swap3A_2333, %swap3A_2334] {strides = array<i32>} : memref<10x16xf32, #tpu.memory_space<vmem>>, vector<16xf32>,
        tpu.vector_store %arg17[%swap3A_2333, %swap3A_2334], %mul3A_2331 {strides = array<i32>} : memref<10x16xf32, #tpu.memory_space<vmem>>, vector<16xf32>,
        %mul3A_2336 = arith.mulf %exp3A_2278, %div3A_2290 : vector<16xf32>
        %swap3A_2337 = arith.constant 9 : i32
        %swap3A_2338 = arith.index_cast %swap3A_2337 : i32 to index
        %swap3A_2339 = arith.constant 0 : index
        %swap3A_2340 = tpu.vector_load %arg17[%swap3A_2338, %swap3A_2339] {strides = array<i32>} : memref<10x16xf32, #tpu.memory_space<vmem>>, vector<16xf32>,
        tpu.vector_store %arg17[%swap3A_2338, %swap3A_2339], %mul3A_2336 {strides = array<i32>} : memref<10x16xf32, #tpu.memory_space<vmem>>, vector<16xf32>,
      } else {
      }
      %dma_wait3A_1210 = arith.constant 0 : i32
      %dma_wait3A_1211 = arith.constant 0 : i32
      %dma_wait3A_1212 = tpu.memref_slice %arg5[%dma_wait3A_1210, %dma_wait3A_1211] : memref<50000x128xf32, #tpu.memory_space<hbm>> -> memref<50000x128xf32, #tpu.memory_space<hbm>>
      tpu.wait_indirect_dma semaphore(%arg21 : memref<!tpu.dma_semaphore, #tpu.memory_space<semaphore_mem>>) src(%dma_wait3A_1212 : memref<50000x128xf32, #tpu.memory_space<hbm>>) dst(%arg16 : memref<160x128xf32, #tpu.memory_space<vmem>>)
      %get3A_1213 = arith.constant 0 : i32
      %get3A_1214 = arith.index_cast %get3A_1213 : i32 to index
      %get3A_1215 = arith.constant 0 : index
      %get3A_1216 = tpu.vector_load %arg18[%get3A_1214, %get3A_1215] {strides = array<i32>} : memref<10x16xf32, #tpu.memory_space<vmem>>, vector<16xf32>,
      %get3A_1217 = arith.constant 1 : i32
      %get3A_1218 = arith.index_cast %get3A_1217 : i32 to index
      %get3A_1219 = arith.constant 0 : index
      %get3A_1220 = tpu.vector_load %arg18[%get3A_1218, %get3A_1219] {strides = array<i32>} : memref<10x16xf32, #tpu.memory_space<vmem>>, vector<16xf32>,
      %get3A_1221 = arith.constant 2 : i32
      %get3A_1222 = arith.index_cast %get3A_1221 : i32 to index
      %get3A_1223 = arith.constant 0 : index
      %get3A_1224 = tpu.vector_load %arg18[%get3A_1222, %get3A_1223] {strides = array<i32>} : memref<10x16xf32, #tpu.memory_space<vmem>>, vector<16xf32>,
      %get3A_1225 = arith.constant 3 : i32
      %get3A_1226 = arith.index_cast %get3A_1225 : i32 to index
      %get3A_1227 = arith.constant 0 : index
      %get3A_1228 = tpu.vector_load %arg18[%get3A_1226, %get3A_1227] {strides = array<i32>} : memref<10x16xf32, #tpu.memory_space<vmem>>, vector<16xf32>,
      %get3A_1229 = arith.constant 4 : i32
      %get3A_1230 = arith.index_cast %get3A_1229 : i32 to index
      %get3A_1231 = arith.constant 0 : index
      %get3A_1232 = tpu.vector_load %arg18[%get3A_1230, %get3A_1231] {strides = array<i32>} : memref<10x16xf32, #tpu.memory_space<vmem>>, vector<16xf32>,
      %get3A_1233 = arith.constant 5 : i32
      %get3A_1234 = arith.index_cast %get3A_1233 : i32 to index
      %get3A_1235 = arith.constant 0 : index
      %get3A_1236 = tpu.vector_load %arg18[%get3A_1234, %get3A_1235] {strides = array<i32>} : memref<10x16xf32, #tpu.memory_space<vmem>>, vector<16xf32>,
      %get3A_1237 = arith.constant 6 : i32
      %get3A_1238 = arith.index_cast %get3A_1237 : i32 to index
      %get3A_1239 = arith.constant 0 : index
      %get3A_1240 = tpu.vector_load %arg18[%get3A_1238, %get3A_1239] {strides = array<i32>} : memref<10x16xf32, #tpu.memory_space<vmem>>, vector<16xf32>,
      %get3A_1241 = arith.constant 7 : i32
      %get3A_1242 = arith.index_cast %get3A_1241 : i32 to index
      %get3A_1243 = arith.constant 0 : index
      %get3A_1244 = tpu.vector_load %arg18[%get3A_1242, %get3A_1243] {strides = array<i32>} : memref<10x16xf32, #tpu.memory_space<vmem>>, vector<16xf32>,
      %get3A_1245 = arith.constant 8 : i32
      %get3A_1246 = arith.index_cast %get3A_1245 : i32 to index
      %get3A_1247 = arith.constant 0 : index
      %get3A_1248 = tpu.vector_load %arg18[%get3A_1246, %get3A_1247] {strides = array<i32>} : memref<10x16xf32, #tpu.memory_space<vmem>>, vector<16xf32>,
      %get3A_1249 = arith.constant 9 : i32
      %get3A_1250 = arith.index_cast %get3A_1249 : i32 to index
      %get3A_1251 = arith.constant 0 : index
      %get3A_1252 = tpu.vector_load %arg18[%get3A_1250, %get3A_1251] {strides = array<i32>} : memref<10x16xf32, #tpu.memory_space<vmem>>, vector<16xf32>,
      %parallel_loop3A_1253 = arith.constant 0 : i32
      %parallel_loop3A_1254 = arith.constant 16 : i32
      %parallel_loop3A_1255 = arith.constant 1 : i32
      scf.for %parallel_loop3A_2184 = %parallel_loop3A_1253 to %parallel_loop3A_1254 step %parallel_loop3A_1255  : i32 {
        %parallel_loop3A_2185 = vector.broadcast %parallel_loop3A_2184 : i32 to vector<16xi32>
        %parallel_loop3A_2186 = tpu.vector_load_idx %arg16[%add3A_5, %parallel_loop3A_2185] : memref<160x128xf32, #tpu.memory_space<vmem>>[vector<16xi32>, vector<16xi32>], vector<16xf32>,
        %parallel_loop3A_2187 = arith.mulf %get3A_1216, %parallel_loop3A_2186 : vector<16xf32>
        %parallel_loop3A_2188 = arith.constant 640 : i32
        %parallel_loop3A_2189 = vector.broadcast %parallel_loop3A_2188 : i32 to vector<16xi32>
        %parallel_loop3A_2190 = arith.addi %parallel_loop3A_2185, %parallel_loop3A_2189 : vector<16xi32>
        tpu.vector_store_idx %arg19[%iota3A, %parallel_loop3A_2190], %parallel_loop3A_2187 : memref<16x768xf32, #tpu.memory_space<vmem>>[vector<16xi32>, vector<16xi32>], vector<16xf32>,
      } {sc.loop_unroll_factor = 4 : i64, sc.parallel_access}
      %add3A_1256 = arith.constant 1 : i32
      %add3A_1257 = arith.addi %mul3A_351, %add3A_1256 : i32
      %lt3A_1258 = arith.constant 20 : i32
      %lt3A_1259 = arith.cmpi slt, %add3A_1257, %lt3A_1258 : i32
      %convert_element_type3A_1260 = arith.extui %lt3A_1259 : i1 to i32
      %cond3A_1261 = arith.constant 0 : i32
      %cond3A_1262 = arith.cmpi ne, %convert_element_type3A_1260, %cond3A_1261 : i32
      scf.if %cond3A_1262 {
        %broadcast_in_dim3A_2184 = arith.constant 10 : i32
        %broadcast_in_dim3A_2185 = vector.broadcast %broadcast_in_dim3A_2184 : i32 to vector<16xi32>
        %gather3A_2186 = tpu.vector_load_idx %arg12[%iota3A, %broadcast_in_dim3A_2185] : memref<16x128xi32, #tpu.memory_space<vmem>>[vector<16xi32>, vector<16xi32>], vector<16xi32>,
        %swap3A_2187 = arith.constant 0 : index
        %swap3A_2188 = tpu.vector_load %arg14[%swap3A_2187] {strides = array<i32>} : memref<160xi32, #tpu.memory_space<vmem>>, vector<16xi32>,
        tpu.vector_store %arg14[%swap3A_2187], %gather3A_2186 {strides = array<i32>} : memref<160xi32, #tpu.memory_space<vmem>>, vector<16xi32>,
        %broadcast_in_dim3A_2189 = arith.constant 11 : i32
        %broadcast_in_dim3A_2190 = vector.broadcast %broadcast_in_dim3A_2189 : i32 to vector<16xi32>
        %gather3A_2191 = tpu.vector_load_idx %arg12[%iota3A, %broadcast_in_dim3A_2190] : memref<16x128xi32, #tpu.memory_space<vmem>>[vector<16xi32>, vector<16xi32>], vector<16xi32>,
        %swap3A_2192 = arith.constant 16 : index
        %swap3A_2193 = tpu.vector_load %arg14[%swap3A_2192] {strides = array<i32>} : memref<160xi32, #tpu.memory_space<vmem>>, vector<16xi32>,
        tpu.vector_store %arg14[%swap3A_2192], %gather3A_2191 {strides = array<i32>} : memref<160xi32, #tpu.memory_space<vmem>>, vector<16xi32>,
        %broadcast_in_dim3A_2194 = arith.constant 12 : i32
        %broadcast_in_dim3A_2195 = vector.broadcast %broadcast_in_dim3A_2194 : i32 to vector<16xi32>
        %gather3A_2196 = tpu.vector_load_idx %arg12[%iota3A, %broadcast_in_dim3A_2195] : memref<16x128xi32, #tpu.memory_space<vmem>>[vector<16xi32>, vector<16xi32>], vector<16xi32>,
        %swap3A_2197 = arith.constant 32 : index
        %swap3A_2198 = tpu.vector_load %arg14[%swap3A_2197] {strides = array<i32>} : memref<160xi32, #tpu.memory_space<vmem>>, vector<16xi32>,
        tpu.vector_store %arg14[%swap3A_2197], %gather3A_2196 {strides = array<i32>} : memref<160xi32, #tpu.memory_space<vmem>>, vector<16xi32>,
        %broadcast_in_dim3A_2199 = arith.constant 13 : i32
        %broadcast_in_dim3A_2200 = vector.broadcast %broadcast_in_dim3A_2199 : i32 to vector<16xi32>
        %gather3A_2201 = tpu.vector_load_idx %arg12[%iota3A, %broadcast_in_dim3A_2200] : memref<16x128xi32, #tpu.memory_space<vmem>>[vector<16xi32>, vector<16xi32>], vector<16xi32>,
        %swap3A_2202 = arith.constant 48 : index
        %swap3A_2203 = tpu.vector_load %arg14[%swap3A_2202] {strides = array<i32>} : memref<160xi32, #tpu.memory_space<vmem>>, vector<16xi32>,
        tpu.vector_store %arg14[%swap3A_2202], %gather3A_2201 {strides = array<i32>} : memref<160xi32, #tpu.memory_space<vmem>>, vector<16xi32>,
        %broadcast_in_dim3A_2204 = arith.constant 14 : i32
        %broadcast_in_dim3A_2205 = vector.broadcast %broadcast_in_dim3A_2204 : i32 to vector<16xi32>
        %gather3A_2206 = tpu.vector_load_idx %arg12[%iota3A, %broadcast_in_dim3A_2205] : memref<16x128xi32, #tpu.memory_space<vmem>>[vector<16xi32>, vector<16xi32>], vector<16xi32>,
        %swap3A_2207 = arith.constant 64 : index
        %swap3A_2208 = tpu.vector_load %arg14[%swap3A_2207] {strides = array<i32>} : memref<160xi32, #tpu.memory_space<vmem>>, vector<16xi32>,
        tpu.vector_store %arg14[%swap3A_2207], %gather3A_2206 {strides = array<i32>} : memref<160xi32, #tpu.memory_space<vmem>>, vector<16xi32>,
        %broadcast_in_dim3A_2209 = arith.constant 15 : i32
        %broadcast_in_dim3A_2210 = vector.broadcast %broadcast_in_dim3A_2209 : i32 to vector<16xi32>
        %gather3A_2211 = tpu.vector_load_idx %arg12[%iota3A, %broadcast_in_dim3A_2210] : memref<16x128xi32, #tpu.memory_space<vmem>>[vector<16xi32>, vector<16xi32>], vector<16xi32>,
        %swap3A_2212 = arith.constant 80 : index
        %swap3A_2213 = tpu.vector_load %arg14[%swap3A_2212] {strides = array<i32>} : memref<160xi32, #tpu.memory_space<vmem>>, vector<16xi32>,
        tpu.vector_store %arg14[%swap3A_2212], %gather3A_2211 {strides = array<i32>} : memref<160xi32, #tpu.memory_space<vmem>>, vector<16xi32>,
        %broadcast_in_dim3A_2214 = arith.constant 16 : i32
        %broadcast_in_dim3A_2215 = vector.broadcast %broadcast_in_dim3A_2214 : i32 to vector<16xi32>
        %gather3A_2216 = tpu.vector_load_idx %arg12[%iota3A, %broadcast_in_dim3A_2215] : memref<16x128xi32, #tpu.memory_space<vmem>>[vector<16xi32>, vector<16xi32>], vector<16xi32>,
        %swap3A_2217 = arith.constant 96 : index
        %swap3A_2218 = tpu.vector_load %arg14[%swap3A_2217] {strides = array<i32>} : memref<160xi32, #tpu.memory_space<vmem>>, vector<16xi32>,
        tpu.vector_store %arg14[%swap3A_2217], %gather3A_2216 {strides = array<i32>} : memref<160xi32, #tpu.memory_space<vmem>>, vector<16xi32>,
        %broadcast_in_dim3A_2219 = arith.constant 17 : i32
        %broadcast_in_dim3A_2220 = vector.broadcast %broadcast_in_dim3A_2219 : i32 to vector<16xi32>
        %gather3A_2221 = tpu.vector_load_idx %arg12[%iota3A, %broadcast_in_dim3A_2220] : memref<16x128xi32, #tpu.memory_space<vmem>>[vector<16xi32>, vector<16xi32>], vector<16xi32>,
        %swap3A_2222 = arith.constant 112 : index
        %swap3A_2223 = tpu.vector_load %arg14[%swap3A_2222] {strides = array<i32>} : memref<160xi32, #tpu.memory_space<vmem>>, vector<16xi32>,
        tpu.vector_store %arg14[%swap3A_2222], %gather3A_2221 {strides = array<i32>} : memref<160xi32, #tpu.memory_space<vmem>>, vector<16xi32>,
        %broadcast_in_dim3A_2224 = arith.constant 18 : i32
        %broadcast_in_dim3A_2225 = vector.broadcast %broadcast_in_dim3A_2224 : i32 to vector<16xi32>
        %gather3A_2226 = tpu.vector_load_idx %arg12[%iota3A, %broadcast_in_dim3A_2225] : memref<16x128xi32, #tpu.memory_space<vmem>>[vector<16xi32>, vector<16xi32>], vector<16xi32>,
        %swap3A_2227 = arith.constant 128 : index
        %swap3A_2228 = tpu.vector_load %arg14[%swap3A_2227] {strides = array<i32>} : memref<160xi32, #tpu.memory_space<vmem>>, vector<16xi32>,
        tpu.vector_store %arg14[%swap3A_2227], %gather3A_2226 {strides = array<i32>} : memref<160xi32, #tpu.memory_space<vmem>>, vector<16xi32>,
        %broadcast_in_dim3A_2229 = arith.constant 19 : i32
        %broadcast_in_dim3A_2230 = vector.broadcast %broadcast_in_dim3A_2229 : i32 to vector<16xi32>
        %gather3A_2231 = tpu.vector_load_idx %arg12[%iota3A, %broadcast_in_dim3A_2230] : memref<16x128xi32, #tpu.memory_space<vmem>>[vector<16xi32>, vector<16xi32>], vector<16xi32>,
        %swap3A_2232 = arith.constant 144 : index
        %swap3A_2233 = tpu.vector_load %arg14[%swap3A_2232] {strides = array<i32>} : memref<160xi32, #tpu.memory_space<vmem>>, vector<16xi32>,
        tpu.vector_store %arg14[%swap3A_2232], %gather3A_2231 {strides = array<i32>} : memref<160xi32, #tpu.memory_space<vmem>>, vector<16xi32>,
        %dma_start3A_2234 = arith.constant 0 : i32
        %dma_start3A_2235 = arith.constant 0 : i32
        %dma_start3A_2236 = tpu.memref_slice %arg5[%dma_start3A_2234, %dma_start3A_2235] : memref<50000x128xf32, #tpu.memory_space<hbm>> -> memref<50000x128xf32, #tpu.memory_space<hbm>>
        tpu.enqueue_indirect_dma source(%dma_start3A_2236 : memref<50000x128xf32, #tpu.memory_space<hbm>>) target(%arg16 : memref<160x128xf32, #tpu.memory_space<vmem>>) offsets(%arg14 : memref<160xi32, #tpu.memory_space<vmem>>) semaphore(%arg21 : memref<!tpu.dma_semaphore, #tpu.memory_space<semaphore_mem>>)
        %gather3A_2237 = tpu.vector_load_idx %arg7[%gather3A_2186] : memref<50000xf32, #tpu.memory_space<vmem>>[vector<16xi32>], vector<16xf32>,
        %gather3A_2238 = tpu.vector_load_idx %arg7[%gather3A_2191] : memref<50000xf32, #tpu.memory_space<vmem>>[vector<16xi32>], vector<16xf32>,
        %gather3A_2239 = tpu.vector_load_idx %arg7[%gather3A_2196] : memref<50000xf32, #tpu.memory_space<vmem>>[vector<16xi32>], vector<16xf32>,
        %gather3A_2240 = tpu.vector_load_idx %arg7[%gather3A_2201] : memref<50000xf32, #tpu.memory_space<vmem>>[vector<16xi32>], vector<16xf32>,
        %gather3A_2241 = tpu.vector_load_idx %arg7[%gather3A_2206] : memref<50000xf32, #tpu.memory_space<vmem>>[vector<16xi32>], vector<16xf32>,
        %gather3A_2242 = tpu.vector_load_idx %arg7[%gather3A_2211] : memref<50000xf32, #tpu.memory_space<vmem>>[vector<16xi32>], vector<16xf32>,
        %gather3A_2243 = tpu.vector_load_idx %arg7[%gather3A_2216] : memref<50000xf32, #tpu.memory_space<vmem>>[vector<16xi32>], vector<16xf32>,
        %gather3A_2244 = tpu.vector_load_idx %arg7[%gather3A_2221] : memref<50000xf32, #tpu.memory_space<vmem>>[vector<16xi32>], vector<16xf32>,
        %gather3A_2245 = tpu.vector_load_idx %arg7[%gather3A_2226] : memref<50000xf32, #tpu.memory_space<vmem>>[vector<16xi32>], vector<16xf32>,
        %gather3A_2246 = tpu.vector_load_idx %arg7[%gather3A_2231] : memref<50000xf32, #tpu.memory_space<vmem>>[vector<16xi32>], vector<16xf32>,
        %max3A_2247 = arith.maximumf %gather3A_2237, %gather3A_2238 : vector<16xf32>
        %max3A_2248 = arith.maximumf %max3A_2247, %gather3A_2239 : vector<16xf32>
        %max3A_2249 = arith.maximumf %max3A_2248, %gather3A_2240 : vector<16xf32>
        %max3A_2250 = arith.maximumf %max3A_2249, %gather3A_2241 : vector<16xf32>
        %max3A_2251 = arith.maximumf %max3A_2250, %gather3A_2242 : vector<16xf32>
        %max3A_2252 = arith.maximumf %max3A_2251, %gather3A_2243 : vector<16xf32>
        %max3A_2253 = arith.maximumf %max3A_2252, %gather3A_2244 : vector<16xf32>
        %max3A_2254 = arith.maximumf %max3A_2253, %gather3A_2245 : vector<16xf32>
        %max3A_2255 = arith.maximumf %max3A_2254, %gather3A_2246 : vector<16xf32>
        %sub3A_2256 = arith.subf %gather3A_2237, %max3A_2255 : vector<16xf32>
        %exp3A_2257 = math.exp %sub3A_2256 : vector<16xf32>
        %sub3A_2258 = arith.subf %gather3A_2238, %max3A_2255 : vector<16xf32>
        %exp3A_2259 = math.exp %sub3A_2258 : vector<16xf32>
        %sub3A_2260 = arith.subf %gather3A_2239, %max3A_2255 : vector<16xf32>
        %exp3A_2261 = math.exp %sub3A_2260 : vector<16xf32>
        %sub3A_2262 = arith.subf %gather3A_2240, %max3A_2255 : vector<16xf32>
        %exp3A_2263 = math.exp %sub3A_2262 : vector<16xf32>
        %sub3A_2264 = arith.subf %gather3A_2241, %max3A_2255 : vector<16xf32>
        %exp3A_2265 = math.exp %sub3A_2264 : vector<16xf32>
        %sub3A_2266 = arith.subf %gather3A_2242, %max3A_2255 : vector<16xf32>
        %exp3A_2267 = math.exp %sub3A_2266 : vector<16xf32>
        %sub3A_2268 = arith.subf %gather3A_2243, %max3A_2255 : vector<16xf32>
        %exp3A_2269 = math.exp %sub3A_2268 : vector<16xf32>
        %sub3A_2270 = arith.subf %gather3A_2244, %max3A_2255 : vector<16xf32>
        %exp3A_2271 = math.exp %sub3A_2270 : vector<16xf32>
        %sub3A_2272 = arith.subf %gather3A_2245, %max3A_2255 : vector<16xf32>
        %exp3A_2273 = math.exp %sub3A_2272 : vector<16xf32>
        %sub3A_2274 = arith.subf %gather3A_2246, %max3A_2255 : vector<16xf32>
        %exp3A_2275 = math.exp %sub3A_2274 : vector<16xf32>
        %add3A_2276 = arith.addf %exp3A_2257, %exp3A_2259 : vector<16xf32>
        %add3A_2277 = arith.addf %exp3A_2261, %exp3A_2263 : vector<16xf32>
        %add3A_2278 = arith.addf %exp3A_2265, %exp3A_2267 : vector<16xf32>
        %add3A_2279 = arith.addf %exp3A_2269, %exp3A_2271 : vector<16xf32>
        %add3A_2280 = arith.addf %exp3A_2273, %exp3A_2275 : vector<16xf32>
        %add3A_2281 = arith.addf %add3A_2276, %add3A_2277 : vector<16xf32>
        %add3A_2282 = arith.addf %add3A_2278, %add3A_2279 : vector<16xf32>
        %add3A_2283 = arith.addf %add3A_2281, %add3A_2282 : vector<16xf32>
        %add3A_2284 = arith.addf %add3A_2283, %add3A_2280 : vector<16xf32>
        %div3A_2285 = arith.constant 1.000000e+00 : f32
        %div3A_2286 = vector.broadcast %div3A_2285 : f32 to vector<16xf32>
        %div3A_2287 = arith.divf %div3A_2286, %add3A_2284 : vector<16xf32>
        %mul3A_2288 = arith.mulf %exp3A_2257, %div3A_2287 : vector<16xf32>
        %swap3A_2289 = arith.constant 0 : i32
        %swap3A_2290 = arith.index_cast %swap3A_2289 : i32 to index
        %swap3A_2291 = arith.constant 0 : index
        %swap3A_2292 = tpu.vector_load %arg18[%swap3A_2290, %swap3A_2291] {strides = array<i32>} : memref<10x16xf32, #tpu.memory_space<vmem>>, vector<16xf32>,
        tpu.vector_store %arg18[%swap3A_2290, %swap3A_2291], %mul3A_2288 {strides = array<i32>} : memref<10x16xf32, #tpu.memory_space<vmem>>, vector<16xf32>,
        %mul3A_2293 = arith.mulf %exp3A_2259, %div3A_2287 : vector<16xf32>
        %swap3A_2294 = arith.constant 1 : i32
        %swap3A_2295 = arith.index_cast %swap3A_2294 : i32 to index
        %swap3A_2296 = arith.constant 0 : index
        %swap3A_2297 = tpu.vector_load %arg18[%swap3A_2295, %swap3A_2296] {strides = array<i32>} : memref<10x16xf32, #tpu.memory_space<vmem>>, vector<16xf32>,
        tpu.vector_store %arg18[%swap3A_2295, %swap3A_2296], %mul3A_2293 {strides = array<i32>} : memref<10x16xf32, #tpu.memory_space<vmem>>, vector<16xf32>,
        %mul3A_2298 = arith.mulf %exp3A_2261, %div3A_2287 : vector<16xf32>
        %swap3A_2299 = arith.constant 2 : i32
        %swap3A_2300 = arith.index_cast %swap3A_2299 : i32 to index
        %swap3A_2301 = arith.constant 0 : index
        %swap3A_2302 = tpu.vector_load %arg18[%swap3A_2300, %swap3A_2301] {strides = array<i32>} : memref<10x16xf32, #tpu.memory_space<vmem>>, vector<16xf32>,
        tpu.vector_store %arg18[%swap3A_2300, %swap3A_2301], %mul3A_2298 {strides = array<i32>} : memref<10x16xf32, #tpu.memory_space<vmem>>, vector<16xf32>,
        %mul3A_2303 = arith.mulf %exp3A_2263, %div3A_2287 : vector<16xf32>
        %swap3A_2304 = arith.constant 3 : i32
        %swap3A_2305 = arith.index_cast %swap3A_2304 : i32 to index
        %swap3A_2306 = arith.constant 0 : index
        %swap3A_2307 = tpu.vector_load %arg18[%swap3A_2305, %swap3A_2306] {strides = array<i32>} : memref<10x16xf32, #tpu.memory_space<vmem>>, vector<16xf32>,
        tpu.vector_store %arg18[%swap3A_2305, %swap3A_2306], %mul3A_2303 {strides = array<i32>} : memref<10x16xf32, #tpu.memory_space<vmem>>, vector<16xf32>,
        %mul3A_2308 = arith.mulf %exp3A_2265, %div3A_2287 : vector<16xf32>
        %swap3A_2309 = arith.constant 4 : i32
        %swap3A_2310 = arith.index_cast %swap3A_2309 : i32 to index
        %swap3A_2311 = arith.constant 0 : index
        %swap3A_2312 = tpu.vector_load %arg18[%swap3A_2310, %swap3A_2311] {strides = array<i32>} : memref<10x16xf32, #tpu.memory_space<vmem>>, vector<16xf32>,
        tpu.vector_store %arg18[%swap3A_2310, %swap3A_2311], %mul3A_2308 {strides = array<i32>} : memref<10x16xf32, #tpu.memory_space<vmem>>, vector<16xf32>,
        %mul3A_2313 = arith.mulf %exp3A_2267, %div3A_2287 : vector<16xf32>
        %swap3A_2314 = arith.constant 5 : i32
        %swap3A_2315 = arith.index_cast %swap3A_2314 : i32 to index
        %swap3A_2316 = arith.constant 0 : index
        %swap3A_2317 = tpu.vector_load %arg18[%swap3A_2315, %swap3A_2316] {strides = array<i32>} : memref<10x16xf32, #tpu.memory_space<vmem>>, vector<16xf32>,
        tpu.vector_store %arg18[%swap3A_2315, %swap3A_2316], %mul3A_2313 {strides = array<i32>} : memref<10x16xf32, #tpu.memory_space<vmem>>, vector<16xf32>,
        %mul3A_2318 = arith.mulf %exp3A_2269, %div3A_2287 : vector<16xf32>
        %swap3A_2319 = arith.constant 6 : i32
        %swap3A_2320 = arith.index_cast %swap3A_2319 : i32 to index
        %swap3A_2321 = arith.constant 0 : index
        %swap3A_2322 = tpu.vector_load %arg18[%swap3A_2320, %swap3A_2321] {strides = array<i32>} : memref<10x16xf32, #tpu.memory_space<vmem>>, vector<16xf32>,
        tpu.vector_store %arg18[%swap3A_2320, %swap3A_2321], %mul3A_2318 {strides = array<i32>} : memref<10x16xf32, #tpu.memory_space<vmem>>, vector<16xf32>,
        %mul3A_2323 = arith.mulf %exp3A_2271, %div3A_2287 : vector<16xf32>
        %swap3A_2324 = arith.constant 7 : i32
        %swap3A_2325 = arith.index_cast %swap3A_2324 : i32 to index
        %swap3A_2326 = arith.constant 0 : index
        %swap3A_2327 = tpu.vector_load %arg18[%swap3A_2325, %swap3A_2326] {strides = array<i32>} : memref<10x16xf32, #tpu.memory_space<vmem>>, vector<16xf32>,
        tpu.vector_store %arg18[%swap3A_2325, %swap3A_2326], %mul3A_2323 {strides = array<i32>} : memref<10x16xf32, #tpu.memory_space<vmem>>, vector<16xf32>,
        %mul3A_2328 = arith.mulf %exp3A_2273, %div3A_2287 : vector<16xf32>
        %swap3A_2329 = arith.constant 8 : i32
        %swap3A_2330 = arith.index_cast %swap3A_2329 : i32 to index
        %swap3A_2331 = arith.constant 0 : index
        %swap3A_2332 = tpu.vector_load %arg18[%swap3A_2330, %swap3A_2331] {strides = array<i32>} : memref<10x16xf32, #tpu.memory_space<vmem>>, vector<16xf32>,
        tpu.vector_store %arg18[%swap3A_2330, %swap3A_2331], %mul3A_2328 {strides = array<i32>} : memref<10x16xf32, #tpu.memory_space<vmem>>, vector<16xf32>,
        %mul3A_2333 = arith.mulf %exp3A_2275, %div3A_2287 : vector<16xf32>
        %swap3A_2334 = arith.constant 9 : i32
        %swap3A_2335 = arith.index_cast %swap3A_2334 : i32 to index
        %swap3A_2336 = arith.constant 0 : index
        %swap3A_2337 = tpu.vector_load %arg18[%swap3A_2335, %swap3A_2336] {strides = array<i32>} : memref<10x16xf32, #tpu.memory_space<vmem>>, vector<16xf32>,
        tpu.vector_store %arg18[%swap3A_2335, %swap3A_2336], %mul3A_2333 {strides = array<i32>} : memref<10x16xf32, #tpu.memory_space<vmem>>, vector<16xf32>,
      } else {
      }
      %add3A_1263 = arith.addi %mul3A_2, %mul3A_353 : i32
      "tpu.region"() ({
        %run_scoped3A = tpu.sem_alloc : memref<!tpu.dma_semaphore, #tpu.memory_space<semaphore_mem>>
        %dma_start3A_2184 = arith.constant 0 : i32
        %dma_start3A_2185 = tpu.memref_slice %arg6[%add3A_1263, %dma_start3A_2184] : memref<10240x768xf32, #tpu.memory_space<hbm>> -> memref<16x768xf32, #tpu.memory_space<hbm>>
        %dma_start3A_2186 = arith.constant 0 : i32
        %dma_start3A_2187 = tpu.memref_slice %arg6[%add3A_1263, %dma_start3A_2186] : memref<10240x768xf32, #tpu.memory_space<hbm>> -> memref<16x768xf32, #tpu.memory_space<hbm>>
        tpu.enqueue_dma source(%arg19 : memref<16x768xf32, #tpu.memory_space<vmem>>) target(%dma_start3A_2187 : memref<16x768xf32, #tpu.memory_space<hbm>>) target_semaphore(%run_scoped3A : memref<!tpu.dma_semaphore, #tpu.memory_space<semaphore_mem>>)
        %dma_wait3A_2188 = arith.constant 0 : i32
        %dma_wait3A_2189 = tpu.memref_slice %arg6[%add3A_1263, %dma_wait3A_2188] : memref<10240x768xf32, #tpu.memory_space<hbm>> -> memref<16x768xf32, #tpu.memory_space<hbm>>
        %dma_wait3A_2190 = arith.constant 0 : i32
        %dma_wait3A_2191 = tpu.memref_slice %arg6[%add3A_1263, %dma_wait3A_2190] : memref<10240x768xf32, #tpu.memory_space<hbm>> -> memref<16x768xf32, #tpu.memory_space<hbm>>
        tpu.wait_dma2 semaphore(%run_scoped3A : memref<!tpu.dma_semaphore, #tpu.memory_space<semaphore_mem>>) src(%arg19 : memref<16x768xf32, #tpu.memory_space<vmem>>) dst(%dma_wait3A_2191 : memref<16x768xf32, #tpu.memory_space<hbm>>)
        tpu.yield
      }) : () -> ()
      %mul3A_1264 = arith.constant 2 : i32
      %mul3A_1265 = arith.muli %mul3A_1264, %scan3A_349 : i32
      %add3A_1266 = arith.constant 1 : i32
      %add3A_1267 = arith.addi %mul3A_1265, %add3A_1266 : i32
      %mul3A_1268 = arith.constant 16 : i32
      %mul3A_1269 = arith.muli %add3A_1267, %mul3A_1268 : i32
      %add3A_1270 = arith.constant 1 : i32
      %add3A_1271 = arith.addi %add3A_1267, %add3A_1270 : i32
      %lt3A_1272 = arith.constant 20 : i32
      %lt3A_1273 = arith.cmpi slt, %add3A_1271, %lt3A_1272 : i32
      %convert_element_type3A_1274 = arith.extui %lt3A_1273 : i1 to i32
      %cond3A_1275 = arith.constant 0 : i32
      %cond3A_1276 = arith.cmpi ne, %convert_element_type3A_1274, %cond3A_1275 : i32
      scf.if %cond3A_1276 {
        %add3A_2184 = arith.constant 1 : i32
        %add3A_2185 = arith.addi %add3A_1267, %add3A_2184 : i32
        %mul3A_2186 = arith.constant 16 : i32
        %mul3A_2187 = arith.muli %add3A_2185, %mul3A_2186 : i32
        %get3A_2188 = arith.index_cast %mul3A_2187 : i32 to index
        %get3A_2189 = tpu.vector_load %arg8[%get3A_2188] {strides = array<i32>} : memref<320xi32, #tpu.memory_space<vmem>>, vector<16xi32>,
        %swap3A_2190 = arith.constant 0 : index
        %swap3A_2191 = tpu.vector_load %arg9[%swap3A_2190] {strides = array<i32>} : memref<16xi32, #tpu.memory_space<vmem>>, vector<16xi32>,
        tpu.vector_store %arg9[%swap3A_2190], %get3A_2189 {strides = array<i32>} : memref<16xi32, #tpu.memory_space<vmem>>, vector<16xi32>,
        %dma_start3A_2192 = arith.constant 0 : i32
        %dma_start3A_2193 = arith.constant 0 : i32
        %dma_start3A_2194 = tpu.memref_slice %arg3[%dma_start3A_2192, %dma_start3A_2193] : memref<50000x128xi32, #tpu.memory_space<hbm>> -> memref<50000x128xi32, #tpu.memory_space<hbm>>
        tpu.enqueue_indirect_dma source(%dma_start3A_2194 : memref<50000x128xi32, #tpu.memory_space<hbm>>) target(%arg11 : memref<16x128xi32, #tpu.memory_space<vmem>>) offsets(%arg9 : memref<16xi32, #tpu.memory_space<vmem>>) semaphore(%arg22 : memref<!tpu.dma_semaphore, #tpu.memory_space<semaphore_mem>>)
      } else {
      }
      %dma_wait3A_1277 = arith.constant 0 : i32
      %dma_wait3A_1278 = arith.constant 0 : i32
      %dma_wait3A_1279 = tpu.memref_slice %arg5[%dma_wait3A_1277, %dma_wait3A_1278] : memref<50000x128xf32, #tpu.memory_space<hbm>> -> memref<50000x128xf32, #tpu.memory_space<hbm>>
      tpu.wait_indirect_dma semaphore(%arg20 : memref<!tpu.dma_semaphore, #tpu.memory_space<semaphore_mem>>) src(%dma_wait3A_1279 : memref<50000x128xf32, #tpu.memory_space<hbm>>) dst(%arg15 : memref<160x128xf32, #tpu.memory_space<vmem>>)
      %get3A_1280 = arith.constant 0 : i32
      %get3A_1281 = arith.index_cast %get3A_1280 : i32 to index
      %get3A_1282 = arith.constant 0 : index
      %get3A_1283 = tpu.vector_load %arg17[%get3A_1281, %get3A_1282] {strides = array<i32>} : memref<10x16xf32, #tpu.memory_space<vmem>>, vector<16xf32>,
      %get3A_1284 = arith.constant 1 : i32
      %get3A_1285 = arith.index_cast %get3A_1284 : i32 to index
      %get3A_1286 = arith.constant 0 : index
      %get3A_1287 = tpu.vector_load %arg17[%get3A_1285, %get3A_1286] {strides = array<i32>} : memref<10x16xf32, #tpu.memory_space<vmem>>, vector<16xf32>,
      %get3A_1288 = arith.constant 2 : i32
      %get3A_1289 = arith.index_cast %get3A_1288 : i32 to index
      %get3A_1290 = arith.constant 0 : index
      %get3A_1291 = tpu.vector_load %arg17[%get3A_1289, %get3A_1290] {strides = array<i32>} : memref<10x16xf32, #tpu.memory_space<vmem>>, vector<16xf32>,
      %get3A_1292 = arith.constant 3 : i32
      %get3A_1293 = arith.index_cast %get3A_1292 : i32 to index
      %get3A_1294 = arith.constant 0 : index
      %get3A_1295 = tpu.vector_load %arg17[%get3A_1293, %get3A_1294] {strides = array<i32>} : memref<10x16xf32, #tpu.memory_space<vmem>>, vector<16xf32>,
      %get3A_1296 = arith.constant 4 : i32
      %get3A_1297 = arith.index_cast %get3A_1296 : i32 to index
      %get3A_1298 = arith.constant 0 : index
      %get3A_1299 = tpu.vector_load %arg17[%get3A_1297, %get3A_1298] {strides = array<i32>} : memref<10x16xf32, #tpu.memory_space<vmem>>, vector<16xf32>,
      %get3A_1300 = arith.constant 5 : i32
      %get3A_1301 = arith.index_cast %get3A_1300 : i32 to index
      %get3A_1302 = arith.constant 0 : index
      %get3A_1303 = tpu.vector_load %arg17[%get3A_1301, %get3A_1302] {strides = array<i32>} : memref<10x16xf32, #tpu.memory_space<vmem>>, vector<16xf32>,
      %get3A_1304 = arith.constant 6 : i32
      %get3A_1305 = arith.index_cast %get3A_1304 : i32 to index
      %get3A_1306 = arith.constant 0 : index
      %get3A_1307 = tpu.vector_load %arg17[%get3A_1305, %get3A_1306] {strides = array<i32>} : memref<10x16xf32, #tpu.memory_space<vmem>>, vector<16xf32>,
      %get3A_1308 = arith.constant 7 : i32
      %get3A_1309 = arith.index_cast %get3A_1308 : i32 to index
      %get3A_1310 = arith.constant 0 : index
      %get3A_1311 = tpu.vector_load %arg17[%get3A_1309, %get3A_1310] {strides = array<i32>} : memref<10x16xf32, #tpu.memory_space<vmem>>, vector<16xf32>,
      %get3A_1312 = arith.constant 8 : i32
      %get3A_1313 = arith.index_cast %get3A_1312 : i32 to index
      %get3A_1314 = arith.constant 0 : index
      %get3A_1315 = tpu.vector_load %arg17[%get3A_1313, %get3A_1314] {strides = array<i32>} : memref<10x16xf32, #tpu.memory_space<vmem>>, vector<16xf32>,
      %get3A_1316 = arith.constant 9 : i32
      %get3A_1317 = arith.index_cast %get3A_1316 : i32 to index
      %get3A_1318 = arith.constant 0 : index
      %get3A_1319 = tpu.vector_load %arg17[%get3A_1317, %get3A_1318] {strides = array<i32>} : memref<10x16xf32, #tpu.memory_space<vmem>>, vector<16xf32>,
      %parallel_loop3A_1320 = arith.constant 0 : i32
      %parallel_loop3A_1321 = arith.constant 16 : i32
      %parallel_loop3A_1322 = arith.constant 1 : i32
      scf.for %parallel_loop3A_2184 = %parallel_loop3A_1320 to %parallel_loop3A_1321 step %parallel_loop3A_1322  : i32 {
        %parallel_loop3A_2185 = vector.broadcast %parallel_loop3A_2184 : i32 to vector<16xi32>
        %parallel_loop3A_2186 = tpu.vector_load_idx %arg15[%add3A_5, %parallel_loop3A_2185] : memref<160x128xf32, #tpu.memory_space<vmem>>[vector<16xi32>, vector<16xi32>], vector<16xf32>,
        %parallel_loop3A_2187 = arith.mulf %get3A_1283, %parallel_loop3A_2186 : vector<16xf32>
        %parallel_loop3A_2188 = arith.constant 0 : i32
        %parallel_loop3A_2189 = vector.broadcast %parallel_loop3A_2188 : i32 to vector<16xi32>
        %parallel_loop3A_2190 = arith.addi %parallel_loop3A_2185, %parallel_loop3A_2189 : vector<16xi32>
        tpu.vector_store_idx %arg19[%iota3A, %parallel_loop3A_2190], %parallel_loop3A_2187 : memref<16x768xf32, #tpu.memory_space<vmem>>[vector<16xi32>, vector<16xi32>], vector<16xf32>,
      } {sc.loop_unroll_factor = 4 : i64, sc.parallel_access}
      %broadcast_in_dim3A_1323 = arith.constant 20 : i32
      %broadcast_in_dim3A_1324 = vector.broadcast %broadcast_in_dim3A_1323 : i32 to vector<16xi32>
      %gather3A_1325 = tpu.vector_load_idx %arg12[%iota3A, %broadcast_in_dim3A_1324] : memref<16x128xi32, #tpu.memory_space<vmem>>[vector<16xi32>, vector<16xi32>], vector<16xi32>,
      %swap3A_1326 = arith.constant 0 : index
      %swap3A_1327 = tpu.vector_load %arg13[%swap3A_1326] {strides = array<i32>} : memref<160xi32, #tpu.memory_space<vmem>>, vector<16xi32>,
      tpu.vector_store %arg13[%swap3A_1326], %gather3A_1325 {strides = array<i32>} : memref<160xi32, #tpu.memory_space<vmem>>, vector<16xi32>,
      %broadcast_in_dim3A_1328 = arith.constant 21 : i32
      %broadcast_in_dim3A_1329 = vector.broadcast %broadcast_in_dim3A_1328 : i32 to vector<16xi32>
      %gather3A_1330 = tpu.vector_load_idx %arg12[%iota3A, %broadcast_in_dim3A_1329] : memref<16x128xi32, #tpu.memory_space<vmem>>[vector<16xi32>, vector<16xi32>], vector<16xi32>,
      %swap3A_1331 = arith.constant 16 : index
      %swap3A_1332 = tpu.vector_load %arg13[%swap3A_1331] {strides = array<i32>} : memref<160xi32, #tpu.memory_space<vmem>>, vector<16xi32>,
      tpu.vector_store %arg13[%swap3A_1331], %gather3A_1330 {strides = array<i32>} : memref<160xi32, #tpu.memory_space<vmem>>, vector<16xi32>,
      %broadcast_in_dim3A_1333 = arith.constant 22 : i32
      %broadcast_in_dim3A_1334 = vector.broadcast %broadcast_in_dim3A_1333 : i32 to vector<16xi32>
      %gather3A_1335 = tpu.vector_load_idx %arg12[%iota3A, %broadcast_in_dim3A_1334] : memref<16x128xi32, #tpu.memory_space<vmem>>[vector<16xi32>, vector<16xi32>], vector<16xi32>,
      %swap3A_1336 = arith.constant 32 : index
      %swap3A_1337 = tpu.vector_load %arg13[%swap3A_1336] {strides = array<i32>} : memref<160xi32, #tpu.memory_space<vmem>>, vector<16xi32>,
      tpu.vector_store %arg13[%swap3A_1336], %gather3A_1335 {strides = array<i32>} : memref<160xi32, #tpu.memory_space<vmem>>, vector<16xi32>,
      %broadcast_in_dim3A_1338 = arith.constant 23 : i32
      %broadcast_in_dim3A_1339 = vector.broadcast %broadcast_in_dim3A_1338 : i32 to vector<16xi32>
      %gather3A_1340 = tpu.vector_load_idx %arg12[%iota3A, %broadcast_in_dim3A_1339] : memref<16x128xi32, #tpu.memory_space<vmem>>[vector<16xi32>, vector<16xi32>], vector<16xi32>,
      %swap3A_1341 = arith.constant 48 : index
      %swap3A_1342 = tpu.vector_load %arg13[%swap3A_1341] {strides = array<i32>} : memref<160xi32, #tpu.memory_space<vmem>>, vector<16xi32>,
      tpu.vector_store %arg13[%swap3A_1341], %gather3A_1340 {strides = array<i32>} : memref<160xi32, #tpu.memory_space<vmem>>, vector<16xi32>,
      %broadcast_in_dim3A_1343 = arith.constant 24 : i32
      %broadcast_in_dim3A_1344 = vector.broadcast %broadcast_in_dim3A_1343 : i32 to vector<16xi32>
      %gather3A_1345 = tpu.vector_load_idx %arg12[%iota3A, %broadcast_in_dim3A_1344] : memref<16x128xi32, #tpu.memory_space<vmem>>[vector<16xi32>, vector<16xi32>], vector<16xi32>,
      %swap3A_1346 = arith.constant 64 : index
      %swap3A_1347 = tpu.vector_load %arg13[%swap3A_1346] {strides = array<i32>} : memref<160xi32, #tpu.memory_space<vmem>>, vector<16xi32>,
      tpu.vector_store %arg13[%swap3A_1346], %gather3A_1345 {strides = array<i32>} : memref<160xi32, #tpu.memory_space<vmem>>, vector<16xi32>,
      %broadcast_in_dim3A_1348 = arith.constant 25 : i32
      %broadcast_in_dim3A_1349 = vector.broadcast %broadcast_in_dim3A_1348 : i32 to vector<16xi32>
      %gather3A_1350 = tpu.vector_load_idx %arg12[%iota3A, %broadcast_in_dim3A_1349] : memref<16x128xi32, #tpu.memory_space<vmem>>[vector<16xi32>, vector<16xi32>], vector<16xi32>,
      %swap3A_1351 = arith.constant 80 : index
      %swap3A_1352 = tpu.vector_load %arg13[%swap3A_1351] {strides = array<i32>} : memref<160xi32, #tpu.memory_space<vmem>>, vector<16xi32>,
      tpu.vector_store %arg13[%swap3A_1351], %gather3A_1350 {strides = array<i32>} : memref<160xi32, #tpu.memory_space<vmem>>, vector<16xi32>,
      %broadcast_in_dim3A_1353 = arith.constant 26 : i32
      %broadcast_in_dim3A_1354 = vector.broadcast %broadcast_in_dim3A_1353 : i32 to vector<16xi32>
      %gather3A_1355 = tpu.vector_load_idx %arg12[%iota3A, %broadcast_in_dim3A_1354] : memref<16x128xi32, #tpu.memory_space<vmem>>[vector<16xi32>, vector<16xi32>], vector<16xi32>,
      %swap3A_1356 = arith.constant 96 : index
      %swap3A_1357 = tpu.vector_load %arg13[%swap3A_1356] {strides = array<i32>} : memref<160xi32, #tpu.memory_space<vmem>>, vector<16xi32>,
      tpu.vector_store %arg13[%swap3A_1356], %gather3A_1355 {strides = array<i32>} : memref<160xi32, #tpu.memory_space<vmem>>, vector<16xi32>,
      %broadcast_in_dim3A_1358 = arith.constant 27 : i32
      %broadcast_in_dim3A_1359 = vector.broadcast %broadcast_in_dim3A_1358 : i32 to vector<16xi32>
      %gather3A_1360 = tpu.vector_load_idx %arg12[%iota3A, %broadcast_in_dim3A_1359] : memref<16x128xi32, #tpu.memory_space<vmem>>[vector<16xi32>, vector<16xi32>], vector<16xi32>,
      %swap3A_1361 = arith.constant 112 : index
      %swap3A_1362 = tpu.vector_load %arg13[%swap3A_1361] {strides = array<i32>} : memref<160xi32, #tpu.memory_space<vmem>>, vector<16xi32>,
      tpu.vector_store %arg13[%swap3A_1361], %gather3A_1360 {strides = array<i32>} : memref<160xi32, #tpu.memory_space<vmem>>, vector<16xi32>,
      %broadcast_in_dim3A_1363 = arith.constant 28 : i32
      %broadcast_in_dim3A_1364 = vector.broadcast %broadcast_in_dim3A_1363 : i32 to vector<16xi32>
      %gather3A_1365 = tpu.vector_load_idx %arg12[%iota3A, %broadcast_in_dim3A_1364] : memref<16x128xi32, #tpu.memory_space<vmem>>[vector<16xi32>, vector<16xi32>], vector<16xi32>,
      %swap3A_1366 = arith.constant 128 : index
      %swap3A_1367 = tpu.vector_load %arg13[%swap3A_1366] {strides = array<i32>} : memref<160xi32, #tpu.memory_space<vmem>>, vector<16xi32>,
      tpu.vector_store %arg13[%swap3A_1366], %gather3A_1365 {strides = array<i32>} : memref<160xi32, #tpu.memory_space<vmem>>, vector<16xi32>,
      %broadcast_in_dim3A_1368 = arith.constant 29 : i32
      %broadcast_in_dim3A_1369 = vector.broadcast %broadcast_in_dim3A_1368 : i32 to vector<16xi32>
      %gather3A_1370 = tpu.vector_load_idx %arg12[%iota3A, %broadcast_in_dim3A_1369] : memref<16x128xi32, #tpu.memory_space<vmem>>[vector<16xi32>, vector<16xi32>], vector<16xi32>,
      %swap3A_1371 = arith.constant 144 : index
      %swap3A_1372 = tpu.vector_load %arg13[%swap3A_1371] {strides = array<i32>} : memref<160xi32, #tpu.memory_space<vmem>>, vector<16xi32>,
      tpu.vector_store %arg13[%swap3A_1371], %gather3A_1370 {strides = array<i32>} : memref<160xi32, #tpu.memory_space<vmem>>, vector<16xi32>,
      %dma_start3A_1373 = arith.constant 0 : i32
      %dma_start3A_1374 = arith.constant 0 : i32
      %dma_start3A_1375 = tpu.memref_slice %arg5[%dma_start3A_1373, %dma_start3A_1374] : memref<50000x128xf32, #tpu.memory_space<hbm>> -> memref<50000x128xf32, #tpu.memory_space<hbm>>
      tpu.enqueue_indirect_dma source(%dma_start3A_1375 : memref<50000x128xf32, #tpu.memory_space<hbm>>) target(%arg15 : memref<160x128xf32, #tpu.memory_space<vmem>>) offsets(%arg13 : memref<160xi32, #tpu.memory_space<vmem>>) semaphore(%arg20 : memref<!tpu.dma_semaphore, #tpu.memory_space<semaphore_mem>>)
      %gather3A_1376 = tpu.vector_load_idx %arg7[%gather3A_1325] : memref<50000xf32, #tpu.memory_space<vmem>>[vector<16xi32>], vector<16xf32>,
      %gather3A_1377 = tpu.vector_load_idx %arg7[%gather3A_1330] : memref<50000xf32, #tpu.memory_space<vmem>>[vector<16xi32>], vector<16xf32>,
      %gather3A_1378 = tpu.vector_load_idx %arg7[%gather3A_1335] : memref<50000xf32, #tpu.memory_space<vmem>>[vector<16xi32>], vector<16xf32>,
      %gather3A_1379 = tpu.vector_load_idx %arg7[%gather3A_1340] : memref<50000xf32, #tpu.memory_space<vmem>>[vector<16xi32>], vector<16xf32>,
      %gather3A_1380 = tpu.vector_load_idx %arg7[%gather3A_1345] : memref<50000xf32, #tpu.memory_space<vmem>>[vector<16xi32>], vector<16xf32>,
      %gather3A_1381 = tpu.vector_load_idx %arg7[%gather3A_1350] : memref<50000xf32, #tpu.memory_space<vmem>>[vector<16xi32>], vector<16xf32>,
      %gather3A_1382 = tpu.vector_load_idx %arg7[%gather3A_1355] : memref<50000xf32, #tpu.memory_space<vmem>>[vector<16xi32>], vector<16xf32>,
      %gather3A_1383 = tpu.vector_load_idx %arg7[%gather3A_1360] : memref<50000xf32, #tpu.memory_space<vmem>>[vector<16xi32>], vector<16xf32>,
      %gather3A_1384 = tpu.vector_load_idx %arg7[%gather3A_1365] : memref<50000xf32, #tpu.memory_space<vmem>>[vector<16xi32>], vector<16xf32>,
      %gather3A_1385 = tpu.vector_load_idx %arg7[%gather3A_1370] : memref<50000xf32, #tpu.memory_space<vmem>>[vector<16xi32>], vector<16xf32>,
      %max3A_1386 = arith.maximumf %gather3A_1376, %gather3A_1377 : vector<16xf32>
      %max3A_1387 = arith.maximumf %max3A_1386, %gather3A_1378 : vector<16xf32>
      %max3A_1388 = arith.maximumf %max3A_1387, %gather3A_1379 : vector<16xf32>
      %max3A_1389 = arith.maximumf %max3A_1388, %gather3A_1380 : vector<16xf32>
      %max3A_1390 = arith.maximumf %max3A_1389, %gather3A_1381 : vector<16xf32>
      %max3A_1391 = arith.maximumf %max3A_1390, %gather3A_1382 : vector<16xf32>
      %max3A_1392 = arith.maximumf %max3A_1391, %gather3A_1383 : vector<16xf32>
      %max3A_1393 = arith.maximumf %max3A_1392, %gather3A_1384 : vector<16xf32>
      %max3A_1394 = arith.maximumf %max3A_1393, %gather3A_1385 : vector<16xf32>
      %sub3A_1395 = arith.subf %gather3A_1376, %max3A_1394 : vector<16xf32>
      %exp3A_1396 = math.exp %sub3A_1395 : vector<16xf32>
      %sub3A_1397 = arith.subf %gather3A_1377, %max3A_1394 : vector<16xf32>
      %exp3A_1398 = math.exp %sub3A_1397 : vector<16xf32>
      %sub3A_1399 = arith.subf %gather3A_1378, %max3A_1394 : vector<16xf32>
      %exp3A_1400 = math.exp %sub3A_1399 : vector<16xf32>
      %sub3A_1401 = arith.subf %gather3A_1379, %max3A_1394 : vector<16xf32>
      %exp3A_1402 = math.exp %sub3A_1401 : vector<16xf32>
      %sub3A_1403 = arith.subf %gather3A_1380, %max3A_1394 : vector<16xf32>
      %exp3A_1404 = math.exp %sub3A_1403 : vector<16xf32>
      %sub3A_1405 = arith.subf %gather3A_1381, %max3A_1394 : vector<16xf32>
      %exp3A_1406 = math.exp %sub3A_1405 : vector<16xf32>
      %sub3A_1407 = arith.subf %gather3A_1382, %max3A_1394 : vector<16xf32>
      %exp3A_1408 = math.exp %sub3A_1407 : vector<16xf32>
      %sub3A_1409 = arith.subf %gather3A_1383, %max3A_1394 : vector<16xf32>
      %exp3A_1410 = math.exp %sub3A_1409 : vector<16xf32>
      %sub3A_1411 = arith.subf %gather3A_1384, %max3A_1394 : vector<16xf32>
      %exp3A_1412 = math.exp %sub3A_1411 : vector<16xf32>
      %sub3A_1413 = arith.subf %gather3A_1385, %max3A_1394 : vector<16xf32>
      %exp3A_1414 = math.exp %sub3A_1413 : vector<16xf32>
      %add3A_1415 = arith.addf %exp3A_1396, %exp3A_1398 : vector<16xf32>
      %add3A_1416 = arith.addf %exp3A_1400, %exp3A_1402 : vector<16xf32>
      %add3A_1417 = arith.addf %exp3A_1404, %exp3A_1406 : vector<16xf32>
      %add3A_1418 = arith.addf %exp3A_1408, %exp3A_1410 : vector<16xf32>
      %add3A_1419 = arith.addf %exp3A_1412, %exp3A_1414 : vector<16xf32>
      %add3A_1420 = arith.addf %add3A_1415, %add3A_1416 : vector<16xf32>
      %add3A_1421 = arith.addf %add3A_1417, %add3A_1418 : vector<16xf32>
      %add3A_1422 = arith.addf %add3A_1420, %add3A_1421 : vector<16xf32>
      %add3A_1423 = arith.addf %add3A_1422, %add3A_1419 : vector<16xf32>
      %div3A_1424 = arith.constant 1.000000e+00 : f32
      %div3A_1425 = vector.broadcast %div3A_1424 : f32 to vector<16xf32>
      %div3A_1426 = arith.divf %div3A_1425, %add3A_1423 : vector<16xf32>
      %mul3A_1427 = arith.mulf %exp3A_1396, %div3A_1426 : vector<16xf32>
      %swap3A_1428 = arith.constant 0 : i32
      %swap3A_1429 = arith.index_cast %swap3A_1428 : i32 to index
      %swap3A_1430 = arith.constant 0 : index
      %swap3A_1431 = tpu.vector_load %arg17[%swap3A_1429, %swap3A_1430] {strides = array<i32>} : memref<10x16xf32, #tpu.memory_space<vmem>>, vector<16xf32>,
      tpu.vector_store %arg17[%swap3A_1429, %swap3A_1430], %mul3A_1427 {strides = array<i32>} : memref<10x16xf32, #tpu.memory_space<vmem>>, vector<16xf32>,
      %mul3A_1432 = arith.mulf %exp3A_1398, %div3A_1426 : vector<16xf32>
      %swap3A_1433 = arith.constant 1 : i32
      %swap3A_1434 = arith.index_cast %swap3A_1433 : i32 to index
      %swap3A_1435 = arith.constant 0 : index
      %swap3A_1436 = tpu.vector_load %arg17[%swap3A_1434, %swap3A_1435] {strides = array<i32>} : memref<10x16xf32, #tpu.memory_space<vmem>>, vector<16xf32>,
      tpu.vector_store %arg17[%swap3A_1434, %swap3A_1435], %mul3A_1432 {strides = array<i32>} : memref<10x16xf32, #tpu.memory_space<vmem>>, vector<16xf32>,
      %mul3A_1437 = arith.mulf %exp3A_1400, %div3A_1426 : vector<16xf32>
      %swap3A_1438 = arith.constant 2 : i32
      %swap3A_1439 = arith.index_cast %swap3A_1438 : i32 to index
      %swap3A_1440 = arith.constant 0 : index
      %swap3A_1441 = tpu.vector_load %arg17[%swap3A_1439, %swap3A_1440] {strides = array<i32>} : memref<10x16xf32, #tpu.memory_space<vmem>>, vector<16xf32>,
      tpu.vector_store %arg17[%swap3A_1439, %swap3A_1440], %mul3A_1437 {strides = array<i32>} : memref<10x16xf32, #tpu.memory_space<vmem>>, vector<16xf32>,
      %mul3A_1442 = arith.mulf %exp3A_1402, %div3A_1426 : vector<16xf32>
      %swap3A_1443 = arith.constant 3 : i32
      %swap3A_1444 = arith.index_cast %swap3A_1443 : i32 to index
      %swap3A_1445 = arith.constant 0 : index
      %swap3A_1446 = tpu.vector_load %arg17[%swap3A_1444, %swap3A_1445] {strides = array<i32>} : memref<10x16xf32, #tpu.memory_space<vmem>>, vector<16xf32>,
      tpu.vector_store %arg17[%swap3A_1444, %swap3A_1445], %mul3A_1442 {strides = array<i32>} : memref<10x16xf32, #tpu.memory_space<vmem>>, vector<16xf32>,
      %mul3A_1447 = arith.mulf %exp3A_1404, %div3A_1426 : vector<16xf32>
      %swap3A_1448 = arith.constant 4 : i32
      %swap3A_1449 = arith.index_cast %swap3A_1448 : i32 to index
      %swap3A_1450 = arith.constant 0 : index
      %swap3A_1451 = tpu.vector_load %arg17[%swap3A_1449, %swap3A_1450] {strides = array<i32>} : memref<10x16xf32, #tpu.memory_space<vmem>>, vector<16xf32>,
      tpu.vector_store %arg17[%swap3A_1449, %swap3A_1450], %mul3A_1447 {strides = array<i32>} : memref<10x16xf32, #tpu.memory_space<vmem>>, vector<16xf32>,
      %mul3A_1452 = arith.mulf %exp3A_1406, %div3A_1426 : vector<16xf32>
      %swap3A_1453 = arith.constant 5 : i32
      %swap3A_1454 = arith.index_cast %swap3A_1453 : i32 to index
      %swap3A_1455 = arith.constant 0 : index
      %swap3A_1456 = tpu.vector_load %arg17[%swap3A_1454, %swap3A_1455] {strides = array<i32>} : memref<10x16xf32, #tpu.memory_space<vmem>>, vector<16xf32>,
      tpu.vector_store %arg17[%swap3A_1454, %swap3A_1455], %mul3A_1452 {strides = array<i32>} : memref<10x16xf32, #tpu.memory_space<vmem>>, vector<16xf32>,
      %mul3A_1457 = arith.mulf %exp3A_1408, %div3A_1426 : vector<16xf32>
      %swap3A_1458 = arith.constant 6 : i32
      %swap3A_1459 = arith.index_cast %swap3A_1458 : i32 to index
      %swap3A_1460 = arith.constant 0 : index
      %swap3A_1461 = tpu.vector_load %arg17[%swap3A_1459, %swap3A_1460] {strides = array<i32>} : memref<10x16xf32, #tpu.memory_space<vmem>>, vector<16xf32>,
      tpu.vector_store %arg17[%swap3A_1459, %swap3A_1460], %mul3A_1457 {strides = array<i32>} : memref<10x16xf32, #tpu.memory_space<vmem>>, vector<16xf32>,
      %mul3A_1462 = arith.mulf %exp3A_1410, %div3A_1426 : vector<16xf32>
      %swap3A_1463 = arith.constant 7 : i32
      %swap3A_1464 = arith.index_cast %swap3A_1463 : i32 to index
      %swap3A_1465 = arith.constant 0 : index
      %swap3A_1466 = tpu.vector_load %arg17[%swap3A_1464, %swap3A_1465] {strides = array<i32>} : memref<10x16xf32, #tpu.memory_space<vmem>>, vector<16xf32>,
      tpu.vector_store %arg17[%swap3A_1464, %swap3A_1465], %mul3A_1462 {strides = array<i32>} : memref<10x16xf32, #tpu.memory_space<vmem>>, vector<16xf32>,
      %mul3A_1467 = arith.mulf %exp3A_1412, %div3A_1426 : vector<16xf32>
      %swap3A_1468 = arith.constant 8 : i32
      %swap3A_1469 = arith.index_cast %swap3A_1468 : i32 to index
      %swap3A_1470 = arith.constant 0 : index
      %swap3A_1471 = tpu.vector_load %arg17[%swap3A_1469, %swap3A_1470] {strides = array<i32>} : memref<10x16xf32, #tpu.memory_space<vmem>>, vector<16xf32>,
      tpu.vector_store %arg17[%swap3A_1469, %swap3A_1470], %mul3A_1467 {strides = array<i32>} : memref<10x16xf32, #tpu.memory_space<vmem>>, vector<16xf32>,
      %mul3A_1472 = arith.mulf %exp3A_1414, %div3A_1426 : vector<16xf32>
      %swap3A_1473 = arith.constant 9 : i32
      %swap3A_1474 = arith.index_cast %swap3A_1473 : i32 to index
      %swap3A_1475 = arith.constant 0 : index
      %swap3A_1476 = tpu.vector_load %arg17[%swap3A_1474, %swap3A_1475] {strides = array<i32>} : memref<10x16xf32, #tpu.memory_space<vmem>>, vector<16xf32>,
      tpu.vector_store %arg17[%swap3A_1474, %swap3A_1475], %mul3A_1472 {strides = array<i32>} : memref<10x16xf32, #tpu.memory_space<vmem>>, vector<16xf32>,
      %dma_wait3A_1477 = arith.constant 0 : i32
      %dma_wait3A_1478 = arith.constant 0 : i32
      %dma_wait3A_1479 = tpu.memref_slice %arg5[%dma_wait3A_1477, %dma_wait3A_1478] : memref<50000x128xf32, #tpu.memory_space<hbm>> -> memref<50000x128xf32, #tpu.memory_space<hbm>>
      tpu.wait_indirect_dma semaphore(%arg21 : memref<!tpu.dma_semaphore, #tpu.memory_space<semaphore_mem>>) src(%dma_wait3A_1479 : memref<50000x128xf32, #tpu.memory_space<hbm>>) dst(%arg16 : memref<160x128xf32, #tpu.memory_space<vmem>>)
      %get3A_1480 = arith.constant 0 : i32
      %get3A_1481 = arith.index_cast %get3A_1480 : i32 to index
      %get3A_1482 = arith.constant 0 : index
      %get3A_1483 = tpu.vector_load %arg18[%get3A_1481, %get3A_1482] {strides = array<i32>} : memref<10x16xf32, #tpu.memory_space<vmem>>, vector<16xf32>,
      %get3A_1484 = arith.constant 1 : i32
      %get3A_1485 = arith.index_cast %get3A_1484 : i32 to index
      %get3A_1486 = arith.constant 0 : index
      %get3A_1487 = tpu.vector_load %arg18[%get3A_1485, %get3A_1486] {strides = array<i32>} : memref<10x16xf32, #tpu.memory_space<vmem>>, vector<16xf32>,
      %get3A_1488 = arith.constant 2 : i32
      %get3A_1489 = arith.index_cast %get3A_1488 : i32 to index
      %get3A_1490 = arith.constant 0 : index
      %get3A_1491 = tpu.vector_load %arg18[%get3A_1489, %get3A_1490] {strides = array<i32>} : memref<10x16xf32, #tpu.memory_space<vmem>>, vector<16xf32>,
      %get3A_1492 = arith.constant 3 : i32
      %get3A_1493 = arith.index_cast %get3A_1492 : i32 to index
      %get3A_1494 = arith.constant 0 : index
      %get3A_1495 = tpu.vector_load %arg18[%get3A_1493, %get3A_1494] {strides = array<i32>} : memref<10x16xf32, #tpu.memory_space<vmem>>, vector<16xf32>,
      %get3A_1496 = arith.constant 4 : i32
      %get3A_1497 = arith.index_cast %get3A_1496 : i32 to index
      %get3A_1498 = arith.constant 0 : index
      %get3A_1499 = tpu.vector_load %arg18[%get3A_1497, %get3A_1498] {strides = array<i32>} : memref<10x16xf32, #tpu.memory_space<vmem>>, vector<16xf32>,
      %get3A_1500 = arith.constant 5 : i32
      %get3A_1501 = arith.index_cast %get3A_1500 : i32 to index
      %get3A_1502 = arith.constant 0 : index
      %get3A_1503 = tpu.vector_load %arg18[%get3A_1501, %get3A_1502] {strides = array<i32>} : memref<10x16xf32, #tpu.memory_space<vmem>>, vector<16xf32>,
      %get3A_1504 = arith.constant 6 : i32
      %get3A_1505 = arith.index_cast %get3A_1504 : i32 to index
      %get3A_1506 = arith.constant 0 : index
      %get3A_1507 = tpu.vector_load %arg18[%get3A_1505, %get3A_1506] {strides = array<i32>} : memref<10x16xf32, #tpu.memory_space<vmem>>, vector<16xf32>,
      %get3A_1508 = arith.constant 7 : i32
      %get3A_1509 = arith.index_cast %get3A_1508 : i32 to index
      %get3A_1510 = arith.constant 0 : index
      %get3A_1511 = tpu.vector_load %arg18[%get3A_1509, %get3A_1510] {strides = array<i32>} : memref<10x16xf32, #tpu.memory_space<vmem>>, vector<16xf32>,
      %get3A_1512 = arith.constant 8 : i32
      %get3A_1513 = arith.index_cast %get3A_1512 : i32 to index
      %get3A_1514 = arith.constant 0 : index
      %get3A_1515 = tpu.vector_load %arg18[%get3A_1513, %get3A_1514] {strides = array<i32>} : memref<10x16xf32, #tpu.memory_space<vmem>>, vector<16xf32>,
      %get3A_1516 = arith.constant 9 : i32
      %get3A_1517 = arith.index_cast %get3A_1516 : i32 to index
      %get3A_1518 = arith.constant 0 : index
      %get3A_1519 = tpu.vector_load %arg18[%get3A_1517, %get3A_1518] {strides = array<i32>} : memref<10x16xf32, #tpu.memory_space<vmem>>, vector<16xf32>,
      %parallel_loop3A_1520 = arith.constant 0 : i32
      %parallel_loop3A_1521 = arith.constant 16 : i32
      %parallel_loop3A_1522 = arith.constant 1 : i32
      scf.for %parallel_loop3A_2184 = %parallel_loop3A_1520 to %parallel_loop3A_1521 step %parallel_loop3A_1522  : i32 {
        %parallel_loop3A_2185 = vector.broadcast %parallel_loop3A_2184 : i32 to vector<16xi32>
        %parallel_loop3A_2186 = tpu.vector_load_idx %arg16[%add3A_5, %parallel_loop3A_2185] : memref<160x128xf32, #tpu.memory_space<vmem>>[vector<16xi32>, vector<16xi32>], vector<16xf32>,
        %parallel_loop3A_2187 = arith.mulf %get3A_1483, %parallel_loop3A_2186 : vector<16xf32>
        %parallel_loop3A_2188 = arith.constant 128 : i32
        %parallel_loop3A_2189 = vector.broadcast %parallel_loop3A_2188 : i32 to vector<16xi32>
        %parallel_loop3A_2190 = arith.addi %parallel_loop3A_2185, %parallel_loop3A_2189 : vector<16xi32>
        tpu.vector_store_idx %arg19[%iota3A, %parallel_loop3A_2190], %parallel_loop3A_2187 : memref<16x768xf32, #tpu.memory_space<vmem>>[vector<16xi32>, vector<16xi32>], vector<16xf32>,
      } {sc.loop_unroll_factor = 4 : i64, sc.parallel_access}
      %broadcast_in_dim3A_1523 = arith.constant 30 : i32
      %broadcast_in_dim3A_1524 = vector.broadcast %broadcast_in_dim3A_1523 : i32 to vector<16xi32>
      %gather3A_1525 = tpu.vector_load_idx %arg12[%iota3A, %broadcast_in_dim3A_1524] : memref<16x128xi32, #tpu.memory_space<vmem>>[vector<16xi32>, vector<16xi32>], vector<16xi32>,
      %swap3A_1526 = arith.constant 0 : index
      %swap3A_1527 = tpu.vector_load %arg14[%swap3A_1526] {strides = array<i32>} : memref<160xi32, #tpu.memory_space<vmem>>, vector<16xi32>,
      tpu.vector_store %arg14[%swap3A_1526], %gather3A_1525 {strides = array<i32>} : memref<160xi32, #tpu.memory_space<vmem>>, vector<16xi32>,
      %broadcast_in_dim3A_1528 = arith.constant 31 : i32
      %broadcast_in_dim3A_1529 = vector.broadcast %broadcast_in_dim3A_1528 : i32 to vector<16xi32>
      %gather3A_1530 = tpu.vector_load_idx %arg12[%iota3A, %broadcast_in_dim3A_1529] : memref<16x128xi32, #tpu.memory_space<vmem>>[vector<16xi32>, vector<16xi32>], vector<16xi32>,
      %swap3A_1531 = arith.constant 16 : index
      %swap3A_1532 = tpu.vector_load %arg14[%swap3A_1531] {strides = array<i32>} : memref<160xi32, #tpu.memory_space<vmem>>, vector<16xi32>,
      tpu.vector_store %arg14[%swap3A_1531], %gather3A_1530 {strides = array<i32>} : memref<160xi32, #tpu.memory_space<vmem>>, vector<16xi32>,
      %broadcast_in_dim3A_1533 = arith.constant 32 : i32
      %broadcast_in_dim3A_1534 = vector.broadcast %broadcast_in_dim3A_1533 : i32 to vector<16xi32>
      %gather3A_1535 = tpu.vector_load_idx %arg12[%iota3A, %broadcast_in_dim3A_1534] : memref<16x128xi32, #tpu.memory_space<vmem>>[vector<16xi32>, vector<16xi32>], vector<16xi32>,
      %swap3A_1536 = arith.constant 32 : index
      %swap3A_1537 = tpu.vector_load %arg14[%swap3A_1536] {strides = array<i32>} : memref<160xi32, #tpu.memory_space<vmem>>, vector<16xi32>,
      tpu.vector_store %arg14[%swap3A_1536], %gather3A_1535 {strides = array<i32>} : memref<160xi32, #tpu.memory_space<vmem>>, vector<16xi32>,
      %broadcast_in_dim3A_1538 = arith.constant 33 : i32
      %broadcast_in_dim3A_1539 = vector.broadcast %broadcast_in_dim3A_1538 : i32 to vector<16xi32>
      %gather3A_1540 = tpu.vector_load_idx %arg12[%iota3A, %broadcast_in_dim3A_1539] : memref<16x128xi32, #tpu.memory_space<vmem>>[vector<16xi32>, vector<16xi32>], vector<16xi32>,
      %swap3A_1541 = arith.constant 48 : index
      %swap3A_1542 = tpu.vector_load %arg14[%swap3A_1541] {strides = array<i32>} : memref<160xi32, #tpu.memory_space<vmem>>, vector<16xi32>,
      tpu.vector_store %arg14[%swap3A_1541], %gather3A_1540 {strides = array<i32>} : memref<160xi32, #tpu.memory_space<vmem>>, vector<16xi32>,
      %broadcast_in_dim3A_1543 = arith.constant 34 : i32
      %broadcast_in_dim3A_1544 = vector.broadcast %broadcast_in_dim3A_1543 : i32 to vector<16xi32>
      %gather3A_1545 = tpu.vector_load_idx %arg12[%iota3A, %broadcast_in_dim3A_1544] : memref<16x128xi32, #tpu.memory_space<vmem>>[vector<16xi32>, vector<16xi32>], vector<16xi32>,
      %swap3A_1546 = arith.constant 64 : index
      %swap3A_1547 = tpu.vector_load %arg14[%swap3A_1546] {strides = array<i32>} : memref<160xi32, #tpu.memory_space<vmem>>, vector<16xi32>,
      tpu.vector_store %arg14[%swap3A_1546], %gather3A_1545 {strides = array<i32>} : memref<160xi32, #tpu.memory_space<vmem>>, vector<16xi32>,
      %broadcast_in_dim3A_1548 = arith.constant 35 : i32
      %broadcast_in_dim3A_1549 = vector.broadcast %broadcast_in_dim3A_1548 : i32 to vector<16xi32>
      %gather3A_1550 = tpu.vector_load_idx %arg12[%iota3A, %broadcast_in_dim3A_1549] : memref<16x128xi32, #tpu.memory_space<vmem>>[vector<16xi32>, vector<16xi32>], vector<16xi32>,
      %swap3A_1551 = arith.constant 80 : index
      %swap3A_1552 = tpu.vector_load %arg14[%swap3A_1551] {strides = array<i32>} : memref<160xi32, #tpu.memory_space<vmem>>, vector<16xi32>,
      tpu.vector_store %arg14[%swap3A_1551], %gather3A_1550 {strides = array<i32>} : memref<160xi32, #tpu.memory_space<vmem>>, vector<16xi32>,
      %broadcast_in_dim3A_1553 = arith.constant 36 : i32
      %broadcast_in_dim3A_1554 = vector.broadcast %broadcast_in_dim3A_1553 : i32 to vector<16xi32>
      %gather3A_1555 = tpu.vector_load_idx %arg12[%iota3A, %broadcast_in_dim3A_1554] : memref<16x128xi32, #tpu.memory_space<vmem>>[vector<16xi32>, vector<16xi32>], vector<16xi32>,
      %swap3A_1556 = arith.constant 96 : index
      %swap3A_1557 = tpu.vector_load %arg14[%swap3A_1556] {strides = array<i32>} : memref<160xi32, #tpu.memory_space<vmem>>, vector<16xi32>,
      tpu.vector_store %arg14[%swap3A_1556], %gather3A_1555 {strides = array<i32>} : memref<160xi32, #tpu.memory_space<vmem>>, vector<16xi32>,
      %broadcast_in_dim3A_1558 = arith.constant 37 : i32
      %broadcast_in_dim3A_1559 = vector.broadcast %broadcast_in_dim3A_1558 : i32 to vector<16xi32>
      %gather3A_1560 = tpu.vector_load_idx %arg12[%iota3A, %broadcast_in_dim3A_1559] : memref<16x128xi32, #tpu.memory_space<vmem>>[vector<16xi32>, vector<16xi32>], vector<16xi32>,
      %swap3A_1561 = arith.constant 112 : index
      %swap3A_1562 = tpu.vector_load %arg14[%swap3A_1561] {strides = array<i32>} : memref<160xi32, #tpu.memory_space<vmem>>, vector<16xi32>,
      tpu.vector_store %arg14[%swap3A_1561], %gather3A_1560 {strides = array<i32>} : memref<160xi32, #tpu.memory_space<vmem>>, vector<16xi32>,
      %broadcast_in_dim3A_1563 = arith.constant 38 : i32
      %broadcast_in_dim3A_1564 = vector.broadcast %broadcast_in_dim3A_1563 : i32 to vector<16xi32>
      %gather3A_1565 = tpu.vector_load_idx %arg12[%iota3A, %broadcast_in_dim3A_1564] : memref<16x128xi32, #tpu.memory_space<vmem>>[vector<16xi32>, vector<16xi32>], vector<16xi32>,
      %swap3A_1566 = arith.constant 128 : index
      %swap3A_1567 = tpu.vector_load %arg14[%swap3A_1566] {strides = array<i32>} : memref<160xi32, #tpu.memory_space<vmem>>, vector<16xi32>,
      tpu.vector_store %arg14[%swap3A_1566], %gather3A_1565 {strides = array<i32>} : memref<160xi32, #tpu.memory_space<vmem>>, vector<16xi32>,
      %broadcast_in_dim3A_1568 = arith.constant 39 : i32
      %broadcast_in_dim3A_1569 = vector.broadcast %broadcast_in_dim3A_1568 : i32 to vector<16xi32>
      %gather3A_1570 = tpu.vector_load_idx %arg12[%iota3A, %broadcast_in_dim3A_1569] : memref<16x128xi32, #tpu.memory_space<vmem>>[vector<16xi32>, vector<16xi32>], vector<16xi32>,
      %swap3A_1571 = arith.constant 144 : index
      %swap3A_1572 = tpu.vector_load %arg14[%swap3A_1571] {strides = array<i32>} : memref<160xi32, #tpu.memory_space<vmem>>, vector<16xi32>,
      tpu.vector_store %arg14[%swap3A_1571], %gather3A_1570 {strides = array<i32>} : memref<160xi32, #tpu.memory_space<vmem>>, vector<16xi32>,
      %dma_start3A_1573 = arith.constant 0 : i32
      %dma_start3A_1574 = arith.constant 0 : i32
      %dma_start3A_1575 = tpu.memref_slice %arg5[%dma_start3A_1573, %dma_start3A_1574] : memref<50000x128xf32, #tpu.memory_space<hbm>> -> memref<50000x128xf32, #tpu.memory_space<hbm>>
      tpu.enqueue_indirect_dma source(%dma_start3A_1575 : memref<50000x128xf32, #tpu.memory_space<hbm>>) target(%arg16 : memref<160x128xf32, #tpu.memory_space<vmem>>) offsets(%arg14 : memref<160xi32, #tpu.memory_space<vmem>>) semaphore(%arg21 : memref<!tpu.dma_semaphore, #tpu.memory_space<semaphore_mem>>)
      %gather3A_1576 = tpu.vector_load_idx %arg7[%gather3A_1525] : memref<50000xf32, #tpu.memory_space<vmem>>[vector<16xi32>], vector<16xf32>,
      %gather3A_1577 = tpu.vector_load_idx %arg7[%gather3A_1530] : memref<50000xf32, #tpu.memory_space<vmem>>[vector<16xi32>], vector<16xf32>,
      %gather3A_1578 = tpu.vector_load_idx %arg7[%gather3A_1535] : memref<50000xf32, #tpu.memory_space<vmem>>[vector<16xi32>], vector<16xf32>,
      %gather3A_1579 = tpu.vector_load_idx %arg7[%gather3A_1540] : memref<50000xf32, #tpu.memory_space<vmem>>[vector<16xi32>], vector<16xf32>,
      %gather3A_1580 = tpu.vector_load_idx %arg7[%gather3A_1545] : memref<50000xf32, #tpu.memory_space<vmem>>[vector<16xi32>], vector<16xf32>,
      %gather3A_1581 = tpu.vector_load_idx %arg7[%gather3A_1550] : memref<50000xf32, #tpu.memory_space<vmem>>[vector<16xi32>], vector<16xf32>,
      %gather3A_1582 = tpu.vector_load_idx %arg7[%gather3A_1555] : memref<50000xf32, #tpu.memory_space<vmem>>[vector<16xi32>], vector<16xf32>,
      %gather3A_1583 = tpu.vector_load_idx %arg7[%gather3A_1560] : memref<50000xf32, #tpu.memory_space<vmem>>[vector<16xi32>], vector<16xf32>,
      %gather3A_1584 = tpu.vector_load_idx %arg7[%gather3A_1565] : memref<50000xf32, #tpu.memory_space<vmem>>[vector<16xi32>], vector<16xf32>,
      %gather3A_1585 = tpu.vector_load_idx %arg7[%gather3A_1570] : memref<50000xf32, #tpu.memory_space<vmem>>[vector<16xi32>], vector<16xf32>,
      %max3A_1586 = arith.maximumf %gather3A_1576, %gather3A_1577 : vector<16xf32>
      %max3A_1587 = arith.maximumf %max3A_1586, %gather3A_1578 : vector<16xf32>
      %max3A_1588 = arith.maximumf %max3A_1587, %gather3A_1579 : vector<16xf32>
      %max3A_1589 = arith.maximumf %max3A_1588, %gather3A_1580 : vector<16xf32>
      %max3A_1590 = arith.maximumf %max3A_1589, %gather3A_1581 : vector<16xf32>
      %max3A_1591 = arith.maximumf %max3A_1590, %gather3A_1582 : vector<16xf32>
      %max3A_1592 = arith.maximumf %max3A_1591, %gather3A_1583 : vector<16xf32>
      %max3A_1593 = arith.maximumf %max3A_1592, %gather3A_1584 : vector<16xf32>
      %max3A_1594 = arith.maximumf %max3A_1593, %gather3A_1585 : vector<16xf32>
      %sub3A_1595 = arith.subf %gather3A_1576, %max3A_1594 : vector<16xf32>
      %exp3A_1596 = math.exp %sub3A_1595 : vector<16xf32>
      %sub3A_1597 = arith.subf %gather3A_1577, %max3A_1594 : vector<16xf32>
      %exp3A_1598 = math.exp %sub3A_1597 : vector<16xf32>
      %sub3A_1599 = arith.subf %gather3A_1578, %max3A_1594 : vector<16xf32>
      %exp3A_1600 = math.exp %sub3A_1599 : vector<16xf32>
      %sub3A_1601 = arith.subf %gather3A_1579, %max3A_1594 : vector<16xf32>
      %exp3A_1602 = math.exp %sub3A_1601 : vector<16xf32>
      %sub3A_1603 = arith.subf %gather3A_1580, %max3A_1594 : vector<16xf32>
      %exp3A_1604 = math.exp %sub3A_1603 : vector<16xf32>
      %sub3A_1605 = arith.subf %gather3A_1581, %max3A_1594 : vector<16xf32>
      %exp3A_1606 = math.exp %sub3A_1605 : vector<16xf32>
      %sub3A_1607 = arith.subf %gather3A_1582, %max3A_1594 : vector<16xf32>
      %exp3A_1608 = math.exp %sub3A_1607 : vector<16xf32>
      %sub3A_1609 = arith.subf %gather3A_1583, %max3A_1594 : vector<16xf32>
      %exp3A_1610 = math.exp %sub3A_1609 : vector<16xf32>
      %sub3A_1611 = arith.subf %gather3A_1584, %max3A_1594 : vector<16xf32>
      %exp3A_1612 = math.exp %sub3A_1611 : vector<16xf32>
      %sub3A_1613 = arith.subf %gather3A_1585, %max3A_1594 : vector<16xf32>
      %exp3A_1614 = math.exp %sub3A_1613 : vector<16xf32>
      %add3A_1615 = arith.addf %exp3A_1596, %exp3A_1598 : vector<16xf32>
      %add3A_1616 = arith.addf %exp3A_1600, %exp3A_1602 : vector<16xf32>
      %add3A_1617 = arith.addf %exp3A_1604, %exp3A_1606 : vector<16xf32>
      %add3A_1618 = arith.addf %exp3A_1608, %exp3A_1610 : vector<16xf32>
      %add3A_1619 = arith.addf %exp3A_1612, %exp3A_1614 : vector<16xf32>
      %add3A_1620 = arith.addf %add3A_1615, %add3A_1616 : vector<16xf32>
      %add3A_1621 = arith.addf %add3A_1617, %add3A_1618 : vector<16xf32>
      %add3A_1622 = arith.addf %add3A_1620, %add3A_1621 : vector<16xf32>
      %add3A_1623 = arith.addf %add3A_1622, %add3A_1619 : vector<16xf32>
      %div3A_1624 = arith.constant 1.000000e+00 : f32
      %div3A_1625 = vector.broadcast %div3A_1624 : f32 to vector<16xf32>
      %div3A_1626 = arith.divf %div3A_1625, %add3A_1623 : vector<16xf32>
      %mul3A_1627 = arith.mulf %exp3A_1596, %div3A_1626 : vector<16xf32>
      %swap3A_1628 = arith.constant 0 : i32
      %swap3A_1629 = arith.index_cast %swap3A_1628 : i32 to index
      %swap3A_1630 = arith.constant 0 : index
      %swap3A_1631 = tpu.vector_load %arg18[%swap3A_1629, %swap3A_1630] {strides = array<i32>} : memref<10x16xf32, #tpu.memory_space<vmem>>, vector<16xf32>,
      tpu.vector_store %arg18[%swap3A_1629, %swap3A_1630], %mul3A_1627 {strides = array<i32>} : memref<10x16xf32, #tpu.memory_space<vmem>>, vector<16xf32>,
      %mul3A_1632 = arith.mulf %exp3A_1598, %div3A_1626 : vector<16xf32>
      %swap3A_1633 = arith.constant 1 : i32
      %swap3A_1634 = arith.index_cast %swap3A_1633 : i32 to index
      %swap3A_1635 = arith.constant 0 : index
      %swap3A_1636 = tpu.vector_load %arg18[%swap3A_1634, %swap3A_1635] {strides = array<i32>} : memref<10x16xf32, #tpu.memory_space<vmem>>, vector<16xf32>,
      tpu.vector_store %arg18[%swap3A_1634, %swap3A_1635], %mul3A_1632 {strides = array<i32>} : memref<10x16xf32, #tpu.memory_space<vmem>>, vector<16xf32>,
      %mul3A_1637 = arith.mulf %exp3A_1600, %div3A_1626 : vector<16xf32>
      %swap3A_1638 = arith.constant 2 : i32
      %swap3A_1639 = arith.index_cast %swap3A_1638 : i32 to index
      %swap3A_1640 = arith.constant 0 : index
      %swap3A_1641 = tpu.vector_load %arg18[%swap3A_1639, %swap3A_1640] {strides = array<i32>} : memref<10x16xf32, #tpu.memory_space<vmem>>, vector<16xf32>,
      tpu.vector_store %arg18[%swap3A_1639, %swap3A_1640], %mul3A_1637 {strides = array<i32>} : memref<10x16xf32, #tpu.memory_space<vmem>>, vector<16xf32>,
      %mul3A_1642 = arith.mulf %exp3A_1602, %div3A_1626 : vector<16xf32>
      %swap3A_1643 = arith.constant 3 : i32
      %swap3A_1644 = arith.index_cast %swap3A_1643 : i32 to index
      %swap3A_1645 = arith.constant 0 : index
      %swap3A_1646 = tpu.vector_load %arg18[%swap3A_1644, %swap3A_1645] {strides = array<i32>} : memref<10x16xf32, #tpu.memory_space<vmem>>, vector<16xf32>,
      tpu.vector_store %arg18[%swap3A_1644, %swap3A_1645], %mul3A_1642 {strides = array<i32>} : memref<10x16xf32, #tpu.memory_space<vmem>>, vector<16xf32>,
      %mul3A_1647 = arith.mulf %exp3A_1604, %div3A_1626 : vector<16xf32>
      %swap3A_1648 = arith.constant 4 : i32
      %swap3A_1649 = arith.index_cast %swap3A_1648 : i32 to index
      %swap3A_1650 = arith.constant 0 : index
      %swap3A_1651 = tpu.vector_load %arg18[%swap3A_1649, %swap3A_1650] {strides = array<i32>} : memref<10x16xf32, #tpu.memory_space<vmem>>, vector<16xf32>,
      tpu.vector_store %arg18[%swap3A_1649, %swap3A_1650], %mul3A_1647 {strides = array<i32>} : memref<10x16xf32, #tpu.memory_space<vmem>>, vector<16xf32>,
      %mul3A_1652 = arith.mulf %exp3A_1606, %div3A_1626 : vector<16xf32>
      %swap3A_1653 = arith.constant 5 : i32
      %swap3A_1654 = arith.index_cast %swap3A_1653 : i32 to index
      %swap3A_1655 = arith.constant 0 : index
      %swap3A_1656 = tpu.vector_load %arg18[%swap3A_1654, %swap3A_1655] {strides = array<i32>} : memref<10x16xf32, #tpu.memory_space<vmem>>, vector<16xf32>,
      tpu.vector_store %arg18[%swap3A_1654, %swap3A_1655], %mul3A_1652 {strides = array<i32>} : memref<10x16xf32, #tpu.memory_space<vmem>>, vector<16xf32>,
      %mul3A_1657 = arith.mulf %exp3A_1608, %div3A_1626 : vector<16xf32>
      %swap3A_1658 = arith.constant 6 : i32
      %swap3A_1659 = arith.index_cast %swap3A_1658 : i32 to index
      %swap3A_1660 = arith.constant 0 : index
      %swap3A_1661 = tpu.vector_load %arg18[%swap3A_1659, %swap3A_1660] {strides = array<i32>} : memref<10x16xf32, #tpu.memory_space<vmem>>, vector<16xf32>,
      tpu.vector_store %arg18[%swap3A_1659, %swap3A_1660], %mul3A_1657 {strides = array<i32>} : memref<10x16xf32, #tpu.memory_space<vmem>>, vector<16xf32>,
      %mul3A_1662 = arith.mulf %exp3A_1610, %div3A_1626 : vector<16xf32>
      %swap3A_1663 = arith.constant 7 : i32
      %swap3A_1664 = arith.index_cast %swap3A_1663 : i32 to index
      %swap3A_1665 = arith.constant 0 : index
      %swap3A_1666 = tpu.vector_load %arg18[%swap3A_1664, %swap3A_1665] {strides = array<i32>} : memref<10x16xf32, #tpu.memory_space<vmem>>, vector<16xf32>,
      tpu.vector_store %arg18[%swap3A_1664, %swap3A_1665], %mul3A_1662 {strides = array<i32>} : memref<10x16xf32, #tpu.memory_space<vmem>>, vector<16xf32>,
      %mul3A_1667 = arith.mulf %exp3A_1612, %div3A_1626 : vector<16xf32>
      %swap3A_1668 = arith.constant 8 : i32
      %swap3A_1669 = arith.index_cast %swap3A_1668 : i32 to index
      %swap3A_1670 = arith.constant 0 : index
      %swap3A_1671 = tpu.vector_load %arg18[%swap3A_1669, %swap3A_1670] {strides = array<i32>} : memref<10x16xf32, #tpu.memory_space<vmem>>, vector<16xf32>,
      tpu.vector_store %arg18[%swap3A_1669, %swap3A_1670], %mul3A_1667 {strides = array<i32>} : memref<10x16xf32, #tpu.memory_space<vmem>>, vector<16xf32>,
      %mul3A_1672 = arith.mulf %exp3A_1614, %div3A_1626 : vector<16xf32>
      %swap3A_1673 = arith.constant 9 : i32
      %swap3A_1674 = arith.index_cast %swap3A_1673 : i32 to index
      %swap3A_1675 = arith.constant 0 : index
      %swap3A_1676 = tpu.vector_load %arg18[%swap3A_1674, %swap3A_1675] {strides = array<i32>} : memref<10x16xf32, #tpu.memory_space<vmem>>, vector<16xf32>,
      tpu.vector_store %arg18[%swap3A_1674, %swap3A_1675], %mul3A_1672 {strides = array<i32>} : memref<10x16xf32, #tpu.memory_space<vmem>>, vector<16xf32>,
      %dma_wait3A_1677 = arith.constant 0 : i32
      %dma_wait3A_1678 = arith.constant 0 : i32
      %dma_wait3A_1679 = tpu.memref_slice %arg5[%dma_wait3A_1677, %dma_wait3A_1678] : memref<50000x128xf32, #tpu.memory_space<hbm>> -> memref<50000x128xf32, #tpu.memory_space<hbm>>
      tpu.wait_indirect_dma semaphore(%arg20 : memref<!tpu.dma_semaphore, #tpu.memory_space<semaphore_mem>>) src(%dma_wait3A_1679 : memref<50000x128xf32, #tpu.memory_space<hbm>>) dst(%arg15 : memref<160x128xf32, #tpu.memory_space<vmem>>)
      %get3A_1680 = arith.constant 0 : i32
      %get3A_1681 = arith.index_cast %get3A_1680 : i32 to index
      %get3A_1682 = arith.constant 0 : index
      %get3A_1683 = tpu.vector_load %arg17[%get3A_1681, %get3A_1682] {strides = array<i32>} : memref<10x16xf32, #tpu.memory_space<vmem>>, vector<16xf32>,
      %get3A_1684 = arith.constant 1 : i32
      %get3A_1685 = arith.index_cast %get3A_1684 : i32 to index
      %get3A_1686 = arith.constant 0 : index
      %get3A_1687 = tpu.vector_load %arg17[%get3A_1685, %get3A_1686] {strides = array<i32>} : memref<10x16xf32, #tpu.memory_space<vmem>>, vector<16xf32>,
      %get3A_1688 = arith.constant 2 : i32
      %get3A_1689 = arith.index_cast %get3A_1688 : i32 to index
      %get3A_1690 = arith.constant 0 : index
      %get3A_1691 = tpu.vector_load %arg17[%get3A_1689, %get3A_1690] {strides = array<i32>} : memref<10x16xf32, #tpu.memory_space<vmem>>, vector<16xf32>,
      %get3A_1692 = arith.constant 3 : i32
      %get3A_1693 = arith.index_cast %get3A_1692 : i32 to index
      %get3A_1694 = arith.constant 0 : index
      %get3A_1695 = tpu.vector_load %arg17[%get3A_1693, %get3A_1694] {strides = array<i32>} : memref<10x16xf32, #tpu.memory_space<vmem>>, vector<16xf32>,
      %get3A_1696 = arith.constant 4 : i32
      %get3A_1697 = arith.index_cast %get3A_1696 : i32 to index
      %get3A_1698 = arith.constant 0 : index
      %get3A_1699 = tpu.vector_load %arg17[%get3A_1697, %get3A_1698] {strides = array<i32>} : memref<10x16xf32, #tpu.memory_space<vmem>>, vector<16xf32>,
      %get3A_1700 = arith.constant 5 : i32
      %get3A_1701 = arith.index_cast %get3A_1700 : i32 to index
      %get3A_1702 = arith.constant 0 : index
      %get3A_1703 = tpu.vector_load %arg17[%get3A_1701, %get3A_1702] {strides = array<i32>} : memref<10x16xf32, #tpu.memory_space<vmem>>, vector<16xf32>,
      %get3A_1704 = arith.constant 6 : i32
      %get3A_1705 = arith.index_cast %get3A_1704 : i32 to index
      %get3A_1706 = arith.constant 0 : index
      %get3A_1707 = tpu.vector_load %arg17[%get3A_1705, %get3A_1706] {strides = array<i32>} : memref<10x16xf32, #tpu.memory_space<vmem>>, vector<16xf32>,
      %get3A_1708 = arith.constant 7 : i32
      %get3A_1709 = arith.index_cast %get3A_1708 : i32 to index
      %get3A_1710 = arith.constant 0 : index
      %get3A_1711 = tpu.vector_load %arg17[%get3A_1709, %get3A_1710] {strides = array<i32>} : memref<10x16xf32, #tpu.memory_space<vmem>>, vector<16xf32>,
      %get3A_1712 = arith.constant 8 : i32
      %get3A_1713 = arith.index_cast %get3A_1712 : i32 to index
      %get3A_1714 = arith.constant 0 : index
      %get3A_1715 = tpu.vector_load %arg17[%get3A_1713, %get3A_1714] {strides = array<i32>} : memref<10x16xf32, #tpu.memory_space<vmem>>, vector<16xf32>,
      %get3A_1716 = arith.constant 9 : i32
      %get3A_1717 = arith.index_cast %get3A_1716 : i32 to index
      %get3A_1718 = arith.constant 0 : index
      %get3A_1719 = tpu.vector_load %arg17[%get3A_1717, %get3A_1718] {strides = array<i32>} : memref<10x16xf32, #tpu.memory_space<vmem>>, vector<16xf32>,
      %parallel_loop3A_1720 = arith.constant 0 : i32
      %parallel_loop3A_1721 = arith.constant 16 : i32
      %parallel_loop3A_1722 = arith.constant 1 : i32
      scf.for %parallel_loop3A_2184 = %parallel_loop3A_1720 to %parallel_loop3A_1721 step %parallel_loop3A_1722  : i32 {
        %parallel_loop3A_2185 = vector.broadcast %parallel_loop3A_2184 : i32 to vector<16xi32>
        %parallel_loop3A_2186 = tpu.vector_load_idx %arg15[%add3A_5, %parallel_loop3A_2185] : memref<160x128xf32, #tpu.memory_space<vmem>>[vector<16xi32>, vector<16xi32>], vector<16xf32>,
        %parallel_loop3A_2187 = arith.mulf %get3A_1683, %parallel_loop3A_2186 : vector<16xf32>
        %parallel_loop3A_2188 = arith.constant 256 : i32
        %parallel_loop3A_2189 = vector.broadcast %parallel_loop3A_2188 : i32 to vector<16xi32>
        %parallel_loop3A_2190 = arith.addi %parallel_loop3A_2185, %parallel_loop3A_2189 : vector<16xi32>
        tpu.vector_store_idx %arg19[%iota3A, %parallel_loop3A_2190], %parallel_loop3A_2187 : memref<16x768xf32, #tpu.memory_space<vmem>>[vector<16xi32>, vector<16xi32>], vector<16xf32>,
      } {sc.loop_unroll_factor = 4 : i64, sc.parallel_access}
      %broadcast_in_dim3A_1723 = arith.constant 40 : i32
      %broadcast_in_dim3A_1724 = vector.broadcast %broadcast_in_dim3A_1723 : i32 to vector<16xi32>
      %gather3A_1725 = tpu.vector_load_idx %arg12[%iota3A, %broadcast_in_dim3A_1724] : memref<16x128xi32, #tpu.memory_space<vmem>>[vector<16xi32>, vector<16xi32>], vector<16xi32>,
      %swap3A_1726 = arith.constant 0 : index
      %swap3A_1727 = tpu.vector_load %arg13[%swap3A_1726] {strides = array<i32>} : memref<160xi32, #tpu.memory_space<vmem>>, vector<16xi32>,
      tpu.vector_store %arg13[%swap3A_1726], %gather3A_1725 {strides = array<i32>} : memref<160xi32, #tpu.memory_space<vmem>>, vector<16xi32>,
      %broadcast_in_dim3A_1728 = arith.constant 41 : i32
      %broadcast_in_dim3A_1729 = vector.broadcast %broadcast_in_dim3A_1728 : i32 to vector<16xi32>
      %gather3A_1730 = tpu.vector_load_idx %arg12[%iota3A, %broadcast_in_dim3A_1729] : memref<16x128xi32, #tpu.memory_space<vmem>>[vector<16xi32>, vector<16xi32>], vector<16xi32>,
      %swap3A_1731 = arith.constant 16 : index
      %swap3A_1732 = tpu.vector_load %arg13[%swap3A_1731] {strides = array<i32>} : memref<160xi32, #tpu.memory_space<vmem>>, vector<16xi32>,
      tpu.vector_store %arg13[%swap3A_1731], %gather3A_1730 {strides = array<i32>} : memref<160xi32, #tpu.memory_space<vmem>>, vector<16xi32>,
      %broadcast_in_dim3A_1733 = arith.constant 42 : i32
      %broadcast_in_dim3A_1734 = vector.broadcast %broadcast_in_dim3A_1733 : i32 to vector<16xi32>
      %gather3A_1735 = tpu.vector_load_idx %arg12[%iota3A, %broadcast_in_dim3A_1734] : memref<16x128xi32, #tpu.memory_space<vmem>>[vector<16xi32>, vector<16xi32>], vector<16xi32>,
      %swap3A_1736 = arith.constant 32 : index
      %swap3A_1737 = tpu.vector_load %arg13[%swap3A_1736] {strides = array<i32>} : memref<160xi32, #tpu.memory_space<vmem>>, vector<16xi32>,
      tpu.vector_store %arg13[%swap3A_1736], %gather3A_1735 {strides = array<i32>} : memref<160xi32, #tpu.memory_space<vmem>>, vector<16xi32>,
      %broadcast_in_dim3A_1738 = arith.constant 43 : i32
      %broadcast_in_dim3A_1739 = vector.broadcast %broadcast_in_dim3A_1738 : i32 to vector<16xi32>
      %gather3A_1740 = tpu.vector_load_idx %arg12[%iota3A, %broadcast_in_dim3A_1739] : memref<16x128xi32, #tpu.memory_space<vmem>>[vector<16xi32>, vector<16xi32>], vector<16xi32>,
      %swap3A_1741 = arith.constant 48 : index
      %swap3A_1742 = tpu.vector_load %arg13[%swap3A_1741] {strides = array<i32>} : memref<160xi32, #tpu.memory_space<vmem>>, vector<16xi32>,
      tpu.vector_store %arg13[%swap3A_1741], %gather3A_1740 {strides = array<i32>} : memref<160xi32, #tpu.memory_space<vmem>>, vector<16xi32>,
      %broadcast_in_dim3A_1743 = arith.constant 44 : i32
      %broadcast_in_dim3A_1744 = vector.broadcast %broadcast_in_dim3A_1743 : i32 to vector<16xi32>
      %gather3A_1745 = tpu.vector_load_idx %arg12[%iota3A, %broadcast_in_dim3A_1744] : memref<16x128xi32, #tpu.memory_space<vmem>>[vector<16xi32>, vector<16xi32>], vector<16xi32>,
      %swap3A_1746 = arith.constant 64 : index
      %swap3A_1747 = tpu.vector_load %arg13[%swap3A_1746] {strides = array<i32>} : memref<160xi32, #tpu.memory_space<vmem>>, vector<16xi32>,
      tpu.vector_store %arg13[%swap3A_1746], %gather3A_1745 {strides = array<i32>} : memref<160xi32, #tpu.memory_space<vmem>>, vector<16xi32>,
      %broadcast_in_dim3A_1748 = arith.constant 45 : i32
      %broadcast_in_dim3A_1749 = vector.broadcast %broadcast_in_dim3A_1748 : i32 to vector<16xi32>
      %gather3A_1750 = tpu.vector_load_idx %arg12[%iota3A, %broadcast_in_dim3A_1749] : memref<16x128xi32, #tpu.memory_space<vmem>>[vector<16xi32>, vector<16xi32>], vector<16xi32>,
      %swap3A_1751 = arith.constant 80 : index
      %swap3A_1752 = tpu.vector_load %arg13[%swap3A_1751] {strides = array<i32>} : memref<160xi32, #tpu.memory_space<vmem>>, vector<16xi32>,
      tpu.vector_store %arg13[%swap3A_1751], %gather3A_1750 {strides = array<i32>} : memref<160xi32, #tpu.memory_space<vmem>>, vector<16xi32>,
      %broadcast_in_dim3A_1753 = arith.constant 46 : i32
      %broadcast_in_dim3A_1754 = vector.broadcast %broadcast_in_dim3A_1753 : i32 to vector<16xi32>
      %gather3A_1755 = tpu.vector_load_idx %arg12[%iota3A, %broadcast_in_dim3A_1754] : memref<16x128xi32, #tpu.memory_space<vmem>>[vector<16xi32>, vector<16xi32>], vector<16xi32>,
      %swap3A_1756 = arith.constant 96 : index
      %swap3A_1757 = tpu.vector_load %arg13[%swap3A_1756] {strides = array<i32>} : memref<160xi32, #tpu.memory_space<vmem>>, vector<16xi32>,
      tpu.vector_store %arg13[%swap3A_1756], %gather3A_1755 {strides = array<i32>} : memref<160xi32, #tpu.memory_space<vmem>>, vector<16xi32>,
      %broadcast_in_dim3A_1758 = arith.constant 47 : i32
      %broadcast_in_dim3A_1759 = vector.broadcast %broadcast_in_dim3A_1758 : i32 to vector<16xi32>
      %gather3A_1760 = tpu.vector_load_idx %arg12[%iota3A, %broadcast_in_dim3A_1759] : memref<16x128xi32, #tpu.memory_space<vmem>>[vector<16xi32>, vector<16xi32>], vector<16xi32>,
      %swap3A_1761 = arith.constant 112 : index
      %swap3A_1762 = tpu.vector_load %arg13[%swap3A_1761] {strides = array<i32>} : memref<160xi32, #tpu.memory_space<vmem>>, vector<16xi32>,
      tpu.vector_store %arg13[%swap3A_1761], %gather3A_1760 {strides = array<i32>} : memref<160xi32, #tpu.memory_space<vmem>>, vector<16xi32>,
      %broadcast_in_dim3A_1763 = arith.constant 48 : i32
      %broadcast_in_dim3A_1764 = vector.broadcast %broadcast_in_dim3A_1763 : i32 to vector<16xi32>
      %gather3A_1765 = tpu.vector_load_idx %arg12[%iota3A, %broadcast_in_dim3A_1764] : memref<16x128xi32, #tpu.memory_space<vmem>>[vector<16xi32>, vector<16xi32>], vector<16xi32>,
      %swap3A_1766 = arith.constant 128 : index
      %swap3A_1767 = tpu.vector_load %arg13[%swap3A_1766] {strides = array<i32>} : memref<160xi32, #tpu.memory_space<vmem>>, vector<16xi32>,
      tpu.vector_store %arg13[%swap3A_1766], %gather3A_1765 {strides = array<i32>} : memref<160xi32, #tpu.memory_space<vmem>>, vector<16xi32>,
      %broadcast_in_dim3A_1768 = arith.constant 49 : i32
      %broadcast_in_dim3A_1769 = vector.broadcast %broadcast_in_dim3A_1768 : i32 to vector<16xi32>
      %gather3A_1770 = tpu.vector_load_idx %arg12[%iota3A, %broadcast_in_dim3A_1769] : memref<16x128xi32, #tpu.memory_space<vmem>>[vector<16xi32>, vector<16xi32>], vector<16xi32>,
      %swap3A_1771 = arith.constant 144 : index
      %swap3A_1772 = tpu.vector_load %arg13[%swap3A_1771] {strides = array<i32>} : memref<160xi32, #tpu.memory_space<vmem>>, vector<16xi32>,
      tpu.vector_store %arg13[%swap3A_1771], %gather3A_1770 {strides = array<i32>} : memref<160xi32, #tpu.memory_space<vmem>>, vector<16xi32>,
      %dma_start3A_1773 = arith.constant 0 : i32
      %dma_start3A_1774 = arith.constant 0 : i32
      %dma_start3A_1775 = tpu.memref_slice %arg5[%dma_start3A_1773, %dma_start3A_1774] : memref<50000x128xf32, #tpu.memory_space<hbm>> -> memref<50000x128xf32, #tpu.memory_space<hbm>>
      tpu.enqueue_indirect_dma source(%dma_start3A_1775 : memref<50000x128xf32, #tpu.memory_space<hbm>>) target(%arg15 : memref<160x128xf32, #tpu.memory_space<vmem>>) offsets(%arg13 : memref<160xi32, #tpu.memory_space<vmem>>) semaphore(%arg20 : memref<!tpu.dma_semaphore, #tpu.memory_space<semaphore_mem>>)
      %gather3A_1776 = tpu.vector_load_idx %arg7[%gather3A_1725] : memref<50000xf32, #tpu.memory_space<vmem>>[vector<16xi32>], vector<16xf32>,
      %gather3A_1777 = tpu.vector_load_idx %arg7[%gather3A_1730] : memref<50000xf32, #tpu.memory_space<vmem>>[vector<16xi32>], vector<16xf32>,
      %gather3A_1778 = tpu.vector_load_idx %arg7[%gather3A_1735] : memref<50000xf32, #tpu.memory_space<vmem>>[vector<16xi32>], vector<16xf32>,
      %gather3A_1779 = tpu.vector_load_idx %arg7[%gather3A_1740] : memref<50000xf32, #tpu.memory_space<vmem>>[vector<16xi32>], vector<16xf32>,
      %gather3A_1780 = tpu.vector_load_idx %arg7[%gather3A_1745] : memref<50000xf32, #tpu.memory_space<vmem>>[vector<16xi32>], vector<16xf32>,
      %gather3A_1781 = tpu.vector_load_idx %arg7[%gather3A_1750] : memref<50000xf32, #tpu.memory_space<vmem>>[vector<16xi32>], vector<16xf32>,
      %gather3A_1782 = tpu.vector_load_idx %arg7[%gather3A_1755] : memref<50000xf32, #tpu.memory_space<vmem>>[vector<16xi32>], vector<16xf32>,
      %gather3A_1783 = tpu.vector_load_idx %arg7[%gather3A_1760] : memref<50000xf32, #tpu.memory_space<vmem>>[vector<16xi32>], vector<16xf32>,
      %gather3A_1784 = tpu.vector_load_idx %arg7[%gather3A_1765] : memref<50000xf32, #tpu.memory_space<vmem>>[vector<16xi32>], vector<16xf32>,
      %gather3A_1785 = tpu.vector_load_idx %arg7[%gather3A_1770] : memref<50000xf32, #tpu.memory_space<vmem>>[vector<16xi32>], vector<16xf32>,
      %max3A_1786 = arith.maximumf %gather3A_1776, %gather3A_1777 : vector<16xf32>
      %max3A_1787 = arith.maximumf %max3A_1786, %gather3A_1778 : vector<16xf32>
      %max3A_1788 = arith.maximumf %max3A_1787, %gather3A_1779 : vector<16xf32>
      %max3A_1789 = arith.maximumf %max3A_1788, %gather3A_1780 : vector<16xf32>
      %max3A_1790 = arith.maximumf %max3A_1789, %gather3A_1781 : vector<16xf32>
      %max3A_1791 = arith.maximumf %max3A_1790, %gather3A_1782 : vector<16xf32>
      %max3A_1792 = arith.maximumf %max3A_1791, %gather3A_1783 : vector<16xf32>
      %max3A_1793 = arith.maximumf %max3A_1792, %gather3A_1784 : vector<16xf32>
      %max3A_1794 = arith.maximumf %max3A_1793, %gather3A_1785 : vector<16xf32>
      %sub3A_1795 = arith.subf %gather3A_1776, %max3A_1794 : vector<16xf32>
      %exp3A_1796 = math.exp %sub3A_1795 : vector<16xf32>
      %sub3A_1797 = arith.subf %gather3A_1777, %max3A_1794 : vector<16xf32>
      %exp3A_1798 = math.exp %sub3A_1797 : vector<16xf32>
      %sub3A_1799 = arith.subf %gather3A_1778, %max3A_1794 : vector<16xf32>
      %exp3A_1800 = math.exp %sub3A_1799 : vector<16xf32>
      %sub3A_1801 = arith.subf %gather3A_1779, %max3A_1794 : vector<16xf32>
      %exp3A_1802 = math.exp %sub3A_1801 : vector<16xf32>
      %sub3A_1803 = arith.subf %gather3A_1780, %max3A_1794 : vector<16xf32>
      %exp3A_1804 = math.exp %sub3A_1803 : vector<16xf32>
      %sub3A_1805 = arith.subf %gather3A_1781, %max3A_1794 : vector<16xf32>
      %exp3A_1806 = math.exp %sub3A_1805 : vector<16xf32>
      %sub3A_1807 = arith.subf %gather3A_1782, %max3A_1794 : vector<16xf32>
      %exp3A_1808 = math.exp %sub3A_1807 : vector<16xf32>
      %sub3A_1809 = arith.subf %gather3A_1783, %max3A_1794 : vector<16xf32>
      %exp3A_1810 = math.exp %sub3A_1809 : vector<16xf32>
      %sub3A_1811 = arith.subf %gather3A_1784, %max3A_1794 : vector<16xf32>
      %exp3A_1812 = math.exp %sub3A_1811 : vector<16xf32>
      %sub3A_1813 = arith.subf %gather3A_1785, %max3A_1794 : vector<16xf32>
      %exp3A_1814 = math.exp %sub3A_1813 : vector<16xf32>
      %add3A_1815 = arith.addf %exp3A_1796, %exp3A_1798 : vector<16xf32>
      %add3A_1816 = arith.addf %exp3A_1800, %exp3A_1802 : vector<16xf32>
      %add3A_1817 = arith.addf %exp3A_1804, %exp3A_1806 : vector<16xf32>
      %add3A_1818 = arith.addf %exp3A_1808, %exp3A_1810 : vector<16xf32>
      %add3A_1819 = arith.addf %exp3A_1812, %exp3A_1814 : vector<16xf32>
      %add3A_1820 = arith.addf %add3A_1815, %add3A_1816 : vector<16xf32>
      %add3A_1821 = arith.addf %add3A_1817, %add3A_1818 : vector<16xf32>
      %add3A_1822 = arith.addf %add3A_1820, %add3A_1821 : vector<16xf32>
      %add3A_1823 = arith.addf %add3A_1822, %add3A_1819 : vector<16xf32>
      %div3A_1824 = arith.constant 1.000000e+00 : f32
      %div3A_1825 = vector.broadcast %div3A_1824 : f32 to vector<16xf32>
      %div3A_1826 = arith.divf %div3A_1825, %add3A_1823 : vector<16xf32>
      %mul3A_1827 = arith.mulf %exp3A_1796, %div3A_1826 : vector<16xf32>
      %swap3A_1828 = arith.constant 0 : i32
      %swap3A_1829 = arith.index_cast %swap3A_1828 : i32 to index
      %swap3A_1830 = arith.constant 0 : index
      %swap3A_1831 = tpu.vector_load %arg17[%swap3A_1829, %swap3A_1830] {strides = array<i32>} : memref<10x16xf32, #tpu.memory_space<vmem>>, vector<16xf32>,
      tpu.vector_store %arg17[%swap3A_1829, %swap3A_1830], %mul3A_1827 {strides = array<i32>} : memref<10x16xf32, #tpu.memory_space<vmem>>, vector<16xf32>,
      %mul3A_1832 = arith.mulf %exp3A_1798, %div3A_1826 : vector<16xf32>
      %swap3A_1833 = arith.constant 1 : i32
      %swap3A_1834 = arith.index_cast %swap3A_1833 : i32 to index
      %swap3A_1835 = arith.constant 0 : index
      %swap3A_1836 = tpu.vector_load %arg17[%swap3A_1834, %swap3A_1835] {strides = array<i32>} : memref<10x16xf32, #tpu.memory_space<vmem>>, vector<16xf32>,
      tpu.vector_store %arg17[%swap3A_1834, %swap3A_1835], %mul3A_1832 {strides = array<i32>} : memref<10x16xf32, #tpu.memory_space<vmem>>, vector<16xf32>,
      %mul3A_1837 = arith.mulf %exp3A_1800, %div3A_1826 : vector<16xf32>
      %swap3A_1838 = arith.constant 2 : i32
      %swap3A_1839 = arith.index_cast %swap3A_1838 : i32 to index
      %swap3A_1840 = arith.constant 0 : index
      %swap3A_1841 = tpu.vector_load %arg17[%swap3A_1839, %swap3A_1840] {strides = array<i32>} : memref<10x16xf32, #tpu.memory_space<vmem>>, vector<16xf32>,
      tpu.vector_store %arg17[%swap3A_1839, %swap3A_1840], %mul3A_1837 {strides = array<i32>} : memref<10x16xf32, #tpu.memory_space<vmem>>, vector<16xf32>,
      %mul3A_1842 = arith.mulf %exp3A_1802, %div3A_1826 : vector<16xf32>
      %swap3A_1843 = arith.constant 3 : i32
      %swap3A_1844 = arith.index_cast %swap3A_1843 : i32 to index
      %swap3A_1845 = arith.constant 0 : index
      %swap3A_1846 = tpu.vector_load %arg17[%swap3A_1844, %swap3A_1845] {strides = array<i32>} : memref<10x16xf32, #tpu.memory_space<vmem>>, vector<16xf32>,
      tpu.vector_store %arg17[%swap3A_1844, %swap3A_1845], %mul3A_1842 {strides = array<i32>} : memref<10x16xf32, #tpu.memory_space<vmem>>, vector<16xf32>,
      %mul3A_1847 = arith.mulf %exp3A_1804, %div3A_1826 : vector<16xf32>
      %swap3A_1848 = arith.constant 4 : i32
      %swap3A_1849 = arith.index_cast %swap3A_1848 : i32 to index
      %swap3A_1850 = arith.constant 0 : index
      %swap3A_1851 = tpu.vector_load %arg17[%swap3A_1849, %swap3A_1850] {strides = array<i32>} : memref<10x16xf32, #tpu.memory_space<vmem>>, vector<16xf32>,
      tpu.vector_store %arg17[%swap3A_1849, %swap3A_1850], %mul3A_1847 {strides = array<i32>} : memref<10x16xf32, #tpu.memory_space<vmem>>, vector<16xf32>,
      %mul3A_1852 = arith.mulf %exp3A_1806, %div3A_1826 : vector<16xf32>
      %swap3A_1853 = arith.constant 5 : i32
      %swap3A_1854 = arith.index_cast %swap3A_1853 : i32 to index
      %swap3A_1855 = arith.constant 0 : index
      %swap3A_1856 = tpu.vector_load %arg17[%swap3A_1854, %swap3A_1855] {strides = array<i32>} : memref<10x16xf32, #tpu.memory_space<vmem>>, vector<16xf32>,
      tpu.vector_store %arg17[%swap3A_1854, %swap3A_1855], %mul3A_1852 {strides = array<i32>} : memref<10x16xf32, #tpu.memory_space<vmem>>, vector<16xf32>,
      %mul3A_1857 = arith.mulf %exp3A_1808, %div3A_1826 : vector<16xf32>
      %swap3A_1858 = arith.constant 6 : i32
      %swap3A_1859 = arith.index_cast %swap3A_1858 : i32 to index
      %swap3A_1860 = arith.constant 0 : index
      %swap3A_1861 = tpu.vector_load %arg17[%swap3A_1859, %swap3A_1860] {strides = array<i32>} : memref<10x16xf32, #tpu.memory_space<vmem>>, vector<16xf32>,
      tpu.vector_store %arg17[%swap3A_1859, %swap3A_1860], %mul3A_1857 {strides = array<i32>} : memref<10x16xf32, #tpu.memory_space<vmem>>, vector<16xf32>,
      %mul3A_1862 = arith.mulf %exp3A_1810, %div3A_1826 : vector<16xf32>
      %swap3A_1863 = arith.constant 7 : i32
      %swap3A_1864 = arith.index_cast %swap3A_1863 : i32 to index
      %swap3A_1865 = arith.constant 0 : index
      %swap3A_1866 = tpu.vector_load %arg17[%swap3A_1864, %swap3A_1865] {strides = array<i32>} : memref<10x16xf32, #tpu.memory_space<vmem>>, vector<16xf32>,
      tpu.vector_store %arg17[%swap3A_1864, %swap3A_1865], %mul3A_1862 {strides = array<i32>} : memref<10x16xf32, #tpu.memory_space<vmem>>, vector<16xf32>,
      %mul3A_1867 = arith.mulf %exp3A_1812, %div3A_1826 : vector<16xf32>
      %swap3A_1868 = arith.constant 8 : i32
      %swap3A_1869 = arith.index_cast %swap3A_1868 : i32 to index
      %swap3A_1870 = arith.constant 0 : index
      %swap3A_1871 = tpu.vector_load %arg17[%swap3A_1869, %swap3A_1870] {strides = array<i32>} : memref<10x16xf32, #tpu.memory_space<vmem>>, vector<16xf32>,
      tpu.vector_store %arg17[%swap3A_1869, %swap3A_1870], %mul3A_1867 {strides = array<i32>} : memref<10x16xf32, #tpu.memory_space<vmem>>, vector<16xf32>,
      %mul3A_1872 = arith.mulf %exp3A_1814, %div3A_1826 : vector<16xf32>
      %swap3A_1873 = arith.constant 9 : i32
      %swap3A_1874 = arith.index_cast %swap3A_1873 : i32 to index
      %swap3A_1875 = arith.constant 0 : index
      %swap3A_1876 = tpu.vector_load %arg17[%swap3A_1874, %swap3A_1875] {strides = array<i32>} : memref<10x16xf32, #tpu.memory_space<vmem>>, vector<16xf32>,
      tpu.vector_store %arg17[%swap3A_1874, %swap3A_1875], %mul3A_1872 {strides = array<i32>} : memref<10x16xf32, #tpu.memory_space<vmem>>, vector<16xf32>,
      %dma_wait3A_1877 = arith.constant 0 : i32
      %dma_wait3A_1878 = arith.constant 0 : i32
      %dma_wait3A_1879 = tpu.memref_slice %arg5[%dma_wait3A_1877, %dma_wait3A_1878] : memref<50000x128xf32, #tpu.memory_space<hbm>> -> memref<50000x128xf32, #tpu.memory_space<hbm>>
      tpu.wait_indirect_dma semaphore(%arg21 : memref<!tpu.dma_semaphore, #tpu.memory_space<semaphore_mem>>) src(%dma_wait3A_1879 : memref<50000x128xf32, #tpu.memory_space<hbm>>) dst(%arg16 : memref<160x128xf32, #tpu.memory_space<vmem>>)
      %get3A_1880 = arith.constant 0 : i32
      %get3A_1881 = arith.index_cast %get3A_1880 : i32 to index
      %get3A_1882 = arith.constant 0 : index
      %get3A_1883 = tpu.vector_load %arg18[%get3A_1881, %get3A_1882] {strides = array<i32>} : memref<10x16xf32, #tpu.memory_space<vmem>>, vector<16xf32>,
      %get3A_1884 = arith.constant 1 : i32
      %get3A_1885 = arith.index_cast %get3A_1884 : i32 to index
      %get3A_1886 = arith.constant 0 : index
      %get3A_1887 = tpu.vector_load %arg18[%get3A_1885, %get3A_1886] {strides = array<i32>} : memref<10x16xf32, #tpu.memory_space<vmem>>, vector<16xf32>,
      %get3A_1888 = arith.constant 2 : i32
      %get3A_1889 = arith.index_cast %get3A_1888 : i32 to index
      %get3A_1890 = arith.constant 0 : index
      %get3A_1891 = tpu.vector_load %arg18[%get3A_1889, %get3A_1890] {strides = array<i32>} : memref<10x16xf32, #tpu.memory_space<vmem>>, vector<16xf32>,
      %get3A_1892 = arith.constant 3 : i32
      %get3A_1893 = arith.index_cast %get3A_1892 : i32 to index
      %get3A_1894 = arith.constant 0 : index
      %get3A_1895 = tpu.vector_load %arg18[%get3A_1893, %get3A_1894] {strides = array<i32>} : memref<10x16xf32, #tpu.memory_space<vmem>>, vector<16xf32>,
      %get3A_1896 = arith.constant 4 : i32
      %get3A_1897 = arith.index_cast %get3A_1896 : i32 to index
      %get3A_1898 = arith.constant 0 : index
      %get3A_1899 = tpu.vector_load %arg18[%get3A_1897, %get3A_1898] {strides = array<i32>} : memref<10x16xf32, #tpu.memory_space<vmem>>, vector<16xf32>,
      %get3A_1900 = arith.constant 5 : i32
      %get3A_1901 = arith.index_cast %get3A_1900 : i32 to index
      %get3A_1902 = arith.constant 0 : index
      %get3A_1903 = tpu.vector_load %arg18[%get3A_1901, %get3A_1902] {strides = array<i32>} : memref<10x16xf32, #tpu.memory_space<vmem>>, vector<16xf32>,
      %get3A_1904 = arith.constant 6 : i32
      %get3A_1905 = arith.index_cast %get3A_1904 : i32 to index
      %get3A_1906 = arith.constant 0 : index
      %get3A_1907 = tpu.vector_load %arg18[%get3A_1905, %get3A_1906] {strides = array<i32>} : memref<10x16xf32, #tpu.memory_space<vmem>>, vector<16xf32>,
      %get3A_1908 = arith.constant 7 : i32
      %get3A_1909 = arith.index_cast %get3A_1908 : i32 to index
      %get3A_1910 = arith.constant 0 : index
      %get3A_1911 = tpu.vector_load %arg18[%get3A_1909, %get3A_1910] {strides = array<i32>} : memref<10x16xf32, #tpu.memory_space<vmem>>, vector<16xf32>,
      %get3A_1912 = arith.constant 8 : i32
      %get3A_1913 = arith.index_cast %get3A_1912 : i32 to index
      %get3A_1914 = arith.constant 0 : index
      %get3A_1915 = tpu.vector_load %arg18[%get3A_1913, %get3A_1914] {strides = array<i32>} : memref<10x16xf32, #tpu.memory_space<vmem>>, vector<16xf32>,
      %get3A_1916 = arith.constant 9 : i32
      %get3A_1917 = arith.index_cast %get3A_1916 : i32 to index
      %get3A_1918 = arith.constant 0 : index
      %get3A_1919 = tpu.vector_load %arg18[%get3A_1917, %get3A_1918] {strides = array<i32>} : memref<10x16xf32, #tpu.memory_space<vmem>>, vector<16xf32>,
      %parallel_loop3A_1920 = arith.constant 0 : i32
      %parallel_loop3A_1921 = arith.constant 16 : i32
      %parallel_loop3A_1922 = arith.constant 1 : i32
      scf.for %parallel_loop3A_2184 = %parallel_loop3A_1920 to %parallel_loop3A_1921 step %parallel_loop3A_1922  : i32 {
        %parallel_loop3A_2185 = vector.broadcast %parallel_loop3A_2184 : i32 to vector<16xi32>
        %parallel_loop3A_2186 = tpu.vector_load_idx %arg16[%add3A_5, %parallel_loop3A_2185] : memref<160x128xf32, #tpu.memory_space<vmem>>[vector<16xi32>, vector<16xi32>], vector<16xf32>,
        %parallel_loop3A_2187 = arith.mulf %get3A_1883, %parallel_loop3A_2186 : vector<16xf32>
        %parallel_loop3A_2188 = arith.constant 384 : i32
        %parallel_loop3A_2189 = vector.broadcast %parallel_loop3A_2188 : i32 to vector<16xi32>
        %parallel_loop3A_2190 = arith.addi %parallel_loop3A_2185, %parallel_loop3A_2189 : vector<16xi32>
        tpu.vector_store_idx %arg19[%iota3A, %parallel_loop3A_2190], %parallel_loop3A_2187 : memref<16x768xf32, #tpu.memory_space<vmem>>[vector<16xi32>, vector<16xi32>], vector<16xf32>,
      } {sc.loop_unroll_factor = 4 : i64, sc.parallel_access}
      %broadcast_in_dim3A_1923 = arith.constant 50 : i32
      %broadcast_in_dim3A_1924 = vector.broadcast %broadcast_in_dim3A_1923 : i32 to vector<16xi32>
      %gather3A_1925 = tpu.vector_load_idx %arg12[%iota3A, %broadcast_in_dim3A_1924] : memref<16x128xi32, #tpu.memory_space<vmem>>[vector<16xi32>, vector<16xi32>], vector<16xi32>,
      %swap3A_1926 = arith.constant 0 : index
      %swap3A_1927 = tpu.vector_load %arg14[%swap3A_1926] {strides = array<i32>} : memref<160xi32, #tpu.memory_space<vmem>>, vector<16xi32>,
      tpu.vector_store %arg14[%swap3A_1926], %gather3A_1925 {strides = array<i32>} : memref<160xi32, #tpu.memory_space<vmem>>, vector<16xi32>,
      %broadcast_in_dim3A_1928 = arith.constant 51 : i32
      %broadcast_in_dim3A_1929 = vector.broadcast %broadcast_in_dim3A_1928 : i32 to vector<16xi32>
      %gather3A_1930 = tpu.vector_load_idx %arg12[%iota3A, %broadcast_in_dim3A_1929] : memref<16x128xi32, #tpu.memory_space<vmem>>[vector<16xi32>, vector<16xi32>], vector<16xi32>,
      %swap3A_1931 = arith.constant 16 : index
      %swap3A_1932 = tpu.vector_load %arg14[%swap3A_1931] {strides = array<i32>} : memref<160xi32, #tpu.memory_space<vmem>>, vector<16xi32>,
      tpu.vector_store %arg14[%swap3A_1931], %gather3A_1930 {strides = array<i32>} : memref<160xi32, #tpu.memory_space<vmem>>, vector<16xi32>,
      %broadcast_in_dim3A_1933 = arith.constant 52 : i32
      %broadcast_in_dim3A_1934 = vector.broadcast %broadcast_in_dim3A_1933 : i32 to vector<16xi32>
      %gather3A_1935 = tpu.vector_load_idx %arg12[%iota3A, %broadcast_in_dim3A_1934] : memref<16x128xi32, #tpu.memory_space<vmem>>[vector<16xi32>, vector<16xi32>], vector<16xi32>,
      %swap3A_1936 = arith.constant 32 : index
      %swap3A_1937 = tpu.vector_load %arg14[%swap3A_1936] {strides = array<i32>} : memref<160xi32, #tpu.memory_space<vmem>>, vector<16xi32>,
      tpu.vector_store %arg14[%swap3A_1936], %gather3A_1935 {strides = array<i32>} : memref<160xi32, #tpu.memory_space<vmem>>, vector<16xi32>,
      %broadcast_in_dim3A_1938 = arith.constant 53 : i32
      %broadcast_in_dim3A_1939 = vector.broadcast %broadcast_in_dim3A_1938 : i32 to vector<16xi32>
      %gather3A_1940 = tpu.vector_load_idx %arg12[%iota3A, %broadcast_in_dim3A_1939] : memref<16x128xi32, #tpu.memory_space<vmem>>[vector<16xi32>, vector<16xi32>], vector<16xi32>,
      %swap3A_1941 = arith.constant 48 : index
      %swap3A_1942 = tpu.vector_load %arg14[%swap3A_1941] {strides = array<i32>} : memref<160xi32, #tpu.memory_space<vmem>>, vector<16xi32>,
      tpu.vector_store %arg14[%swap3A_1941], %gather3A_1940 {strides = array<i32>} : memref<160xi32, #tpu.memory_space<vmem>>, vector<16xi32>,
      %broadcast_in_dim3A_1943 = arith.constant 54 : i32
      %broadcast_in_dim3A_1944 = vector.broadcast %broadcast_in_dim3A_1943 : i32 to vector<16xi32>
      %gather3A_1945 = tpu.vector_load_idx %arg12[%iota3A, %broadcast_in_dim3A_1944] : memref<16x128xi32, #tpu.memory_space<vmem>>[vector<16xi32>, vector<16xi32>], vector<16xi32>,
      %swap3A_1946 = arith.constant 64 : index
      %swap3A_1947 = tpu.vector_load %arg14[%swap3A_1946] {strides = array<i32>} : memref<160xi32, #tpu.memory_space<vmem>>, vector<16xi32>,
      tpu.vector_store %arg14[%swap3A_1946], %gather3A_1945 {strides = array<i32>} : memref<160xi32, #tpu.memory_space<vmem>>, vector<16xi32>,
      %broadcast_in_dim3A_1948 = arith.constant 55 : i32
      %broadcast_in_dim3A_1949 = vector.broadcast %broadcast_in_dim3A_1948 : i32 to vector<16xi32>
      %gather3A_1950 = tpu.vector_load_idx %arg12[%iota3A, %broadcast_in_dim3A_1949] : memref<16x128xi32, #tpu.memory_space<vmem>>[vector<16xi32>, vector<16xi32>], vector<16xi32>,
      %swap3A_1951 = arith.constant 80 : index
      %swap3A_1952 = tpu.vector_load %arg14[%swap3A_1951] {strides = array<i32>} : memref<160xi32, #tpu.memory_space<vmem>>, vector<16xi32>,
      tpu.vector_store %arg14[%swap3A_1951], %gather3A_1950 {strides = array<i32>} : memref<160xi32, #tpu.memory_space<vmem>>, vector<16xi32>,
      %broadcast_in_dim3A_1953 = arith.constant 56 : i32
      %broadcast_in_dim3A_1954 = vector.broadcast %broadcast_in_dim3A_1953 : i32 to vector<16xi32>
      %gather3A_1955 = tpu.vector_load_idx %arg12[%iota3A, %broadcast_in_dim3A_1954] : memref<16x128xi32, #tpu.memory_space<vmem>>[vector<16xi32>, vector<16xi32>], vector<16xi32>,
      %swap3A_1956 = arith.constant 96 : index
      %swap3A_1957 = tpu.vector_load %arg14[%swap3A_1956] {strides = array<i32>} : memref<160xi32, #tpu.memory_space<vmem>>, vector<16xi32>,
      tpu.vector_store %arg14[%swap3A_1956], %gather3A_1955 {strides = array<i32>} : memref<160xi32, #tpu.memory_space<vmem>>, vector<16xi32>,
      %broadcast_in_dim3A_1958 = arith.constant 57 : i32
      %broadcast_in_dim3A_1959 = vector.broadcast %broadcast_in_dim3A_1958 : i32 to vector<16xi32>
      %gather3A_1960 = tpu.vector_load_idx %arg12[%iota3A, %broadcast_in_dim3A_1959] : memref<16x128xi32, #tpu.memory_space<vmem>>[vector<16xi32>, vector<16xi32>], vector<16xi32>,
      %swap3A_1961 = arith.constant 112 : index
      %swap3A_1962 = tpu.vector_load %arg14[%swap3A_1961] {strides = array<i32>} : memref<160xi32, #tpu.memory_space<vmem>>, vector<16xi32>,
      tpu.vector_store %arg14[%swap3A_1961], %gather3A_1960 {strides = array<i32>} : memref<160xi32, #tpu.memory_space<vmem>>, vector<16xi32>,
      %broadcast_in_dim3A_1963 = arith.constant 58 : i32
      %broadcast_in_dim3A_1964 = vector.broadcast %broadcast_in_dim3A_1963 : i32 to vector<16xi32>
      %gather3A_1965 = tpu.vector_load_idx %arg12[%iota3A, %broadcast_in_dim3A_1964] : memref<16x128xi32, #tpu.memory_space<vmem>>[vector<16xi32>, vector<16xi32>], vector<16xi32>,
      %swap3A_1966 = arith.constant 128 : index
      %swap3A_1967 = tpu.vector_load %arg14[%swap3A_1966] {strides = array<i32>} : memref<160xi32, #tpu.memory_space<vmem>>, vector<16xi32>,
      tpu.vector_store %arg14[%swap3A_1966], %gather3A_1965 {strides = array<i32>} : memref<160xi32, #tpu.memory_space<vmem>>, vector<16xi32>,
      %broadcast_in_dim3A_1968 = arith.constant 59 : i32
      %broadcast_in_dim3A_1969 = vector.broadcast %broadcast_in_dim3A_1968 : i32 to vector<16xi32>
      %gather3A_1970 = tpu.vector_load_idx %arg12[%iota3A, %broadcast_in_dim3A_1969] : memref<16x128xi32, #tpu.memory_space<vmem>>[vector<16xi32>, vector<16xi32>], vector<16xi32>,
      %swap3A_1971 = arith.constant 144 : index
      %swap3A_1972 = tpu.vector_load %arg14[%swap3A_1971] {strides = array<i32>} : memref<160xi32, #tpu.memory_space<vmem>>, vector<16xi32>,
      tpu.vector_store %arg14[%swap3A_1971], %gather3A_1970 {strides = array<i32>} : memref<160xi32, #tpu.memory_space<vmem>>, vector<16xi32>,
      %dma_start3A_1973 = arith.constant 0 : i32
      %dma_start3A_1974 = arith.constant 0 : i32
      %dma_start3A_1975 = tpu.memref_slice %arg5[%dma_start3A_1973, %dma_start3A_1974] : memref<50000x128xf32, #tpu.memory_space<hbm>> -> memref<50000x128xf32, #tpu.memory_space<hbm>>
      tpu.enqueue_indirect_dma source(%dma_start3A_1975 : memref<50000x128xf32, #tpu.memory_space<hbm>>) target(%arg16 : memref<160x128xf32, #tpu.memory_space<vmem>>) offsets(%arg14 : memref<160xi32, #tpu.memory_space<vmem>>) semaphore(%arg21 : memref<!tpu.dma_semaphore, #tpu.memory_space<semaphore_mem>>)
      %gather3A_1976 = tpu.vector_load_idx %arg7[%gather3A_1925] : memref<50000xf32, #tpu.memory_space<vmem>>[vector<16xi32>], vector<16xf32>,
      %gather3A_1977 = tpu.vector_load_idx %arg7[%gather3A_1930] : memref<50000xf32, #tpu.memory_space<vmem>>[vector<16xi32>], vector<16xf32>,
      %gather3A_1978 = tpu.vector_load_idx %arg7[%gather3A_1935] : memref<50000xf32, #tpu.memory_space<vmem>>[vector<16xi32>], vector<16xf32>,
      %gather3A_1979 = tpu.vector_load_idx %arg7[%gather3A_1940] : memref<50000xf32, #tpu.memory_space<vmem>>[vector<16xi32>], vector<16xf32>,
      %gather3A_1980 = tpu.vector_load_idx %arg7[%gather3A_1945] : memref<50000xf32, #tpu.memory_space<vmem>>[vector<16xi32>], vector<16xf32>,
      %gather3A_1981 = tpu.vector_load_idx %arg7[%gather3A_1950] : memref<50000xf32, #tpu.memory_space<vmem>>[vector<16xi32>], vector<16xf32>,
      %gather3A_1982 = tpu.vector_load_idx %arg7[%gather3A_1955] : memref<50000xf32, #tpu.memory_space<vmem>>[vector<16xi32>], vector<16xf32>,
      %gather3A_1983 = tpu.vector_load_idx %arg7[%gather3A_1960] : memref<50000xf32, #tpu.memory_space<vmem>>[vector<16xi32>], vector<16xf32>,
      %gather3A_1984 = tpu.vector_load_idx %arg7[%gather3A_1965] : memref<50000xf32, #tpu.memory_space<vmem>>[vector<16xi32>], vector<16xf32>,
      %gather3A_1985 = tpu.vector_load_idx %arg7[%gather3A_1970] : memref<50000xf32, #tpu.memory_space<vmem>>[vector<16xi32>], vector<16xf32>,
      %max3A_1986 = arith.maximumf %gather3A_1976, %gather3A_1977 : vector<16xf32>
      %max3A_1987 = arith.maximumf %max3A_1986, %gather3A_1978 : vector<16xf32>
      %max3A_1988 = arith.maximumf %max3A_1987, %gather3A_1979 : vector<16xf32>
      %max3A_1989 = arith.maximumf %max3A_1988, %gather3A_1980 : vector<16xf32>
      %max3A_1990 = arith.maximumf %max3A_1989, %gather3A_1981 : vector<16xf32>
      %max3A_1991 = arith.maximumf %max3A_1990, %gather3A_1982 : vector<16xf32>
      %max3A_1992 = arith.maximumf %max3A_1991, %gather3A_1983 : vector<16xf32>
      %max3A_1993 = arith.maximumf %max3A_1992, %gather3A_1984 : vector<16xf32>
      %max3A_1994 = arith.maximumf %max3A_1993, %gather3A_1985 : vector<16xf32>
      %sub3A_1995 = arith.subf %gather3A_1976, %max3A_1994 : vector<16xf32>
      %exp3A_1996 = math.exp %sub3A_1995 : vector<16xf32>
      %sub3A_1997 = arith.subf %gather3A_1977, %max3A_1994 : vector<16xf32>
      %exp3A_1998 = math.exp %sub3A_1997 : vector<16xf32>
      %sub3A_1999 = arith.subf %gather3A_1978, %max3A_1994 : vector<16xf32>
      %exp3A_2000 = math.exp %sub3A_1999 : vector<16xf32>
      %sub3A_2001 = arith.subf %gather3A_1979, %max3A_1994 : vector<16xf32>
      %exp3A_2002 = math.exp %sub3A_2001 : vector<16xf32>
      %sub3A_2003 = arith.subf %gather3A_1980, %max3A_1994 : vector<16xf32>
      %exp3A_2004 = math.exp %sub3A_2003 : vector<16xf32>
      %sub3A_2005 = arith.subf %gather3A_1981, %max3A_1994 : vector<16xf32>
      %exp3A_2006 = math.exp %sub3A_2005 : vector<16xf32>
      %sub3A_2007 = arith.subf %gather3A_1982, %max3A_1994 : vector<16xf32>
      %exp3A_2008 = math.exp %sub3A_2007 : vector<16xf32>
      %sub3A_2009 = arith.subf %gather3A_1983, %max3A_1994 : vector<16xf32>
      %exp3A_2010 = math.exp %sub3A_2009 : vector<16xf32>
      %sub3A_2011 = arith.subf %gather3A_1984, %max3A_1994 : vector<16xf32>
      %exp3A_2012 = math.exp %sub3A_2011 : vector<16xf32>
      %sub3A_2013 = arith.subf %gather3A_1985, %max3A_1994 : vector<16xf32>
      %exp3A_2014 = math.exp %sub3A_2013 : vector<16xf32>
      %add3A_2015 = arith.addf %exp3A_1996, %exp3A_1998 : vector<16xf32>
      %add3A_2016 = arith.addf %exp3A_2000, %exp3A_2002 : vector<16xf32>
      %add3A_2017 = arith.addf %exp3A_2004, %exp3A_2006 : vector<16xf32>
      %add3A_2018 = arith.addf %exp3A_2008, %exp3A_2010 : vector<16xf32>
      %add3A_2019 = arith.addf %exp3A_2012, %exp3A_2014 : vector<16xf32>
      %add3A_2020 = arith.addf %add3A_2015, %add3A_2016 : vector<16xf32>
      %add3A_2021 = arith.addf %add3A_2017, %add3A_2018 : vector<16xf32>
      %add3A_2022 = arith.addf %add3A_2020, %add3A_2021 : vector<16xf32>
      %add3A_2023 = arith.addf %add3A_2022, %add3A_2019 : vector<16xf32>
      %div3A_2024 = arith.constant 1.000000e+00 : f32
      %div3A_2025 = vector.broadcast %div3A_2024 : f32 to vector<16xf32>
      %div3A_2026 = arith.divf %div3A_2025, %add3A_2023 : vector<16xf32>
      %mul3A_2027 = arith.mulf %exp3A_1996, %div3A_2026 : vector<16xf32>
      %swap3A_2028 = arith.constant 0 : i32
      %swap3A_2029 = arith.index_cast %swap3A_2028 : i32 to index
      %swap3A_2030 = arith.constant 0 : index
      %swap3A_2031 = tpu.vector_load %arg18[%swap3A_2029, %swap3A_2030] {strides = array<i32>} : memref<10x16xf32, #tpu.memory_space<vmem>>, vector<16xf32>,
      tpu.vector_store %arg18[%swap3A_2029, %swap3A_2030], %mul3A_2027 {strides = array<i32>} : memref<10x16xf32, #tpu.memory_space<vmem>>, vector<16xf32>,
      %mul3A_2032 = arith.mulf %exp3A_1998, %div3A_2026 : vector<16xf32>
      %swap3A_2033 = arith.constant 1 : i32
      %swap3A_2034 = arith.index_cast %swap3A_2033 : i32 to index
      %swap3A_2035 = arith.constant 0 : index
      %swap3A_2036 = tpu.vector_load %arg18[%swap3A_2034, %swap3A_2035] {strides = array<i32>} : memref<10x16xf32, #tpu.memory_space<vmem>>, vector<16xf32>,
      tpu.vector_store %arg18[%swap3A_2034, %swap3A_2035], %mul3A_2032 {strides = array<i32>} : memref<10x16xf32, #tpu.memory_space<vmem>>, vector<16xf32>,
      %mul3A_2037 = arith.mulf %exp3A_2000, %div3A_2026 : vector<16xf32>
      %swap3A_2038 = arith.constant 2 : i32
      %swap3A_2039 = arith.index_cast %swap3A_2038 : i32 to index
      %swap3A_2040 = arith.constant 0 : index
      %swap3A_2041 = tpu.vector_load %arg18[%swap3A_2039, %swap3A_2040] {strides = array<i32>} : memref<10x16xf32, #tpu.memory_space<vmem>>, vector<16xf32>,
      tpu.vector_store %arg18[%swap3A_2039, %swap3A_2040], %mul3A_2037 {strides = array<i32>} : memref<10x16xf32, #tpu.memory_space<vmem>>, vector<16xf32>,
      %mul3A_2042 = arith.mulf %exp3A_2002, %div3A_2026 : vector<16xf32>
      %swap3A_2043 = arith.constant 3 : i32
      %swap3A_2044 = arith.index_cast %swap3A_2043 : i32 to index
      %swap3A_2045 = arith.constant 0 : index
      %swap3A_2046 = tpu.vector_load %arg18[%swap3A_2044, %swap3A_2045] {strides = array<i32>} : memref<10x16xf32, #tpu.memory_space<vmem>>, vector<16xf32>,
      tpu.vector_store %arg18[%swap3A_2044, %swap3A_2045], %mul3A_2042 {strides = array<i32>} : memref<10x16xf32, #tpu.memory_space<vmem>>, vector<16xf32>,
      %mul3A_2047 = arith.mulf %exp3A_2004, %div3A_2026 : vector<16xf32>
      %swap3A_2048 = arith.constant 4 : i32
      %swap3A_2049 = arith.index_cast %swap3A_2048 : i32 to index
      %swap3A_2050 = arith.constant 0 : index
      %swap3A_2051 = tpu.vector_load %arg18[%swap3A_2049, %swap3A_2050] {strides = array<i32>} : memref<10x16xf32, #tpu.memory_space<vmem>>, vector<16xf32>,
      tpu.vector_store %arg18[%swap3A_2049, %swap3A_2050], %mul3A_2047 {strides = array<i32>} : memref<10x16xf32, #tpu.memory_space<vmem>>, vector<16xf32>,
      %mul3A_2052 = arith.mulf %exp3A_2006, %div3A_2026 : vector<16xf32>
      %swap3A_2053 = arith.constant 5 : i32
      %swap3A_2054 = arith.index_cast %swap3A_2053 : i32 to index
      %swap3A_2055 = arith.constant 0 : index
      %swap3A_2056 = tpu.vector_load %arg18[%swap3A_2054, %swap3A_2055] {strides = array<i32>} : memref<10x16xf32, #tpu.memory_space<vmem>>, vector<16xf32>,
      tpu.vector_store %arg18[%swap3A_2054, %swap3A_2055], %mul3A_2052 {strides = array<i32>} : memref<10x16xf32, #tpu.memory_space<vmem>>, vector<16xf32>,
      %mul3A_2057 = arith.mulf %exp3A_2008, %div3A_2026 : vector<16xf32>
      %swap3A_2058 = arith.constant 6 : i32
      %swap3A_2059 = arith.index_cast %swap3A_2058 : i32 to index
      %swap3A_2060 = arith.constant 0 : index
      %swap3A_2061 = tpu.vector_load %arg18[%swap3A_2059, %swap3A_2060] {strides = array<i32>} : memref<10x16xf32, #tpu.memory_space<vmem>>, vector<16xf32>,
      tpu.vector_store %arg18[%swap3A_2059, %swap3A_2060], %mul3A_2057 {strides = array<i32>} : memref<10x16xf32, #tpu.memory_space<vmem>>, vector<16xf32>,
      %mul3A_2062 = arith.mulf %exp3A_2010, %div3A_2026 : vector<16xf32>
      %swap3A_2063 = arith.constant 7 : i32
      %swap3A_2064 = arith.index_cast %swap3A_2063 : i32 to index
      %swap3A_2065 = arith.constant 0 : index
      %swap3A_2066 = tpu.vector_load %arg18[%swap3A_2064, %swap3A_2065] {strides = array<i32>} : memref<10x16xf32, #tpu.memory_space<vmem>>, vector<16xf32>,
      tpu.vector_store %arg18[%swap3A_2064, %swap3A_2065], %mul3A_2062 {strides = array<i32>} : memref<10x16xf32, #tpu.memory_space<vmem>>, vector<16xf32>,
      %mul3A_2067 = arith.mulf %exp3A_2012, %div3A_2026 : vector<16xf32>
      %swap3A_2068 = arith.constant 8 : i32
      %swap3A_2069 = arith.index_cast %swap3A_2068 : i32 to index
      %swap3A_2070 = arith.constant 0 : index
      %swap3A_2071 = tpu.vector_load %arg18[%swap3A_2069, %swap3A_2070] {strides = array<i32>} : memref<10x16xf32, #tpu.memory_space<vmem>>, vector<16xf32>,
      tpu.vector_store %arg18[%swap3A_2069, %swap3A_2070], %mul3A_2067 {strides = array<i32>} : memref<10x16xf32, #tpu.memory_space<vmem>>, vector<16xf32>,
      %mul3A_2072 = arith.mulf %exp3A_2014, %div3A_2026 : vector<16xf32>
      %swap3A_2073 = arith.constant 9 : i32
      %swap3A_2074 = arith.index_cast %swap3A_2073 : i32 to index
      %swap3A_2075 = arith.constant 0 : index
      %swap3A_2076 = tpu.vector_load %arg18[%swap3A_2074, %swap3A_2075] {strides = array<i32>} : memref<10x16xf32, #tpu.memory_space<vmem>>, vector<16xf32>,
      tpu.vector_store %arg18[%swap3A_2074, %swap3A_2075], %mul3A_2072 {strides = array<i32>} : memref<10x16xf32, #tpu.memory_space<vmem>>, vector<16xf32>,
      %dma_wait3A_2077 = arith.constant 0 : i32
      %dma_wait3A_2078 = arith.constant 0 : i32
      %dma_wait3A_2079 = tpu.memref_slice %arg5[%dma_wait3A_2077, %dma_wait3A_2078] : memref<50000x128xf32, #tpu.memory_space<hbm>> -> memref<50000x128xf32, #tpu.memory_space<hbm>>
      tpu.wait_indirect_dma semaphore(%arg20 : memref<!tpu.dma_semaphore, #tpu.memory_space<semaphore_mem>>) src(%dma_wait3A_2079 : memref<50000x128xf32, #tpu.memory_space<hbm>>) dst(%arg15 : memref<160x128xf32, #tpu.memory_space<vmem>>)
      %get3A_2080 = arith.constant 0 : i32
      %get3A_2081 = arith.index_cast %get3A_2080 : i32 to index
      %get3A_2082 = arith.constant 0 : index
      %get3A_2083 = tpu.vector_load %arg17[%get3A_2081, %get3A_2082] {strides = array<i32>} : memref<10x16xf32, #tpu.memory_space<vmem>>, vector<16xf32>,
      %get3A_2084 = arith.constant 1 : i32
      %get3A_2085 = arith.index_cast %get3A_2084 : i32 to index
      %get3A_2086 = arith.constant 0 : index
      %get3A_2087 = tpu.vector_load %arg17[%get3A_2085, %get3A_2086] {strides = array<i32>} : memref<10x16xf32, #tpu.memory_space<vmem>>, vector<16xf32>,
      %get3A_2088 = arith.constant 2 : i32
      %get3A_2089 = arith.index_cast %get3A_2088 : i32 to index
      %get3A_2090 = arith.constant 0 : index
      %get3A_2091 = tpu.vector_load %arg17[%get3A_2089, %get3A_2090] {strides = array<i32>} : memref<10x16xf32, #tpu.memory_space<vmem>>, vector<16xf32>,
      %get3A_2092 = arith.constant 3 : i32
      %get3A_2093 = arith.index_cast %get3A_2092 : i32 to index
      %get3A_2094 = arith.constant 0 : index
      %get3A_2095 = tpu.vector_load %arg17[%get3A_2093, %get3A_2094] {strides = array<i32>} : memref<10x16xf32, #tpu.memory_space<vmem>>, vector<16xf32>,
      %get3A_2096 = arith.constant 4 : i32
      %get3A_2097 = arith.index_cast %get3A_2096 : i32 to index
      %get3A_2098 = arith.constant 0 : index
      %get3A_2099 = tpu.vector_load %arg17[%get3A_2097, %get3A_2098] {strides = array<i32>} : memref<10x16xf32, #tpu.memory_space<vmem>>, vector<16xf32>,
      %get3A_2100 = arith.constant 5 : i32
      %get3A_2101 = arith.index_cast %get3A_2100 : i32 to index
      %get3A_2102 = arith.constant 0 : index
      %get3A_2103 = tpu.vector_load %arg17[%get3A_2101, %get3A_2102] {strides = array<i32>} : memref<10x16xf32, #tpu.memory_space<vmem>>, vector<16xf32>,
      %get3A_2104 = arith.constant 6 : i32
      %get3A_2105 = arith.index_cast %get3A_2104 : i32 to index
      %get3A_2106 = arith.constant 0 : index
      %get3A_2107 = tpu.vector_load %arg17[%get3A_2105, %get3A_2106] {strides = array<i32>} : memref<10x16xf32, #tpu.memory_space<vmem>>, vector<16xf32>,
      %get3A_2108 = arith.constant 7 : i32
      %get3A_2109 = arith.index_cast %get3A_2108 : i32 to index
      %get3A_2110 = arith.constant 0 : index
      %get3A_2111 = tpu.vector_load %arg17[%get3A_2109, %get3A_2110] {strides = array<i32>} : memref<10x16xf32, #tpu.memory_space<vmem>>, vector<16xf32>,
      %get3A_2112 = arith.constant 8 : i32
      %get3A_2113 = arith.index_cast %get3A_2112 : i32 to index
      %get3A_2114 = arith.constant 0 : index
      %get3A_2115 = tpu.vector_load %arg17[%get3A_2113, %get3A_2114] {strides = array<i32>} : memref<10x16xf32, #tpu.memory_space<vmem>>, vector<16xf32>,
      %get3A_2116 = arith.constant 9 : i32
      %get3A_2117 = arith.index_cast %get3A_2116 : i32 to index
      %get3A_2118 = arith.constant 0 : index
      %get3A_2119 = tpu.vector_load %arg17[%get3A_2117, %get3A_2118] {strides = array<i32>} : memref<10x16xf32, #tpu.memory_space<vmem>>, vector<16xf32>,
      %parallel_loop3A_2120 = arith.constant 0 : i32
      %parallel_loop3A_2121 = arith.constant 16 : i32
      %parallel_loop3A_2122 = arith.constant 1 : i32
      scf.for %parallel_loop3A_2184 = %parallel_loop3A_2120 to %parallel_loop3A_2121 step %parallel_loop3A_2122  : i32 {
        %parallel_loop3A_2185 = vector.broadcast %parallel_loop3A_2184 : i32 to vector<16xi32>
        %parallel_loop3A_2186 = tpu.vector_load_idx %arg15[%add3A_5, %parallel_loop3A_2185] : memref<160x128xf32, #tpu.memory_space<vmem>>[vector<16xi32>, vector<16xi32>], vector<16xf32>,
        %parallel_loop3A_2187 = arith.mulf %get3A_2083, %parallel_loop3A_2186 : vector<16xf32>
        %parallel_loop3A_2188 = arith.constant 512 : i32
        %parallel_loop3A_2189 = vector.broadcast %parallel_loop3A_2188 : i32 to vector<16xi32>
        %parallel_loop3A_2190 = arith.addi %parallel_loop3A_2185, %parallel_loop3A_2189 : vector<16xi32>
        tpu.vector_store_idx %arg19[%iota3A, %parallel_loop3A_2190], %parallel_loop3A_2187 : memref<16x768xf32, #tpu.memory_space<vmem>>[vector<16xi32>, vector<16xi32>], vector<16xf32>,
      } {sc.loop_unroll_factor = 4 : i64, sc.parallel_access}
      %add3A_2123 = arith.constant 1 : i32
      %add3A_2124 = arith.addi %add3A_1267, %add3A_2123 : i32
      %lt3A_2125 = arith.constant 20 : i32
      %lt3A_2126 = arith.cmpi slt, %add3A_2124, %lt3A_2125 : i32
      %convert_element_type3A_2127 = arith.extui %lt3A_2126 : i1 to i32
      %cond3A_2128 = arith.constant 0 : i32
      %cond3A_2129 = arith.cmpi ne, %convert_element_type3A_2127, %cond3A_2128 : i32
      scf.if %cond3A_2129 {
        %dma_wait3A_2184 = arith.constant 0 : i32
        %dma_wait3A_2185 = arith.constant 0 : i32
        %dma_wait3A_2186 = tpu.memref_slice %arg3[%dma_wait3A_2184, %dma_wait3A_2185] : memref<50000x128xi32, #tpu.memory_space<hbm>> -> memref<50000x128xi32, #tpu.memory_space<hbm>>
        tpu.wait_indirect_dma semaphore(%arg22 : memref<!tpu.dma_semaphore, #tpu.memory_space<semaphore_mem>>) src(%dma_wait3A_2186 : memref<50000x128xi32, #tpu.memory_space<hbm>>) dst(%arg11 : memref<16x128xi32, #tpu.memory_space<vmem>>)
        %broadcast_in_dim3A_2187 = arith.constant 0 : i32
        %broadcast_in_dim3A_2188 = vector.broadcast %broadcast_in_dim3A_2187 : i32 to vector<16xi32>
        %gather3A_2189 = tpu.vector_load_idx %arg11[%iota3A, %broadcast_in_dim3A_2188] : memref<16x128xi32, #tpu.memory_space<vmem>>[vector<16xi32>, vector<16xi32>], vector<16xi32>,
        %swap3A_2190 = arith.constant 0 : index
        %swap3A_2191 = tpu.vector_load %arg13[%swap3A_2190] {strides = array<i32>} : memref<160xi32, #tpu.memory_space<vmem>>, vector<16xi32>,
        tpu.vector_store %arg13[%swap3A_2190], %gather3A_2189 {strides = array<i32>} : memref<160xi32, #tpu.memory_space<vmem>>, vector<16xi32>,
        %broadcast_in_dim3A_2192 = arith.constant 1 : i32
        %broadcast_in_dim3A_2193 = vector.broadcast %broadcast_in_dim3A_2192 : i32 to vector<16xi32>
        %gather3A_2194 = tpu.vector_load_idx %arg11[%iota3A, %broadcast_in_dim3A_2193] : memref<16x128xi32, #tpu.memory_space<vmem>>[vector<16xi32>, vector<16xi32>], vector<16xi32>,
        %swap3A_2195 = arith.constant 16 : index
        %swap3A_2196 = tpu.vector_load %arg13[%swap3A_2195] {strides = array<i32>} : memref<160xi32, #tpu.memory_space<vmem>>, vector<16xi32>,
        tpu.vector_store %arg13[%swap3A_2195], %gather3A_2194 {strides = array<i32>} : memref<160xi32, #tpu.memory_space<vmem>>, vector<16xi32>,
        %broadcast_in_dim3A_2197 = arith.constant 2 : i32
        %broadcast_in_dim3A_2198 = vector.broadcast %broadcast_in_dim3A_2197 : i32 to vector<16xi32>
        %gather3A_2199 = tpu.vector_load_idx %arg11[%iota3A, %broadcast_in_dim3A_2198] : memref<16x128xi32, #tpu.memory_space<vmem>>[vector<16xi32>, vector<16xi32>], vector<16xi32>,
        %swap3A_2200 = arith.constant 32 : index
        %swap3A_2201 = tpu.vector_load %arg13[%swap3A_2200] {strides = array<i32>} : memref<160xi32, #tpu.memory_space<vmem>>, vector<16xi32>,
        tpu.vector_store %arg13[%swap3A_2200], %gather3A_2199 {strides = array<i32>} : memref<160xi32, #tpu.memory_space<vmem>>, vector<16xi32>,
        %broadcast_in_dim3A_2202 = arith.constant 3 : i32
        %broadcast_in_dim3A_2203 = vector.broadcast %broadcast_in_dim3A_2202 : i32 to vector<16xi32>
        %gather3A_2204 = tpu.vector_load_idx %arg11[%iota3A, %broadcast_in_dim3A_2203] : memref<16x128xi32, #tpu.memory_space<vmem>>[vector<16xi32>, vector<16xi32>], vector<16xi32>,
        %swap3A_2205 = arith.constant 48 : index
        %swap3A_2206 = tpu.vector_load %arg13[%swap3A_2205] {strides = array<i32>} : memref<160xi32, #tpu.memory_space<vmem>>, vector<16xi32>,
        tpu.vector_store %arg13[%swap3A_2205], %gather3A_2204 {strides = array<i32>} : memref<160xi32, #tpu.memory_space<vmem>>, vector<16xi32>,
        %broadcast_in_dim3A_2207 = arith.constant 4 : i32
        %broadcast_in_dim3A_2208 = vector.broadcast %broadcast_in_dim3A_2207 : i32 to vector<16xi32>
        %gather3A_2209 = tpu.vector_load_idx %arg11[%iota3A, %broadcast_in_dim3A_2208] : memref<16x128xi32, #tpu.memory_space<vmem>>[vector<16xi32>, vector<16xi32>], vector<16xi32>,
        %swap3A_2210 = arith.constant 64 : index
        %swap3A_2211 = tpu.vector_load %arg13[%swap3A_2210] {strides = array<i32>} : memref<160xi32, #tpu.memory_space<vmem>>, vector<16xi32>,
        tpu.vector_store %arg13[%swap3A_2210], %gather3A_2209 {strides = array<i32>} : memref<160xi32, #tpu.memory_space<vmem>>, vector<16xi32>,
        %broadcast_in_dim3A_2212 = arith.constant 5 : i32
        %broadcast_in_dim3A_2213 = vector.broadcast %broadcast_in_dim3A_2212 : i32 to vector<16xi32>
        %gather3A_2214 = tpu.vector_load_idx %arg11[%iota3A, %broadcast_in_dim3A_2213] : memref<16x128xi32, #tpu.memory_space<vmem>>[vector<16xi32>, vector<16xi32>], vector<16xi32>,
        %swap3A_2215 = arith.constant 80 : index
        %swap3A_2216 = tpu.vector_load %arg13[%swap3A_2215] {strides = array<i32>} : memref<160xi32, #tpu.memory_space<vmem>>, vector<16xi32>,
        tpu.vector_store %arg13[%swap3A_2215], %gather3A_2214 {strides = array<i32>} : memref<160xi32, #tpu.memory_space<vmem>>, vector<16xi32>,
        %broadcast_in_dim3A_2217 = arith.constant 6 : i32
        %broadcast_in_dim3A_2218 = vector.broadcast %broadcast_in_dim3A_2217 : i32 to vector<16xi32>
        %gather3A_2219 = tpu.vector_load_idx %arg11[%iota3A, %broadcast_in_dim3A_2218] : memref<16x128xi32, #tpu.memory_space<vmem>>[vector<16xi32>, vector<16xi32>], vector<16xi32>,
        %swap3A_2220 = arith.constant 96 : index
        %swap3A_2221 = tpu.vector_load %arg13[%swap3A_2220] {strides = array<i32>} : memref<160xi32, #tpu.memory_space<vmem>>, vector<16xi32>,
        tpu.vector_store %arg13[%swap3A_2220], %gather3A_2219 {strides = array<i32>} : memref<160xi32, #tpu.memory_space<vmem>>, vector<16xi32>,
        %broadcast_in_dim3A_2222 = arith.constant 7 : i32
        %broadcast_in_dim3A_2223 = vector.broadcast %broadcast_in_dim3A_2222 : i32 to vector<16xi32>
        %gather3A_2224 = tpu.vector_load_idx %arg11[%iota3A, %broadcast_in_dim3A_2223] : memref<16x128xi32, #tpu.memory_space<vmem>>[vector<16xi32>, vector<16xi32>], vector<16xi32>,
        %swap3A_2225 = arith.constant 112 : index
        %swap3A_2226 = tpu.vector_load %arg13[%swap3A_2225] {strides = array<i32>} : memref<160xi32, #tpu.memory_space<vmem>>, vector<16xi32>,
        tpu.vector_store %arg13[%swap3A_2225], %gather3A_2224 {strides = array<i32>} : memref<160xi32, #tpu.memory_space<vmem>>, vector<16xi32>,
        %broadcast_in_dim3A_2227 = arith.constant 8 : i32
        %broadcast_in_dim3A_2228 = vector.broadcast %broadcast_in_dim3A_2227 : i32 to vector<16xi32>
        %gather3A_2229 = tpu.vector_load_idx %arg11[%iota3A, %broadcast_in_dim3A_2228] : memref<16x128xi32, #tpu.memory_space<vmem>>[vector<16xi32>, vector<16xi32>], vector<16xi32>,
        %swap3A_2230 = arith.constant 128 : index
        %swap3A_2231 = tpu.vector_load %arg13[%swap3A_2230] {strides = array<i32>} : memref<160xi32, #tpu.memory_space<vmem>>, vector<16xi32>,
        tpu.vector_store %arg13[%swap3A_2230], %gather3A_2229 {strides = array<i32>} : memref<160xi32, #tpu.memory_space<vmem>>, vector<16xi32>,
        %broadcast_in_dim3A_2232 = arith.constant 9 : i32
        %broadcast_in_dim3A_2233 = vector.broadcast %broadcast_in_dim3A_2232 : i32 to vector<16xi32>
        %gather3A_2234 = tpu.vector_load_idx %arg11[%iota3A, %broadcast_in_dim3A_2233] : memref<16x128xi32, #tpu.memory_space<vmem>>[vector<16xi32>, vector<16xi32>], vector<16xi32>,
        %swap3A_2235 = arith.constant 144 : index
        %swap3A_2236 = tpu.vector_load %arg13[%swap3A_2235] {strides = array<i32>} : memref<160xi32, #tpu.memory_space<vmem>>, vector<16xi32>,
        tpu.vector_store %arg13[%swap3A_2235], %gather3A_2234 {strides = array<i32>} : memref<160xi32, #tpu.memory_space<vmem>>, vector<16xi32>,
        %dma_start3A_2237 = arith.constant 0 : i32
        %dma_start3A_2238 = arith.constant 0 : i32
        %dma_start3A_2239 = tpu.memref_slice %arg5[%dma_start3A_2237, %dma_start3A_2238] : memref<50000x128xf32, #tpu.memory_space<hbm>> -> memref<50000x128xf32, #tpu.memory_space<hbm>>
        tpu.enqueue_indirect_dma source(%dma_start3A_2239 : memref<50000x128xf32, #tpu.memory_space<hbm>>) target(%arg15 : memref<160x128xf32, #tpu.memory_space<vmem>>) offsets(%arg13 : memref<160xi32, #tpu.memory_space<vmem>>) semaphore(%arg20 : memref<!tpu.dma_semaphore, #tpu.memory_space<semaphore_mem>>)
        %gather3A_2240 = tpu.vector_load_idx %arg7[%gather3A_2189] : memref<50000xf32, #tpu.memory_space<vmem>>[vector<16xi32>], vector<16xf32>,
        %gather3A_2241 = tpu.vector_load_idx %arg7[%gather3A_2194] : memref<50000xf32, #tpu.memory_space<vmem>>[vector<16xi32>], vector<16xf32>,
        %gather3A_2242 = tpu.vector_load_idx %arg7[%gather3A_2199] : memref<50000xf32, #tpu.memory_space<vmem>>[vector<16xi32>], vector<16xf32>,
        %gather3A_2243 = tpu.vector_load_idx %arg7[%gather3A_2204] : memref<50000xf32, #tpu.memory_space<vmem>>[vector<16xi32>], vector<16xf32>,
        %gather3A_2244 = tpu.vector_load_idx %arg7[%gather3A_2209] : memref<50000xf32, #tpu.memory_space<vmem>>[vector<16xi32>], vector<16xf32>,
        %gather3A_2245 = tpu.vector_load_idx %arg7[%gather3A_2214] : memref<50000xf32, #tpu.memory_space<vmem>>[vector<16xi32>], vector<16xf32>,
        %gather3A_2246 = tpu.vector_load_idx %arg7[%gather3A_2219] : memref<50000xf32, #tpu.memory_space<vmem>>[vector<16xi32>], vector<16xf32>,
        %gather3A_2247 = tpu.vector_load_idx %arg7[%gather3A_2224] : memref<50000xf32, #tpu.memory_space<vmem>>[vector<16xi32>], vector<16xf32>,
        %gather3A_2248 = tpu.vector_load_idx %arg7[%gather3A_2229] : memref<50000xf32, #tpu.memory_space<vmem>>[vector<16xi32>], vector<16xf32>,
        %gather3A_2249 = tpu.vector_load_idx %arg7[%gather3A_2234] : memref<50000xf32, #tpu.memory_space<vmem>>[vector<16xi32>], vector<16xf32>,
        %max3A_2250 = arith.maximumf %gather3A_2240, %gather3A_2241 : vector<16xf32>
        %max3A_2251 = arith.maximumf %max3A_2250, %gather3A_2242 : vector<16xf32>
        %max3A_2252 = arith.maximumf %max3A_2251, %gather3A_2243 : vector<16xf32>
        %max3A_2253 = arith.maximumf %max3A_2252, %gather3A_2244 : vector<16xf32>
        %max3A_2254 = arith.maximumf %max3A_2253, %gather3A_2245 : vector<16xf32>
        %max3A_2255 = arith.maximumf %max3A_2254, %gather3A_2246 : vector<16xf32>
        %max3A_2256 = arith.maximumf %max3A_2255, %gather3A_2247 : vector<16xf32>
        %max3A_2257 = arith.maximumf %max3A_2256, %gather3A_2248 : vector<16xf32>
        %max3A_2258 = arith.maximumf %max3A_2257, %gather3A_2249 : vector<16xf32>
        %sub3A_2259 = arith.subf %gather3A_2240, %max3A_2258 : vector<16xf32>
        %exp3A_2260 = math.exp %sub3A_2259 : vector<16xf32>
        %sub3A_2261 = arith.subf %gather3A_2241, %max3A_2258 : vector<16xf32>
        %exp3A_2262 = math.exp %sub3A_2261 : vector<16xf32>
        %sub3A_2263 = arith.subf %gather3A_2242, %max3A_2258 : vector<16xf32>
        %exp3A_2264 = math.exp %sub3A_2263 : vector<16xf32>
        %sub3A_2265 = arith.subf %gather3A_2243, %max3A_2258 : vector<16xf32>
        %exp3A_2266 = math.exp %sub3A_2265 : vector<16xf32>
        %sub3A_2267 = arith.subf %gather3A_2244, %max3A_2258 : vector<16xf32>
        %exp3A_2268 = math.exp %sub3A_2267 : vector<16xf32>
        %sub3A_2269 = arith.subf %gather3A_2245, %max3A_2258 : vector<16xf32>
        %exp3A_2270 = math.exp %sub3A_2269 : vector<16xf32>
        %sub3A_2271 = arith.subf %gather3A_2246, %max3A_2258 : vector<16xf32>
        %exp3A_2272 = math.exp %sub3A_2271 : vector<16xf32>
        %sub3A_2273 = arith.subf %gather3A_2247, %max3A_2258 : vector<16xf32>
        %exp3A_2274 = math.exp %sub3A_2273 : vector<16xf32>
        %sub3A_2275 = arith.subf %gather3A_2248, %max3A_2258 : vector<16xf32>
        %exp3A_2276 = math.exp %sub3A_2275 : vector<16xf32>
        %sub3A_2277 = arith.subf %gather3A_2249, %max3A_2258 : vector<16xf32>
        %exp3A_2278 = math.exp %sub3A_2277 : vector<16xf32>
        %add3A_2279 = arith.addf %exp3A_2260, %exp3A_2262 : vector<16xf32>
        %add3A_2280 = arith.addf %exp3A_2264, %exp3A_2266 : vector<16xf32>
        %add3A_2281 = arith.addf %exp3A_2268, %exp3A_2270 : vector<16xf32>
        %add3A_2282 = arith.addf %exp3A_2272, %exp3A_2274 : vector<16xf32>
        %add3A_2283 = arith.addf %exp3A_2276, %exp3A_2278 : vector<16xf32>
        %add3A_2284 = arith.addf %add3A_2279, %add3A_2280 : vector<16xf32>
        %add3A_2285 = arith.addf %add3A_2281, %add3A_2282 : vector<16xf32>
        %add3A_2286 = arith.addf %add3A_2284, %add3A_2285 : vector<16xf32>
        %add3A_2287 = arith.addf %add3A_2286, %add3A_2283 : vector<16xf32>
        %div3A_2288 = arith.constant 1.000000e+00 : f32
        %div3A_2289 = vector.broadcast %div3A_2288 : f32 to vector<16xf32>
        %div3A_2290 = arith.divf %div3A_2289, %add3A_2287 : vector<16xf32>
        %mul3A_2291 = arith.mulf %exp3A_2260, %div3A_2290 : vector<16xf32>
        %swap3A_2292 = arith.constant 0 : i32
        %swap3A_2293 = arith.index_cast %swap3A_2292 : i32 to index
        %swap3A_2294 = arith.constant 0 : index
        %swap3A_2295 = tpu.vector_load %arg17[%swap3A_2293, %swap3A_2294] {strides = array<i32>} : memref<10x16xf32, #tpu.memory_space<vmem>>, vector<16xf32>,
        tpu.vector_store %arg17[%swap3A_2293, %swap3A_2294], %mul3A_2291 {strides = array<i32>} : memref<10x16xf32, #tpu.memory_space<vmem>>, vector<16xf32>,
        %mul3A_2296 = arith.mulf %exp3A_2262, %div3A_2290 : vector<16xf32>
        %swap3A_2297 = arith.constant 1 : i32
        %swap3A_2298 = arith.index_cast %swap3A_2297 : i32 to index
        %swap3A_2299 = arith.constant 0 : index
        %swap3A_2300 = tpu.vector_load %arg17[%swap3A_2298, %swap3A_2299] {strides = array<i32>} : memref<10x16xf32, #tpu.memory_space<vmem>>, vector<16xf32>,
        tpu.vector_store %arg17[%swap3A_2298, %swap3A_2299], %mul3A_2296 {strides = array<i32>} : memref<10x16xf32, #tpu.memory_space<vmem>>, vector<16xf32>,
        %mul3A_2301 = arith.mulf %exp3A_2264, %div3A_2290 : vector<16xf32>
        %swap3A_2302 = arith.constant 2 : i32
        %swap3A_2303 = arith.index_cast %swap3A_2302 : i32 to index
        %swap3A_2304 = arith.constant 0 : index
        %swap3A_2305 = tpu.vector_load %arg17[%swap3A_2303, %swap3A_2304] {strides = array<i32>} : memref<10x16xf32, #tpu.memory_space<vmem>>, vector<16xf32>,
        tpu.vector_store %arg17[%swap3A_2303, %swap3A_2304], %mul3A_2301 {strides = array<i32>} : memref<10x16xf32, #tpu.memory_space<vmem>>, vector<16xf32>,
        %mul3A_2306 = arith.mulf %exp3A_2266, %div3A_2290 : vector<16xf32>
        %swap3A_2307 = arith.constant 3 : i32
        %swap3A_2308 = arith.index_cast %swap3A_2307 : i32 to index
        %swap3A_2309 = arith.constant 0 : index
        %swap3A_2310 = tpu.vector_load %arg17[%swap3A_2308, %swap3A_2309] {strides = array<i32>} : memref<10x16xf32, #tpu.memory_space<vmem>>, vector<16xf32>,
        tpu.vector_store %arg17[%swap3A_2308, %swap3A_2309], %mul3A_2306 {strides = array<i32>} : memref<10x16xf32, #tpu.memory_space<vmem>>, vector<16xf32>,
        %mul3A_2311 = arith.mulf %exp3A_2268, %div3A_2290 : vector<16xf32>
        %swap3A_2312 = arith.constant 4 : i32
        %swap3A_2313 = arith.index_cast %swap3A_2312 : i32 to index
        %swap3A_2314 = arith.constant 0 : index
        %swap3A_2315 = tpu.vector_load %arg17[%swap3A_2313, %swap3A_2314] {strides = array<i32>} : memref<10x16xf32, #tpu.memory_space<vmem>>, vector<16xf32>,
        tpu.vector_store %arg17[%swap3A_2313, %swap3A_2314], %mul3A_2311 {strides = array<i32>} : memref<10x16xf32, #tpu.memory_space<vmem>>, vector<16xf32>,
        %mul3A_2316 = arith.mulf %exp3A_2270, %div3A_2290 : vector<16xf32>
        %swap3A_2317 = arith.constant 5 : i32
        %swap3A_2318 = arith.index_cast %swap3A_2317 : i32 to index
        %swap3A_2319 = arith.constant 0 : index
        %swap3A_2320 = tpu.vector_load %arg17[%swap3A_2318, %swap3A_2319] {strides = array<i32>} : memref<10x16xf32, #tpu.memory_space<vmem>>, vector<16xf32>,
        tpu.vector_store %arg17[%swap3A_2318, %swap3A_2319], %mul3A_2316 {strides = array<i32>} : memref<10x16xf32, #tpu.memory_space<vmem>>, vector<16xf32>,
        %mul3A_2321 = arith.mulf %exp3A_2272, %div3A_2290 : vector<16xf32>
        %swap3A_2322 = arith.constant 6 : i32
        %swap3A_2323 = arith.index_cast %swap3A_2322 : i32 to index
        %swap3A_2324 = arith.constant 0 : index
        %swap3A_2325 = tpu.vector_load %arg17[%swap3A_2323, %swap3A_2324] {strides = array<i32>} : memref<10x16xf32, #tpu.memory_space<vmem>>, vector<16xf32>,
        tpu.vector_store %arg17[%swap3A_2323, %swap3A_2324], %mul3A_2321 {strides = array<i32>} : memref<10x16xf32, #tpu.memory_space<vmem>>, vector<16xf32>,
        %mul3A_2326 = arith.mulf %exp3A_2274, %div3A_2290 : vector<16xf32>
        %swap3A_2327 = arith.constant 7 : i32
        %swap3A_2328 = arith.index_cast %swap3A_2327 : i32 to index
        %swap3A_2329 = arith.constant 0 : index
        %swap3A_2330 = tpu.vector_load %arg17[%swap3A_2328, %swap3A_2329] {strides = array<i32>} : memref<10x16xf32, #tpu.memory_space<vmem>>, vector<16xf32>,
        tpu.vector_store %arg17[%swap3A_2328, %swap3A_2329], %mul3A_2326 {strides = array<i32>} : memref<10x16xf32, #tpu.memory_space<vmem>>, vector<16xf32>,
        %mul3A_2331 = arith.mulf %exp3A_2276, %div3A_2290 : vector<16xf32>
        %swap3A_2332 = arith.constant 8 : i32
        %swap3A_2333 = arith.index_cast %swap3A_2332 : i32 to index
        %swap3A_2334 = arith.constant 0 : index
        %swap3A_2335 = tpu.vector_load %arg17[%swap3A_2333, %swap3A_2334] {strides = array<i32>} : memref<10x16xf32, #tpu.memory_space<vmem>>, vector<16xf32>,
        tpu.vector_store %arg17[%swap3A_2333, %swap3A_2334], %mul3A_2331 {strides = array<i32>} : memref<10x16xf32, #tpu.memory_space<vmem>>, vector<16xf32>,
        %mul3A_2336 = arith.mulf %exp3A_2278, %div3A_2290 : vector<16xf32>
        %swap3A_2337 = arith.constant 9 : i32
        %swap3A_2338 = arith.index_cast %swap3A_2337 : i32 to index
        %swap3A_2339 = arith.constant 0 : index
        %swap3A_2340 = tpu.vector_load %arg17[%swap3A_2338, %swap3A_2339] {strides = array<i32>} : memref<10x16xf32, #tpu.memory_space<vmem>>, vector<16xf32>,
        tpu.vector_store %arg17[%swap3A_2338, %swap3A_2339], %mul3A_2336 {strides = array<i32>} : memref<10x16xf32, #tpu.memory_space<vmem>>, vector<16xf32>,
      } else {
      }
      %dma_wait3A_2130 = arith.constant 0 : i32
      %dma_wait3A_2131 = arith.constant 0 : i32
      %dma_wait3A_2132 = tpu.memref_slice %arg5[%dma_wait3A_2130, %dma_wait3A_2131] : memref<50000x128xf32, #tpu.memory_space<hbm>> -> memref<50000x128xf32, #tpu.memory_space<hbm>>
      tpu.wait_indirect_dma semaphore(%arg21 : memref<!tpu.dma_semaphore, #tpu.memory_space<semaphore_mem>>) src(%dma_wait3A_2132 : memref<50000x128xf32, #tpu.memory_space<hbm>>) dst(%arg16 : memref<160x128xf32, #tpu.memory_space<vmem>>)
      %get3A_2133 = arith.constant 0 : i32
      %get3A_2134 = arith.index_cast %get3A_2133 : i32 to index
      %get3A_2135 = arith.constant 0 : index
      %get3A_2136 = tpu.vector_load %arg18[%get3A_2134, %get3A_2135] {strides = array<i32>} : memref<10x16xf32, #tpu.memory_space<vmem>>, vector<16xf32>,
      %get3A_2137 = arith.constant 1 : i32
      %get3A_2138 = arith.index_cast %get3A_2137 : i32 to index
      %get3A_2139 = arith.constant 0 : index
      %get3A_2140 = tpu.vector_load %arg18[%get3A_2138, %get3A_2139] {strides = array<i32>} : memref<10x16xf32, #tpu.memory_space<vmem>>, vector<16xf32>,
      %get3A_2141 = arith.constant 2 : i32
      %get3A_2142 = arith.index_cast %get3A_2141 : i32 to index
      %get3A_2143 = arith.constant 0 : index
      %get3A_2144 = tpu.vector_load %arg18[%get3A_2142, %get3A_2143] {strides = array<i32>} : memref<10x16xf32, #tpu.memory_space<vmem>>, vector<16xf32>,
      %get3A_2145 = arith.constant 3 : i32
      %get3A_2146 = arith.index_cast %get3A_2145 : i32 to index
      %get3A_2147 = arith.constant 0 : index
      %get3A_2148 = tpu.vector_load %arg18[%get3A_2146, %get3A_2147] {strides = array<i32>} : memref<10x16xf32, #tpu.memory_space<vmem>>, vector<16xf32>,
      %get3A_2149 = arith.constant 4 : i32
      %get3A_2150 = arith.index_cast %get3A_2149 : i32 to index
      %get3A_2151 = arith.constant 0 : index
      %get3A_2152 = tpu.vector_load %arg18[%get3A_2150, %get3A_2151] {strides = array<i32>} : memref<10x16xf32, #tpu.memory_space<vmem>>, vector<16xf32>,
      %get3A_2153 = arith.constant 5 : i32
      %get3A_2154 = arith.index_cast %get3A_2153 : i32 to index
      %get3A_2155 = arith.constant 0 : index
      %get3A_2156 = tpu.vector_load %arg18[%get3A_2154, %get3A_2155] {strides = array<i32>} : memref<10x16xf32, #tpu.memory_space<vmem>>, vector<16xf32>,
      %get3A_2157 = arith.constant 6 : i32
      %get3A_2158 = arith.index_cast %get3A_2157 : i32 to index
      %get3A_2159 = arith.constant 0 : index
      %get3A_2160 = tpu.vector_load %arg18[%get3A_2158, %get3A_2159] {strides = array<i32>} : memref<10x16xf32, #tpu.memory_space<vmem>>, vector<16xf32>,
      %get3A_2161 = arith.constant 7 : i32
      %get3A_2162 = arith.index_cast %get3A_2161 : i32 to index
      %get3A_2163 = arith.constant 0 : index
      %get3A_2164 = tpu.vector_load %arg18[%get3A_2162, %get3A_2163] {strides = array<i32>} : memref<10x16xf32, #tpu.memory_space<vmem>>, vector<16xf32>,
      %get3A_2165 = arith.constant 8 : i32
      %get3A_2166 = arith.index_cast %get3A_2165 : i32 to index
      %get3A_2167 = arith.constant 0 : index
      %get3A_2168 = tpu.vector_load %arg18[%get3A_2166, %get3A_2167] {strides = array<i32>} : memref<10x16xf32, #tpu.memory_space<vmem>>, vector<16xf32>,
      %get3A_2169 = arith.constant 9 : i32
      %get3A_2170 = arith.index_cast %get3A_2169 : i32 to index
      %get3A_2171 = arith.constant 0 : index
      %get3A_2172 = tpu.vector_load %arg18[%get3A_2170, %get3A_2171] {strides = array<i32>} : memref<10x16xf32, #tpu.memory_space<vmem>>, vector<16xf32>,
      %parallel_loop3A_2173 = arith.constant 0 : i32
      %parallel_loop3A_2174 = arith.constant 16 : i32
      %parallel_loop3A_2175 = arith.constant 1 : i32
      scf.for %parallel_loop3A_2184 = %parallel_loop3A_2173 to %parallel_loop3A_2174 step %parallel_loop3A_2175  : i32 {
        %parallel_loop3A_2185 = vector.broadcast %parallel_loop3A_2184 : i32 to vector<16xi32>
        %parallel_loop3A_2186 = tpu.vector_load_idx %arg16[%add3A_5, %parallel_loop3A_2185] : memref<160x128xf32, #tpu.memory_space<vmem>>[vector<16xi32>, vector<16xi32>], vector<16xf32>,
        %parallel_loop3A_2187 = arith.mulf %get3A_2136, %parallel_loop3A_2186 : vector<16xf32>
        %parallel_loop3A_2188 = arith.constant 640 : i32
        %parallel_loop3A_2189 = vector.broadcast %parallel_loop3A_2188 : i32 to vector<16xi32>
        %parallel_loop3A_2190 = arith.addi %parallel_loop3A_2185, %parallel_loop3A_2189 : vector<16xi32>
        tpu.vector_store_idx %arg19[%iota3A, %parallel_loop3A_2190], %parallel_loop3A_2187 : memref<16x768xf32, #tpu.memory_space<vmem>>[vector<16xi32>, vector<16xi32>], vector<16xf32>,
      } {sc.loop_unroll_factor = 4 : i64, sc.parallel_access}
      %add3A_2176 = arith.constant 1 : i32
      %add3A_2177 = arith.addi %add3A_1267, %add3A_2176 : i32
      %lt3A_2178 = arith.constant 20 : i32
      %lt3A_2179 = arith.cmpi slt, %add3A_2177, %lt3A_2178 : i32
      %convert_element_type3A_2180 = arith.extui %lt3A_2179 : i1 to i32
      %cond3A_2181 = arith.constant 0 : i32
      %cond3A_2182 = arith.cmpi ne, %convert_element_type3A_2180, %cond3A_2181 : i32
      scf.if %cond3A_2182 {
        %broadcast_in_dim3A_2184 = arith.constant 10 : i32
        %broadcast_in_dim3A_2185 = vector.broadcast %broadcast_in_dim3A_2184 : i32 to vector<16xi32>
        %gather3A_2186 = tpu.vector_load_idx %arg11[%iota3A, %broadcast_in_dim3A_2185] : memref<16x128xi32, #tpu.memory_space<vmem>>[vector<16xi32>, vector<16xi32>], vector<16xi32>,
        %swap3A_2187 = arith.constant 0 : index
        %swap3A_2188 = tpu.vector_load %arg14[%swap3A_2187] {strides = array<i32>} : memref<160xi32, #tpu.memory_space<vmem>>, vector<16xi32>,
        tpu.vector_store %arg14[%swap3A_2187], %gather3A_2186 {strides = array<i32>} : memref<160xi32, #tpu.memory_space<vmem>>, vector<16xi32>,
        %broadcast_in_dim3A_2189 = arith.constant 11 : i32
        %broadcast_in_dim3A_2190 = vector.broadcast %broadcast_in_dim3A_2189 : i32 to vector<16xi32>
        %gather3A_2191 = tpu.vector_load_idx %arg11[%iota3A, %broadcast_in_dim3A_2190] : memref<16x128xi32, #tpu.memory_space<vmem>>[vector<16xi32>, vector<16xi32>], vector<16xi32>,
        %swap3A_2192 = arith.constant 16 : index
        %swap3A_2193 = tpu.vector_load %arg14[%swap3A_2192] {strides = array<i32>} : memref<160xi32, #tpu.memory_space<vmem>>, vector<16xi32>,
        tpu.vector_store %arg14[%swap3A_2192], %gather3A_2191 {strides = array<i32>} : memref<160xi32, #tpu.memory_space<vmem>>, vector<16xi32>,
        %broadcast_in_dim3A_2194 = arith.constant 12 : i32
        %broadcast_in_dim3A_2195 = vector.broadcast %broadcast_in_dim3A_2194 : i32 to vector<16xi32>
        %gather3A_2196 = tpu.vector_load_idx %arg11[%iota3A, %broadcast_in_dim3A_2195] : memref<16x128xi32, #tpu.memory_space<vmem>>[vector<16xi32>, vector<16xi32>], vector<16xi32>,
        %swap3A_2197 = arith.constant 32 : index
        %swap3A_2198 = tpu.vector_load %arg14[%swap3A_2197] {strides = array<i32>} : memref<160xi32, #tpu.memory_space<vmem>>, vector<16xi32>,
        tpu.vector_store %arg14[%swap3A_2197], %gather3A_2196 {strides = array<i32>} : memref<160xi32, #tpu.memory_space<vmem>>, vector<16xi32>,
        %broadcast_in_dim3A_2199 = arith.constant 13 : i32
        %broadcast_in_dim3A_2200 = vector.broadcast %broadcast_in_dim3A_2199 : i32 to vector<16xi32>
        %gather3A_2201 = tpu.vector_load_idx %arg11[%iota3A, %broadcast_in_dim3A_2200] : memref<16x128xi32, #tpu.memory_space<vmem>>[vector<16xi32>, vector<16xi32>], vector<16xi32>,
        %swap3A_2202 = arith.constant 48 : index
        %swap3A_2203 = tpu.vector_load %arg14[%swap3A_2202] {strides = array<i32>} : memref<160xi32, #tpu.memory_space<vmem>>, vector<16xi32>,
        tpu.vector_store %arg14[%swap3A_2202], %gather3A_2201 {strides = array<i32>} : memref<160xi32, #tpu.memory_space<vmem>>, vector<16xi32>,
        %broadcast_in_dim3A_2204 = arith.constant 14 : i32
        %broadcast_in_dim3A_2205 = vector.broadcast %broadcast_in_dim3A_2204 : i32 to vector<16xi32>
        %gather3A_2206 = tpu.vector_load_idx %arg11[%iota3A, %broadcast_in_dim3A_2205] : memref<16x128xi32, #tpu.memory_space<vmem>>[vector<16xi32>, vector<16xi32>], vector<16xi32>,
        %swap3A_2207 = arith.constant 64 : index
        %swap3A_2208 = tpu.vector_load %arg14[%swap3A_2207] {strides = array<i32>} : memref<160xi32, #tpu.memory_space<vmem>>, vector<16xi32>,
        tpu.vector_store %arg14[%swap3A_2207], %gather3A_2206 {strides = array<i32>} : memref<160xi32, #tpu.memory_space<vmem>>, vector<16xi32>,
        %broadcast_in_dim3A_2209 = arith.constant 15 : i32
        %broadcast_in_dim3A_2210 = vector.broadcast %broadcast_in_dim3A_2209 : i32 to vector<16xi32>
        %gather3A_2211 = tpu.vector_load_idx %arg11[%iota3A, %broadcast_in_dim3A_2210] : memref<16x128xi32, #tpu.memory_space<vmem>>[vector<16xi32>, vector<16xi32>], vector<16xi32>,
        %swap3A_2212 = arith.constant 80 : index
        %swap3A_2213 = tpu.vector_load %arg14[%swap3A_2212] {strides = array<i32>} : memref<160xi32, #tpu.memory_space<vmem>>, vector<16xi32>,
        tpu.vector_store %arg14[%swap3A_2212], %gather3A_2211 {strides = array<i32>} : memref<160xi32, #tpu.memory_space<vmem>>, vector<16xi32>,
        %broadcast_in_dim3A_2214 = arith.constant 16 : i32
        %broadcast_in_dim3A_2215 = vector.broadcast %broadcast_in_dim3A_2214 : i32 to vector<16xi32>
        %gather3A_2216 = tpu.vector_load_idx %arg11[%iota3A, %broadcast_in_dim3A_2215] : memref<16x128xi32, #tpu.memory_space<vmem>>[vector<16xi32>, vector<16xi32>], vector<16xi32>,
        %swap3A_2217 = arith.constant 96 : index
        %swap3A_2218 = tpu.vector_load %arg14[%swap3A_2217] {strides = array<i32>} : memref<160xi32, #tpu.memory_space<vmem>>, vector<16xi32>,
        tpu.vector_store %arg14[%swap3A_2217], %gather3A_2216 {strides = array<i32>} : memref<160xi32, #tpu.memory_space<vmem>>, vector<16xi32>,
        %broadcast_in_dim3A_2219 = arith.constant 17 : i32
        %broadcast_in_dim3A_2220 = vector.broadcast %broadcast_in_dim3A_2219 : i32 to vector<16xi32>
        %gather3A_2221 = tpu.vector_load_idx %arg11[%iota3A, %broadcast_in_dim3A_2220] : memref<16x128xi32, #tpu.memory_space<vmem>>[vector<16xi32>, vector<16xi32>], vector<16xi32>,
        %swap3A_2222 = arith.constant 112 : index
        %swap3A_2223 = tpu.vector_load %arg14[%swap3A_2222] {strides = array<i32>} : memref<160xi32, #tpu.memory_space<vmem>>, vector<16xi32>,
        tpu.vector_store %arg14[%swap3A_2222], %gather3A_2221 {strides = array<i32>} : memref<160xi32, #tpu.memory_space<vmem>>, vector<16xi32>,
        %broadcast_in_dim3A_2224 = arith.constant 18 : i32
        %broadcast_in_dim3A_2225 = vector.broadcast %broadcast_in_dim3A_2224 : i32 to vector<16xi32>
        %gather3A_2226 = tpu.vector_load_idx %arg11[%iota3A, %broadcast_in_dim3A_2225] : memref<16x128xi32, #tpu.memory_space<vmem>>[vector<16xi32>, vector<16xi32>], vector<16xi32>,
        %swap3A_2227 = arith.constant 128 : index
        %swap3A_2228 = tpu.vector_load %arg14[%swap3A_2227] {strides = array<i32>} : memref<160xi32, #tpu.memory_space<vmem>>, vector<16xi32>,
        tpu.vector_store %arg14[%swap3A_2227], %gather3A_2226 {strides = array<i32>} : memref<160xi32, #tpu.memory_space<vmem>>, vector<16xi32>,
        %broadcast_in_dim3A_2229 = arith.constant 19 : i32
        %broadcast_in_dim3A_2230 = vector.broadcast %broadcast_in_dim3A_2229 : i32 to vector<16xi32>
        %gather3A_2231 = tpu.vector_load_idx %arg11[%iota3A, %broadcast_in_dim3A_2230] : memref<16x128xi32, #tpu.memory_space<vmem>>[vector<16xi32>, vector<16xi32>], vector<16xi32>,
        %swap3A_2232 = arith.constant 144 : index
        %swap3A_2233 = tpu.vector_load %arg14[%swap3A_2232] {strides = array<i32>} : memref<160xi32, #tpu.memory_space<vmem>>, vector<16xi32>,
        tpu.vector_store %arg14[%swap3A_2232], %gather3A_2231 {strides = array<i32>} : memref<160xi32, #tpu.memory_space<vmem>>, vector<16xi32>,
        %dma_start3A_2234 = arith.constant 0 : i32
        %dma_start3A_2235 = arith.constant 0 : i32
        %dma_start3A_2236 = tpu.memref_slice %arg5[%dma_start3A_2234, %dma_start3A_2235] : memref<50000x128xf32, #tpu.memory_space<hbm>> -> memref<50000x128xf32, #tpu.memory_space<hbm>>
        tpu.enqueue_indirect_dma source(%dma_start3A_2236 : memref<50000x128xf32, #tpu.memory_space<hbm>>) target(%arg16 : memref<160x128xf32, #tpu.memory_space<vmem>>) offsets(%arg14 : memref<160xi32, #tpu.memory_space<vmem>>) semaphore(%arg21 : memref<!tpu.dma_semaphore, #tpu.memory_space<semaphore_mem>>)
        %gather3A_2237 = tpu.vector_load_idx %arg7[%gather3A_2186] : memref<50000xf32, #tpu.memory_space<vmem>>[vector<16xi32>], vector<16xf32>,
        %gather3A_2238 = tpu.vector_load_idx %arg7[%gather3A_2191] : memref<50000xf32, #tpu.memory_space<vmem>>[vector<16xi32>], vector<16xf32>,
        %gather3A_2239 = tpu.vector_load_idx %arg7[%gather3A_2196] : memref<50000xf32, #tpu.memory_space<vmem>>[vector<16xi32>], vector<16xf32>,
        %gather3A_2240 = tpu.vector_load_idx %arg7[%gather3A_2201] : memref<50000xf32, #tpu.memory_space<vmem>>[vector<16xi32>], vector<16xf32>,
        %gather3A_2241 = tpu.vector_load_idx %arg7[%gather3A_2206] : memref<50000xf32, #tpu.memory_space<vmem>>[vector<16xi32>], vector<16xf32>,
        %gather3A_2242 = tpu.vector_load_idx %arg7[%gather3A_2211] : memref<50000xf32, #tpu.memory_space<vmem>>[vector<16xi32>], vector<16xf32>,
        %gather3A_2243 = tpu.vector_load_idx %arg7[%gather3A_2216] : memref<50000xf32, #tpu.memory_space<vmem>>[vector<16xi32>], vector<16xf32>,
        %gather3A_2244 = tpu.vector_load_idx %arg7[%gather3A_2221] : memref<50000xf32, #tpu.memory_space<vmem>>[vector<16xi32>], vector<16xf32>,
        %gather3A_2245 = tpu.vector_load_idx %arg7[%gather3A_2226] : memref<50000xf32, #tpu.memory_space<vmem>>[vector<16xi32>], vector<16xf32>,
        %gather3A_2246 = tpu.vector_load_idx %arg7[%gather3A_2231] : memref<50000xf32, #tpu.memory_space<vmem>>[vector<16xi32>], vector<16xf32>,
        %max3A_2247 = arith.maximumf %gather3A_2237, %gather3A_2238 : vector<16xf32>
        %max3A_2248 = arith.maximumf %max3A_2247, %gather3A_2239 : vector<16xf32>
        %max3A_2249 = arith.maximumf %max3A_2248, %gather3A_2240 : vector<16xf32>
        %max3A_2250 = arith.maximumf %max3A_2249, %gather3A_2241 : vector<16xf32>
        %max3A_2251 = arith.maximumf %max3A_2250, %gather3A_2242 : vector<16xf32>
        %max3A_2252 = arith.maximumf %max3A_2251, %gather3A_2243 : vector<16xf32>
        %max3A_2253 = arith.maximumf %max3A_2252, %gather3A_2244 : vector<16xf32>
        %max3A_2254 = arith.maximumf %max3A_2253, %gather3A_2245 : vector<16xf32>
        %max3A_2255 = arith.maximumf %max3A_2254, %gather3A_2246 : vector<16xf32>
        %sub3A_2256 = arith.subf %gather3A_2237, %max3A_2255 : vector<16xf32>
        %exp3A_2257 = math.exp %sub3A_2256 : vector<16xf32>
        %sub3A_2258 = arith.subf %gather3A_2238, %max3A_2255 : vector<16xf32>
        %exp3A_2259 = math.exp %sub3A_2258 : vector<16xf32>
        %sub3A_2260 = arith.subf %gather3A_2239, %max3A_2255 : vector<16xf32>
        %exp3A_2261 = math.exp %sub3A_2260 : vector<16xf32>
        %sub3A_2262 = arith.subf %gather3A_2240, %max3A_2255 : vector<16xf32>
        %exp3A_2263 = math.exp %sub3A_2262 : vector<16xf32>
        %sub3A_2264 = arith.subf %gather3A_2241, %max3A_2255 : vector<16xf32>
        %exp3A_2265 = math.exp %sub3A_2264 : vector<16xf32>
        %sub3A_2266 = arith.subf %gather3A_2242, %max3A_2255 : vector<16xf32>
        %exp3A_2267 = math.exp %sub3A_2266 : vector<16xf32>
        %sub3A_2268 = arith.subf %gather3A_2243, %max3A_2255 : vector<16xf32>
        %exp3A_2269 = math.exp %sub3A_2268 : vector<16xf32>
        %sub3A_2270 = arith.subf %gather3A_2244, %max3A_2255 : vector<16xf32>
        %exp3A_2271 = math.exp %sub3A_2270 : vector<16xf32>
        %sub3A_2272 = arith.subf %gather3A_2245, %max3A_2255 : vector<16xf32>
        %exp3A_2273 = math.exp %sub3A_2272 : vector<16xf32>
        %sub3A_2274 = arith.subf %gather3A_2246, %max3A_2255 : vector<16xf32>
        %exp3A_2275 = math.exp %sub3A_2274 : vector<16xf32>
        %add3A_2276 = arith.addf %exp3A_2257, %exp3A_2259 : vector<16xf32>
        %add3A_2277 = arith.addf %exp3A_2261, %exp3A_2263 : vector<16xf32>
        %add3A_2278 = arith.addf %exp3A_2265, %exp3A_2267 : vector<16xf32>
        %add3A_2279 = arith.addf %exp3A_2269, %exp3A_2271 : vector<16xf32>
        %add3A_2280 = arith.addf %exp3A_2273, %exp3A_2275 : vector<16xf32>
        %add3A_2281 = arith.addf %add3A_2276, %add3A_2277 : vector<16xf32>
        %add3A_2282 = arith.addf %add3A_2278, %add3A_2279 : vector<16xf32>
        %add3A_2283 = arith.addf %add3A_2281, %add3A_2282 : vector<16xf32>
        %add3A_2284 = arith.addf %add3A_2283, %add3A_2280 : vector<16xf32>
        %div3A_2285 = arith.constant 1.000000e+00 : f32
        %div3A_2286 = vector.broadcast %div3A_2285 : f32 to vector<16xf32>
        %div3A_2287 = arith.divf %div3A_2286, %add3A_2284 : vector<16xf32>
        %mul3A_2288 = arith.mulf %exp3A_2257, %div3A_2287 : vector<16xf32>
        %swap3A_2289 = arith.constant 0 : i32
        %swap3A_2290 = arith.index_cast %swap3A_2289 : i32 to index
        %swap3A_2291 = arith.constant 0 : index
        %swap3A_2292 = tpu.vector_load %arg18[%swap3A_2290, %swap3A_2291] {strides = array<i32>} : memref<10x16xf32, #tpu.memory_space<vmem>>, vector<16xf32>,
        tpu.vector_store %arg18[%swap3A_2290, %swap3A_2291], %mul3A_2288 {strides = array<i32>} : memref<10x16xf32, #tpu.memory_space<vmem>>, vector<16xf32>,
        %mul3A_2293 = arith.mulf %exp3A_2259, %div3A_2287 : vector<16xf32>
        %swap3A_2294 = arith.constant 1 : i32
        %swap3A_2295 = arith.index_cast %swap3A_2294 : i32 to index
        %swap3A_2296 = arith.constant 0 : index
        %swap3A_2297 = tpu.vector_load %arg18[%swap3A_2295, %swap3A_2296] {strides = array<i32>} : memref<10x16xf32, #tpu.memory_space<vmem>>, vector<16xf32>,
        tpu.vector_store %arg18[%swap3A_2295, %swap3A_2296], %mul3A_2293 {strides = array<i32>} : memref<10x16xf32, #tpu.memory_space<vmem>>, vector<16xf32>,
        %mul3A_2298 = arith.mulf %exp3A_2261, %div3A_2287 : vector<16xf32>
        %swap3A_2299 = arith.constant 2 : i32
        %swap3A_2300 = arith.index_cast %swap3A_2299 : i32 to index
        %swap3A_2301 = arith.constant 0 : index
        %swap3A_2302 = tpu.vector_load %arg18[%swap3A_2300, %swap3A_2301] {strides = array<i32>} : memref<10x16xf32, #tpu.memory_space<vmem>>, vector<16xf32>,
        tpu.vector_store %arg18[%swap3A_2300, %swap3A_2301], %mul3A_2298 {strides = array<i32>} : memref<10x16xf32, #tpu.memory_space<vmem>>, vector<16xf32>,
        %mul3A_2303 = arith.mulf %exp3A_2263, %div3A_2287 : vector<16xf32>
        %swap3A_2304 = arith.constant 3 : i32
        %swap3A_2305 = arith.index_cast %swap3A_2304 : i32 to index
        %swap3A_2306 = arith.constant 0 : index
        %swap3A_2307 = tpu.vector_load %arg18[%swap3A_2305, %swap3A_2306] {strides = array<i32>} : memref<10x16xf32, #tpu.memory_space<vmem>>, vector<16xf32>,
        tpu.vector_store %arg18[%swap3A_2305, %swap3A_2306], %mul3A_2303 {strides = array<i32>} : memref<10x16xf32, #tpu.memory_space<vmem>>, vector<16xf32>,
        %mul3A_2308 = arith.mulf %exp3A_2265, %div3A_2287 : vector<16xf32>
        %swap3A_2309 = arith.constant 4 : i32
        %swap3A_2310 = arith.index_cast %swap3A_2309 : i32 to index
        %swap3A_2311 = arith.constant 0 : index
        %swap3A_2312 = tpu.vector_load %arg18[%swap3A_2310, %swap3A_2311] {strides = array<i32>} : memref<10x16xf32, #tpu.memory_space<vmem>>, vector<16xf32>,
        tpu.vector_store %arg18[%swap3A_2310, %swap3A_2311], %mul3A_2308 {strides = array<i32>} : memref<10x16xf32, #tpu.memory_space<vmem>>, vector<16xf32>,
        %mul3A_2313 = arith.mulf %exp3A_2267, %div3A_2287 : vector<16xf32>
        %swap3A_2314 = arith.constant 5 : i32
        %swap3A_2315 = arith.index_cast %swap3A_2314 : i32 to index
        %swap3A_2316 = arith.constant 0 : index
        %swap3A_2317 = tpu.vector_load %arg18[%swap3A_2315, %swap3A_2316] {strides = array<i32>} : memref<10x16xf32, #tpu.memory_space<vmem>>, vector<16xf32>,
        tpu.vector_store %arg18[%swap3A_2315, %swap3A_2316], %mul3A_2313 {strides = array<i32>} : memref<10x16xf32, #tpu.memory_space<vmem>>, vector<16xf32>,
        %mul3A_2318 = arith.mulf %exp3A_2269, %div3A_2287 : vector<16xf32>
        %swap3A_2319 = arith.constant 6 : i32
        %swap3A_2320 = arith.index_cast %swap3A_2319 : i32 to index
        %swap3A_2321 = arith.constant 0 : index
        %swap3A_2322 = tpu.vector_load %arg18[%swap3A_2320, %swap3A_2321] {strides = array<i32>} : memref<10x16xf32, #tpu.memory_space<vmem>>, vector<16xf32>,
        tpu.vector_store %arg18[%swap3A_2320, %swap3A_2321], %mul3A_2318 {strides = array<i32>} : memref<10x16xf32, #tpu.memory_space<vmem>>, vector<16xf32>,
        %mul3A_2323 = arith.mulf %exp3A_2271, %div3A_2287 : vector<16xf32>
        %swap3A_2324 = arith.constant 7 : i32
        %swap3A_2325 = arith.index_cast %swap3A_2324 : i32 to index
        %swap3A_2326 = arith.constant 0 : index
        %swap3A_2327 = tpu.vector_load %arg18[%swap3A_2325, %swap3A_2326] {strides = array<i32>} : memref<10x16xf32, #tpu.memory_space<vmem>>, vector<16xf32>,
        tpu.vector_store %arg18[%swap3A_2325, %swap3A_2326], %mul3A_2323 {strides = array<i32>} : memref<10x16xf32, #tpu.memory_space<vmem>>, vector<16xf32>,
        %mul3A_2328 = arith.mulf %exp3A_2273, %div3A_2287 : vector<16xf32>
        %swap3A_2329 = arith.constant 8 : i32
        %swap3A_2330 = arith.index_cast %swap3A_2329 : i32 to index
        %swap3A_2331 = arith.constant 0 : index
        %swap3A_2332 = tpu.vector_load %arg18[%swap3A_2330, %swap3A_2331] {strides = array<i32>} : memref<10x16xf32, #tpu.memory_space<vmem>>, vector<16xf32>,
        tpu.vector_store %arg18[%swap3A_2330, %swap3A_2331], %mul3A_2328 {strides = array<i32>} : memref<10x16xf32, #tpu.memory_space<vmem>>, vector<16xf32>,
        %mul3A_2333 = arith.mulf %exp3A_2275, %div3A_2287 : vector<16xf32>
        %swap3A_2334 = arith.constant 9 : i32
        %swap3A_2335 = arith.index_cast %swap3A_2334 : i32 to index
        %swap3A_2336 = arith.constant 0 : index
        %swap3A_2337 = tpu.vector_load %arg18[%swap3A_2335, %swap3A_2336] {strides = array<i32>} : memref<10x16xf32, #tpu.memory_space<vmem>>, vector<16xf32>,
        tpu.vector_store %arg18[%swap3A_2335, %swap3A_2336], %mul3A_2333 {strides = array<i32>} : memref<10x16xf32, #tpu.memory_space<vmem>>, vector<16xf32>,
      } else {
      }
      %add3A_2183 = arith.addi %mul3A_2, %mul3A_1269 : i32
      "tpu.region"() ({
        %run_scoped3A = tpu.sem_alloc : memref<!tpu.dma_semaphore, #tpu.memory_space<semaphore_mem>>
        %dma_start3A_2184 = arith.constant 0 : i32
        %dma_start3A_2185 = tpu.memref_slice %arg6[%add3A_2183, %dma_start3A_2184] : memref<10240x768xf32, #tpu.memory_space<hbm>> -> memref<16x768xf32, #tpu.memory_space<hbm>>
        %dma_start3A_2186 = arith.constant 0 : i32
        %dma_start3A_2187 = tpu.memref_slice %arg6[%add3A_2183, %dma_start3A_2186] : memref<10240x768xf32, #tpu.memory_space<hbm>> -> memref<16x768xf32, #tpu.memory_space<hbm>>
        tpu.enqueue_dma source(%arg19 : memref<16x768xf32, #tpu.memory_space<vmem>>) target(%dma_start3A_2187 : memref<16x768xf32, #tpu.memory_space<hbm>>) target_semaphore(%run_scoped3A : memref<!tpu.dma_semaphore, #tpu.memory_space<semaphore_mem>>)
        %dma_wait3A_2188 = arith.constant 0 : i32
        %dma_wait3A_2189 = tpu.memref_slice %arg6[%add3A_2183, %dma_wait3A_2188] : memref<10240x768xf32, #tpu.memory_space<hbm>> -> memref<16x768xf32, #tpu.memory_space<hbm>>
        %dma_wait3A_2190 = arith.constant 0 : i32
        %dma_wait3A_2191 = tpu.memref_slice %arg6[%add3A_2183, %dma_wait3A_2190] : memref<10240x768xf32, #tpu.memory_space<hbm>> -> memref<16x768xf32, #tpu.memory_space<hbm>>
        tpu.wait_dma2 semaphore(%run_scoped3A : memref<!tpu.dma_semaphore, #tpu.memory_space<semaphore_mem>>) src(%arg19 : memref<16x768xf32, #tpu.memory_space<vmem>>) dst(%dma_wait3A_2191 : memref<16x768xf32, #tpu.memory_space<hbm>>)
        tpu.yield
      }) : () -> ()
    }
    %scan3A_348 = arith.constant 10 : i32
    return
  }
}

module attributes {stable_mosaic.version = 14 : i64} {
  func.func @_score_body(%arg0: i32, %arg1: memref<2000x128xf32, #tpu.memory_space<vmem>>, %arg2: memref<128x9xf32, #tpu.memory_space<vmem>>, %arg3: memref<9xf32, #tpu.memory_space<vmem>>, %arg4: memref<9x1xf32, #tpu.memory_space<vmem>>, %arg5: memref<1xf32, #tpu.memory_space<vmem>>, %arg6: memref<2000x1xf32, #tpu.memory_space<vmem>>) attributes {dimension_semantics = [#tpu.dimension_semantics<arbitrary>], iteration_bounds = array<i64: 25>, scalar_prefetch = 0 : i64, scratch_operands = 0 : i64, tpu.core_type = #tpu.core_type<tc>, window_params = [{transform_indices = @transform_0, window_bounds = array<i64: 2000, 128>}, {pipeline_mode = #tpu.pipeline_mode<synchronous>, transform_indices = @transform_1, window_bounds = array<i64: 128, 9>}, {pipeline_mode = #tpu.pipeline_mode<synchronous>, transform_indices = @transform_2, window_bounds = array<i64: 9>}, {pipeline_mode = #tpu.pipeline_mode<synchronous>, transform_indices = @transform_3, window_bounds = array<i64: 9, 1>}, {pipeline_mode = #tpu.pipeline_mode<synchronous>, transform_indices = @transform_4, window_bounds = array<i64: 1>}, {transform_indices = @transform_5, window_bounds = array<i64: 2000, 1>}]} {
    %get3A = arith.constant 0 : index
    %get3A_0 = arith.constant 0 : index
    %get3A_1 = vector.load %arg1[%get3A, %get3A_0] : memref<2000x128xf32, #tpu.memory_space<vmem>>, vector<2000x128xf32>
    %get3A_2 = arith.constant 0 : index
    %get3A_3 = arith.constant 0 : index
    %get3A_4 = vector.load %arg2[%get3A_2, %get3A_3] : memref<128x9xf32, #tpu.memory_space<vmem>>, vector<128x9xf32>
    %dot_general3A = arith.constant dense<0.000000e+00> : vector<2000x9xf32>
    %dot_general3A_5 = tpu.matmul %get3A_1, %get3A_4, %dot_general3A {dimension_numbers = #tpu.dot_dimension_numbers<[1], [0], [0], [1], [0, 0, 1, 1], [], []>, transpose_lhs_hint = false} : vector<2000x128xf32>, vector<128x9xf32>, vector<2000x9xf32> -> vector<2000x9xf32>
    %get3A_6 = arith.constant 0 : index
    %get3A_7 = vector.load %arg3[%get3A_6] : memref<9xf32, #tpu.memory_space<vmem>>, vector<9xf32>
    %broadcast_in_dim3A = vector.shape_cast %get3A_7 : vector<9xf32> to vector<1x9xf32>
    %add3A = vector.broadcast %broadcast_in_dim3A : vector<1x9xf32> to vector<2000x9xf32>
    %add3A_8 = arith.addf %dot_general3A_5, %add3A : vector<2000x9xf32>
    %max3A = arith.constant 0.000000e+00 : f32
    %max3A_9 = vector.broadcast %max3A : f32 to vector<2000x9xf32>
    %max3A_10 = arith.maximumf %add3A_8, %max3A_9 : vector<2000x9xf32>
    %get3A_11 = arith.constant 0 : index
    %get3A_12 = arith.constant 0 : index
    %get3A_13 = vector.load %arg4[%get3A_11, %get3A_12] : memref<9x1xf32, #tpu.memory_space<vmem>>, vector<9x1xf32>
    %dot_general3A_14 = arith.constant dense<0.000000e+00> : vector<2000x1xf32>
    %dot_general3A_15 = tpu.matmul %max3A_10, %get3A_13, %dot_general3A_14 {dimension_numbers = #tpu.dot_dimension_numbers<[1], [0], [0], [1], [0, 0, 1, 1], [], []>, transpose_lhs_hint = false} : vector<2000x9xf32>, vector<9x1xf32>, vector<2000x1xf32> -> vector<2000x1xf32>
    %get3A_16 = arith.constant 0 : index
    %get3A_17 = vector.load %arg5[%get3A_16] : memref<1xf32, #tpu.memory_space<vmem>>, vector<1xf32>
    %broadcast_in_dim3A_18 = vector.shape_cast %get3A_17 : vector<1xf32> to vector<1x1xf32>
    %add3A_19 = vector.broadcast %broadcast_in_dim3A_18 : vector<1x1xf32> to vector<2000x1xf32>
    %add3A_20 = arith.addf %dot_general3A_15, %add3A_19 : vector<2000x1xf32>
    %swap3A = arith.constant 0 : index
    %swap3A_21 = arith.constant 0 : index
    %swap3A_22 = vector.load %arg6[%swap3A, %swap3A_21] : memref<2000x1xf32, #tpu.memory_space<vmem>>, vector<2000x1xf32>
    tpu.vector_store %arg6[%swap3A, %swap3A_21], %add3A_20 {strides = array<i32>} : memref<2000x1xf32, #tpu.memory_space<vmem>>, vector<2000x1xf32>,
    return
  }
  func.func @transform_0(%arg0: i32) -> (i32, i32) {
    %c0_i32 = arith.constant 0 : i32
    %c0_i32_0 = arith.constant 0 : i32
    return %arg0, %c0_i32 : i32, i32
  }
  func.func @transform_1(%arg0: i32) -> (i32, i32) {
    %c0_i32 = arith.constant 0 : i32
    %c0_i32_0 = arith.constant 0 : i32
    %c0_i32_1 = arith.constant 0 : i32
    return %c0_i32, %c0_i32_0 : i32, i32
  }
  func.func @transform_2(%arg0: i32) -> i32 {
    %c0_i32 = arith.constant 0 : i32
    %c0_i32_0 = arith.constant 0 : i32
    return %c0_i32 : i32
  }
  func.func @transform_3(%arg0: i32) -> (i32, i32) {
    %c0_i32 = arith.constant 0 : i32
    %c0_i32_0 = arith.constant 0 : i32
    %c0_i32_1 = arith.constant 0 : i32
    return %c0_i32, %c0_i32_0 : i32, i32
  }
  func.func @transform_4(%arg0: i32) -> i32 {
    %c0_i32 = arith.constant 0 : i32
    %c0_i32_0 = arith.constant 0 : i32
    return %c0_i32 : i32
  }
  func.func @transform_5(%arg0: i32) -> (i32, i32) {
    %c0_i32 = arith.constant 0 : i32
    %c0_i32_0 = arith.constant 0 : i32
    return %arg0, %c0_i32 : i32, i32
  }
}

module attributes {stable_mosaic.version = 14 : i64} {
  func.func @final_body(%arg0: i32, %arg1: memref<512x768xf32, #tpu.memory_space<vmem>>, %arg2: memref<128x32xf32, #tpu.memory_space<vmem>>, %arg3: memref<32xf32, #tpu.memory_space<vmem>>, %arg4: memref<32x1xf32, #tpu.memory_space<vmem>>, %arg5: memref<1xf32, #tpu.memory_space<vmem>>, %arg6: memref<128x128xf32, #tpu.memory_space<vmem>>, %arg7: memref<128xf32, #tpu.memory_space<vmem>>, %arg8: memref<512x128xf32, #tpu.memory_space<vmem>>) attributes {dimension_semantics = [#tpu.dimension_semantics<arbitrary>], iteration_bounds = array<i64: 20>, scalar_prefetch = 0 : i64, scratch_operands = 0 : i64, tpu.core_type = #tpu.core_type<tc>, window_params = [{transform_indices = @transform_0, window_bounds = array<i64: 512, 768>}, {pipeline_mode = #tpu.pipeline_mode<synchronous>, transform_indices = @transform_1, window_bounds = array<i64: 128, 32>}, {pipeline_mode = #tpu.pipeline_mode<synchronous>, transform_indices = @transform_2, window_bounds = array<i64: 32>}, {pipeline_mode = #tpu.pipeline_mode<synchronous>, transform_indices = @transform_3, window_bounds = array<i64: 32, 1>}, {pipeline_mode = #tpu.pipeline_mode<synchronous>, transform_indices = @transform_4, window_bounds = array<i64: 1>}, {pipeline_mode = #tpu.pipeline_mode<synchronous>, transform_indices = @transform_5, window_bounds = array<i64: 128, 128>}, {pipeline_mode = #tpu.pipeline_mode<synchronous>, transform_indices = @transform_6, window_bounds = array<i64: 128>}, {transform_indices = @transform_7, window_bounds = array<i64: 512, 128>}]} {
    %get3A = arith.constant 0 : index
    %get3A_0 = arith.constant 0 : index
    %get3A_1 = vector.load %arg1[%get3A, %get3A_0] : memref<512x768xf32, #tpu.memory_space<vmem>>, vector<512x768xf32>
    %slice3A = vector.extract_strided_slice %get3A_1 {offsets = [0, 0], sizes = [512, 128], strides = [1, 1]} : vector<512x768xf32> to vector<512x128xf32>
    %slice3A_2 = vector.extract_strided_slice %get3A_1 {offsets = [0, 128], sizes = [512, 128], strides = [1, 1]} : vector<512x768xf32> to vector<512x128xf32>
    %slice3A_3 = vector.extract_strided_slice %get3A_1 {offsets = [0, 256], sizes = [512, 128], strides = [1, 1]} : vector<512x768xf32> to vector<512x128xf32>
    %slice3A_4 = vector.extract_strided_slice %get3A_1 {offsets = [0, 384], sizes = [512, 128], strides = [1, 1]} : vector<512x768xf32> to vector<512x128xf32>
    %slice3A_5 = vector.extract_strided_slice %get3A_1 {offsets = [0, 512], sizes = [512, 128], strides = [1, 1]} : vector<512x768xf32> to vector<512x128xf32>
    %slice3A_6 = vector.extract_strided_slice %get3A_1 {offsets = [0, 640], sizes = [512, 128], strides = [1, 1]} : vector<512x768xf32> to vector<512x128xf32>
    %get3A_7 = arith.constant 0 : index
    %get3A_8 = vector.load %arg3[%get3A_7] : memref<32xf32, #tpu.memory_space<vmem>>, vector<32xf32>
    %broadcast_in_dim3A = vector.shape_cast %get3A_8 : vector<32xf32> to vector<1x32xf32>
    %get3A_9 = arith.constant 0 : index
    %get3A_10 = vector.load %arg5[%get3A_9] : memref<1xf32, #tpu.memory_space<vmem>>, vector<1xf32>
    %broadcast_in_dim3A_11 = vector.shape_cast %get3A_10 : vector<1xf32> to vector<1x1xf32>
    %get3A_12 = arith.constant 0 : index
    %get3A_13 = arith.constant 0 : index
    %get3A_14 = vector.load %arg2[%get3A_12, %get3A_13] : memref<128x32xf32, #tpu.memory_space<vmem>>, vector<128x32xf32>
    %dot_general3A = arith.constant dense<0.000000e+00> : vector<512x32xf32>
    %dot_general3A_15 = tpu.matmul %slice3A, %get3A_14, %dot_general3A {dimension_numbers = #tpu.dot_dimension_numbers<[1], [0], [0], [1], [0, 0, 1, 1], [], []>, transpose_lhs_hint = false} : vector<512x128xf32>, vector<128x32xf32>, vector<512x32xf32> -> vector<512x32xf32>
    %add3A = vector.broadcast %broadcast_in_dim3A : vector<1x32xf32> to vector<512x32xf32>
    %add3A_16 = arith.addf %dot_general3A_15, %add3A : vector<512x32xf32>
    %max3A = arith.constant 0.000000e+00 : f32
    %max3A_17 = vector.broadcast %max3A : f32 to vector<512x32xf32>
    %max3A_18 = arith.maximumf %add3A_16, %max3A_17 : vector<512x32xf32>
    %get3A_19 = arith.constant 0 : index
    %get3A_20 = arith.constant 0 : index
    %get3A_21 = vector.load %arg4[%get3A_19, %get3A_20] : memref<32x1xf32, #tpu.memory_space<vmem>>, vector<32x1xf32>
    %dot_general3A_22 = arith.constant dense<0.000000e+00> : vector<512x1xf32>
    %dot_general3A_23 = tpu.matmul %max3A_18, %get3A_21, %dot_general3A_22 {dimension_numbers = #tpu.dot_dimension_numbers<[1], [0], [0], [1], [0, 0, 1, 1], [], []>, transpose_lhs_hint = false} : vector<512x32xf32>, vector<32x1xf32>, vector<512x1xf32> -> vector<512x1xf32>
    %add3A_24 = vector.broadcast %broadcast_in_dim3A_11 : vector<1x1xf32> to vector<512x1xf32>
    %add3A_25 = arith.addf %dot_general3A_23, %add3A_24 : vector<512x1xf32>
    %get3A_26 = arith.constant 0 : index
    %get3A_27 = arith.constant 0 : index
    %get3A_28 = vector.load %arg2[%get3A_26, %get3A_27] : memref<128x32xf32, #tpu.memory_space<vmem>>, vector<128x32xf32>
    %dot_general3A_29 = arith.constant dense<0.000000e+00> : vector<512x32xf32>
    %dot_general3A_30 = tpu.matmul %slice3A_2, %get3A_28, %dot_general3A_29 {dimension_numbers = #tpu.dot_dimension_numbers<[1], [0], [0], [1], [0, 0, 1, 1], [], []>, transpose_lhs_hint = false} : vector<512x128xf32>, vector<128x32xf32>, vector<512x32xf32> -> vector<512x32xf32>
    %add3A_31 = vector.broadcast %broadcast_in_dim3A : vector<1x32xf32> to vector<512x32xf32>
    %add3A_32 = arith.addf %dot_general3A_30, %add3A_31 : vector<512x32xf32>
    %max3A_33 = arith.constant 0.000000e+00 : f32
    %max3A_34 = vector.broadcast %max3A_33 : f32 to vector<512x32xf32>
    %max3A_35 = arith.maximumf %add3A_32, %max3A_34 : vector<512x32xf32>
    %get3A_36 = arith.constant 0 : index
    %get3A_37 = arith.constant 0 : index
    %get3A_38 = vector.load %arg4[%get3A_36, %get3A_37] : memref<32x1xf32, #tpu.memory_space<vmem>>, vector<32x1xf32>
    %dot_general3A_39 = arith.constant dense<0.000000e+00> : vector<512x1xf32>
    %dot_general3A_40 = tpu.matmul %max3A_35, %get3A_38, %dot_general3A_39 {dimension_numbers = #tpu.dot_dimension_numbers<[1], [0], [0], [1], [0, 0, 1, 1], [], []>, transpose_lhs_hint = false} : vector<512x32xf32>, vector<32x1xf32>, vector<512x1xf32> -> vector<512x1xf32>
    %add3A_41 = vector.broadcast %broadcast_in_dim3A_11 : vector<1x1xf32> to vector<512x1xf32>
    %add3A_42 = arith.addf %dot_general3A_40, %add3A_41 : vector<512x1xf32>
    %get3A_43 = arith.constant 0 : index
    %get3A_44 = arith.constant 0 : index
    %get3A_45 = vector.load %arg2[%get3A_43, %get3A_44] : memref<128x32xf32, #tpu.memory_space<vmem>>, vector<128x32xf32>
    %dot_general3A_46 = arith.constant dense<0.000000e+00> : vector<512x32xf32>
    %dot_general3A_47 = tpu.matmul %slice3A_3, %get3A_45, %dot_general3A_46 {dimension_numbers = #tpu.dot_dimension_numbers<[1], [0], [0], [1], [0, 0, 1, 1], [], []>, transpose_lhs_hint = false} : vector<512x128xf32>, vector<128x32xf32>, vector<512x32xf32> -> vector<512x32xf32>
    %add3A_48 = vector.broadcast %broadcast_in_dim3A : vector<1x32xf32> to vector<512x32xf32>
    %add3A_49 = arith.addf %dot_general3A_47, %add3A_48 : vector<512x32xf32>
    %max3A_50 = arith.constant 0.000000e+00 : f32
    %max3A_51 = vector.broadcast %max3A_50 : f32 to vector<512x32xf32>
    %max3A_52 = arith.maximumf %add3A_49, %max3A_51 : vector<512x32xf32>
    %get3A_53 = arith.constant 0 : index
    %get3A_54 = arith.constant 0 : index
    %get3A_55 = vector.load %arg4[%get3A_53, %get3A_54] : memref<32x1xf32, #tpu.memory_space<vmem>>, vector<32x1xf32>
    %dot_general3A_56 = arith.constant dense<0.000000e+00> : vector<512x1xf32>
    %dot_general3A_57 = tpu.matmul %max3A_52, %get3A_55, %dot_general3A_56 {dimension_numbers = #tpu.dot_dimension_numbers<[1], [0], [0], [1], [0, 0, 1, 1], [], []>, transpose_lhs_hint = false} : vector<512x32xf32>, vector<32x1xf32>, vector<512x1xf32> -> vector<512x1xf32>
    %add3A_58 = vector.broadcast %broadcast_in_dim3A_11 : vector<1x1xf32> to vector<512x1xf32>
    %add3A_59 = arith.addf %dot_general3A_57, %add3A_58 : vector<512x1xf32>
    %get3A_60 = arith.constant 0 : index
    %get3A_61 = arith.constant 0 : index
    %get3A_62 = vector.load %arg2[%get3A_60, %get3A_61] : memref<128x32xf32, #tpu.memory_space<vmem>>, vector<128x32xf32>
    %dot_general3A_63 = arith.constant dense<0.000000e+00> : vector<512x32xf32>
    %dot_general3A_64 = tpu.matmul %slice3A_4, %get3A_62, %dot_general3A_63 {dimension_numbers = #tpu.dot_dimension_numbers<[1], [0], [0], [1], [0, 0, 1, 1], [], []>, transpose_lhs_hint = false} : vector<512x128xf32>, vector<128x32xf32>, vector<512x32xf32> -> vector<512x32xf32>
    %add3A_65 = vector.broadcast %broadcast_in_dim3A : vector<1x32xf32> to vector<512x32xf32>
    %add3A_66 = arith.addf %dot_general3A_64, %add3A_65 : vector<512x32xf32>
    %max3A_67 = arith.constant 0.000000e+00 : f32
    %max3A_68 = vector.broadcast %max3A_67 : f32 to vector<512x32xf32>
    %max3A_69 = arith.maximumf %add3A_66, %max3A_68 : vector<512x32xf32>
    %get3A_70 = arith.constant 0 : index
    %get3A_71 = arith.constant 0 : index
    %get3A_72 = vector.load %arg4[%get3A_70, %get3A_71] : memref<32x1xf32, #tpu.memory_space<vmem>>, vector<32x1xf32>
    %dot_general3A_73 = arith.constant dense<0.000000e+00> : vector<512x1xf32>
    %dot_general3A_74 = tpu.matmul %max3A_69, %get3A_72, %dot_general3A_73 {dimension_numbers = #tpu.dot_dimension_numbers<[1], [0], [0], [1], [0, 0, 1, 1], [], []>, transpose_lhs_hint = false} : vector<512x32xf32>, vector<32x1xf32>, vector<512x1xf32> -> vector<512x1xf32>
    %add3A_75 = vector.broadcast %broadcast_in_dim3A_11 : vector<1x1xf32> to vector<512x1xf32>
    %add3A_76 = arith.addf %dot_general3A_74, %add3A_75 : vector<512x1xf32>
    %get3A_77 = arith.constant 0 : index
    %get3A_78 = arith.constant 0 : index
    %get3A_79 = vector.load %arg2[%get3A_77, %get3A_78] : memref<128x32xf32, #tpu.memory_space<vmem>>, vector<128x32xf32>
    %dot_general3A_80 = arith.constant dense<0.000000e+00> : vector<512x32xf32>
    %dot_general3A_81 = tpu.matmul %slice3A_5, %get3A_79, %dot_general3A_80 {dimension_numbers = #tpu.dot_dimension_numbers<[1], [0], [0], [1], [0, 0, 1, 1], [], []>, transpose_lhs_hint = false} : vector<512x128xf32>, vector<128x32xf32>, vector<512x32xf32> -> vector<512x32xf32>
    %add3A_82 = vector.broadcast %broadcast_in_dim3A : vector<1x32xf32> to vector<512x32xf32>
    %add3A_83 = arith.addf %dot_general3A_81, %add3A_82 : vector<512x32xf32>
    %max3A_84 = arith.constant 0.000000e+00 : f32
    %max3A_85 = vector.broadcast %max3A_84 : f32 to vector<512x32xf32>
    %max3A_86 = arith.maximumf %add3A_83, %max3A_85 : vector<512x32xf32>
    %get3A_87 = arith.constant 0 : index
    %get3A_88 = arith.constant 0 : index
    %get3A_89 = vector.load %arg4[%get3A_87, %get3A_88] : memref<32x1xf32, #tpu.memory_space<vmem>>, vector<32x1xf32>
    %dot_general3A_90 = arith.constant dense<0.000000e+00> : vector<512x1xf32>
    %dot_general3A_91 = tpu.matmul %max3A_86, %get3A_89, %dot_general3A_90 {dimension_numbers = #tpu.dot_dimension_numbers<[1], [0], [0], [1], [0, 0, 1, 1], [], []>, transpose_lhs_hint = false} : vector<512x32xf32>, vector<32x1xf32>, vector<512x1xf32> -> vector<512x1xf32>
    %add3A_92 = vector.broadcast %broadcast_in_dim3A_11 : vector<1x1xf32> to vector<512x1xf32>
    %add3A_93 = arith.addf %dot_general3A_91, %add3A_92 : vector<512x1xf32>
    %get3A_94 = arith.constant 0 : index
    %get3A_95 = arith.constant 0 : index
    %get3A_96 = vector.load %arg2[%get3A_94, %get3A_95] : memref<128x32xf32, #tpu.memory_space<vmem>>, vector<128x32xf32>
    %dot_general3A_97 = arith.constant dense<0.000000e+00> : vector<512x32xf32>
    %dot_general3A_98 = tpu.matmul %slice3A_6, %get3A_96, %dot_general3A_97 {dimension_numbers = #tpu.dot_dimension_numbers<[1], [0], [0], [1], [0, 0, 1, 1], [], []>, transpose_lhs_hint = false} : vector<512x128xf32>, vector<128x32xf32>, vector<512x32xf32> -> vector<512x32xf32>
    %add3A_99 = vector.broadcast %broadcast_in_dim3A : vector<1x32xf32> to vector<512x32xf32>
    %add3A_100 = arith.addf %dot_general3A_98, %add3A_99 : vector<512x32xf32>
    %max3A_101 = arith.constant 0.000000e+00 : f32
    %max3A_102 = vector.broadcast %max3A_101 : f32 to vector<512x32xf32>
    %max3A_103 = arith.maximumf %add3A_100, %max3A_102 : vector<512x32xf32>
    %get3A_104 = arith.constant 0 : index
    %get3A_105 = arith.constant 0 : index
    %get3A_106 = vector.load %arg4[%get3A_104, %get3A_105] : memref<32x1xf32, #tpu.memory_space<vmem>>, vector<32x1xf32>
    %dot_general3A_107 = arith.constant dense<0.000000e+00> : vector<512x1xf32>
    %dot_general3A_108 = tpu.matmul %max3A_103, %get3A_106, %dot_general3A_107 {dimension_numbers = #tpu.dot_dimension_numbers<[1], [0], [0], [1], [0, 0, 1, 1], [], []>, transpose_lhs_hint = false} : vector<512x32xf32>, vector<32x1xf32>, vector<512x1xf32> -> vector<512x1xf32>
    %add3A_109 = vector.broadcast %broadcast_in_dim3A_11 : vector<1x1xf32> to vector<512x1xf32>
    %add3A_110 = arith.addf %dot_general3A_108, %add3A_109 : vector<512x1xf32>
    %max3A_111 = arith.maximumf %add3A_25, %add3A_42 : vector<512x1xf32>
    %max3A_112 = arith.maximumf %max3A_111, %add3A_59 : vector<512x1xf32>
    %max3A_113 = arith.maximumf %max3A_112, %add3A_76 : vector<512x1xf32>
    %max3A_114 = arith.maximumf %max3A_113, %add3A_93 : vector<512x1xf32>
    %max3A_115 = arith.maximumf %max3A_114, %add3A_110 : vector<512x1xf32>
    %sub3A = arith.subf %add3A_25, %max3A_115 : vector<512x1xf32>
    %exp3A = math.exp %sub3A : vector<512x1xf32>
    %sub3A_116 = arith.subf %add3A_42, %max3A_115 : vector<512x1xf32>
    %exp3A_117 = math.exp %sub3A_116 : vector<512x1xf32>
    %sub3A_118 = arith.subf %add3A_59, %max3A_115 : vector<512x1xf32>
    %exp3A_119 = math.exp %sub3A_118 : vector<512x1xf32>
    %sub3A_120 = arith.subf %add3A_76, %max3A_115 : vector<512x1xf32>
    %exp3A_121 = math.exp %sub3A_120 : vector<512x1xf32>
    %sub3A_122 = arith.subf %add3A_93, %max3A_115 : vector<512x1xf32>
    %exp3A_123 = math.exp %sub3A_122 : vector<512x1xf32>
    %sub3A_124 = arith.subf %add3A_110, %max3A_115 : vector<512x1xf32>
    %exp3A_125 = math.exp %sub3A_124 : vector<512x1xf32>
    %add3A_126 = arith.addf %exp3A, %exp3A_117 : vector<512x1xf32>
    %add3A_127 = arith.addf %exp3A_119, %exp3A_121 : vector<512x1xf32>
    %add3A_128 = arith.addf %exp3A_123, %exp3A_125 : vector<512x1xf32>
    %add3A_129 = arith.addf %add3A_126, %add3A_127 : vector<512x1xf32>
    %add3A_130 = arith.addf %add3A_129, %add3A_128 : vector<512x1xf32>
    %div3A = arith.constant 1.000000e+00 : f32
    %div3A_131 = vector.broadcast %div3A : f32 to vector<512x1xf32>
    %div3A_132 = arith.divf %div3A_131, %add3A_130 : vector<512x1xf32>
    %mul3A = arith.mulf %exp3A, %div3A_132 : vector<512x1xf32>
    %mul3A_133 = vector.broadcast %mul3A : vector<512x1xf32> to vector<512x128xf32>
    %mul3A_134 = arith.mulf %mul3A_133, %slice3A : vector<512x128xf32>
    %mul3A_135 = arith.mulf %exp3A_117, %div3A_132 : vector<512x1xf32>
    %mul3A_136 = vector.broadcast %mul3A_135 : vector<512x1xf32> to vector<512x128xf32>
    %mul3A_137 = arith.mulf %mul3A_136, %slice3A_2 : vector<512x128xf32>
    %mul3A_138 = arith.mulf %exp3A_119, %div3A_132 : vector<512x1xf32>
    %mul3A_139 = vector.broadcast %mul3A_138 : vector<512x1xf32> to vector<512x128xf32>
    %mul3A_140 = arith.mulf %mul3A_139, %slice3A_3 : vector<512x128xf32>
    %mul3A_141 = arith.mulf %exp3A_121, %div3A_132 : vector<512x1xf32>
    %mul3A_142 = vector.broadcast %mul3A_141 : vector<512x1xf32> to vector<512x128xf32>
    %mul3A_143 = arith.mulf %mul3A_142, %slice3A_4 : vector<512x128xf32>
    %mul3A_144 = arith.mulf %exp3A_123, %div3A_132 : vector<512x1xf32>
    %mul3A_145 = vector.broadcast %mul3A_144 : vector<512x1xf32> to vector<512x128xf32>
    %mul3A_146 = arith.mulf %mul3A_145, %slice3A_5 : vector<512x128xf32>
    %mul3A_147 = arith.mulf %exp3A_125, %div3A_132 : vector<512x1xf32>
    %mul3A_148 = vector.broadcast %mul3A_147 : vector<512x1xf32> to vector<512x128xf32>
    %mul3A_149 = arith.mulf %mul3A_148, %slice3A_6 : vector<512x128xf32>
    %add3A_150 = arith.addf %mul3A_134, %mul3A_137 : vector<512x128xf32>
    %add3A_151 = arith.addf %mul3A_140, %mul3A_143 : vector<512x128xf32>
    %add3A_152 = arith.addf %mul3A_146, %mul3A_149 : vector<512x128xf32>
    %add3A_153 = arith.addf %add3A_150, %add3A_151 : vector<512x128xf32>
    %add3A_154 = arith.addf %add3A_153, %add3A_152 : vector<512x128xf32>
    %get3A_155 = arith.constant 0 : index
    %get3A_156 = arith.constant 0 : index
    %get3A_157 = vector.load %arg6[%get3A_155, %get3A_156] : memref<128x128xf32, #tpu.memory_space<vmem>>, vector<128x128xf32>
    %dot_general3A_158 = arith.constant dense<0.000000e+00> : vector<512x128xf32>
    %dot_general3A_159 = tpu.matmul %add3A_154, %get3A_157, %dot_general3A_158 {dimension_numbers = #tpu.dot_dimension_numbers<[1], [0], [0], [1], [0, 0, 1, 1], [], []>, transpose_lhs_hint = false} : vector<512x128xf32>, vector<128x128xf32>, vector<512x128xf32> -> vector<512x128xf32>
    %get3A_160 = arith.constant 0 : index
    %get3A_161 = vector.load %arg7[%get3A_160] : memref<128xf32, #tpu.memory_space<vmem>>, vector<128xf32>
    %broadcast_in_dim3A_162 = vector.shape_cast %get3A_161 : vector<128xf32> to vector<1x128xf32>
    %add3A_163 = vector.broadcast %broadcast_in_dim3A_162 : vector<1x128xf32> to vector<512x128xf32>
    %add3A_164 = arith.addf %dot_general3A_159, %add3A_163 : vector<512x128xf32>
    %max3A_165 = arith.constant 0.000000e+00 : f32
    %max3A_166 = vector.broadcast %max3A_165 : f32 to vector<512x128xf32>
    %max3A_167 = arith.maximumf %add3A_164, %max3A_166 : vector<512x128xf32>
    %swap3A = arith.constant 0 : index
    %swap3A_168 = arith.constant 0 : index
    %swap3A_169 = vector.load %arg8[%swap3A, %swap3A_168] : memref<512x128xf32, #tpu.memory_space<vmem>>, vector<512x128xf32>
    tpu.vector_store %arg8[%swap3A, %swap3A_168], %max3A_167 {strides = array<i32>} : memref<512x128xf32, #tpu.memory_space<vmem>>, vector<512x128xf32>,
    return
  }
  func.func @transform_0(%arg0: i32) -> (i32, i32) {
    %c0_i32 = arith.constant 0 : i32
    %c0_i32_0 = arith.constant 0 : i32
    return %arg0, %c0_i32 : i32, i32
  }
  func.func @transform_1(%arg0: i32) -> (i32, i32) {
    %c0_i32 = arith.constant 0 : i32
    %c0_i32_0 = arith.constant 0 : i32
    %c0_i32_1 = arith.constant 0 : i32
    return %c0_i32, %c0_i32_0 : i32, i32
  }
  func.func @transform_2(%arg0: i32) -> i32 {
    %c0_i32 = arith.constant 0 : i32
    %c0_i32_0 = arith.constant 0 : i32
    return %c0_i32 : i32
  }
  func.func @transform_3(%arg0: i32) -> (i32, i32) {
    %c0_i32 = arith.constant 0 : i32
    %c0_i32_0 = arith.constant 0 : i32
    %c0_i32_1 = arith.constant 0 : i32
    return %c0_i32, %c0_i32_0 : i32, i32
  }
  func.func @transform_4(%arg0: i32) -> i32 {
    %c0_i32 = arith.constant 0 : i32
    %c0_i32_0 = arith.constant 0 : i32
    return %c0_i32 : i32
  }
  func.func @transform_5(%arg0: i32) -> (i32, i32) {
    %c0_i32 = arith.constant 0 : i32
    %c0_i32_0 = arith.constant 0 : i32
    %c0_i32_1 = arith.constant 0 : i32
    return %c0_i32, %c0_i32_0 : i32, i32
  }
  func.func @transform_6(%arg0: i32) -> i32 {
    %c0_i32 = arith.constant 0 : i32
    %c0_i32_0 = arith.constant 0 : i32
    return %c0_i32 : i32
  }
  func.func @transform_7(%arg0: i32) -> (i32, i32) {
    %c0_i32 = arith.constant 0 : i32
    %c0_i32_0 = arith.constant 0 : i32
    return %arg0, %c0_i32 : i32, i32
  }
}

</mosaic_0001>

<sc_bundles>
// kernel: kernel.5.cloned.1.call-start
scs
__scs_entry_jumppad:
0x0: {  	(pc) =	sbr.rel $0x88, $3  }
0x1: {  	(tag) =	ssettag $0x0;
	lr =	simm.s32 $0x1  }
0x2: {  	[smem:$0x3F94] =	sst lr;
	_ =	strace $0xD0000000  }
0x3: {  	_ = 	snop  }
0x4: {  	_ = 	snop  }
0x5: {  	_ = 	snop  }
0x6: {  	_ = 	snop  }
0x7: {  	_ = 	snop  }
__scs_overlays_trampoline_lowered:
0x8: {  	[smem:$0x3FA3] =	sst s0  }
0x9: {  	[smem:$0x3FA4] =	sst s1  }
0xa: {  	[smem:$0x3FA5] =	sst s2  }
0xb: {  	[smem:$0x3FA6] =	sst s3  }
0xc: {  	[smem:$0x3FA7] =	sst s4  }
0xd: {  	[smem:$0x3FA8] =	sst s5  }
0xe: {  	[smem:$0x3FA9] =	sst s6  }
0xf: {  	[smem:$0x3FAA] =	sst s7  }
0x10: {  	[smem:$0x3FAB] =	sst s8  }
0x11: {  	[smem:$0x3FAC] =	sst s9;
	s0 =	simm.s32 @!p0 $0x0  }
0x12: {  	s1 =	sld [smem:$0x3F92];
	s0 =	simm.s32 @p0 $0x1  }
0x13: {  	[smem:$0x3FAD] =	sst s0;
	s0 =	simm.s32 @!p1 $0x0  }
0x14: {  	s2 =	sld [smem:$0x3F91];
	s0 =	simm.s32 @p1 $0x1  }
0x15: {  	[smem:$0x3FAE] =	sst s0;
	s0 =	simm.s32 @!p2 $0x0  }
0x16: {  	s3 =	sld [smem:$0x3FDB];
	s0 =	simm.s32 @p2 $0x1  }
0x17: {  	s4 =	simm.s32 $0x1BF5;
	[smem:$0x3FB0] =	sst s0  }
0x18: {  	s0 =	sld [smem:$0x3F93];
	_ =	swait.ge [sflag:s4], $0x0  }
0x19: {  	s7 =	sld [smem:$0x3F94]  }
0x1a: {  	s8 =	sadd.s32 $0xFFFFE003, lr  }
0x1b: {  	s9 =	sadd.s32 $0xFFFFFEF7, lr;
	s5 =	simm.s32 $0xFFFFFFFF;
	p2 =	slt.u32 s8, $0xFFFFF086  }
0x1c: {  	p1 =	slt.u32 s9, $0xF7A;
	s5 =	simm.s32 @!p2 $0x0  }
0x1d: {  	s5 =	simm.s32 @p1 $0x1;
	p0 =	seq.s32 s7, s2  }
0x1e: {  	s7 =	smul.u32 @!p0 $0xF7A, s2;
	p2 =	seq.s32 @!p0 s5, $0x0  }
0x1f: {  	s9 =	smul.u32 $0xF7A, s1;
	s8 =	simm.s32 @!p0 $0x1BF5;
	p2 =	por !p2, p0  }
0x20: {  	[sflag:s8] =	ssyncset.s32 @!p0 $0xFFFFF086;
	s6 =	sadd.s32 @!p0 s3, s7;
	s7 =	simm.s32 @!p0 $0x108  }
0x21: {  	s3 =	sadd.s32 s3, s9;
	s6 =	sadd.s32 @!p0 $0x88, s6;
	s7 =	simm.s32 @p2 $0x1082  }
0x22: {  	[simem:s7], [sflag:s8] =	dma.local @!p0 [hbm:s6], $0xF7A  }
0x23: {  	s9 =	sor.u32 $0xD0000000, s2;
	s6 =	simm.s32 $0x108;
	_ =	swait.ge @!p0 [sflag:s8], $0x0  }
0x24: {  	s3 =	sadd.s32 $0x88, s3;
	s6 =	simm.s32 @!p1 $0x1082;
	[sflag:s4] =	ssyncset.s32 $0xFFFFF086  }
0x25: {  	[simem:s6], [sflag:s4] =	dma.local [hbm:s3], $0xF7A  }
0x26: {  	[smem:$0x3F94] =	sst s1;
	(tag) =	ssettag s2;
	_ =	strace s9  }
0x27: {  	s1 =	sld [smem:$0x3FA4]  }
0x28: {  	s2 =	sld [smem:$0x3FA5]  }
0x29: {  	s4 =	sld [smem:$0x3FA7]  }
0x2a: {  	p0 =	seq.s32 s5, $0x0;
	s5 =	sld [smem:$0x3FA8]  }
0x2b: {  	s6 =	sld [smem:$0x3FA9]  }
0x2c: {  	s7 =	sld [smem:$0x3FAA]  }
0x2d: {  	s3 =	simm.s32 $0x108;
	s8 =	sld [smem:$0x3FAB]  }
0x2e: {  	s3 =	simm.s32 @!p0 $0x1082;
	s9 =	sld [smem:$0x3FAC]  }
0x2f: {  	lr =	sadd.s32 s0, s3;
	s0 =	sld [smem:$0x3FA3]  }
0x30: {  	s3 =	sld [smem:$0x3FA6]  }
0x31: {  	[smem:$0x3FAF] =	sst s10  }
0x32: {  	s10 =	sld [smem:$0x3FAD];
	_ =	sdelay $0x3  }
0x33: {  	p0 =	seq.s32 s10, $0x1;
	s10 =	sld [smem:$0x3FAF];
	_ =	sdelay $0x3  }
0x34: {  	[smem:$0x3FAF] =	sst s10  }
0x35: {  	s10 =	sld [smem:$0x3FAE];
	_ =	sdelay $0x3  }
0x36: {  	p1 =	seq.s32 s10, $0x1;
	s10 =	sld [smem:$0x3FAF];
	_ =	sdelay $0x3  }
0x37: {  	[smem:$0x3FAF] =	sst s10  }
0x38: {  	s10 =	sld [smem:$0x3FB0]  }
0x39: {  	_ = 	snop;
	(pc) =	sbr.ind lr, $3  }
0x3a: {  	_ = 	snop  }
0x3b: {  	_ = 	snop  }
0x3c: {  	p2 =	seq.s32 s10, $0x1;
	s10 =	sld [smem:$0x3FAF]  }
0x3d: {  	_ =	shalt  }
0x3e: {  	_ =	shalt  }
0x3f: {  	_ =	shalt  }
0x40: {  	_ =	shalt  }
0x41: {  	_ =	shalt  }
0x42: {  	_ =	shalt  }
0x43: {  	_ =	shalt  }
0x44: {  	_ =	shalt  }
0x45: {  	_ =	shalt  }
0x46: {  	_ =	shalt  }
0x47: {  	_ =	shalt  }
0x48: {  	_ =	shalt  }
0x49: {  	_ =	shalt  }
0x4a: {  	_ =	shalt  }
0x4b: {  	_ =	shalt  }
0x4c: {  	_ =	shalt  }
0x4d: {  	_ =	shalt  }
0x4e: {  	_ =	shalt  }
0x4f: {  	_ =	shalt  }
0x50: {  	_ =	shalt  }
0x51: {  	_ =	shalt  }
0x52: {  	_ =	shalt  }
0x53: {  	_ =	shalt  }
0x54: {  	_ =	shalt  }
0x55: {  	_ =	shalt  }
0x56: {  	_ =	shalt  }
0x57: {  	_ =	shalt  }
0x58: {  	_ =	shalt  }
0x59: {  	_ =	shalt  }
0x5a: {  	_ =	shalt  }
0x5b: {  	_ =	shalt  }
0x5c: {  	_ =	shalt  }
0x5d: {  	_ =	shalt  }
0x5e: {  	_ =	shalt  }
0x5f: {  	_ =	shalt  }
0x60: {  	_ =	shalt  }
0x61: {  	_ =	shalt  }
0x62: {  	_ =	shalt  }
0x63: {  	_ =	shalt  }
0x64: {  	_ =	shalt  }
0x65: {  	_ =	shalt  }
0x66: {  	_ =	shalt  }
0x67: {  	_ =	shalt  }
0x68: {  	_ =	shalt  }
0x69: {  	_ =	shalt  }
0x6a: {  	_ =	shalt  }
0x6b: {  	_ =	shalt  }
0x6c: {  	_ =	shalt  }
0x6d: {  	_ =	shalt  }
0x6e: {  	_ =	shalt  }
0x6f: {  	_ =	shalt  }
0x70: {  	_ =	shalt  }
0x71: {  	_ =	shalt  }
0x72: {  	_ =	shalt  }
0x73: {  	_ =	shalt  }
0x74: {  	_ =	shalt  }
0x75: {  	_ =	shalt  }
0x76: {  	_ =	shalt  }
0x77: {  	_ =	shalt  }
0x78: {  	_ =	shalt  }
0x79: {  	_ =	shalt  }
0x7a: {  	_ =	shalt  }
0x7b: {  	_ =	shalt  }
0x7c: {  	_ =	shalt  }
0x7d: {  	_ =	shalt  }
0x7e: {  	_ =	shalt  }
0x7f: {  	_ =	shalt  }
0x80: {  	_ =	shalt  }
0x81: {  	_ =	shalt  }
0x82: {  	_ =	shalt  }
0x83: {  	_ =	shalt  }
0x84: {  	_ =	shalt  }
0x85: {  	_ =	shalt  }
0x86: {  	_ =	shalt  }
0x87: {  	_ =	shalt  }
.Lfunc_end0:
.L_simem_size_0:
called_computation_lowered:
.L_overlay_start_0:
0x88: {  	s2 =	sld [smem:$0x3FD9]  }
0x89: {  	s3 =	sld [smem:$0x3FFE];
	_ =	sdelay $0x1  }
0x8a: {  	s1 =	srdreg.scid  }
0x8b: {  	s0 =	sand.u32 $0x1, s1  }
0x8c: {  	s17 =	sshll.u32 s0, $0xA;
	s2 =	sadd.s32 s3, s2  }
0x8d: {  	s2 =	sadd.s32 s2, s17  }
0x8e: {  	[smem:$0x3FBB] =	sst s2  }
0x8f: {  	_ = 	snop  }
0x90: {  	s2 =	sld [smem:$0x3FC8]  }
0x91: {  	s18 =	sld [smem:$0x3FD0];
	(tm) =	ssettm $0x1  }
0x92: {  	s4 =	sld [smem:$0x3FFB];
	_ =	sdelay $0x3  }
0x93: {  	_ =	strace s4  }
0x94: {  	s4 =	sld [smem:$0x3FFC];
	_ =	sdelay $0x3  }
0x95: {  	_ =	strace s4  }
0x96: {  	s4 =	sld [smem:$0x3FFD];
	_ =	sdelay $0x3  }
0x97: {  	_ =	strace s4  }
0x98: {  	_ =	strace $0x8FFFFFFF  }
0x99: {  	s19 =	sld [smem:$0x3FDB];
	_ =	sdelay $0x1  }
0x9a: {  	s5 =	simm.s32 $_scs_section_size  }
0x9b: {  	s6 =	simm.s32 $_size__tile_overlayer_lowered;
	s7 =	simm.s32 $_tile_overlayer_lowered  }
0x9c: {  	s22 =	simm.s32 $0x1BFF;
	s21 =	sshll.u32 s7, $0x1;
	s4 =	sadd.s32 s5, s19  }
0x9d: {  	s8 =	simm.s32 $0x0;
	s20 =	sshll.u32 s6, $0x1;
	s6 =	sadd.s32 s21, s4  }
0x9e: {  	[timem:s8], [sflag:s22] =	dma.local [hbm:s6], s20  }
0x9f: {  	_ =	swait.ge [sflag:s22], s20  }
0xa0: {  	s5 =	ssub.s32 $0x0, s20;
	[sflag:s22] =	ssyncset.done $0x0  }
0xa1: {  	[sflag:s22] =	ssyncadd.s32 s5;
	_ =	sdelay $0x1  }
0xa2: {  	s23 =	simm.s32 $0x1B8B  }
0xa3: {  	_ =	swait.ge [sflag:s23], $0x1  }
0xa4: {  	[sflag:s23] =	ssyncset.done $0x0  }
0xa5: {  	s25 =	simm.s32 $0x1B8E;
	s24 =	sld [smem:$0x3FFE];
	[sflag:s23] =	ssyncadd.s32 $0xFFFFFFFF  }
0xa6: {  	s26 =	simm.s32 $execute0_lowered;
	[smem:$0x3FD2] =	sst s25  }
0xa7: {  	s6 =	sshll.u32 s26, $0x1;
	_ =	strace $0x80000046;
	[dreg:$0x1] =	wrdreg $0xFFFFFFFF  }
0xa8: {  	s28 =	simm.s32 $_size_execute0_lowered;
	s4 =	sadd.s32 s4, s6;
	[dreg:$0x0] =	wrdreg $0x0  }
0xa9: {  	s6 =	sshll.u32 s28, $0x1;
	[dreg:$0x2] =	wrdreg s4  }
0xaa: {  	[dreg:$0x3] =	wrdreg s6  }
0xab: {  	[dreg:$0x4] =	wrdreg $0xC0  }
0xac: {  	_ =	task [dreg:s8], $0x5FFFF  }
0xad: {  	[dreg:$0x1] =	wrdreg $0xFFFFFFFF  }
0xae: {  	[dreg:$0x0] =	wrdreg $0x60  }
0xaf: {  	[dreg:$0x2] =	wrdreg s24  }
0xb0: {  	[dreg:$0x3] =	wrdreg s18  }
0xb1: {  	[dreg:$0x4] =	wrdreg s2  }
0xb2: {  	[dreg:$0x5] =	wrdreg $0x9  }
0xb3: {  	_ =	task.clear_ibuf [dreg:s8], $0x6FFFF;
	_ =	strace $0x90000046  }
0xb4: {  	s29 =	simm.s32 $0x9;
	_ =	strace $0x80000048  }
0xb5: {  	_ =	swait.ge [sflag:s29], $0x1  }
0xb6: {  	[sflag:s29] =	ssyncadd.s32 $0xFFFFFFFF  }
0xb7: {  	_ =	strace $0x90000048  }
0xb8: {  	_ =	sfence  }
0xb9: {  	s30 =	sld [smem:$0x0];
	_ =	sdelay $0x2  }
0xba: {  	s31 =	sshll.u32 s1, $0xD;
	s1 =	sshrl.u32 s1, $0x2  }
0xbb: {  	s3 =	sand.u32 $0x4000, s31;
	s1 =	sadd.s32 s1, s30  }
0xbc: {  	s0 =	sor.u32 s3, s0;
	s1 =	sshll.u32 s1, $0x11  }
0xbd: {  	s0 =	sor.u32 s1, s0  }
0xbe: {  	s0 =	sadd.s32 $0x8F2B, s0  }
0xbf: {  	[sflag:s0] =	ssyncadd.remote.s32 $0x1  }
0xc0: {  	_ =	sfence.sel $0xFFFF  }
0xc1: {  	[dreg:$0x0] =	wrdreg $0xFFFFFFFF;
	(pc) =	sbr.abs _section_cstart, $3  }
0xc2: {  	[dreg:$0x1] =	wrdreg $0xFFFFFFFF  }
0xc3: {  	_ =	task.clear_ibuf [dreg:s8], $0x2FFFF;
	_ =	strace $0x9FFFFFFF  }
0xc4: {  	(tm) =	ssettm $0x7FFFFFFF  }
0xc5: {  	_ =	shalt  }
tec
execute0_lowered:
.L_overlay_start_1:
0x0: {  	(tag) =	ssettag $0x1  }
0x1: {  	v0 =	vlaneseq.u32  }
0x2: {  	v0 =	vmul.u32 $0x80, v0;
	_ =	sdelay $0x1  }
0x3: {  	v1 =	vor.u32 $0x1, v0  }
0x4: {  	v2 =	vor.u32 $0xC, v0;
	[tilespmem:$0x1FEE0] =	vst v1  }
0x5: {  	v1 =	vor.u32 $0x2, v0;
	[tilespmem:$0x1FF90] =	vst v2  }
0x6: {  	v2 =	vor.u32 $0xD, v0;
	[tilespmem:$0x1FEF0] =	vst v1  }
0x7: {  	v1 =	vor.u32 $0x3, v0;
	[tilespmem:$0x1FFA0] =	vst v2  }
0x8: {  	v2 =	vor.u32 $0xE, v0;
	[tilespmem:$0x1FF00] =	vst v1  }
0x9: {  	v1 =	vor.u32 $0x4, v0;
	[tilespmem:$0x1FFB0] =	vst v2  }
0xa: {  	v2 =	vor.u32 $0xF, v0;
	[tilespmem:$0x1FF10] =	vst v1  }
0xb: {  	vm14 =	vcmask $0x300;
	v1 =	vor.u32 $0x5, v0;
	[tilespmem:$0x1FFC0] =	vst v2  }
0xc: {  	vm13 =	vcmask $0x704;
	vm12 =	vcmask $0xB08;
	v2 =	vor.u32 $0x10, v0;
	[tilespmem:$0x1FF20] =	vst v1  }
0xd: {  	vm11 =	vcmask $0xF0C;
	vm10 =	vcmask $0x1310;
	v1 =	vor.u32 $0x6, v0;
	[tilespmem:$0x1FFD0] =	vst v2  }
0xe: {  	vm9 =	vcmask $0x1714;
	vm8 =	vcmask $0x1B18;
	v2 =	vor.u32 $0x11, v0;
	[tilespmem:$0x1FF30] =	vst v1  }
0xf: {  	vm0 =	vcmask $0x1F1C;
	v3 =	vimm.s32 $0x2380;
	v1 =	vor.u32 $0x7, v0;
	[tilespmem:$0x1FFE0] =	vst v2  }
0x10: {  	vm1 =	vcmask $0x2320;
	vm2 =	vcmask $0x2724;
	v2 =	vor.u32 $0x12, v0;
	[tilespmem:$0x1FF40] =	vst v1  }
0x11: {  	vm3 =	vcmask $0x2B28;
	vm4 =	vcmask $0x2F2C;
	v1 =	vor.u32 $0x8, v0;
	[tilespmem:$0x1FFF0] =	vst v2  }
0x12: {  	vm5 =	vcmask $0x3330;
	vm6 =	vcmask $0x3734;
	[tilespmem:$0x1FF50] =	vst v1;
	v1 =	vor.u32 $0x9, v0  }
0x13: {  	vm7 =	vcmask $0x3B38;
	v3 =	vsel vm14, $0x800, v3;
	[tilespmem:$0x1FF60] =	vst v1;
	v1 =	vor.u32 $0xA, v0  }
0x14: {  	v3 =	vsel vm13, $0x880, v3;
	v2 =	vimm.s32 $0x1F80;
	[tilespmem:$0x1FF70] =	vst v1;
	v1 =	vor.u32 $0xB, v0  }
0x15: {  	v19 =	vor.u32 $0x13, v0;
	v2 =	vsel vm14, $0x400, v2;
	[tilespmem:$0x1FF80] =	vst v1;
	v1 =	vimm.s32 $0x1B80  }
0x16: {  	v3 =	vsel vm12, $0x900, v3;
	v2 =	vsel vm13, $0x480, v2;
	v1 =	vsel vm14, $0x0, v1  }
0x17: {  	v3 =	vsel vm11, $0x980, v3;
	v2 =	vsel vm12, $0x500, v2;
	v1 =	vsel vm13, $0x80, v1  }
0x18: {  	v3 =	vsel vm10, $0xA00, v3;
	v2 =	vsel vm11, $0x580, v2;
	v1 =	vsel vm12, $0x100, v1  }
0x19: {  	v3 =	vsel vm9, $0xA80, v3;
	v2 =	vsel vm10, $0x600, v2;
	v1 =	vsel vm11, $0x180, v1  }
0x1a: {  	v3 =	vsel vm8, $0xB00, v3;
	v2 =	vsel vm9, $0x680, v2;
	v1 =	vsel vm10, $0x200, v1  }
0x1b: {  	v3 =	vsel vm0, $0xB80, v3;
	v2 =	vsel vm8, $0x700, v2;
	v1 =	vsel vm9, $0x280, v1  }
0x1c: {  	v3 =	vsel vm1, $0x2000, v3;
	v2 =	vsel vm0, $0x780, v2;
	v1 =	vsel vm8, $0x300, v1  }
0x1d: {  	v3 =	vsel vm2, $0x2080, v3;
	v2 =	vsel vm1, $0x1C00, v2;
	v1 =	vsel vm0, $0x380, v1  }
0x1e: {  	v3 =	vsel vm3, $0x2100, v3;
	v2 =	vsel vm2, $0x1C80, v2;
	v1 =	vsel vm1, $0x1800, v1  }
0x1f: {  	v3 =	vsel vm4, $0x2180, v3;
	v2 =	vsel vm3, $0x1D00, v2;
	v1 =	vsel vm2, $0x1880, v1  }
0x20: {  	v3 =	vsel vm5, $0x2200, v3;
	v2 =	vsel vm4, $0x1D80, v2;
	v1 =	vsel vm3, $0x1900, v1  }
0x21: {  	v3 =	vsel vm6, $0x2280, v3;
	v2 =	vsel vm5, $0x1E00, v2;
	v1 =	vsel vm4, $0x1980, v1  }
0x22: {  	v22 =	vsel vm7, $0x2300, v3;
	v2 =	vsel vm6, $0x1E80, v2;
	v1 =	vsel vm5, $0x1A00, v1  }
0x23: {  	v3 =	vimm.s32 $0x2F80;
	v21 =	vsel vm7, $0x1F00, v2;
	v1 =	vsel vm6, $0x1A80, v1  }
0x24: {  	v2 =	vimm.s32 $0x2B80;
	v20 =	vsel vm7, $0x1B00, v1;
	v1 =	vimm.s32 $0x2780  }
0x25: {  	v3 =	vsel vm14, $0x1400, v3;
	v2 =	vsel vm14, $0x1000, v2;
	v1 =	vsel vm14, $0xC00, v1  }
0x26: {  	v3 =	vsel vm13, $0x1480, v3;
	v2 =	vsel vm13, $0x1080, v2;
	v1 =	vsel vm13, $0xC80, v1  }
0x27: {  	s0 =	rddreg [dreg:$0x0];
	s1 =	srdreg.scid;
	v3 =	vsel vm12, $0x1500, v3;
	v2 =	vsel vm12, $0x1100, v2;
	v1 =	vsel vm12, $0xD00, v1  }
0x28: {  	s2 =	stileid.u32;
	s3 =	rddreg [dreg:$0x2];
	s4 =	simm.s32 $0x0;
	v3 =	vsel vm11, $0x1580, v3;
	v2 =	vsel vm11, $0x1180, v2;
	v1 =	vsel vm11, $0xD80, v1  }
0x29: {  	s10 =	simm.s32 $0x4;
	s12 =	simm.s32 $0x10;
	s14 =	simm.s32 $0xC600;
	v3 =	vsel vm10, $0x1600, v3;
	v2 =	vsel vm10, $0x1200, v2;
	v1 =	vsel vm10, $0xE00, v1  }
0x2a: {  	s15 =	simm.s32 $0x3;
	s16 =	simm.s32 $0xA0;
	s17 =	simm.s32 $0xD600;
	v3 =	vsel vm9, $0x1680, v3;
	v2 =	vsel vm9, $0x1280, v2;
	v1 =	vsel vm9, $0xE80, v1  }
0x2b: {  	s18 =	simm.s32 $0xD800;
	s1 =	sand.u32 $0x1, s1;
	s2 =	sshll.u32 s2, $0x1;
	v3 =	vsel vm8, $0x1700, v3;
	v2 =	vsel vm8, $0x1300, v2;
	v1 =	vsel vm8, $0xF00, v1  }
0x2c: {  	s19 =	simm.s32 $0xD700;
	s20 =	simm.s32 $0x12800;
	s2 =	sor.u32 s1, s2;
	v3 =	vsel vm0, $0x1780, v3;
	v2 =	vsel vm0, $0x1380, v2;
	v1 =	vsel vm0, $0xF80, v1  }
0x2d: {  	s21 =	simm.s32 $0xC580;
	s22 =	simm.s32 $0xCE00;
	s5 =	smul.u32 $0x140, s2;
	v3 =	vsel vm1, $0x2C00, v3;
	v2 =	vsel vm1, $0x2800, v2;
	v1 =	vsel vm1, $0x2400, v1  }
0x2e: {  	s23 =	simm.s32 $0x1;
	s24 =	simm.s32 $0x18800;
	[smem:$0x7FF] =	sst s4;
	v3 =	vsel vm2, $0x2C80, v3;
	v2 =	vsel vm2, $0x2880, v2;
	v1 =	vsel vm2, $0x2480, v1  }
.Ltmp0:
0x2f: {  	s1 =	ssub.s32 $0x2, s1;
	s2 =	sshrl.u32 s5, $0x3;
	v3 =	vsel vm3, $0x2D00, v3;
	v2 =	vsel vm3, $0x2900, v2;
	v1 =	vsel vm3, $0x2500, v1;
	(pc) =	sbr.rel .LBB2_1-.Ltmp0, $4  }
0x30: {  	s6 =	sadd.s32 $0x1200, s0;
	s8 =	sshrl.u32 s1, $0x1;
	s2 =	sadd.s32 s2, s0;
	v3 =	vsel vm4, $0x2D80, v3;
	v2 =	vsel vm4, $0x2980, v2;
	v1 =	vsel vm4, $0x2580, v1  }
0x31: {  	s7 =	sadd.s32 $0xC4E00, s0;
	s30 =	ssub.s32 s1, s8;
	s31 =	sadd.s32 $0xC4800, s2;
	v3 =	vsel vm5, $0x2E00, v3;
	v2 =	vsel vm5, $0x2A00, v2;
	v1 =	vsel vm5, $0x2600, v1  }
0x32: {  	s0 =	smax.u32 s30, $0x1;
	_ =	strace $0x80000047;
	[dreg:$0x4] =	wrdreg s31;
	v3 =	vsel vm6, $0x2E80, v3;
	v2 =	vsel vm6, $0x2A80, v2;
	v1 =	vsel vm6, $0x2680, v1  }
0x33: {  	s25 =	simm.s32 $0x2;
	s26 =	simm.s32 $0x0;
	[dreg:$0x5] =	wrdreg s0;
	v25 =	vsel vm7, $0x2F00, v3;
	v24 =	vsel vm7, $0x2B00, v2;
	v23 =	vsel vm7, $0x2700, v1  }
.LBB2_31:
0x34: {  	s26 =	sadd.s32 $0x1, s26;
	s0 =	rddreg [dreg:$0x5]  }
0x35: {  	p0 =	sne.s32 s26, s0  }
.Ltmp1:
0x36: {  	_ = 	snop;
	(pc) =	sbr.rel @!p0 .LBB2_32-.Ltmp1, $1  }
0x37: {  	_ =	sdelay $0x3  }
.LBB2_1:
0x38: {  	s0 =	rddreg [dreg:$0x1]  }
0x39: {  	[tilespmem:s4], [sflag:$0x4] =	stream.linear.gather [hbm4b:s0+s4], $0xC380, $0x38;
	[tilespmem:$0x1B800] =	vst v63  }
0x3a: {  	_ =	swait.ge [sflag:s10], $0xC380  }
0x3b: {  	[sflag:s10] =	ssyncset.done $0x0  }
0x3c: {  	s1 =	simm.s32 $0xC380;
	s30 =	rddreg [dreg:$0x4];
	[sflag:s10] =	ssyncadd.s32 $0xFFFF3C80  }
0x3d: {  	[tilespmem:s1], [sflag:$0x4] =	stream.linear.gather [hbm4b:s30+s4], $0x140, $0x38;
	[tilespmem:$0x1B800] =	vst v63  }
0x3e: {  	_ =	swait.ge [sflag:s10], $0x140  }
0x3f: {  	[sflag:s10] =	ssyncset.done $0x0  }
0x40: {  	[sflag:s10] =	ssyncadd.s32 $0xFFFFFEC0  }
0x41: {  	v1 =	vld [tilespmem:$0xC380];
	_ =	sdelay $0x4  }
0x42: {  	s31 =	simm.s32 $0xC500;
	[tilespmem:$0xC500] =	vst v1  }
0x43: {  	[tilespmem:s14], [sflag:$0x3] =	stream.indirect.gather [hbm4b:s6+s12], $0x80, s31, s12, $0xb8;
	[tilespmem:$0x1B800] =	vst v63  }
0x44: {  	_ =	swait.ge [sflag:s15], $0x800  }
0x45: {  	[sflag:s15] =	ssyncset.done $0x0;
	v2 =	vld [tilespmem:$0x1FEE0]  }
0x46: {  	[sflag:s15] =	ssyncadd.s32 $0xFFFFF800  }
0x47: {  	v1 =	vld.idx.msk [tilespmem:v0+s14+$0x0], $0xffff;
	_ =	sdelay $0x3  }
0x48: {  	v3 =	vld [tilespmem:$0x1FEF0]  }
0x49: {  	[tilespmem:$0xD600] =	vst v1  }
0x4a: {  	v2 =	vld.idx.msk [tilespmem:v2+s14+$0x0], $0xffff;
	_ =	sdelay $0x3  }
0x4b: {  	v4 =	vld [tilespmem:$0x1FF00]  }
0x4c: {  	[tilespmem:$0xD610] =	vst v2  }
0x4d: {  	v3 =	vld.idx.msk [tilespmem:v3+s14+$0x0], $0xffff;
	_ =	sdelay $0x3  }
0x4e: {  	v5 =	vld [tilespmem:$0x1FF10]  }
0x4f: {  	[tilespmem:$0xD620] =	vst v3  }
0x50: {  	v4 =	vld.idx.msk [tilespmem:v4+s14+$0x0], $0xffff;
	_ =	sdelay $0x3  }
0x51: {  	v6 =	vld [tilespmem:$0x1FF20]  }
0x52: {  	[tilespmem:$0xD630] =	vst v4  }
0x53: {  	v5 =	vld.idx.msk [tilespmem:v5+s14+$0x0], $0xffff;
	_ =	sdelay $0x3  }
0x54: {  	v7 =	vld [tilespmem:$0x1FF30]  }
0x55: {  	[tilespmem:$0xD640] =	vst v5  }
0x56: {  	v6 =	vld.idx.msk [tilespmem:v6+s14+$0x0], $0xffff;
	_ =	sdelay $0x3  }
0x57: {  	v8 =	vld [tilespmem:$0x1FF40]  }
0x58: {  	[tilespmem:$0xD650] =	vst v6  }
0x59: {  	v7 =	vld.idx.msk [tilespmem:v7+s14+$0x0], $0xffff;
	_ =	sdelay $0x3  }
0x5a: {  	v9 =	vld [tilespmem:$0x1FF50]  }
0x5b: {  	[tilespmem:$0xD660] =	vst v7  }
0x5c: {  	v8 =	vld.idx.msk [tilespmem:v8+s14+$0x0], $0xffff;
	_ =	sdelay $0x3  }
0x5d: {  	v10 =	vld [tilespmem:$0x1FF60]  }
0x5e: {  	[tilespmem:$0xD670] =	vst v8  }
0x5f: {  	v9 =	vld.idx.msk [tilespmem:v9+s14+$0x0], $0xffff;
	_ =	sdelay $0x4  }
0x60: {  	[tilespmem:$0xD680] =	vst v9  }
0x61: {  	v10 =	vld.idx.msk [tilespmem:v10+s14+$0x0], $0xffff;
	_ =	sdelay $0x4  }
0x62: {  	[tilespmem:$0xD690] =	vst v10  }
0x63: {  	[tilespmem:s18], [sflag:$0x1] =	stream.indirect.gather [hbm4b:s3+s16], $0x80, s17, s16, $0xb8;
	[tilespmem:$0x1B800] =	vst v63  }
0x64: {  	v1 =	vld.idx.msk [tilespmem:v1+s4+$0x0], $0xffff  }
0x65: {  	v2 =	vld.idx.msk [tilespmem:v2+s4+$0x0], $0xffff  }
0x66: {  	v3 =	vld.idx.msk [tilespmem:v3+s4+$0x0], $0xffff  }
0x67: {  	v4 =	vld.idx.msk [tilespmem:v4+s4+$0x0], $0xffff  }
0x68: {  	v5 =	vld.idx.msk [tilespmem:v5+s4+$0x0], $0xffff  }
0x69: {  	v6 =	vld.idx.msk [tilespmem:v6+s4+$0x0], $0xffff  }
0x6a: {  	v7 =	vld.idx.msk [tilespmem:v7+s4+$0x0], $0xffff;
	v11 =	vmax.f32 v1, v2  }
0x6b: {  	v8 =	vld.idx.msk [tilespmem:v8+s4+$0x0], $0xffff;
	v11 =	vmax.f32 v11, v3  }
0x6c: {  	v9 =	vld.idx.msk [tilespmem:v9+s4+$0x0], $0xffff;
	v11 =	vmax.f32 v11, v4  }
0x6d: {  	v10 =	vld.idx.msk [tilespmem:v10+s4+$0x0], $0xffff;
	v11 =	vmax.f32 v11, v5  }
0x6e: {  	v11 =	vmax.f32 v11, v6  }
0x6f: {  	v11 =	vmax.f32 v11, v7  }
0x70: {  	v11 =	vmax.f32 v11, v8  }
0x71: {  	v11 =	vmax.f32 v11, v9  }
0x72: {  	v11 =	vmax.f32 v11, v10  }
0x73: {  	v1 =	vsub.f32 v1, v11  }
0x74: {  	v2 =	vsub.f32 v2, v11  }
0x75: {  	v3 =	vsub.f32 v3, v11;
	v1 =	vmul.f32 $1.442695020e+00, v1  }
0x76: {  	v4 =	vsub.f32 v4, v11;
	v2 =	vmul.f32 $1.442695020e+00, v2  }
0x77: {  	(erf) = vpow2.f32 v1;
	v1 =	vmul.f32 $1.442695020e+00, v3;
	v3 =	vsub.f32 v5, v11  }
0x78: {  	v28 =	vsub.f32 v6, v11;
	(erf) = vpow2.f32 v2;
	v2 =	vmul.f32 $1.442695020e+00, v4  }
0x79: {  	(erf) = vpow2.f32 v1;
	v1 =	vmul.f32 $1.442695020e+00, v3;
	v3 =	vsub.f32 v7, v11  }
0x7a: {  	v29 =	vsub.f32 v8, v11;
	(erf) = vpow2.f32 v2;
	v2 =	vmul.f32 $1.442695020e+00, v28  }
0x7b: {  	(erf) = vpow2.f32 v1;
	v1 =	vmul.f32 $1.442695020e+00, v3  }
0x7c: {  	(erf) = vpow2.f32 v2;
	v2 =	vmul.f32 $1.442695020e+00, v29  }
0x7d: {  	(erf) = vpow2.f32 v1;
	v1 =	vsub.f32 v9, v11  }
0x7e: {  	(erf) = vpow2.f32 v2;
	v2 =	vsub.f32 v10, v11  }
0x7f: {  	v1 =	vmul.f32 $1.442695020e+00, v1  }
0x80: {  	v2 =	vmul.f32 $1.442695020e+00, v2  }
0x81: {  	v3 =	vpop (erf)  }
0x82: {  	v30 =	vpop (erf);
	(erf) = vpow2.f32 v1  }
0x83: {  	v1 =	vpop (erf);
	(erf) = vpow2.f32 v2  }
0x84: {  	v2 =	vpop (erf)  }
0x85: {  	v31 =	vpop (erf)  }
0x86: {  	v32 =	vpop (erf)  }
0x87: {  	v33 =	vpop (erf)  }
0x88: {  	v35 =	vadd.f32 v30, v3;
	v36 =	vadd.f32 v2, v1;
	v34 =	vpop (erf)  }
0x89: {  	v37 =	vadd.f32 v32, v31;
	v12 =	vadd.f32 v34, v33;
	_ =	sdelay $0x1  }
0x8a: {  	v9 =	vadd.f32 v36, v35;
	v13 =	vpop (erf);
	v38 =	vadd.f32 v12, v37  }
0x8b: {  	v39 =	vpop (erf)  }
0x8c: {  	v40 =	vadd.f32 v39, v13;
	v9 =	vadd.f32 v38, v9;
	_ =	sdelay $0x1  }
0x8d: {  	v9 =	vadd.f32 v9, v40;
	_ =	sdelay $0x1  }
0x8e: {  	(erf) = vrcp.f32 v9;
	_ =	sdelay $0x8  }
0x8f: {  	v9 =	vpop (erf)  }
0x90: {  	v1 =	vmul.f32 v9, v1;
	_ =	sdelay $0x1  }
0x91: {  	[tilespmem:$0x17900] =	vst v1;
	v1 =	vmul.f32 v9, v31;
	_ =	sdelay $0x1  }
0x92: {  	[tilespmem:$0x17A00] =	vst v1;
	v1 =	vmul.f32 v9, v33  }
0x93: {  	v2 =	vmul.f32 v9, v2  }
0x94: {  	[tilespmem:$0x17B00] =	vst v1;
	v1 =	vmul.f32 v9, v13  }
0x95: {  	[tilespmem:$0x17980] =	vst v2  }
0x96: {  	v2 =	vmul.f32 v9, v32;
	[tilespmem:$0x17C00] =	vst v1;
	v1 =	vld [tilespmem:$0x1FF70];
	_ =	sdelay $0x1  }
0x97: {  	[tilespmem:$0x17A80] =	vst v2;
	v2 =	vmul.f32 v9, v34  }
0x98: {  	v3 =	vmul.f32 v9, v3  }
0x99: {  	[tilespmem:$0x17B80] =	vst v2;
	v2 =	vmul.f32 v9, v39  }
0x9a: {  	v4 =	vmul.f32 v9, v30;
	[tilespmem:$0x17800] =	vst v3  }
0x9b: {  	[tilespmem:$0x17C80] =	vst v2;
	v2 =	vld [tilespmem:$0x1FF80]  }
0x9c: {  	[tilespmem:$0x17880] =	vst v4  }
0x9d: {  	v1 =	vld.idx.msk [tilespmem:v1+s14+$0x0], $0xffff;
	_ =	sdelay $0x3  }
0x9e: {  	v3 =	vld [tilespmem:$0x1FF90]  }
0x9f: {  	[tilespmem:$0xD700] =	vst v1  }
0xa0: {  	v2 =	vld.idx.msk [tilespmem:v2+s14+$0x0], $0xffff;
	_ =	sdelay $0x3  }
0xa1: {  	v41 =	vld [tilespmem:$0x1FFA0]  }
0xa2: {  	[tilespmem:$0xD710] =	vst v2  }
0xa3: {  	v3 =	vld.idx.msk [tilespmem:v3+s14+$0x0], $0xffff;
	_ =	sdelay $0x3  }
0xa4: {  	v42 =	vld [tilespmem:$0x1FFB0]  }
0xa5: {  	[tilespmem:$0xD720] =	vst v3  }
0xa6: {  	v4 =	vld.idx.msk [tilespmem:v41+s14+$0x0], $0xffff;
	_ =	sdelay $0x3  }
0xa7: {  	v43 =	vld [tilespmem:$0x1FFC0]  }
0xa8: {  	[tilespmem:$0xD730] =	vst v4  }
0xa9: {  	v5 =	vld.idx.msk [tilespmem:v42+s14+$0x0], $0xffff;
	_ =	sdelay $0x3  }
0xaa: {  	v44 =	vld [tilespmem:$0x1FFD0]  }
0xab: {  	[tilespmem:$0xD740] =	vst v5  }
0xac: {  	v6 =	vld.idx.msk [tilespmem:v43+s14+$0x0], $0xffff;
	_ =	sdelay $0x3  }
0xad: {  	v45 =	vld [tilespmem:$0x1FFE0]  }
0xae: {  	[tilespmem:$0xD750] =	vst v6  }
0xaf: {  	v7 =	vld.idx.msk [tilespmem:v44+s14+$0x0], $0xffff;
	_ =	sdelay $0x3  }
0xb0: {  	v46 =	vld [tilespmem:$0x1FFF0]  }
0xb1: {  	[tilespmem:$0xD760] =	vst v7  }
0xb2: {  	v8 =	vld.idx.msk [tilespmem:v45+s14+$0x0], $0xffff;
	_ =	sdelay $0x4  }
0xb3: {  	[tilespmem:$0xD770] =	vst v8  }
0xb4: {  	v9 =	vld.idx.msk [tilespmem:v46+s14+$0x0], $0xffff;
	_ =	sdelay $0x4  }
0xb5: {  	[tilespmem:$0xD780] =	vst v9  }
0xb6: {  	v47 =	vld.idx.msk [tilespmem:v19+s14+$0x0], $0xffff;
	_ =	sdelay $0x4  }
0xb7: {  	[tilespmem:$0xD790] =	vst v47  }
0xb8: {  	[tilespmem:s20], [sflag:$0x2] =	stream.indirect.gather [hbm4b:s3+s16], $0x80, s19, s16, $0xb8;
	[tilespmem:$0x1B800] =	vst v63  }
0xb9: {  	v1 =	vld.idx.msk [tilespmem:v1+s4+$0x0], $0xffff  }
0xba: {  	v2 =	vld.idx.msk [tilespmem:v2+s4+$0x0], $0xffff  }
0xbb: {  	v3 =	vld.idx.msk [tilespmem:v3+s4+$0x0], $0xffff  }
0xbc: {  	v4 =	vld.idx.msk [tilespmem:v4+s4+$0x0], $0xffff  }
0xbd: {  	v5 =	vld.idx.msk [tilespmem:v5+s4+$0x0], $0xffff  }
0xbe: {  	v6 =	vld.idx.msk [tilespmem:v6+s4+$0x0], $0xffff  }
0xbf: {  	v7 =	vld.idx.msk [tilespmem:v7+s4+$0x0], $0xffff;
	v48 =	vmax.f32 v1, v2  }
0xc0: {  	v8 =	vld.idx.msk [tilespmem:v8+s4+$0x0], $0xffff;
	v11 =	vmax.f32 v48, v3  }
0xc1: {  	v9 =	vld.idx.msk [tilespmem:v9+s4+$0x0], $0xffff;
	v11 =	vmax.f32 v11, v4  }
0xc2: {  	v10 =	vld.idx.msk [tilespmem:v47+s4+$0x0], $0xffff;
	v11 =	vmax.f32 v11, v5  }
0xc3: {  	v11 =	vmax.f32 v11, v6  }
0xc4: {  	v11 =	vmax.f32 v11, v7  }
0xc5: {  	v11 =	vmax.f32 v11, v8  }
0xc6: {  	v11 =	vmax.f32 v11, v9  }
0xc7: {  	v11 =	vmax.f32 v11, v10  }
0xc8: {  	v1 =	vsub.f32 v1, v11  }
0xc9: {  	v2 =	vsub.f32 v2, v11  }
0xca: {  	v3 =	vsub.f32 v3, v11;
	v1 =	vmul.f32 $1.442695020e+00, v1  }
0xcb: {  	v4 =	vsub.f32 v4, v11;
	v2 =	vmul.f32 $1.442695020e+00, v2  }
0xcc: {  	(erf) = vpow2.f32 v1;
	v1 =	vmul.f32 $1.442695020e+00, v3;
	v3 =	vsub.f32 v5, v11  }
0xcd: {  	v49 =	vsub.f32 v6, v11;
	(erf) = vpow2.f32 v2;
	v2 =	vmul.f32 $1.442695020e+00, v4  }
0xce: {  	(erf) = vpow2.f32 v1;
	v1 =	vmul.f32 $1.442695020e+00, v3;
	v3 =	vsub.f32 v7, v11  }
0xcf: {  	v50 =	vsub.f32 v8, v11;
	(erf) = vpow2.f32 v2;
	v2 =	vmul.f32 $1.442695020e+00, v49  }
0xd0: {  	(erf) = vpow2.f32 v1;
	v1 =	vmul.f32 $1.442695020e+00, v3  }
0xd1: {  	(erf) = vpow2.f32 v2;
	v2 =	vmul.f32 $1.442695020e+00, v50  }
0xd2: {  	(erf) = vpow2.f32 v1;
	v1 =	vsub.f32 v9, v11  }
0xd3: {  	(erf) = vpow2.f32 v2;
	v2 =	vsub.f32 v10, v11  }
0xd4: {  	v1 =	vmul.f32 $1.442695020e+00, v1  }
0xd5: {  	v2 =	vmul.f32 $1.442695020e+00, v2  }
0xd6: {  	v3 =	vpop (erf)  }
0xd7: {  	v51 =	vpop (erf);
	(erf) = vpow2.f32 v1  }
0xd8: {  	(erf) = vpow2.f32 v2;
	v1 =	vpop (erf)  }
0xd9: {  	v2 =	vpop (erf)  }
0xda: {  	v52 =	vpop (erf)  }
0xdb: {  	v53 =	vpop (erf)  }
0xdc: {  	v54 =	vpop (erf)  }
0xdd: {  	v56 =	vadd.f32 v51, v3;
	v57 =	vadd.f32 v2, v1;
	v55 =	vpop (erf)  }
0xde: {  	v58 =	vadd.f32 v53, v52;
	v59 =	vadd.f32 v55, v54;
	_ =	sdelay $0x1  }
0xdf: {  	v9 =	vadd.f32 v57, v56;
	v60 =	vpop (erf);
	v61 =	vadd.f32 v59, v58  }
0xe0: {  	v62 =	vpop (erf)  }
0xe1: {  	v63 =	vadd.f32 v62, v60;
	v9 =	vadd.f32 v61, v9;
	_ =	sdelay $0x1  }
0xe2: {  	v9 =	vadd.f32 v9, v63;
	_ =	sdelay $0x1  }
0xe3: {  	(erf) = vrcp.f32 v9;
	_ =	sdelay $0x8  }
0xe4: {  	v9 =	vpop (erf)  }
0xe5: {  	v3 =	vmul.f32 v9, v3  }
0xe6: {  	v4 =	vmul.f32 v9, v51  }
0xe7: {  	v1 =	vmul.f32 v9, v1;
	[tilespmem:$0x18000] =	vst v3  }
0xe8: {  	v2 =	vmul.f32 v9, v2;
	[tilespmem:$0x18080] =	vst v4  }
0xe9: {  	[tilespmem:$0x18100] =	vst v1;
	v1 =	vmul.f32 v9, v52  }
0xea: {  	[tilespmem:$0x18180] =	vst v2;
	v2 =	vmul.f32 v9, v53  }
0xeb: {  	[tilespmem:$0x18200] =	vst v1;
	v1 =	vmul.f32 v9, v54  }
.Ltmp2:
0xec: {  	[tilespmem:$0x18280] =	vst v2;
	v2 =	vmul.f32 v9, v55;
	(pc) =	sbr.rel .LBB2_2-.Ltmp2, $4  }
0xed: {  	[tilespmem:$0x18300] =	vst v1;
	v1 =	vmul.f32 v9, v60  }
0xee: {  	[tilespmem:$0x18380] =	vst v2;
	v2 =	vmul.f32 v9, v62  }
0xef: {  	[tilespmem:$0x18400] =	vst v1  }
0xf0: {  	s28 =	simm.s32 $0x0;
	[tilespmem:$0x18480] =	vst v2  }
.LBB2_30:
0xf1: {  	s0 =	sadd.s32 s5, s29  }
0xf2: {  	s0 =	sshrl.u32 s0, $0x3  }
0xf3: {  	s28 =	sadd.s32 $0x1, s28;
	s0 =	smul.u32 $0x300, s0  }
0xf4: {  	p0 =	sne.s32 s28, $0xA  }
.Ltmp3:
0xf5: {  	s0 =	sadd.s32 s7, s0;
	(pc) =	sbr.rel @!p0 .LBB2_31-.Ltmp3, $4  }
0xf6: {  	[hbm4b:s0+s4] =	stream.linear.scatter [tilespmem:s24], [sflag:$0x4], $0x3000, $0x38;
	[tilespmem:$0x1B800] =	vst v63  }
0xf7: {  	_ =	swait.ge [sflag:s10], $0x3000  }
0xf8: {  	[sflag:s10] =	ssyncset.done $0x0  }
0xf9: {  	[sflag:s10] =	ssyncadd.s32 $0xFFFFD000  }
.LBB2_2:
0xfa: {  	s0 =	sshllo.u32 s28, $0x1  }
0xfb: {  	s29 =	sshll.u32 s0, $0x4  }
0xfc: {  	s0 =	sand.u32 $0x3FFFFFF0, s29  }
0xfd: {  	v1 =	vld [tilespmem:s0+$0xC380];
	_ =	sdelay $0x4  }
0xfe: {  	s1 =	simm.s32 $0x0;
	s11 =	simm.s32 $0x3;
	[tilespmem:$0xC580] =	vst v1  }
0xff: {  	v2 =	vor.u32 s1, v0;
	[tilespmem:s22], [sflag:$0x3] =	stream.indirect.gather [hbm4b:s6+s12], $0x80, s21, s12, $0xb8;
	[tilespmem:$0x1B800] =	vst v63  }
0x100: {  	s13 =	simm.s32 $0x2;
	v3 =	vor.u32 s11, v0;
	_ =	swait.ge [sflag:s23], $0x5000  }
0x101: {  	s8 =	simm.s32 $0x1;
	v4 =	vor.u32 s13, v0;
	[sflag:s23] =	ssyncset.done $0x0  }
0x102: {  	v5 =	vor.u32 s8, v0;
	[sflag:s23] =	ssyncadd.s32 $0xFFFFB000  }
0x103: {  	s0 =	simm.s32 $0x4;
	v1 =	vld [tilespmem:$0x17800]  }
0x104: {  	s2 =	simm.s32 $0x7;
	v13 =	vor.u32 s0, v0;
	v9 =	vld.idx.msk [tilespmem:v2+s18+$0x0], $0xffff  }
0x105: {  	s31 =	simm.s32 $0x6;
	v10 =	vor.u32 s2, v0;
	v3 =	vld.idx.msk [tilespmem:v3+s18+$0x0], $0xffff  }
0x106: {  	s30 =	simm.s32 $0x5;
	v11 =	vor.u32 s31, v0;
	v12 =	vor.u32 s1, v20;
	v2 =	vld.idx.msk [tilespmem:v4+s18+$0x0], $0xffff  }
0x107: {  	v8 =	vor.u32 s30, v0;
	v6 =	vor.u32 s11, v20;
	v4 =	vld.idx.msk [tilespmem:v5+s18+$0x0], $0xffff  }
0x108: {  	v7 =	vor.u32 s13, v20  }
0x109: {  	s1 =	simm.s32 $0x8;
	v5 =	vld.idx.msk [tilespmem:v13+s18+$0x0], $0xffff;
	v13 =	vmul.f32 v9, v1;
	v9 =	vor.u32 s8, v20  }
.LBB2_3:
0x10a: {  	v14 =	vor.u32 s1, v0;
	s8 =	sadd.s32 $0x3, s1;
	v15 =	vmul.f32 v3, v1;
	v3 =	vld.idx.msk [tilespmem:v10+s18+$0x0], $0xffff;
	s11 =	smov.u32 s1;
	p0 =	slt.u32 s1, $0xC  }
.Ltmp4:
0x10b: {  	s13 =	sadd.s32 $0x2, s1;
	v10 =	vor.u32 s8, v0;
	[tilespmem:v12+s24+$0x0] =	vst.idx.msk $0xffff, v13;
	v13 =	vmul.f32 v2, v1;
	v2 =	vld.idx.msk [tilespmem:v11+s18+$0x0], $0xffff;
	(pc) =	sbr.rel @p0 .LBB2_3-.Ltmp4, $4  }
0x10c: {  	s1 =	sadd.s32 $0x4, s1;
	s9 =	sadd.s32 $0x1, s11;
	v11 =	vor.u32 s13, v0;
	v12 =	vor.u32 s0, v20;
	v26 =	vmul.f32 v4, v1;
	v4 =	vld.idx.msk [tilespmem:v8+s18+$0x0], $0xffff;
	[tilespmem:v6+s24+$0x0] =	vst.idx.msk $0xffff, v15  }
0x10d: {  	s0 =	smov.u32 s11;
	v8 =	vor.u32 s9, v0;
	v6 =	vor.u32 s2, v20;
	s2 =	smov.u32 s8;
	[tilespmem:v7+s24+$0x0] =	vst.idx.msk $0xffff, v13  }
0x10e: {  	v7 =	vor.u32 s31, v20;
	s31 =	smov.u32 s13;
	[tilespmem:v9+s24+$0x0] =	vst.idx.msk $0xffff, v26  }
0x10f: {  	v13 =	vmul.f32 v5, v1;
	v9 =	vor.u32 s30, v20;
	s30 =	smov.u32 s9;
	v5 =	vld.idx.msk [tilespmem:v14+s18+$0x0], $0xffff  }
0x110: {  	_ =	sdelay $0x3  }
0x111: {  	v10 =	vld.idx.msk [tilespmem:v10+s18+$0x0], $0xffff  }
0x112: {  	v3 =	vmul.f32 v3, v1;
	v11 =	vld.idx.msk [tilespmem:v11+s18+$0x0], $0xffff;
	v14 =	vor.u32 s0, v20  }
0x113: {  	v2 =	vmul.f32 v2, v1;
	v8 =	vld.idx.msk [tilespmem:v8+s18+$0x0], $0xffff;
	[tilespmem:v12+s24+$0x0] =	vst.idx.msk $0xffff, v13;
	v12 =	vor.u32 s2, v20  }
0x114: {  	v4 =	vmul.f32 v4, v1;
	[tilespmem:v6+s24+$0x0] =	vst.idx.msk $0xffff, v3;
	v3 =	vor.u32 s31, v20  }
0x115: {  	[tilespmem:v7+s24+$0x0] =	vst.idx.msk $0xffff, v2;
	v2 =	vmul.f32 v5, v1;
	v5 =	vor.u32 s30, v20  }
0x116: {  	v26 =	vor.u32 $0x14, v0;
	[tilespmem:v9+s24+$0x0] =	vst.idx.msk $0xffff, v4;
	v4 =	vmul.f32 v10, v1  }
0x117: {  	[tilespmem:v14+s24+$0x0] =	vst.idx.msk $0xffff, v2;
	v2 =	vmul.f32 v11, v1  }
0x118: {  	v1 =	vmul.f32 v8, v1;
	[tilespmem:v12+s24+$0x0] =	vst.idx.msk $0xffff, v4  }
0x119: {  	[tilespmem:v3+s24+$0x0] =	vst.idx.msk $0xffff, v2  }
0x11a: {  	[tilespmem:v5+s24+$0x0] =	vst.idx.msk $0xffff, v1  }
0x11b: {  	v1 =	vld.idx.msk [tilespmem:v26+s14+$0x0], $0xffff  }
0x11c: {  	v27 =	vor.u32 $0x15, v0;
	_ =	sdelay $0x3  }
0x11d: {  	[tilespmem:$0xD600] =	vst v1  }
0x11e: {  	v2 =	vld.idx.msk [tilespmem:v27+s14+$0x0], $0xffff  }
0x11f: {  	v28 =	vor.u32 $0x16, v0;
	_ =	sdelay $0x3  }
0x120: {  	[tilespmem:$0xD610] =	vst v2  }
0x121: {  	v3 =	vld.idx.msk [tilespmem:v28+s14+$0x0], $0xffff  }
0x122: {  	v29 =	vor.u32 $0x17, v0;
	_ =	sdelay $0x3  }
0x123: {  	[tilespmem:$0xD620] =	vst v3  }
0x124: {  	v4 =	vld.idx.msk [tilespmem:v29+s14+$0x0], $0xffff  }
0x125: {  	v30 =	vor.u32 $0x18, v0;
	_ =	sdelay $0x3  }
0x126: {  	[tilespmem:$0xD630] =	vst v4  }
0x127: {  	v5 =	vld.idx.msk [tilespmem:v30+s14+$0x0], $0xffff  }
0x128: {  	v31 =	vor.u32 $0x19, v0;
	_ =	sdelay $0x3  }
0x129: {  	[tilespmem:$0xD640] =	vst v5  }
0x12a: {  	v6 =	vld.idx.msk [tilespmem:v31+s14+$0x0], $0xffff  }
0x12b: {  	v33 =	vor.u32 $0x1A, v0;
	_ =	sdelay $0x3  }
0x12c: {  	[tilespmem:$0xD650] =	vst v6  }
0x12d: {  	v7 =	vld.idx.msk [tilespmem:v33+s14+$0x0], $0xffff  }
0x12e: {  	v34 =	vor.u32 $0x1B, v0;
	_ =	sdelay $0x3  }
0x12f: {  	[tilespmem:$0xD660] =	vst v7  }
0x130: {  	v8 =	vld.idx.msk [tilespmem:v34+s14+$0x0], $0xffff  }
0x131: {  	v35 =	vor.u32 $0x1C, v0;
	_ =	sdelay $0x3  }
0x132: {  	[tilespmem:$0xD670] =	vst v8  }
0x133: {  	v9 =	vld.idx.msk [tilespmem:v35+s14+$0x0], $0xffff  }
0x134: {  	v36 =	vor.u32 $0x1D, v0;
	_ =	sdelay $0x3  }
0x135: {  	[tilespmem:$0xD680] =	vst v9  }
0x136: {  	v10 =	vld.idx.msk [tilespmem:v36+s14+$0x0], $0xffff;
	_ =	sdelay $0x4  }
0x137: {  	s30 =	simm.s32 $0x0;
	[tilespmem:$0xD690] =	vst v10  }
0x138: {  	[tilespmem:s18], [sflag:$0x1] =	stream.indirect.gather [hbm4b:s3+s16], $0x80, s17, s16, $0xb8;
	[tilespmem:$0x1B800] =	vst v63  }
0x139: {  	v1 =	vld.idx.msk [tilespmem:v1+s30+$0x0], $0xffff  }
0x13a: {  	v2 =	vld.idx.msk [tilespmem:v2+s30+$0x0], $0xffff  }
0x13b: {  	v3 =	vld.idx.msk [tilespmem:v3+s30+$0x0], $0xffff  }
0x13c: {  	v4 =	vld.idx.msk [tilespmem:v4+s30+$0x0], $0xffff  }
0x13d: {  	v5 =	vld.idx.msk [tilespmem:v5+s30+$0x0], $0xffff  }
0x13e: {  	v6 =	vld.idx.msk [tilespmem:v6+s30+$0x0], $0xffff  }
0x13f: {  	v7 =	vld.idx.msk [tilespmem:v7+s30+$0x0], $0xffff;
	v11 =	vmax.f32 v1, v2  }
0x140: {  	v8 =	vld.idx.msk [tilespmem:v8+s30+$0x0], $0xffff;
	v11 =	vmax.f32 v11, v3  }
0x141: {  	v9 =	vld.idx.msk [tilespmem:v9+s30+$0x0], $0xffff;
	v11 =	vmax.f32 v11, v4  }
0x142: {  	v10 =	vld.idx.msk [tilespmem:v10+s30+$0x0], $0xffff;
	v11 =	vmax.f32 v11, v5  }
0x143: {  	v11 =	vmax.f32 v11, v6  }
0x144: {  	v11 =	vmax.f32 v11, v7  }
0x145: {  	v11 =	vmax.f32 v11, v8  }
0x146: {  	v11 =	vmax.f32 v11, v9  }
0x147: {  	v11 =	vmax.f32 v11, v10  }
0x148: {  	v1 =	vsub.f32 v1, v11  }
0x149: {  	v2 =	vsub.f32 v2, v11  }
0x14a: {  	v3 =	vsub.f32 v3, v11;
	v1 =	vmul.f32 $1.442695020e+00, v1  }
0x14b: {  	v4 =	vsub.f32 v4, v11;
	v2 =	vmul.f32 $1.442695020e+00, v2  }
0x14c: {  	(erf) = vpow2.f32 v1;
	v1 =	vmul.f32 $1.442695020e+00, v3;
	v3 =	vsub.f32 v5, v11  }
0x14d: {  	(erf) = vpow2.f32 v2;
	v2 =	vmul.f32 $1.442695020e+00, v4;
	v4 =	vsub.f32 v6, v11  }
0x14e: {  	(erf) = vpow2.f32 v1;
	v1 =	vmul.f32 $1.442695020e+00, v3;
	v3 =	vsub.f32 v7, v11  }
0x14f: {  	(erf) = vpow2.f32 v2;
	v2 =	vmul.f32 $1.442695020e+00, v4;
	v4 =	vsub.f32 v8, v11  }
0x150: {  	(erf) = vpow2.f32 v1;
	v1 =	vmul.f32 $1.442695020e+00, v3  }
0x151: {  	(erf) = vpow2.f32 v2;
	v2 =	vmul.f32 $1.442695020e+00, v4  }
0x152: {  	(erf) = vpow2.f32 v1;
	v1 =	vsub.f32 v9, v11  }
0x153: {  	(erf) = vpow2.f32 v2;
	v2 =	vsub.f32 v10, v11  }
0x154: {  	v1 =	vmul.f32 $1.442695020e+00, v1  }
0x155: {  	v2 =	vmul.f32 $1.442695020e+00, v2  }
0x156: {  	v3 =	vpop (erf)  }
0x157: {  	v4 =	vpop (erf);
	(erf) = vpow2.f32 v1  }
0x158: {  	(erf) = vpow2.f32 v2;
	v1 =	vpop (erf)  }
0x159: {  	v2 =	vpop (erf)  }
0x15a: {  	v5 =	vpop (erf)  }
0x15b: {  	v6 =	vpop (erf)  }
0x15c: {  	v7 =	vpop (erf)  }
0x15d: {  	v9 =	vadd.f32 v4, v3;
	v11 =	vadd.f32 v6, v5;
	v8 =	vpop (erf)  }
0x15e: {  	v10 =	vadd.f32 v2, v1;
	v12 =	vadd.f32 v8, v7;
	_ =	sdelay $0x1  }
0x15f: {  	v9 =	vadd.f32 v10, v9;
	v13 =	vpop (erf);
	v10 =	vadd.f32 v12, v11  }
0x160: {  	v11 =	vpop (erf)  }
0x161: {  	v12 =	vadd.f32 v11, v13;
	v9 =	vadd.f32 v10, v9;
	_ =	sdelay $0x1  }
0x162: {  	v9 =	vadd.f32 v9, v12;
	_ =	sdelay $0x1  }
0x163: {  	(erf) = vrcp.f32 v9;
	_ =	sdelay $0x8  }
0x164: {  	v9 =	vpop (erf)  }
0x165: {  	v3 =	vmul.f32 v9, v3  }
0x166: {  	v4 =	vmul.f32 v9, v4  }
0x167: {  	v1 =	vmul.f32 v9, v1;
	[tilespmem:$0x17800] =	vst v3  }
0x168: {  	v2 =	vmul.f32 v9, v2;
	[tilespmem:$0x17880] =	vst v4  }
0x169: {  	[tilespmem:$0x17900] =	vst v1;
	v1 =	vmul.f32 v9, v5  }
0x16a: {  	[tilespmem:$0x17980] =	vst v2;
	v2 =	vmul.f32 v9, v6  }
0x16b: {  	[tilespmem:$0x17A00] =	vst v1;
	v1 =	vmul.f32 v9, v7  }
0x16c: {  	[tilespmem:$0x17A80] =	vst v2;
	v2 =	vmul.f32 v9, v8  }
0x16d: {  	[tilespmem:$0x17B00] =	vst v1;
	v1 =	vmul.f32 v9, v13  }
0x16e: {  	[tilespmem:$0x17B80] =	vst v2;
	v2 =	vmul.f32 v9, v11  }
0x16f: {  	[tilespmem:$0x17C00] =	vst v1  }
0x170: {  	s8 =	simm.s32 $0x3;
	[tilespmem:$0x17C80] =	vst v2;
	v2 =	vor.u32 s30, v0  }
0x171: {  	s9 =	simm.s32 $0x2;
	v3 =	vor.u32 s8, v0;
	_ =	swait.ge [sflag:s25], $0x5000  }
0x172: {  	s11 =	simm.s32 $0x1;
	v4 =	vor.u32 s9, v0;
	[sflag:s25] =	ssyncset.done $0x0  }
0x173: {  	v5 =	vor.u32 s11, v0;
	[sflag:s25] =	ssyncadd.s32 $0xFFFFB000  }
0x174: {  	s1 =	simm.s32 $0x4;
	v1 =	vld [tilespmem:$0x18000]  }
0x175: {  	s0 =	simm.s32 $0x7;
	v13 =	vor.u32 s1, v0;
	v9 =	vld.idx.msk [tilespmem:v2+s20+$0x0], $0xffff  }
0x176: {  	s2 =	simm.s32 $0x6;
	v10 =	vor.u32 s0, v0;
	v3 =	vld.idx.msk [tilespmem:v3+s20+$0x0], $0xffff  }
0x177: {  	s31 =	simm.s32 $0x5;
	v12 =	vor.u32 s30, v21;
	v11 =	vor.u32 s2, v0;
	v2 =	vld.idx.msk [tilespmem:v4+s20+$0x0], $0xffff  }
0x178: {  	v6 =	vor.u32 s8, v21;
	v8 =	vor.u32 s31, v0;
	v4 =	vld.idx.msk [tilespmem:v5+s20+$0x0], $0xffff  }
0x179: {  	v7 =	vor.u32 s9, v21  }
0x17a: {  	s30 =	simm.s32 $0x8;
	v5 =	vld.idx.msk [tilespmem:v13+s20+$0x0], $0xffff;
	v13 =	vmul.f32 v9, v1;
	v9 =	vor.u32 s11, v21  }
.LBB2_5:
0x17b: {  	v14 =	vor.u32 s30, v0;
	s8 =	sadd.s32 $0x3, s30;
	v15 =	vmul.f32 v3, v1;
	v3 =	vld.idx.msk [tilespmem:v10+s20+$0x0], $0xffff;
	s9 =	smov.u32 s30;
	p0 =	slt.u32 s30, $0xC  }
.Ltmp5:
0x17c: {  	s11 =	sadd.s32 $0x2, s30;
	v10 =	vor.u32 s8, v0;
	[tilespmem:v12+s24+$0x0] =	vst.idx.msk $0xffff, v13;
	v13 =	vmul.f32 v2, v1;
	v2 =	vld.idx.msk [tilespmem:v11+s20+$0x0], $0xffff;
	(pc) =	sbr.rel @p0 .LBB2_5-.Ltmp5, $4  }
0x17d: {  	s30 =	sadd.s32 $0x4, s30;
	s13 =	sadd.s32 $0x1, s9;
	v11 =	vor.u32 s11, v0;
	v12 =	vor.u32 s1, v21;
	v32 =	vmul.f32 v4, v1;
	v4 =	vld.idx.msk [tilespmem:v8+s20+$0x0], $0xffff;
	[tilespmem:v6+s24+$0x0] =	vst.idx.msk $0xffff, v15  }
0x17e: {  	s1 =	smov.u32 s9;
	v8 =	vor.u32 s13, v0;
	v6 =	vor.u32 s0, v21;
	s0 =	smov.u32 s8;
	[tilespmem:v7+s24+$0x0] =	vst.idx.msk $0xffff, v13  }
0x17f: {  	v7 =	vor.u32 s2, v21;
	s2 =	smov.u32 s11;
	[tilespmem:v9+s24+$0x0] =	vst.idx.msk $0xffff, v32  }
0x180: {  	v13 =	vmul.f32 v5, v1;
	v9 =	vor.u32 s31, v21;
	s31 =	smov.u32 s13;
	v5 =	vld.idx.msk [tilespmem:v14+s20+$0x0], $0xffff  }
0x181: {  	_ =	sdelay $0x3  }
0x182: {  	v10 =	vld.idx.msk [tilespmem:v10+s20+$0x0], $0xffff  }
0x183: {  	v3 =	vmul.f32 v3, v1;
	v11 =	vld.idx.msk [tilespmem:v11+s20+$0x0], $0xffff;
	v14 =	vor.u32 s1, v21  }
0x184: {  	v2 =	vmul.f32 v2, v1;
	v8 =	vld.idx.msk [tilespmem:v8+s20+$0x0], $0xffff;
	[tilespmem:v12+s24+$0x0] =	vst.idx.msk $0xffff, v13;
	v12 =	vor.u32 s0, v21  }
0x185: {  	v4 =	vmul.f32 v4, v1;
	[tilespmem:v6+s24+$0x0] =	vst.idx.msk $0xffff, v3;
	v3 =	vor.u32 s2, v21  }
0x186: {  	[tilespmem:v7+s24+$0x0] =	vst.idx.msk $0xffff, v2;
	v2 =	vmul.f32 v5, v1;
	v5 =	vor.u32 s31, v21  }
0x187: {  	v32 =	vor.u32 $0x1E, v0;
	[tilespmem:v9+s24+$0x0] =	vst.idx.msk $0xffff, v4;
	v4 =	vmul.f32 v10, v1  }
0x188: {  	[tilespmem:v14+s24+$0x0] =	vst.idx.msk $0xffff, v2;
	v2 =	vmul.f32 v11, v1  }
0x189: {  	v1 =	vmul.f32 v8, v1;
	[tilespmem:v12+s24+$0x0] =	vst.idx.msk $0xffff, v4  }
0x18a: {  	[tilespmem:v3+s24+$0x0] =	vst.idx.msk $0xffff, v2  }
0x18b: {  	[tilespmem:v5+s24+$0x0] =	vst.idx.msk $0xffff, v1  }
0x18c: {  	v1 =	vld.idx.msk [tilespmem:v32+s14+$0x0], $0xffff  }
0x18d: {  	v37 =	vor.u32 $0x1F, v0;
	_ =	sdelay $0x3  }
0x18e: {  	[tilespmem:$0xD700] =	vst v1  }
0x18f: {  	v2 =	vld.idx.msk [tilespmem:v37+s14+$0x0], $0xffff  }
0x190: {  	v38 =	vor.u32 $0x20, v0;
	_ =	sdelay $0x3  }
0x191: {  	[tilespmem:$0xD710] =	vst v2  }
0x192: {  	v3 =	vld.idx.msk [tilespmem:v38+s14+$0x0], $0xffff  }
0x193: {  	v39 =	vor.u32 $0x21, v0;
	_ =	sdelay $0x3  }
0x194: {  	[tilespmem:$0xD720] =	vst v3  }
0x195: {  	v4 =	vld.idx.msk [tilespmem:v39+s14+$0x0], $0xffff  }
0x196: {  	v40 =	vor.u32 $0x22, v0;
	_ =	sdelay $0x3  }
0x197: {  	[tilespmem:$0xD730] =	vst v4  }
0x198: {  	v5 =	vld.idx.msk [tilespmem:v40+s14+$0x0], $0xffff  }
0x199: {  	v41 =	vor.u32 $0x23, v0;
	_ =	sdelay $0x3  }
0x19a: {  	[tilespmem:$0xD740] =	vst v5  }
0x19b: {  	v6 =	vld.idx.msk [tilespmem:v41+s14+$0x0], $0xffff  }
0x19c: {  	v43 =	vor.u32 $0x24, v0;
	_ =	sdelay $0x3  }
0x19d: {  	[tilespmem:$0xD750] =	vst v6  }
0x19e: {  	v7 =	vld.idx.msk [tilespmem:v43+s14+$0x0], $0xffff  }
0x19f: {  	v44 =	vor.u32 $0x25, v0;
	_ =	sdelay $0x3  }
0x1a0: {  	[tilespmem:$0xD760] =	vst v7  }
0x1a1: {  	v8 =	vld.idx.msk [tilespmem:v44+s14+$0x0], $0xffff  }
0x1a2: {  	v45 =	vor.u32 $0x26, v0;
	_ =	sdelay $0x3  }
0x1a3: {  	[tilespmem:$0xD770] =	vst v8  }
0x1a4: {  	v9 =	vld.idx.msk [tilespmem:v45+s14+$0x0], $0xffff  }
0x1a5: {  	v46 =	vor.u32 $0x27, v0;
	_ =	sdelay $0x3  }
0x1a6: {  	[tilespmem:$0xD780] =	vst v9  }
0x1a7: {  	v10 =	vld.idx.msk [tilespmem:v46+s14+$0x0], $0xffff;
	_ =	sdelay $0x4  }
0x1a8: {  	s30 =	simm.s32 $0x0;
	[tilespmem:$0xD790] =	vst v10  }
0x1a9: {  	[tilespmem:s20], [sflag:$0x2] =	stream.indirect.gather [hbm4b:s3+s16], $0x80, s19, s16, $0xb8;
	[tilespmem:$0x1B800] =	vst v63  }
0x1aa: {  	v1 =	vld.idx.msk [tilespmem:v1+s30+$0x0], $0xffff  }
0x1ab: {  	v2 =	vld.idx.msk [tilespmem:v2+s30+$0x0], $0xffff  }
0x1ac: {  	v3 =	vld.idx.msk [tilespmem:v3+s30+$0x0], $0xffff  }
0x1ad: {  	v4 =	vld.idx.msk [tilespmem:v4+s30+$0x0], $0xffff  }
0x1ae: {  	v5 =	vld.idx.msk [tilespmem:v5+s30+$0x0], $0xffff  }
0x1af: {  	v6 =	vld.idx.msk [tilespmem:v6+s30+$0x0], $0xffff  }
0x1b0: {  	v7 =	vld.idx.msk [tilespmem:v7+s30+$0x0], $0xffff;
	v11 =	vmax.f32 v1, v2  }
0x1b1: {  	v8 =	vld.idx.msk [tilespmem:v8+s30+$0x0], $0xffff;
	v11 =	vmax.f32 v11, v3  }
0x1b2: {  	v9 =	vld.idx.msk [tilespmem:v9+s30+$0x0], $0xffff;
	v11 =	vmax.f32 v11, v4  }
0x1b3: {  	v10 =	vld.idx.msk [tilespmem:v10+s30+$0x0], $0xffff;
	v11 =	vmax.f32 v11, v5  }
0x1b4: {  	v11 =	vmax.f32 v11, v6  }
0x1b5: {  	v11 =	vmax.f32 v11, v7  }
0x1b6: {  	v11 =	vmax.f32 v11, v8  }
0x1b7: {  	v11 =	vmax.f32 v11, v9  }
0x1b8: {  	v11 =	vmax.f32 v11, v10  }
0x1b9: {  	v1 =	vsub.f32 v1, v11  }
0x1ba: {  	v2 =	vsub.f32 v2, v11  }
0x1bb: {  	v3 =	vsub.f32 v3, v11;
	v1 =	vmul.f32 $1.442695020e+00, v1  }
0x1bc: {  	v4 =	vsub.f32 v4, v11;
	v2 =	vmul.f32 $1.442695020e+00, v2  }
0x1bd: {  	(erf) = vpow2.f32 v1;
	v1 =	vmul.f32 $1.442695020e+00, v3;
	v3 =	vsub.f32 v5, v11  }
0x1be: {  	(erf) = vpow2.f32 v2;
	v2 =	vmul.f32 $1.442695020e+00, v4;
	v4 =	vsub.f32 v6, v11  }
0x1bf: {  	(erf) = vpow2.f32 v1;
	v1 =	vmul.f32 $1.442695020e+00, v3;
	v3 =	vsub.f32 v7, v11  }
0x1c0: {  	(erf) = vpow2.f32 v2;
	v2 =	vmul.f32 $1.442695020e+00, v4;
	v4 =	vsub.f32 v8, v11  }
0x1c1: {  	(erf) = vpow2.f32 v1;
	v1 =	vmul.f32 $1.442695020e+00, v3  }
0x1c2: {  	(erf) = vpow2.f32 v2;
	v2 =	vmul.f32 $1.442695020e+00, v4  }
0x1c3: {  	(erf) = vpow2.f32 v1;
	v1 =	vsub.f32 v9, v11  }
0x1c4: {  	(erf) = vpow2.f32 v2;
	v2 =	vsub.f32 v10, v11  }
0x1c5: {  	v1 =	vmul.f32 $1.442695020e+00, v1  }
0x1c6: {  	v2 =	vmul.f32 $1.442695020e+00, v2  }
0x1c7: {  	v3 =	vpop (erf)  }
0x1c8: {  	v4 =	vpop (erf);
	(erf) = vpow2.f32 v1  }
0x1c9: {  	(erf) = vpow2.f32 v2;
	v1 =	vpop (erf)  }
0x1ca: {  	v2 =	vpop (erf)  }
0x1cb: {  	v5 =	vpop (erf)  }
0x1cc: {  	v6 =	vpop (erf)  }
0x1cd: {  	v7 =	vpop (erf)  }
0x1ce: {  	v9 =	vadd.f32 v4, v3;
	v11 =	vadd.f32 v6, v5;
	v8 =	vpop (erf)  }
0x1cf: {  	v10 =	vadd.f32 v2, v1;
	v12 =	vadd.f32 v8, v7;
	_ =	sdelay $0x1  }
0x1d0: {  	v9 =	vadd.f32 v10, v9;
	v13 =	vpop (erf);
	v10 =	vadd.f32 v12, v11  }
0x1d1: {  	v11 =	vpop (erf)  }
0x1d2: {  	v12 =	vadd.f32 v11, v13;
	v9 =	vadd.f32 v10, v9;
	_ =	sdelay $0x1  }
0x1d3: {  	v9 =	vadd.f32 v9, v12;
	_ =	sdelay $0x1  }
0x1d4: {  	(erf) = vrcp.f32 v9;
	_ =	sdelay $0x8  }
0x1d5: {  	v9 =	vpop (erf)  }
0x1d6: {  	v3 =	vmul.f32 v9, v3  }
0x1d7: {  	v4 =	vmul.f32 v9, v4  }
0x1d8: {  	v1 =	vmul.f32 v9, v1;
	[tilespmem:$0x18000] =	vst v3  }
0x1d9: {  	v2 =	vmul.f32 v9, v2;
	[tilespmem:$0x18080] =	vst v4  }
0x1da: {  	[tilespmem:$0x18100] =	vst v1;
	v1 =	vmul.f32 v9, v5  }
0x1db: {  	[tilespmem:$0x18180] =	vst v2;
	v2 =	vmul.f32 v9, v6  }
0x1dc: {  	[tilespmem:$0x18200] =	vst v1;
	v1 =	vmul.f32 v9, v7  }
0x1dd: {  	[tilespmem:$0x18280] =	vst v2;
	v2 =	vmul.f32 v9, v8  }
0x1de: {  	[tilespmem:$0x18300] =	vst v1;
	v1 =	vmul.f32 v9, v13  }
0x1df: {  	[tilespmem:$0x18380] =	vst v2;
	v2 =	vmul.f32 v9, v11  }
0x1e0: {  	[tilespmem:$0x18400] =	vst v1  }
0x1e1: {  	s8 =	simm.s32 $0x3;
	[tilespmem:$0x18480] =	vst v2;
	v2 =	vor.u32 s30, v0  }
0x1e2: {  	s9 =	simm.s32 $0x2;
	v3 =	vor.u32 s8, v0;
	_ =	swait.ge [sflag:s23], $0x5000  }
0x1e3: {  	s11 =	simm.s32 $0x1;
	v4 =	vor.u32 s9, v0;
	[sflag:s23] =	ssyncset.done $0x0  }
0x1e4: {  	v5 =	vor.u32 s11, v0;
	[sflag:s23] =	ssyncadd.s32 $0xFFFFB000  }
0x1e5: {  	s1 =	simm.s32 $0x4;
	v1 =	vld [tilespmem:$0x17800]  }
0x1e6: {  	s0 =	simm.s32 $0x7;
	v13 =	vor.u32 s1, v0;
	v9 =	vld.idx.msk [tilespmem:v2+s18+$0x0], $0xffff  }
0x1e7: {  	s2 =	simm.s32 $0x6;
	v10 =	vor.u32 s0, v0;
	v3 =	vld.idx.msk [tilespmem:v3+s18+$0x0], $0xffff  }
0x1e8: {  	s31 =	simm.s32 $0x5;
	v12 =	vor.u32 s30, v22;
	v11 =	vor.u32 s2, v0;
	v2 =	vld.idx.msk [tilespmem:v4+s18+$0x0], $0xffff  }
0x1e9: {  	v6 =	vor.u32 s8, v22;
	v8 =	vor.u32 s31, v0;
	v4 =	vld.idx.msk [tilespmem:v5+s18+$0x0], $0xffff  }
0x1ea: {  	v7 =	vor.u32 s9, v22  }
0x1eb: {  	s30 =	simm.s32 $0x8;
	v5 =	vld.idx.msk [tilespmem:v13+s18+$0x0], $0xffff;
	v13 =	vmul.f32 v9, v1;
	v9 =	vor.u32 s11, v22  }
.LBB2_7:
0x1ec: {  	v14 =	vor.u32 s30, v0;
	s8 =	sadd.s32 $0x3, s30;
	v15 =	vmul.f32 v3, v1;
	v3 =	vld.idx.msk [tilespmem:v10+s18+$0x0], $0xffff;
	s9 =	smov.u32 s30;
	p0 =	slt.u32 s30, $0xC  }
.Ltmp6:
0x1ed: {  	s11 =	sadd.s32 $0x2, s30;
	v10 =	vor.u32 s8, v0;
	[tilespmem:v12+s24+$0x0] =	vst.idx.msk $0xffff, v13;
	v13 =	vmul.f32 v2, v1;
	v2 =	vld.idx.msk [tilespmem:v11+s18+$0x0], $0xffff;
	(pc) =	sbr.rel @p0 .LBB2_7-.Ltmp6, $4  }
0x1ee: {  	s30 =	sadd.s32 $0x4, s30;
	s13 =	sadd.s32 $0x1, s9;
	v11 =	vor.u32 s11, v0;
	v12 =	vor.u32 s1, v22;
	v42 =	vmul.f32 v4, v1;
	v4 =	vld.idx.msk [tilespmem:v8+s18+$0x0], $0xffff;
	[tilespmem:v6+s24+$0x0] =	vst.idx.msk $0xffff, v15  }
0x1ef: {  	s1 =	smov.u32 s9;
	v8 =	vor.u32 s13, v0;
	v6 =	vor.u32 s0, v22;
	s0 =	smov.u32 s8;
	[tilespmem:v7+s24+$0x0] =	vst.idx.msk $0xffff, v13  }
0x1f0: {  	v7 =	vor.u32 s2, v22;
	s2 =	smov.u32 s11;
	[tilespmem:v9+s24+$0x0] =	vst.idx.msk $0xffff, v42  }
0x1f1: {  	v13 =	vmul.f32 v5, v1;
	v9 =	vor.u32 s31, v22;
	s31 =	smov.u32 s13;
	v5 =	vld.idx.msk [tilespmem:v14+s18+$0x0], $0xffff  }
0x1f2: {  	_ =	sdelay $0x3  }
0x1f3: {  	v10 =	vld.idx.msk [tilespmem:v10+s18+$0x0], $0xffff  }
0x1f4: {  	v3 =	vmul.f32 v3, v1;
	v11 =	vld.idx.msk [tilespmem:v11+s18+$0x0], $0xffff;
	v14 =	vor.u32 s1, v22  }
0x1f5: {  	v2 =	vmul.f32 v2, v1;
	v8 =	vld.idx.msk [tilespmem:v8+s18+$0x0], $0xffff;
	[tilespmem:v12+s24+$0x0] =	vst.idx.msk $0xffff, v13;
	v12 =	vor.u32 s0, v22  }
0x1f6: {  	v4 =	vmul.f32 v4, v1;
	[tilespmem:v6+s24+$0x0] =	vst.idx.msk $0xffff, v3;
	v3 =	vor.u32 s2, v22  }
0x1f7: {  	[tilespmem:v7+s24+$0x0] =	vst.idx.msk $0xffff, v2;
	v2 =	vmul.f32 v5, v1;
	v5 =	vor.u32 s31, v22  }
0x1f8: {  	v42 =	vor.u32 $0x28, v0;
	[tilespmem:v9+s24+$0x0] =	vst.idx.msk $0xffff, v4;
	v4 =	vmul.f32 v10, v1  }
0x1f9: {  	[tilespmem:v14+s24+$0x0] =	vst.idx.msk $0xffff, v2;
	v2 =	vmul.f32 v11, v1  }
0x1fa: {  	v1 =	vmul.f32 v8, v1;
	[tilespmem:v12+s24+$0x0] =	vst.idx.msk $0xffff, v4  }
0x1fb: {  	[tilespmem:v3+s24+$0x0] =	vst.idx.msk $0xffff, v2  }
0x1fc: {  	[tilespmem:v5+s24+$0x0] =	vst.idx.msk $0xffff, v1  }
0x1fd: {  	v1 =	vld.idx.msk [tilespmem:v42+s14+$0x0], $0xffff  }
0x1fe: {  	v47 =	vor.u32 $0x29, v0;
	_ =	sdelay $0x3  }
0x1ff: {  	[tilespmem:$0xD600] =	vst v1  }
0x200: {  	v2 =	vld.idx.msk [tilespmem:v47+s14+$0x0], $0xffff  }
0x201: {  	v48 =	vor.u32 $0x2A, v0;
	_ =	sdelay $0x3  }
0x202: {  	[tilespmem:$0xD610] =	vst v2  }
0x203: {  	v3 =	vld.idx.msk [tilespmem:v48+s14+$0x0], $0xffff  }
0x204: {  	v49 =	vor.u32 $0x2B, v0;
	_ =	sdelay $0x3  }
0x205: {  	[tilespmem:$0xD620] =	vst v3  }
0x206: {  	v4 =	vld.idx.msk [tilespmem:v49+s14+$0x0], $0xffff  }
0x207: {  	v50 =	vor.u32 $0x2C, v0;
	_ =	sdelay $0x3  }
0x208: {  	[tilespmem:$0xD630] =	vst v4  }
0x209: {  	v5 =	vld.idx.msk [tilespmem:v50+s14+$0x0], $0xffff  }
0x20a: {  	v51 =	vor.u32 $0x2D, v0;
	_ =	sdelay $0x3  }
0x20b: {  	[tilespmem:$0xD640] =	vst v5  }
0x20c: {  	v6 =	vld.idx.msk [tilespmem:v51+s14+$0x0], $0xffff  }
0x20d: {  	v53 =	vor.u32 $0x2E, v0;
	_ =	sdelay $0x3  }
0x20e: {  	[tilespmem:$0xD650] =	vst v6  }
0x20f: {  	v7 =	vld.idx.msk [tilespmem:v53+s14+$0x0], $0xffff  }
0x210: {  	v54 =	vor.u32 $0x2F, v0;
	_ =	sdelay $0x3  }
0x211: {  	[tilespmem:$0xD660] =	vst v7  }
0x212: {  	v8 =	vld.idx.msk [tilespmem:v54+s14+$0x0], $0xffff  }
0x213: {  	v55 =	vor.u32 $0x30, v0;
	_ =	sdelay $0x3  }
0x214: {  	[tilespmem:$0xD670] =	vst v8  }
0x215: {  	v9 =	vld.idx.msk [tilespmem:v55+s14+$0x0], $0xffff  }
0x216: {  	v56 =	vor.u32 $0x31, v0;
	_ =	sdelay $0x3  }
0x217: {  	[tilespmem:$0xD680] =	vst v9  }
0x218: {  	v10 =	vld.idx.msk [tilespmem:v56+s14+$0x0], $0xffff;
	_ =	sdelay $0x4  }
0x219: {  	s30 =	simm.s32 $0x0;
	[tilespmem:$0xD690] =	vst v10  }
0x21a: {  	[tilespmem:s18], [sflag:$0x1] =	stream.indirect.gather [hbm4b:s3+s16], $0x80, s17, s16, $0xb8;
	[tilespmem:$0x1B800] =	vst v63  }
0x21b: {  	v1 =	vld.idx.msk [tilespmem:v1+s30+$0x0], $0xffff  }
0x21c: {  	v2 =	vld.idx.msk [tilespmem:v2+s30+$0x0], $0xffff  }
0x21d: {  	v3 =	vld.idx.msk [tilespmem:v3+s30+$0x0], $0xffff  }
0x21e: {  	v4 =	vld.idx.msk [tilespmem:v4+s30+$0x0], $0xffff  }
0x21f: {  	v5 =	vld.idx.msk [tilespmem:v5+s30+$0x0], $0xffff  }
0x220: {  	v6 =	vld.idx.msk [tilespmem:v6+s30+$0x0], $0xffff  }
0x221: {  	v7 =	vld.idx.msk [tilespmem:v7+s30+$0x0], $0xffff;
	v11 =	vmax.f32 v1, v2  }
0x222: {  	v8 =	vld.idx.msk [tilespmem:v8+s30+$0x0], $0xffff;
	v11 =	vmax.f32 v11, v3  }
0x223: {  	v9 =	vld.idx.msk [tilespmem:v9+s30+$0x0], $0xffff;
	v11 =	vmax.f32 v11, v4  }
0x224: {  	v10 =	vld.idx.msk [tilespmem:v10+s30+$0x0], $0xffff;
	v11 =	vmax.f32 v11, v5  }
0x225: {  	v11 =	vmax.f32 v11, v6  }
0x226: {  	v11 =	vmax.f32 v11, v7  }
0x227: {  	v11 =	vmax.f32 v11, v8  }
0x228: {  	v11 =	vmax.f32 v11, v9  }
0x229: {  	v11 =	vmax.f32 v11, v10  }
0x22a: {  	v1 =	vsub.f32 v1, v11  }
0x22b: {  	v2 =	vsub.f32 v2, v11  }
0x22c: {  	v3 =	vsub.f32 v3, v11;
	v1 =	vmul.f32 $1.442695020e+00, v1  }
0x22d: {  	v4 =	vsub.f32 v4, v11;
	v2 =	vmul.f32 $1.442695020e+00, v2  }
0x22e: {  	(erf) = vpow2.f32 v1;
	v1 =	vmul.f32 $1.442695020e+00, v3;
	v3 =	vsub.f32 v5, v11  }
0x22f: {  	(erf) = vpow2.f32 v2;
	v2 =	vmul.f32 $1.442695020e+00, v4;
	v4 =	vsub.f32 v6, v11  }
0x230: {  	(erf) = vpow2.f32 v1;
	v1 =	vmul.f32 $1.442695020e+00, v3;
	v3 =	vsub.f32 v7, v11  }
0x231: {  	(erf) = vpow2.f32 v2;
	v2 =	vmul.f32 $1.442695020e+00, v4;
	v4 =	vsub.f32 v8, v11  }
0x232: {  	(erf) = vpow2.f32 v1;
	v1 =	vmul.f32 $1.442695020e+00, v3  }
0x233: {  	(erf) = vpow2.f32 v2;
	v2 =	vmul.f32 $1.442695020e+00, v4  }
0x234: {  	(erf) = vpow2.f32 v1;
	v1 =	vsub.f32 v9, v11  }
0x235: {  	(erf) = vpow2.f32 v2;
	v2 =	vsub.f32 v10, v11  }
0x236: {  	v1 =	vmul.f32 $1.442695020e+00, v1  }
0x237: {  	v2 =	vmul.f32 $1.442695020e+00, v2  }
0x238: {  	v3 =	vpop (erf)  }
0x239: {  	v4 =	vpop (erf);
	(erf) = vpow2.f32 v1  }
0x23a: {  	(erf) = vpow2.f32 v2;
	v1 =	vpop (erf)  }
0x23b: {  	v2 =	vpop (erf)  }
0x23c: {  	v5 =	vpop (erf)  }
0x23d: {  	v6 =	vpop (erf)  }
0x23e: {  	v7 =	vpop (erf)  }
0x23f: {  	v9 =	vadd.f32 v4, v3;
	v11 =	vadd.f32 v6, v5;
	v8 =	vpop (erf)  }
0x240: {  	v10 =	vadd.f32 v2, v1;
	v12 =	vadd.f32 v8, v7;
	_ =	sdelay $0x1  }
0x241: {  	v9 =	vadd.f32 v10, v9;
	v13 =	vpop (erf);
	v10 =	vadd.f32 v12, v11  }
0x242: {  	v11 =	vpop (erf)  }
0x243: {  	v12 =	vadd.f32 v11, v13;
	v9 =	vadd.f32 v10, v9;
	_ =	sdelay $0x1  }
0x244: {  	v9 =	vadd.f32 v9, v12;
	_ =	sdelay $0x1  }
0x245: {  	(erf) = vrcp.f32 v9;
	_ =	sdelay $0x8  }
0x246: {  	v9 =	vpop (erf)  }
0x247: {  	v3 =	vmul.f32 v9, v3  }
0x248: {  	v4 =	vmul.f32 v9, v4  }
0x249: {  	v1 =	vmul.f32 v9, v1;
	[tilespmem:$0x17800] =	vst v3  }
0x24a: {  	v2 =	vmul.f32 v9, v2;
	[tilespmem:$0x17880] =	vst v4  }
0x24b: {  	[tilespmem:$0x17900] =	vst v1;
	v1 =	vmul.f32 v9, v5  }
0x24c: {  	[tilespmem:$0x17980] =	vst v2;
	v2 =	vmul.f32 v9, v6  }
0x24d: {  	[tilespmem:$0x17A00] =	vst v1;
	v1 =	vmul.f32 v9, v7  }
0x24e: {  	[tilespmem:$0x17A80] =	vst v2;
	v2 =	vmul.f32 v9, v8  }
0x24f: {  	[tilespmem:$0x17B00] =	vst v1;
	v1 =	vmul.f32 v9, v13  }
0x250: {  	[tilespmem:$0x17B80] =	vst v2;
	v2 =	vmul.f32 v9, v11  }
0x251: {  	[tilespmem:$0x17C00] =	vst v1  }
0x252: {  	s8 =	simm.s32 $0x3;
	[tilespmem:$0x17C80] =	vst v2;
	v2 =	vor.u32 s30, v0  }
0x253: {  	s9 =	simm.s32 $0x2;
	v3 =	vor.u32 s8, v0;
	_ =	swait.ge [sflag:s25], $0x5000  }
0x254: {  	s11 =	simm.s32 $0x1;
	v4 =	vor.u32 s9, v0;
	[sflag:s25] =	ssyncset.done $0x0  }
0x255: {  	v5 =	vor.u32 s11, v0;
	[sflag:s25] =	ssyncadd.s32 $0xFFFFB000  }
0x256: {  	s1 =	simm.s32 $0x4;
	v1 =	vld [tilespmem:$0x18000]  }
0x257: {  	s0 =	simm.s32 $0x7;
	v13 =	vor.u32 s1, v0;
	v9 =	vld.idx.msk [tilespmem:v2+s20+$0x0], $0xffff  }
0x258: {  	s2 =	simm.s32 $0x6;
	v10 =	vor.u32 s0, v0;
	v3 =	vld.idx.msk [tilespmem:v3+s20+$0x0], $0xffff  }
0x259: {  	s31 =	simm.s32 $0x5;
	v12 =	vor.u32 s30, v23;
	v11 =	vor.u32 s2, v0;
	v2 =	vld.idx.msk [tilespmem:v4+s20+$0x0], $0xffff  }
0x25a: {  	v6 =	vor.u32 s8, v23;
	v8 =	vor.u32 s31, v0;
	v4 =	vld.idx.msk [tilespmem:v5+s20+$0x0], $0xffff  }
0x25b: {  	v7 =	vor.u32 s9, v23  }
0x25c: {  	s30 =	simm.s32 $0x8;
	v5 =	vld.idx.msk [tilespmem:v13+s20+$0x0], $0xffff;
	v13 =	vmul.f32 v9, v1;
	v9 =	vor.u32 s11, v23  }
.LBB2_9:
0x25d: {  	v14 =	vor.u32 s30, v0;
	s8 =	sadd.s32 $0x3, s30;
	v15 =	vmul.f32 v3, v1;
	v3 =	vld.idx.msk [tilespmem:v10+s20+$0x0], $0xffff;
	s9 =	smov.u32 s30;
	p0 =	slt.u32 s30, $0xC  }
.Ltmp7:
0x25e: {  	s11 =	sadd.s32 $0x2, s30;
	v10 =	vor.u32 s8, v0;
	[tilespmem:v12+s24+$0x0] =	vst.idx.msk $0xffff, v13;
	v13 =	vmul.f32 v2, v1;
	v2 =	vld.idx.msk [tilespmem:v11+s20+$0x0], $0xffff;
	(pc) =	sbr.rel @p0 .LBB2_9-.Ltmp7, $4  }
0x25f: {  	s30 =	sadd.s32 $0x4, s30;
	s13 =	sadd.s32 $0x1, s9;
	v11 =	vor.u32 s11, v0;
	v12 =	vor.u32 s1, v23;
	v52 =	vmul.f32 v4, v1;
	v4 =	vld.idx.msk [tilespmem:v8+s20+$0x0], $0xffff;
	[tilespmem:v6+s24+$0x0] =	vst.idx.msk $0xffff, v15  }
0x260: {  	s1 =	smov.u32 s9;
	v8 =	vor.u32 s13, v0;
	v6 =	vor.u32 s0, v23;
	s0 =	smov.u32 s8;
	[tilespmem:v7+s24+$0x0] =	vst.idx.msk $0xffff, v13  }
0x261: {  	v7 =	vor.u32 s2, v23;
	s2 =	smov.u32 s11;
	[tilespmem:v9+s24+$0x0] =	vst.idx.msk $0xffff, v52  }
0x262: {  	v13 =	vmul.f32 v5, v1;
	v9 =	vor.u32 s31, v23;
	s31 =	smov.u32 s13;
	v5 =	vld.idx.msk [tilespmem:v14+s20+$0x0], $0xffff  }
0x263: {  	_ =	sdelay $0x3  }
0x264: {  	v10 =	vld.idx.msk [tilespmem:v10+s20+$0x0], $0xffff  }
0x265: {  	v3 =	vmul.f32 v3, v1;
	v11 =	vld.idx.msk [tilespmem:v11+s20+$0x0], $0xffff;
	v14 =	vor.u32 s1, v23  }
0x266: {  	v2 =	vmul.f32 v2, v1;
	v8 =	vld.idx.msk [tilespmem:v8+s20+$0x0], $0xffff;
	[tilespmem:v12+s24+$0x0] =	vst.idx.msk $0xffff, v13;
	v12 =	vor.u32 s0, v23  }
0x267: {  	v4 =	vmul.f32 v4, v1;
	[tilespmem:v6+s24+$0x0] =	vst.idx.msk $0xffff, v3;
	v3 =	vor.u32 s2, v23  }
0x268: {  	[tilespmem:v7+s24+$0x0] =	vst.idx.msk $0xffff, v2;
	v2 =	vmul.f32 v5, v1;
	v5 =	vor.u32 s31, v23  }
0x269: {  	v52 =	vor.u32 $0x32, v0;
	[tilespmem:v9+s24+$0x0] =	vst.idx.msk $0xffff, v4;
	v4 =	vmul.f32 v10, v1  }
0x26a: {  	[tilespmem:v14+s24+$0x0] =	vst.idx.msk $0xffff, v2;
	v2 =	vmul.f32 v11, v1  }
0x26b: {  	v1 =	vmul.f32 v8, v1;
	[tilespmem:v12+s24+$0x0] =	vst.idx.msk $0xffff, v4  }
0x26c: {  	[tilespmem:v3+s24+$0x0] =	vst.idx.msk $0xffff, v2  }
0x26d: {  	[tilespmem:v5+s24+$0x0] =	vst.idx.msk $0xffff, v1  }
0x26e: {  	v3 =	vld.idx.msk [tilespmem:v52+s14+$0x0], $0xffff  }
0x26f: {  	v57 =	vor.u32 $0x33, v0;
	_ =	sdelay $0x3  }
0x270: {  	[tilespmem:$0xD700] =	vst v3  }
0x271: {  	v4 =	vld.idx.msk [tilespmem:v57+s14+$0x0], $0xffff  }
0x272: {  	v58 =	vor.u32 $0x34, v0;
	_ =	sdelay $0x3  }
0x273: {  	[tilespmem:$0xD710] =	vst v4  }
0x274: {  	v5 =	vld.idx.msk [tilespmem:v58+s14+$0x0], $0xffff  }
0x275: {  	v59 =	vor.u32 $0x35, v0;
	_ =	sdelay $0x3  }
0x276: {  	[tilespmem:$0xD720] =	vst v5  }
0x277: {  	v6 =	vld.idx.msk [tilespmem:v59+s14+$0x0], $0xffff  }
0x278: {  	v60 =	vor.u32 $0x36, v0;
	_ =	sdelay $0x3  }
0x279: {  	[tilespmem:$0xD730] =	vst v6  }
0x27a: {  	v7 =	vld.idx.msk [tilespmem:v60+s14+$0x0], $0xffff  }
0x27b: {  	v61 =	vor.u32 $0x37, v0;
	_ =	sdelay $0x3  }
0x27c: {  	[tilespmem:$0xD740] =	vst v7  }
0x27d: {  	v8 =	vld.idx.msk [tilespmem:v61+s14+$0x0], $0xffff  }
0x27e: {  	v62 =	vor.u32 $0x38, v0;
	_ =	sdelay $0x3  }
0x27f: {  	[tilespmem:$0xD750] =	vst v8  }
0x280: {  	v9 =	vld.idx.msk [tilespmem:v62+s14+$0x0], $0xffff  }
0x281: {  	v63 =	vor.u32 $0x39, v0;
	_ =	sdelay $0x3  }
0x282: {  	[tilespmem:$0xD760] =	vst v9  }
0x283: {  	v10 =	vld.idx.msk [tilespmem:v63+s14+$0x0], $0xffff  }
0x284: {  	v1 =	vor.u32 $0x3A, v0;
	_ =	sdelay $0x3  }
0x285: {  	[tilespmem:$0xD770] =	vst v10  }
0x286: {  	v11 =	vld.idx.msk [tilespmem:v1+s14+$0x0], $0xffff  }
0x287: {  	v2 =	vor.u32 $0x3B, v0;
	_ =	sdelay $0x3  }
0x288: {  	[tilespmem:$0xD780] =	vst v11  }
0x289: {  	v12 =	vld.idx.msk [tilespmem:v2+s14+$0x0], $0xffff;
	_ =	sdelay $0x4  }
0x28a: {  	s30 =	simm.s32 $0x0;
	[tilespmem:$0xD790] =	vst v12  }
0x28b: {  	[tilespmem:s20], [sflag:$0x2] =	stream.indirect.gather [hbm4b:s3+s16], $0x80, s19, s16, $0xb8;
	[tilespmem:$0x1B800] =	vst v63  }
0x28c: {  	v3 =	vld.idx.msk [tilespmem:v3+s30+$0x0], $0xffff  }
0x28d: {  	v4 =	vld.idx.msk [tilespmem:v4+s30+$0x0], $0xffff  }
0x28e: {  	v5 =	vld.idx.msk [tilespmem:v5+s30+$0x0], $0xffff  }
0x28f: {  	v6 =	vld.idx.msk [tilespmem:v6+s30+$0x0], $0xffff  }
0x290: {  	v7 =	vld.idx.msk [tilespmem:v7+s30+$0x0], $0xffff  }
0x291: {  	v8 =	vld.idx.msk [tilespmem:v8+s30+$0x0], $0xffff  }
0x292: {  	v9 =	vld.idx.msk [tilespmem:v9+s30+$0x0], $0xffff;
	v13 =	vmax.f32 v3, v4  }
0x293: {  	v10 =	vld.idx.msk [tilespmem:v10+s30+$0x0], $0xffff;
	v13 =	vmax.f32 v13, v5  }
0x294: {  	v11 =	vld.idx.msk [tilespmem:v11+s30+$0x0], $0xffff;
	v13 =	vmax.f32 v13, v6  }
0x295: {  	v12 =	vld.idx.msk [tilespmem:v12+s30+$0x0], $0xffff;
	v13 =	vmax.f32 v13, v7  }
0x296: {  	v13 =	vmax.f32 v13, v8  }
0x297: {  	v13 =	vmax.f32 v13, v9  }
0x298: {  	v13 =	vmax.f32 v13, v10  }
0x299: {  	v13 =	vmax.f32 v13, v11  }
0x29a: {  	v13 =	vmax.f32 v13, v12  }
0x29b: {  	v3 =	vsub.f32 v3, v13  }
0x29c: {  	v4 =	vsub.f32 v4, v13  }
0x29d: {  	v5 =	vsub.f32 v5, v13;
	v3 =	vmul.f32 $1.442695020e+00, v3  }
0x29e: {  	v6 =	vsub.f32 v6, v13;
	v4 =	vmul.f32 $1.442695020e+00, v4  }
0x29f: {  	(erf) = vpow2.f32 v3;
	v3 =	vmul.f32 $1.442695020e+00, v5;
	v5 =	vsub.f32 v7, v13  }
0x2a0: {  	(erf) = vpow2.f32 v4;
	v4 =	vmul.f32 $1.442695020e+00, v6;
	v6 =	vsub.f32 v8, v13  }
0x2a1: {  	(erf) = vpow2.f32 v3;
	v3 =	vmul.f32 $1.442695020e+00, v5;
	v5 =	vsub.f32 v9, v13  }
0x2a2: {  	(erf) = vpow2.f32 v4;
	v4 =	vmul.f32 $1.442695020e+00, v6;
	v6 =	vsub.f32 v10, v13  }
0x2a3: {  	(erf) = vpow2.f32 v3;
	v3 =	vmul.f32 $1.442695020e+00, v5  }
0x2a4: {  	(erf) = vpow2.f32 v4;
	v4 =	vmul.f32 $1.442695020e+00, v6  }
0x2a5: {  	(erf) = vpow2.f32 v3;
	v3 =	vsub.f32 v11, v13  }
0x2a6: {  	(erf) = vpow2.f32 v4;
	v4 =	vsub.f32 v12, v13  }
0x2a7: {  	v3 =	vmul.f32 $1.442695020e+00, v3  }
0x2a8: {  	v4 =	vmul.f32 $1.442695020e+00, v4  }
0x2a9: {  	v5 =	vpop (erf)  }
0x2aa: {  	v6 =	vpop (erf);
	(erf) = vpow2.f32 v3  }
0x2ab: {  	(erf) = vpow2.f32 v4;
	v3 =	vpop (erf)  }
0x2ac: {  	v4 =	vpop (erf)  }
0x2ad: {  	v7 =	vpop (erf)  }
0x2ae: {  	v8 =	vpop (erf)  }
0x2af: {  	v9 =	vpop (erf)  }
0x2b0: {  	v11 =	vadd.f32 v6, v5;
	v13 =	vadd.f32 v8, v7;
	v10 =	vpop (erf)  }
0x2b1: {  	v12 =	vadd.f32 v4, v3;
	v14 =	vadd.f32 v10, v9;
	_ =	sdelay $0x1  }
0x2b2: {  	v11 =	vadd.f32 v12, v11;
	v15 =	vpop (erf);
	v12 =	vadd.f32 v14, v13  }
0x2b3: {  	v13 =	vpop (erf)  }
0x2b4: {  	v14 =	vadd.f32 v13, v15;
	v11 =	vadd.f32 v12, v11;
	_ =	sdelay $0x1  }
0x2b5: {  	v11 =	vadd.f32 v11, v14;
	_ =	sdelay $0x1  }
0x2b6: {  	(erf) = vrcp.f32 v11;
	_ =	sdelay $0x8  }
0x2b7: {  	v11 =	vpop (erf)  }
0x2b8: {  	v5 =	vmul.f32 v11, v5  }
0x2b9: {  	v6 =	vmul.f32 v11, v6  }
0x2ba: {  	v3 =	vmul.f32 v11, v3;
	[tilespmem:$0x18000] =	vst v5  }
0x2bb: {  	v4 =	vmul.f32 v11, v4;
	[tilespmem:$0x18080] =	vst v6  }
0x2bc: {  	[tilespmem:$0x18100] =	vst v3;
	v3 =	vmul.f32 v11, v7  }
0x2bd: {  	[tilespmem:$0x18180] =	vst v4;
	v4 =	vmul.f32 v11, v8  }
0x2be: {  	[tilespmem:$0x18200] =	vst v3;
	v3 =	vmul.f32 v11, v9  }
0x2bf: {  	[tilespmem:$0x18280] =	vst v4;
	v4 =	vmul.f32 v11, v10  }
0x2c0: {  	[tilespmem:$0x18300] =	vst v3;
	v3 =	vmul.f32 v11, v15  }
0x2c1: {  	[tilespmem:$0x18380] =	vst v4;
	v4 =	vmul.f32 v11, v13  }
0x2c2: {  	[tilespmem:$0x18400] =	vst v3  }
0x2c3: {  	s8 =	simm.s32 $0x3;
	[tilespmem:$0x18480] =	vst v4;
	v4 =	vor.u32 s30, v0  }
0x2c4: {  	s9 =	simm.s32 $0x2;
	v5 =	vor.u32 s8, v0;
	_ =	swait.ge [sflag:s23], $0x5000  }
0x2c5: {  	s11 =	simm.s32 $0x1;
	v6 =	vor.u32 s9, v0;
	[sflag:s23] =	ssyncset.done $0x0  }
0x2c6: {  	v7 =	vor.u32 s11, v0;
	[sflag:s23] =	ssyncadd.s32 $0xFFFFB000  }
0x2c7: {  	s1 =	simm.s32 $0x4;
	v3 =	vld [tilespmem:$0x17800]  }
0x2c8: {  	s0 =	simm.s32 $0x7;
	v15 =	vor.u32 s1, v0;
	v11 =	vld.idx.msk [tilespmem:v4+s18+$0x0], $0xffff  }
0x2c9: {  	s2 =	simm.s32 $0x6;
	v12 =	vor.u32 s0, v0;
	v5 =	vld.idx.msk [tilespmem:v5+s18+$0x0], $0xffff  }
0x2ca: {  	s31 =	simm.s32 $0x5;
	v14 =	vor.u32 s30, v24;
	v13 =	vor.u32 s2, v0;
	v4 =	vld.idx.msk [tilespmem:v6+s18+$0x0], $0xffff  }
0x2cb: {  	v8 =	vor.u32 s8, v24;
	v10 =	vor.u32 s31, v0;
	v6 =	vld.idx.msk [tilespmem:v7+s18+$0x0], $0xffff  }
0x2cc: {  	v9 =	vor.u32 s9, v24  }
0x2cd: {  	s30 =	simm.s32 $0x8;
	v7 =	vld.idx.msk [tilespmem:v15+s18+$0x0], $0xffff;
	v15 =	vmul.f32 v11, v3;
	v11 =	vor.u32 s11, v24  }
.LBB2_11:
0x2ce: {  	v16 =	vor.u32 s30, v0;
	s8 =	sadd.s32 $0x3, s30;
	v17 =	vmul.f32 v5, v3;
	v5 =	vld.idx.msk [tilespmem:v12+s18+$0x0], $0xffff;
	s9 =	smov.u32 s30;
	p0 =	slt.u32 s30, $0xC  }
.Ltmp8:
0x2cf: {  	s11 =	sadd.s32 $0x2, s30;
	v12 =	vor.u32 s8, v0;
	[tilespmem:v14+s24+$0x0] =	vst.idx.msk $0xffff, v15;
	v15 =	vmul.f32 v4, v3;
	v4 =	vld.idx.msk [tilespmem:v13+s18+$0x0], $0xffff;
	(pc) =	sbr.rel @p0 .LBB2_11-.Ltmp8, $4  }
0x2d0: {  	s30 =	sadd.s32 $0x4, s30;
	s13 =	sadd.s32 $0x1, s9;
	v13 =	vor.u32 s11, v0;
	v14 =	vor.u32 s1, v24;
	v18 =	vmul.f32 v6, v3;
	v6 =	vld.idx.msk [tilespmem:v10+s18+$0x0], $0xffff;
	[tilespmem:v8+s24+$0x0] =	vst.idx.msk $0xffff, v17  }
0x2d1: {  	s1 =	smov.u32 s9;
	v10 =	vor.u32 s13, v0;
	v8 =	vor.u32 s0, v24;
	s0 =	smov.u32 s8;
	[tilespmem:v9+s24+$0x0] =	vst.idx.msk $0xffff, v15  }
0x2d2: {  	v9 =	vor.u32 s2, v24;
	s2 =	smov.u32 s11;
	[tilespmem:v11+s24+$0x0] =	vst.idx.msk $0xffff, v18  }
0x2d3: {  	v15 =	vmul.f32 v7, v3;
	v11 =	vor.u32 s31, v24;
	s31 =	smov.u32 s13;
	v7 =	vld.idx.msk [tilespmem:v16+s18+$0x0], $0xffff  }
0x2d4: {  	_ =	sdelay $0x3  }
0x2d5: {  	v12 =	vld.idx.msk [tilespmem:v12+s18+$0x0], $0xffff  }
0x2d6: {  	v5 =	vmul.f32 v5, v3;
	v13 =	vld.idx.msk [tilespmem:v13+s18+$0x0], $0xffff;
	v16 =	vor.u32 s1, v24  }
0x2d7: {  	v4 =	vmul.f32 v4, v3;
	v10 =	vld.idx.msk [tilespmem:v10+s18+$0x0], $0xffff;
	[tilespmem:v14+s24+$0x0] =	vst.idx.msk $0xffff, v15;
	v14 =	vor.u32 s0, v24  }
0x2d8: {  	v6 =	vmul.f32 v6, v3;
	[tilespmem:v8+s24+$0x0] =	vst.idx.msk $0xffff, v5;
	v5 =	vor.u32 s2, v24  }
0x2d9: {  	[tilespmem:v9+s24+$0x0] =	vst.idx.msk $0xffff, v4;
	v4 =	vmul.f32 v7, v3;
	v7 =	vor.u32 s31, v24  }
0x2da: {  	[tilespmem:v11+s24+$0x0] =	vst.idx.msk $0xffff, v6;
	v6 =	vmul.f32 v12, v3  }
0x2db: {  	[tilespmem:v16+s24+$0x0] =	vst.idx.msk $0xffff, v4;
	v4 =	vmul.f32 v13, v3  }
0x2dc: {  	v3 =	vmul.f32 v10, v3;
	[tilespmem:v14+s24+$0x0] =	vst.idx.msk $0xffff, v6  }
0x2dd: {  	[tilespmem:v5+s24+$0x0] =	vst.idx.msk $0xffff, v4  }
0x2de: {  	[tilespmem:v7+s24+$0x0] =	vst.idx.msk $0xffff, v3  }
0x2df: {  	_ =	swait.ge [sflag:s15], $0x800  }
0x2e0: {  	[sflag:s15] =	ssyncset.done $0x0;
	v4 =	vld [tilespmem:$0x1FEE0]  }
0x2e1: {  	[sflag:s15] =	ssyncadd.s32 $0xFFFFF800  }
0x2e2: {  	v3 =	vld.idx.msk [tilespmem:v0+s22+$0x0], $0xffff;
	_ =	sdelay $0x3  }
0x2e3: {  	v5 =	vld [tilespmem:$0x1FEF0]  }
0x2e4: {  	[tilespmem:$0xD600] =	vst v3  }
0x2e5: {  	v4 =	vld.idx.msk [tilespmem:v4+s22+$0x0], $0xffff;
	_ =	sdelay $0x3  }
0x2e6: {  	v6 =	vld [tilespmem:$0x1FF00]  }
0x2e7: {  	[tilespmem:$0xD610] =	vst v4  }
0x2e8: {  	v5 =	vld.idx.msk [tilespmem:v5+s22+$0x0], $0xffff;
	_ =	sdelay $0x3  }
0x2e9: {  	v7 =	vld [tilespmem:$0x1FF10]  }
0x2ea: {  	[tilespmem:$0xD620] =	vst v5  }
0x2eb: {  	v6 =	vld.idx.msk [tilespmem:v6+s22+$0x0], $0xffff;
	_ =	sdelay $0x3  }
0x2ec: {  	v8 =	vld [tilespmem:$0x1FF20]  }
0x2ed: {  	[tilespmem:$0xD630] =	vst v6  }
0x2ee: {  	v7 =	vld.idx.msk [tilespmem:v7+s22+$0x0], $0xffff;
	_ =	sdelay $0x3  }
0x2ef: {  	v9 =	vld [tilespmem:$0x1FF30]  }
0x2f0: {  	[tilespmem:$0xD640] =	vst v7  }
0x2f1: {  	v8 =	vld.idx.msk [tilespmem:v8+s22+$0x0], $0xffff;
	_ =	sdelay $0x3  }
0x2f2: {  	v10 =	vld [tilespmem:$0x1FF40]  }
0x2f3: {  	[tilespmem:$0xD650] =	vst v8  }
0x2f4: {  	v9 =	vld.idx.msk [tilespmem:v9+s22+$0x0], $0xffff;
	_ =	sdelay $0x3  }
0x2f5: {  	v11 =	vld [tilespmem:$0x1FF50]  }
0x2f6: {  	[tilespmem:$0xD660] =	vst v9  }
0x2f7: {  	v10 =	vld.idx.msk [tilespmem:v10+s22+$0x0], $0xffff;
	_ =	sdelay $0x3  }
0x2f8: {  	v12 =	vld [tilespmem:$0x1FF60]  }
0x2f9: {  	[tilespmem:$0xD670] =	vst v10  }
0x2fa: {  	v11 =	vld.idx.msk [tilespmem:v11+s22+$0x0], $0xffff;
	_ =	sdelay $0x4  }
0x2fb: {  	[tilespmem:$0xD680] =	vst v11  }
0x2fc: {  	v12 =	vld.idx.msk [tilespmem:v12+s22+$0x0], $0xffff;
	_ =	sdelay $0x4  }
0x2fd: {  	s30 =	simm.s32 $0x0;
	[tilespmem:$0xD690] =	vst v12  }
0x2fe: {  	[tilespmem:s18], [sflag:$0x1] =	stream.indirect.gather [hbm4b:s3+s16], $0x80, s17, s16, $0xb8;
	[tilespmem:$0x1B800] =	vst v63  }
0x2ff: {  	v3 =	vld.idx.msk [tilespmem:v3+s30+$0x0], $0xffff  }
0x300: {  	v4 =	vld.idx.msk [tilespmem:v4+s30+$0x0], $0xffff  }
0x301: {  	v5 =	vld.idx.msk [tilespmem:v5+s30+$0x0], $0xffff  }
0x302: {  	v6 =	vld.idx.msk [tilespmem:v6+s30+$0x0], $0xffff  }
0x303: {  	v7 =	vld.idx.msk [tilespmem:v7+s30+$0x0], $0xffff  }
0x304: {  	v8 =	vld.idx.msk [tilespmem:v8+s30+$0x0], $0xffff  }
0x305: {  	v9 =	vld.idx.msk [tilespmem:v9+s30+$0x0], $0xffff;
	v13 =	vmax.f32 v3, v4  }
0x306: {  	v10 =	vld.idx.msk [tilespmem:v10+s30+$0x0], $0xffff;
	v13 =	vmax.f32 v13, v5  }
0x307: {  	v11 =	vld.idx.msk [tilespmem:v11+s30+$0x0], $0xffff;
	v13 =	vmax.f32 v13, v6  }
0x308: {  	v12 =	vld.idx.msk [tilespmem:v12+s30+$0x0], $0xffff;
	v13 =	vmax.f32 v13, v7  }
0x309: {  	v13 =	vmax.f32 v13, v8  }
0x30a: {  	v13 =	vmax.f32 v13, v9  }
0x30b: {  	v13 =	vmax.f32 v13, v10  }
0x30c: {  	v13 =	vmax.f32 v13, v11  }
0x30d: {  	v13 =	vmax.f32 v13, v12  }
0x30e: {  	v3 =	vsub.f32 v3, v13  }
0x30f: {  	v4 =	vsub.f32 v4, v13  }
0x310: {  	v5 =	vsub.f32 v5, v13;
	v3 =	vmul.f32 $1.442695020e+00, v3  }
0x311: {  	v6 =	vsub.f32 v6, v13;
	v4 =	vmul.f32 $1.442695020e+00, v4  }
0x312: {  	(erf) = vpow2.f32 v3;
	v3 =	vmul.f32 $1.442695020e+00, v5;
	v5 =	vsub.f32 v7, v13  }
0x313: {  	(erf) = vpow2.f32 v4;
	v4 =	vmul.f32 $1.442695020e+00, v6;
	v6 =	vsub.f32 v8, v13  }
0x314: {  	(erf) = vpow2.f32 v3;
	v3 =	vmul.f32 $1.442695020e+00, v5;
	v5 =	vsub.f32 v9, v13  }
0x315: {  	(erf) = vpow2.f32 v4;
	v4 =	vmul.f32 $1.442695020e+00, v6;
	v6 =	vsub.f32 v10, v13  }
0x316: {  	(erf) = vpow2.f32 v3;
	v3 =	vmul.f32 $1.442695020e+00, v5  }
0x317: {  	(erf) = vpow2.f32 v4;
	v4 =	vmul.f32 $1.442695020e+00, v6  }
0x318: {  	(erf) = vpow2.f32 v3;
	v3 =	vsub.f32 v11, v13  }
0x319: {  	(erf) = vpow2.f32 v4;
	v4 =	vsub.f32 v12, v13  }
0x31a: {  	v3 =	vmul.f32 $1.442695020e+00, v3  }
0x31b: {  	v4 =	vmul.f32 $1.442695020e+00, v4  }
0x31c: {  	v5 =	vpop (erf)  }
0x31d: {  	v6 =	vpop (erf);
	(erf) = vpow2.f32 v3  }
0x31e: {  	(erf) = vpow2.f32 v4;
	v3 =	vpop (erf)  }
0x31f: {  	v4 =	vpop (erf)  }
0x320: {  	v7 =	vpop (erf)  }
0x321: {  	v8 =	vpop (erf)  }
0x322: {  	v9 =	vpop (erf)  }
0x323: {  	v11 =	vadd.f32 v6, v5;
	v13 =	vadd.f32 v8, v7;
	v10 =	vpop (erf)  }
0x324: {  	v12 =	vadd.f32 v4, v3;
	v14 =	vadd.f32 v10, v9;
	_ =	sdelay $0x1  }
0x325: {  	v11 =	vadd.f32 v12, v11;
	v15 =	vpop (erf);
	v12 =	vadd.f32 v14, v13  }
0x326: {  	v13 =	vpop (erf)  }
0x327: {  	v14 =	vadd.f32 v13, v15;
	v11 =	vadd.f32 v12, v11;
	_ =	sdelay $0x1  }
0x328: {  	v11 =	vadd.f32 v11, v14;
	_ =	sdelay $0x1  }
0x329: {  	(erf) = vrcp.f32 v11;
	_ =	sdelay $0x8  }
0x32a: {  	v11 =	vpop (erf)  }
0x32b: {  	v5 =	vmul.f32 v11, v5  }
0x32c: {  	v6 =	vmul.f32 v11, v6  }
0x32d: {  	v3 =	vmul.f32 v11, v3;
	[tilespmem:$0x17800] =	vst v5  }
0x32e: {  	v4 =	vmul.f32 v11, v4;
	[tilespmem:$0x17880] =	vst v6  }
0x32f: {  	[tilespmem:$0x17900] =	vst v3;
	v3 =	vmul.f32 v11, v7  }
0x330: {  	[tilespmem:$0x17980] =	vst v4;
	v4 =	vmul.f32 v11, v8  }
0x331: {  	[tilespmem:$0x17A00] =	vst v3;
	v3 =	vmul.f32 v11, v9  }
0x332: {  	[tilespmem:$0x17A80] =	vst v4;
	v4 =	vmul.f32 v11, v10  }
0x333: {  	[tilespmem:$0x17B00] =	vst v3;
	v3 =	vmul.f32 v11, v15  }
0x334: {  	[tilespmem:$0x17B80] =	vst v4;
	v4 =	vmul.f32 v11, v13  }
0x335: {  	[tilespmem:$0x17C00] =	vst v3  }
0x336: {  	s8 =	simm.s32 $0x3;
	[tilespmem:$0x17C80] =	vst v4;
	v4 =	vor.u32 s30, v0  }
0x337: {  	s9 =	simm.s32 $0x2;
	v5 =	vor.u32 s8, v0;
	_ =	swait.ge [sflag:s25], $0x5000  }
0x338: {  	s11 =	simm.s32 $0x1;
	v6 =	vor.u32 s9, v0;
	[sflag:s25] =	ssyncset.done $0x0  }
0x339: {  	v7 =	vor.u32 s11, v0;
	[sflag:s25] =	ssyncadd.s32 $0xFFFFB000  }
0x33a: {  	s1 =	simm.s32 $0x4;
	v3 =	vld [tilespmem:$0x18000]  }
0x33b: {  	s0 =	simm.s32 $0x7;
	v15 =	vor.u32 s1, v0;
	v11 =	vld.idx.msk [tilespmem:v4+s20+$0x0], $0xffff  }
0x33c: {  	s2 =	simm.s32 $0x6;
	v12 =	vor.u32 s0, v0;
	v5 =	vld.idx.msk [tilespmem:v5+s20+$0x0], $0xffff  }
0x33d: {  	s31 =	simm.s32 $0x5;
	v14 =	vor.u32 s30, v25;
	v13 =	vor.u32 s2, v0;
	v4 =	vld.idx.msk [tilespmem:v6+s20+$0x0], $0xffff  }
0x33e: {  	v8 =	vor.u32 s8, v25;
	v10 =	vor.u32 s31, v0;
	v6 =	vld.idx.msk [tilespmem:v7+s20+$0x0], $0xffff  }
0x33f: {  	v9 =	vor.u32 s9, v25  }
0x340: {  	s30 =	simm.s32 $0x8;
	v7 =	vld.idx.msk [tilespmem:v15+s20+$0x0], $0xffff;
	v15 =	vmul.f32 v11, v3;
	v11 =	vor.u32 s11, v25  }
.LBB2_13:
0x341: {  	v16 =	vor.u32 s30, v0;
	s8 =	sadd.s32 $0x3, s30;
	v17 =	vmul.f32 v5, v3;
	v5 =	vld.idx.msk [tilespmem:v12+s20+$0x0], $0xffff;
	s9 =	smov.u32 s30;
	p0 =	slt.u32 s30, $0xC  }
.Ltmp9:
0x342: {  	s11 =	sadd.s32 $0x2, s30;
	v12 =	vor.u32 s8, v0;
	[tilespmem:v14+s24+$0x0] =	vst.idx.msk $0xffff, v15;
	v15 =	vmul.f32 v4, v3;
	v4 =	vld.idx.msk [tilespmem:v13+s20+$0x0], $0xffff;
	(pc) =	sbr.rel @p0 .LBB2_13-.Ltmp9, $4  }
0x343: {  	s30 =	sadd.s32 $0x4, s30;
	s13 =	sadd.s32 $0x1, s9;
	v13 =	vor.u32 s11, v0;
	v14 =	vor.u32 s1, v25;
	v18 =	vmul.f32 v6, v3;
	v6 =	vld.idx.msk [tilespmem:v10+s20+$0x0], $0xffff;
	[tilespmem:v8+s24+$0x0] =	vst.idx.msk $0xffff, v17  }
0x344: {  	s1 =	smov.u32 s9;
	v10 =	vor.u32 s13, v0;
	v8 =	vor.u32 s0, v25;
	s0 =	smov.u32 s8;
	[tilespmem:v9+s24+$0x0] =	vst.idx.msk $0xffff, v15  }
0x345: {  	v9 =	vor.u32 s2, v25;
	s2 =	smov.u32 s11;
	[tilespmem:v11+s24+$0x0] =	vst.idx.msk $0xffff, v18  }
0x346: {  	v15 =	vmul.f32 v7, v3;
	v11 =	vor.u32 s31, v25;
	s31 =	smov.u32 s13;
	v7 =	vld.idx.msk [tilespmem:v16+s20+$0x0], $0xffff  }
0x347: {  	_ =	sdelay $0x3  }
0x348: {  	v12 =	vld.idx.msk [tilespmem:v12+s20+$0x0], $0xffff  }
0x349: {  	v5 =	vmul.f32 v5, v3;
	v13 =	vld.idx.msk [tilespmem:v13+s20+$0x0], $0xffff;
	v16 =	vor.u32 s1, v25  }
0x34a: {  	v4 =	vmul.f32 v4, v3;
	v10 =	vld.idx.msk [tilespmem:v10+s20+$0x0], $0xffff;
	[tilespmem:v14+s24+$0x0] =	vst.idx.msk $0xffff, v15;
	v14 =	vor.u32 s0, v25  }
0x34b: {  	v6 =	vmul.f32 v6, v3;
	[tilespmem:v8+s24+$0x0] =	vst.idx.msk $0xffff, v5;
	v5 =	vor.u32 s2, v25  }
0x34c: {  	[tilespmem:v9+s24+$0x0] =	vst.idx.msk $0xffff, v4;
	v4 =	vmul.f32 v7, v3;
	v7 =	vor.u32 s31, v25  }
0x34d: {  	[tilespmem:v11+s24+$0x0] =	vst.idx.msk $0xffff, v6;
	v6 =	vmul.f32 v12, v3  }
0x34e: {  	[tilespmem:v16+s24+$0x0] =	vst.idx.msk $0xffff, v4;
	v4 =	vmul.f32 v13, v3  }
0x34f: {  	v3 =	vmul.f32 v10, v3;
	[tilespmem:v14+s24+$0x0] =	vst.idx.msk $0xffff, v6  }
0x350: {  	[tilespmem:v5+s24+$0x0] =	vst.idx.msk $0xffff, v4  }
0x351: {  	[tilespmem:v7+s24+$0x0] =	vst.idx.msk $0xffff, v3  }
0x352: {  	v3 =	vld [tilespmem:$0x1FF70];
	_ =	sdelay $0x5  }
0x353: {  	v4 =	vld [tilespmem:$0x1FF80];
	_ =	sdelay $0x1  }
0x354: {  	v3 =	vld.idx.msk [tilespmem:v3+s22+$0x0], $0xffff;
	_ =	sdelay $0x3  }
0x355: {  	v5 =	vld [tilespmem:$0x1FF90]  }
0x356: {  	[tilespmem:$0xD700] =	vst v3  }
0x357: {  	v4 =	vld.idx.msk [tilespmem:v4+s22+$0x0], $0xffff;
	_ =	sdelay $0x3  }
0x358: {  	v6 =	vld [tilespmem:$0x1FFA0]  }
0x359: {  	[tilespmem:$0xD710] =	vst v4  }
0x35a: {  	v5 =	vld.idx.msk [tilespmem:v5+s22+$0x0], $0xffff;
	_ =	sdelay $0x3  }
0x35b: {  	v7 =	vld [tilespmem:$0x1FFB0]  }
0x35c: {  	[tilespmem:$0xD720] =	vst v5  }
0x35d: {  	v6 =	vld.idx.msk [tilespmem:v6+s22+$0x0], $0xffff;
	_ =	sdelay $0x3  }
0x35e: {  	v8 =	vld [tilespmem:$0x1FFC0]  }
0x35f: {  	[tilespmem:$0xD730] =	vst v6  }
0x360: {  	v7 =	vld.idx.msk [tilespmem:v7+s22+$0x0], $0xffff;
	_ =	sdelay $0x3  }
0x361: {  	v9 =	vld [tilespmem:$0x1FFD0]  }
0x362: {  	[tilespmem:$0xD740] =	vst v7  }
0x363: {  	v8 =	vld.idx.msk [tilespmem:v8+s22+$0x0], $0xffff;
	_ =	sdelay $0x3  }
0x364: {  	v10 =	vld [tilespmem:$0x1FFE0]  }
0x365: {  	[tilespmem:$0xD750] =	vst v8  }
0x366: {  	v9 =	vld.idx.msk [tilespmem:v9+s22+$0x0], $0xffff;
	_ =	sdelay $0x3  }
0x367: {  	v11 =	vld [tilespmem:$0x1FFF0]  }
0x368: {  	[tilespmem:$0xD760] =	vst v9  }
0x369: {  	v10 =	vld.idx.msk [tilespmem:v10+s22+$0x0], $0xffff;
	_ =	sdelay $0x4  }
0x36a: {  	[tilespmem:$0xD770] =	vst v10  }
0x36b: {  	v11 =	vld.idx.msk [tilespmem:v11+s22+$0x0], $0xffff;
	_ =	sdelay $0x4  }
0x36c: {  	[tilespmem:$0xD780] =	vst v11  }
0x36d: {  	v12 =	vld.idx.msk [tilespmem:v19+s22+$0x0], $0xffff;
	_ =	sdelay $0x4  }
0x36e: {  	[tilespmem:$0xD790] =	vst v12  }
0x36f: {  	[tilespmem:s20], [sflag:$0x2] =	stream.indirect.gather [hbm4b:s3+s16], $0x80, s19, s16, $0xb8;
	[tilespmem:$0x1B800] =	vst v63  }
0x370: {  	v3 =	vld.idx.msk [tilespmem:v3+s4+$0x0], $0xffff  }
0x371: {  	v4 =	vld.idx.msk [tilespmem:v4+s4+$0x0], $0xffff  }
0x372: {  	v5 =	vld.idx.msk [tilespmem:v5+s4+$0x0], $0xffff  }
0x373: {  	v6 =	vld.idx.msk [tilespmem:v6+s4+$0x0], $0xffff  }
0x374: {  	v7 =	vld.idx.msk [tilespmem:v7+s4+$0x0], $0xffff  }
0x375: {  	v8 =	vld.idx.msk [tilespmem:v8+s4+$0x0], $0xffff  }
0x376: {  	v9 =	vld.idx.msk [tilespmem:v9+s4+$0x0], $0xffff;
	v13 =	vmax.f32 v3, v4  }
0x377: {  	v10 =	vld.idx.msk [tilespmem:v10+s4+$0x0], $0xffff;
	v13 =	vmax.f32 v13, v5  }
0x378: {  	v11 =	vld.idx.msk [tilespmem:v11+s4+$0x0], $0xffff;
	v13 =	vmax.f32 v13, v6  }
0x379: {  	v12 =	vld.idx.msk [tilespmem:v12+s4+$0x0], $0xffff;
	v13 =	vmax.f32 v13, v7  }
0x37a: {  	v13 =	vmax.f32 v13, v8  }
0x37b: {  	v13 =	vmax.f32 v13, v9  }
0x37c: {  	v13 =	vmax.f32 v13, v10  }
0x37d: {  	v13 =	vmax.f32 v13, v11  }
0x37e: {  	v13 =	vmax.f32 v13, v12  }
0x37f: {  	v3 =	vsub.f32 v3, v13  }
0x380: {  	v4 =	vsub.f32 v4, v13  }
0x381: {  	v5 =	vsub.f32 v5, v13;
	v3 =	vmul.f32 $1.442695020e+00, v3  }
0x382: {  	v6 =	vsub.f32 v6, v13;
	v4 =	vmul.f32 $1.442695020e+00, v4  }
0x383: {  	(erf) = vpow2.f32 v3;
	v3 =	vmul.f32 $1.442695020e+00, v5;
	v5 =	vsub.f32 v7, v13  }
0x384: {  	(erf) = vpow2.f32 v4;
	v4 =	vmul.f32 $1.442695020e+00, v6;
	v6 =	vsub.f32 v8, v13  }
0x385: {  	(erf) = vpow2.f32 v3;
	v3 =	vmul.f32 $1.442695020e+00, v5;
	v5 =	vsub.f32 v9, v13  }
0x386: {  	(erf) = vpow2.f32 v4;
	v4 =	vmul.f32 $1.442695020e+00, v6;
	v6 =	vsub.f32 v10, v13  }
0x387: {  	(erf) = vpow2.f32 v3;
	v3 =	vmul.f32 $1.442695020e+00, v5  }
0x388: {  	(erf) = vpow2.f32 v4;
	v4 =	vmul.f32 $1.442695020e+00, v6  }
0x389: {  	(erf) = vpow2.f32 v3;
	v3 =	vsub.f32 v11, v13  }
0x38a: {  	(erf) = vpow2.f32 v4;
	v4 =	vsub.f32 v12, v13  }
0x38b: {  	v3 =	vmul.f32 $1.442695020e+00, v3  }
0x38c: {  	v4 =	vmul.f32 $1.442695020e+00, v4  }
0x38d: {  	v5 =	vpop (erf)  }
0x38e: {  	v6 =	vpop (erf);
	(erf) = vpow2.f32 v3  }
0x38f: {  	(erf) = vpow2.f32 v4;
	v3 =	vpop (erf)  }
0x390: {  	v4 =	vpop (erf)  }
0x391: {  	v7 =	vpop (erf)  }
0x392: {  	v8 =	vpop (erf)  }
0x393: {  	v9 =	vpop (erf)  }
0x394: {  	v11 =	vadd.f32 v6, v5;
	v13 =	vadd.f32 v8, v7;
	v10 =	vpop (erf)  }
0x395: {  	v12 =	vadd.f32 v4, v3;
	v14 =	vadd.f32 v10, v9;
	_ =	sdelay $0x1  }
0x396: {  	v11 =	vadd.f32 v12, v11;
	v15 =	vpop (erf);
	v12 =	vadd.f32 v14, v13  }
0x397: {  	v13 =	vpop (erf)  }
0x398: {  	v14 =	vadd.f32 v13, v15;
	v11 =	vadd.f32 v12, v11;
	_ =	sdelay $0x1  }
0x399: {  	v11 =	vadd.f32 v11, v14;
	_ =	sdelay $0x1  }
0x39a: {  	(erf) = vrcp.f32 v11;
	_ =	sdelay $0x8  }
0x39b: {  	v11 =	vpop (erf)  }
0x39c: {  	v5 =	vmul.f32 v11, v5  }
0x39d: {  	v6 =	vmul.f32 v11, v6  }
0x39e: {  	v3 =	vmul.f32 v11, v3;
	[tilespmem:$0x18000] =	vst v5  }
0x39f: {  	v4 =	vmul.f32 v11, v4;
	[tilespmem:$0x18080] =	vst v6  }
0x3a0: {  	[tilespmem:$0x18100] =	vst v3;
	v3 =	vmul.f32 v11, v7  }
0x3a1: {  	[tilespmem:$0x18180] =	vst v4;
	v4 =	vmul.f32 v11, v8  }
0x3a2: {  	s13 =	sshll.u32 s28, $0x5;
	[tilespmem:$0x18200] =	vst v3;
	v3 =	vmul.f32 v11, v9  }
0x3a3: {  	s0 =	sadd.s32 s5, s13;
	[tilespmem:$0x18280] =	vst v4;
	v4 =	vmul.f32 v11, v10  }
0x3a4: {  	s0 =	sshrl.u32 s0, $0x3;
	[tilespmem:$0x18300] =	vst v3;
	v3 =	vmul.f32 v11, v15  }
0x3a5: {  	s0 =	smul.u32 $0x300, s0;
	[tilespmem:$0x18380] =	vst v4;
	v4 =	vmul.f32 v11, v13  }
0x3a6: {  	[tilespmem:$0x18400] =	vst v3  }
0x3a7: {  	s0 =	sadd.s32 s7, s0;
	[tilespmem:$0x18480] =	vst v4  }
0x3a8: {  	[hbm4b:s0+s4] =	stream.linear.scatter [tilespmem:s24], [sflag:$0x4], $0x3000, $0x38;
	[tilespmem:$0x1B800] =	vst v63  }
0x3a9: {  	p0 =	seq.s32 s28, $0x9;
	_ =	swait.ge [sflag:s10], $0x3000  }
0x3aa: {  	s0 =	sshll.u32 @!p0 s28, $0x5;
	[sflag:s10] =	ssyncset.done $0x0  }
0x3ab: {  	s0 =	sand.u32 @!p0 $0x3FFFFFE0, s0;
	[sflag:s10] =	ssyncadd.s32 $0xFFFFD000  }
0x3ac: {  	v3 =	vld @!p0 [tilespmem:s0+$0xC3A0];
	_ =	sdelay $0x3  }
0x3ad: {  	s8 =	simm.s32 $0x0;
	s9 =	simm.s32 $0x3  }
0x3ae: {  	s1 =	simm.s32 @!p0 $0xC500;
	s2 =	simm.s32 @!p0 $0xC600;
	s0 =	simm.s32 @!p0 $0x10;
	[tilespmem:$0xC500] =	vst @!p0 v3  }
0x3af: {  	v4 =	vor.u32 s8, v0;
	[tilespmem:s2], [sflag:$0x3] =	stream.indirect.gather @!p0 [hbm4b:s6+s0], $0x80, s1, s0, $0xb8;
	[tilespmem:$0x1B800] =	vst v63  }
0x3b0: {  	s11 =	simm.s32 $0x2;
	v5 =	vor.u32 s9, v0;
	_ =	swait.ge [sflag:s23], $0x5000  }
0x3b1: {  	s13 =	simm.s32 $0x1;
	v6 =	vor.u32 s11, v0;
	[sflag:s23] =	ssyncset.done $0x0  }
0x3b2: {  	v7 =	vor.u32 s13, v0;
	[sflag:s23] =	ssyncadd.s32 $0xFFFFB000  }
0x3b3: {  	s1 =	simm.s32 $0x4;
	v3 =	vld [tilespmem:$0x17800]  }
0x3b4: {  	s0 =	simm.s32 $0x7;
	v15 =	vor.u32 s1, v0;
	v11 =	vld.idx.msk [tilespmem:v4+s18+$0x0], $0xffff  }
0x3b5: {  	s2 =	simm.s32 $0x6;
	v12 =	vor.u32 s0, v0;
	v5 =	vld.idx.msk [tilespmem:v5+s18+$0x0], $0xffff  }
0x3b6: {  	s30 =	simm.s32 $0x5;
	v14 =	vor.u32 s8, v20;
	v13 =	vor.u32 s2, v0;
	v4 =	vld.idx.msk [tilespmem:v6+s18+$0x0], $0xffff  }
0x3b7: {  	v8 =	vor.u32 s9, v20;
	v10 =	vor.u32 s30, v0;
	v6 =	vld.idx.msk [tilespmem:v7+s18+$0x0], $0xffff  }
0x3b8: {  	v9 =	vor.u32 s11, v20  }
0x3b9: {  	s31 =	simm.s32 $0x8;
	v7 =	vld.idx.msk [tilespmem:v15+s18+$0x0], $0xffff;
	v15 =	vmul.f32 v11, v3;
	v11 =	vor.u32 s13, v20  }
.LBB2_15:
0x3ba: {  	v16 =	vor.u32 s31, v0;
	s8 =	sadd.s32 $0x3, s31;
	v17 =	vmul.f32 v5, v3;
	v5 =	vld.idx.msk [tilespmem:v12+s18+$0x0], $0xffff;
	s9 =	smov.u32 s31;
	p1 =	slt.u32 s31, $0xC  }
.Ltmp10:
0x3bb: {  	s11 =	sadd.s32 $0x2, s31;
	v12 =	vor.u32 s8, v0;
	[tilespmem:v14+s24+$0x0] =	vst.idx.msk $0xffff, v15;
	v15 =	vmul.f32 v4, v3;
	v4 =	vld.idx.msk [tilespmem:v13+s18+$0x0], $0xffff;
	(pc) =	sbr.rel @p1 .LBB2_15-.Ltmp10, $4  }
0x3bc: {  	s31 =	sadd.s32 $0x4, s31;
	s13 =	sadd.s32 $0x1, s9;
	v13 =	vor.u32 s11, v0;
	v14 =	vor.u32 s1, v20;
	v18 =	vmul.f32 v6, v3;
	v6 =	vld.idx.msk [tilespmem:v10+s18+$0x0], $0xffff;
	[tilespmem:v8+s24+$0x0] =	vst.idx.msk $0xffff, v17  }
0x3bd: {  	s1 =	smov.u32 s9;
	v10 =	vor.u32 s13, v0;
	v8 =	vor.u32 s0, v20;
	s0 =	smov.u32 s8;
	[tilespmem:v9+s24+$0x0] =	vst.idx.msk $0xffff, v15  }
0x3be: {  	v9 =	vor.u32 s2, v20;
	s2 =	smov.u32 s11;
	[tilespmem:v11+s24+$0x0] =	vst.idx.msk $0xffff, v18  }
0x3bf: {  	v15 =	vmul.f32 v7, v3;
	v11 =	vor.u32 s30, v20;
	s30 =	smov.u32 s13;
	v7 =	vld.idx.msk [tilespmem:v16+s18+$0x0], $0xffff  }
0x3c0: {  	_ =	sdelay $0x3  }
0x3c1: {  	v12 =	vld.idx.msk [tilespmem:v12+s18+$0x0], $0xffff  }
0x3c2: {  	v5 =	vmul.f32 v5, v3;
	v13 =	vld.idx.msk [tilespmem:v13+s18+$0x0], $0xffff;
	v16 =	vor.u32 s1, v20  }
0x3c3: {  	v4 =	vmul.f32 v4, v3;
	v10 =	vld.idx.msk [tilespmem:v10+s18+$0x0], $0xffff;
	[tilespmem:v14+s24+$0x0] =	vst.idx.msk $0xffff, v15;
	v14 =	vor.u32 s0, v20  }
0x3c4: {  	v6 =	vmul.f32 v6, v3;
	[tilespmem:v8+s24+$0x0] =	vst.idx.msk $0xffff, v5;
	v5 =	vor.u32 s2, v20  }
0x3c5: {  	[tilespmem:v9+s24+$0x0] =	vst.idx.msk $0xffff, v4;
	v4 =	vmul.f32 v7, v3;
	v7 =	vor.u32 s30, v20  }
0x3c6: {  	[tilespmem:v11+s24+$0x0] =	vst.idx.msk $0xffff, v6;
	v6 =	vmul.f32 v12, v3  }
0x3c7: {  	[tilespmem:v16+s24+$0x0] =	vst.idx.msk $0xffff, v4;
	v4 =	vmul.f32 v13, v3  }
0x3c8: {  	v3 =	vmul.f32 v10, v3;
	[tilespmem:v14+s24+$0x0] =	vst.idx.msk $0xffff, v6  }
0x3c9: {  	[tilespmem:v5+s24+$0x0] =	vst.idx.msk $0xffff, v4  }
0x3ca: {  	[tilespmem:v7+s24+$0x0] =	vst.idx.msk $0xffff, v3  }
0x3cb: {  	v3 =	vld.idx.msk [tilespmem:v26+s22+$0x0], $0xffff;
	_ =	sdelay $0x4  }
0x3cc: {  	[tilespmem:$0xD600] =	vst v3  }
0x3cd: {  	v4 =	vld.idx.msk [tilespmem:v27+s22+$0x0], $0xffff;
	_ =	sdelay $0x4  }
0x3ce: {  	[tilespmem:$0xD610] =	vst v4  }
0x3cf: {  	v5 =	vld.idx.msk [tilespmem:v28+s22+$0x0], $0xffff;
	_ =	sdelay $0x4  }
0x3d0: {  	[tilespmem:$0xD620] =	vst v5  }
0x3d1: {  	v6 =	vld.idx.msk [tilespmem:v29+s22+$0x0], $0xffff;
	_ =	sdelay $0x4  }
0x3d2: {  	[tilespmem:$0xD630] =	vst v6  }
0x3d3: {  	v7 =	vld.idx.msk [tilespmem:v30+s22+$0x0], $0xffff;
	_ =	sdelay $0x4  }
0x3d4: {  	[tilespmem:$0xD640] =	vst v7  }
0x3d5: {  	v8 =	vld.idx.msk [tilespmem:v31+s22+$0x0], $0xffff;
	_ =	sdelay $0x4  }
0x3d6: {  	[tilespmem:$0xD650] =	vst v8  }
0x3d7: {  	v9 =	vld.idx.msk [tilespmem:v33+s22+$0x0], $0xffff;
	_ =	sdelay $0x4  }
0x3d8: {  	[tilespmem:$0xD660] =	vst v9  }
0x3d9: {  	v10 =	vld.idx.msk [tilespmem:v34+s22+$0x0], $0xffff;
	_ =	sdelay $0x4  }
0x3da: {  	[tilespmem:$0xD670] =	vst v10  }
0x3db: {  	v11 =	vld.idx.msk [tilespmem:v35+s22+$0x0], $0xffff;
	_ =	sdelay $0x4  }
0x3dc: {  	[tilespmem:$0xD680] =	vst v11  }
0x3dd: {  	v12 =	vld.idx.msk [tilespmem:v36+s22+$0x0], $0xffff;
	_ =	sdelay $0x4  }
0x3de: {  	s30 =	simm.s32 $0x0;
	[tilespmem:$0xD690] =	vst v12  }
0x3df: {  	[tilespmem:s18], [sflag:$0x1] =	stream.indirect.gather [hbm4b:s3+s16], $0x80, s17, s16, $0xb8;
	[tilespmem:$0x1B800] =	vst v63  }
0x3e0: {  	v3 =	vld.idx.msk [tilespmem:v3+s30+$0x0], $0xffff  }
0x3e1: {  	v4 =	vld.idx.msk [tilespmem:v4+s30+$0x0], $0xffff  }
0x3e2: {  	v5 =	vld.idx.msk [tilespmem:v5+s30+$0x0], $0xffff  }
0x3e3: {  	v6 =	vld.idx.msk [tilespmem:v6+s30+$0x0], $0xffff  }
0x3e4: {  	v7 =	vld.idx.msk [tilespmem:v7+s30+$0x0], $0xffff  }
0x3e5: {  	v8 =	vld.idx.msk [tilespmem:v8+s30+$0x0], $0xffff  }
0x3e6: {  	v9 =	vld.idx.msk [tilespmem:v9+s30+$0x0], $0xffff;
	v13 =	vmax.f32 v3, v4  }
0x3e7: {  	v10 =	vld.idx.msk [tilespmem:v10+s30+$0x0], $0xffff;
	v13 =	vmax.f32 v13, v5  }
0x3e8: {  	v11 =	vld.idx.msk [tilespmem:v11+s30+$0x0], $0xffff;
	v13 =	vmax.f32 v13, v6  }
0x3e9: {  	v12 =	vld.idx.msk [tilespmem:v12+s30+$0x0], $0xffff;
	v13 =	vmax.f32 v13, v7  }
0x3ea: {  	v13 =	vmax.f32 v13, v8  }
0x3eb: {  	v13 =	vmax.f32 v13, v9  }
0x3ec: {  	v13 =	vmax.f32 v13, v10  }
0x3ed: {  	v13 =	vmax.f32 v13, v11  }
0x3ee: {  	v13 =	vmax.f32 v13, v12  }
0x3ef: {  	v3 =	vsub.f32 v3, v13  }
0x3f0: {  	v4 =	vsub.f32 v4, v13  }
0x3f1: {  	v5 =	vsub.f32 v5, v13;
	v3 =	vmul.f32 $1.442695020e+00, v3  }
0x3f2: {  	v6 =	vsub.f32 v6, v13;
	v4 =	vmul.f32 $1.442695020e+00, v4  }
0x3f3: {  	(erf) = vpow2.f32 v3;
	v3 =	vmul.f32 $1.442695020e+00, v5;
	v5 =	vsub.f32 v7, v13  }
0x3f4: {  	(erf) = vpow2.f32 v4;
	v4 =	vmul.f32 $1.442695020e+00, v6;
	v6 =	vsub.f32 v8, v13  }
0x3f5: {  	(erf) = vpow2.f32 v3;
	v3 =	vmul.f32 $1.442695020e+00, v5;
	v5 =	vsub.f32 v9, v13  }
0x3f6: {  	(erf) = vpow2.f32 v4;
	v4 =	vmul.f32 $1.442695020e+00, v6;
	v6 =	vsub.f32 v10, v13  }
0x3f7: {  	(erf) = vpow2.f32 v3;
	v3 =	vmul.f32 $1.442695020e+00, v5  }
0x3f8: {  	(erf) = vpow2.f32 v4;
	v4 =	vmul.f32 $1.442695020e+00, v6  }
0x3f9: {  	(erf) = vpow2.f32 v3;
	v3 =	vsub.f32 v11, v13  }
0x3fa: {  	(erf) = vpow2.f32 v4;
	v4 =	vsub.f32 v12, v13  }
0x3fb: {  	v3 =	vmul.f32 $1.442695020e+00, v3  }
0x3fc: {  	v4 =	vmul.f32 $1.442695020e+00, v4  }
0x3fd: {  	v5 =	vpop (erf)  }
0x3fe: {  	v6 =	vpop (erf);
	(erf) = vpow2.f32 v3  }
0x3ff: {  	(erf) = vpow2.f32 v4;
	v3 =	vpop (erf)  }
0x400: {  	v4 =	vpop (erf)  }
0x401: {  	v7 =	vpop (erf)  }
0x402: {  	v8 =	vpop (erf)  }
0x403: {  	v9 =	vpop (erf)  }
0x404: {  	v11 =	vadd.f32 v6, v5;
	v13 =	vadd.f32 v8, v7;
	v10 =	vpop (erf)  }
0x405: {  	v12 =	vadd.f32 v4, v3;
	v14 =	vadd.f32 v10, v9;
	_ =	sdelay $0x1  }
0x406: {  	v11 =	vadd.f32 v12, v11;
	v15 =	vpop (erf);
	v12 =	vadd.f32 v14, v13  }
0x407: {  	v13 =	vpop (erf)  }
0x408: {  	v14 =	vadd.f32 v13, v15;
	v11 =	vadd.f32 v12, v11;
	_ =	sdelay $0x1  }
0x409: {  	v11 =	vadd.f32 v11, v14;
	_ =	sdelay $0x1  }
0x40a: {  	(erf) = vrcp.f32 v11;
	_ =	sdelay $0x8  }
0x40b: {  	v11 =	vpop (erf)  }
0x40c: {  	v5 =	vmul.f32 v11, v5  }
0x40d: {  	v6 =	vmul.f32 v11, v6  }
0x40e: {  	v3 =	vmul.f32 v11, v3;
	[tilespmem:$0x17800] =	vst v5  }
0x40f: {  	v4 =	vmul.f32 v11, v4;
	[tilespmem:$0x17880] =	vst v6  }
0x410: {  	[tilespmem:$0x17900] =	vst v3;
	v3 =	vmul.f32 v11, v7  }
0x411: {  	[tilespmem:$0x17980] =	vst v4;
	v4 =	vmul.f32 v11, v8  }
0x412: {  	[tilespmem:$0x17A00] =	vst v3;
	v3 =	vmul.f32 v11, v9  }
0x413: {  	[tilespmem:$0x17A80] =	vst v4;
	v4 =	vmul.f32 v11, v10  }
0x414: {  	[tilespmem:$0x17B00] =	vst v3;
	v3 =	vmul.f32 v11, v15  }
0x415: {  	[tilespmem:$0x17B80] =	vst v4;
	v4 =	vmul.f32 v11, v13  }
0x416: {  	[tilespmem:$0x17C00] =	vst v3  }
0x417: {  	s8 =	simm.s32 $0x3;
	[tilespmem:$0x17C80] =	vst v4;
	v4 =	vor.u32 s30, v0  }
0x418: {  	s9 =	simm.s32 $0x2;
	v5 =	vor.u32 s8, v0;
	_ =	swait.ge [sflag:s25], $0x5000  }
0x419: {  	s11 =	simm.s32 $0x1;
	v6 =	vor.u32 s9, v0;
	[sflag:s25] =	ssyncset.done $0x0  }
0x41a: {  	v7 =	vor.u32 s11, v0;
	[sflag:s25] =	ssyncadd.s32 $0xFFFFB000  }
0x41b: {  	s1 =	simm.s32 $0x4;
	v3 =	vld [tilespmem:$0x18000]  }
0x41c: {  	s0 =	simm.s32 $0x7;
	v15 =	vor.u32 s1, v0;
	v11 =	vld.idx.msk [tilespmem:v4+s20+$0x0], $0xffff  }
0x41d: {  	s2 =	simm.s32 $0x6;
	v12 =	vor.u32 s0, v0;
	v5 =	vld.idx.msk [tilespmem:v5+s20+$0x0], $0xffff  }
0x41e: {  	s31 =	simm.s32 $0x5;
	v14 =	vor.u32 s30, v21;
	v13 =	vor.u32 s2, v0;
	v4 =	vld.idx.msk [tilespmem:v6+s20+$0x0], $0xffff  }
0x41f: {  	v8 =	vor.u32 s8, v21;
	v10 =	vor.u32 s31, v0;
	v6 =	vld.idx.msk [tilespmem:v7+s20+$0x0], $0xffff  }
0x420: {  	v9 =	vor.u32 s9, v21  }
0x421: {  	s30 =	simm.s32 $0x8;
	v7 =	vld.idx.msk [tilespmem:v15+s20+$0x0], $0xffff;
	v15 =	vmul.f32 v11, v3;
	v11 =	vor.u32 s11, v21  }
.LBB2_17:
0x422: {  	v16 =	vor.u32 s30, v0;
	s8 =	sadd.s32 $0x3, s30;
	v17 =	vmul.f32 v5, v3;
	v5 =	vld.idx.msk [tilespmem:v12+s20+$0x0], $0xffff;
	s9 =	smov.u32 s30;
	p1 =	slt.u32 s30, $0xC  }
.Ltmp11:
0x423: {  	s11 =	sadd.s32 $0x2, s30;
	v12 =	vor.u32 s8, v0;
	[tilespmem:v14+s24+$0x0] =	vst.idx.msk $0xffff, v15;
	v15 =	vmul.f32 v4, v3;
	v4 =	vld.idx.msk [tilespmem:v13+s20+$0x0], $0xffff;
	(pc) =	sbr.rel @p1 .LBB2_17-.Ltmp11, $4  }
0x424: {  	s30 =	sadd.s32 $0x4, s30;
	s13 =	sadd.s32 $0x1, s9;
	v13 =	vor.u32 s11, v0;
	v14 =	vor.u32 s1, v21;
	v18 =	vmul.f32 v6, v3;
	v6 =	vld.idx.msk [tilespmem:v10+s20+$0x0], $0xffff;
	[tilespmem:v8+s24+$0x0] =	vst.idx.msk $0xffff, v17  }
0x425: {  	s1 =	smov.u32 s9;
	v10 =	vor.u32 s13, v0;
	v8 =	vor.u32 s0, v21;
	s0 =	smov.u32 s8;
	[tilespmem:v9+s24+$0x0] =	vst.idx.msk $0xffff, v15  }
0x426: {  	v9 =	vor.u32 s2, v21;
	s2 =	smov.u32 s11;
	[tilespmem:v11+s24+$0x0] =	vst.idx.msk $0xffff, v18  }
0x427: {  	v15 =	vmul.f32 v7, v3;
	v11 =	vor.u32 s31, v21;
	s31 =	smov.u32 s13;
	v7 =	vld.idx.msk [tilespmem:v16+s20+$0x0], $0xffff  }
0x428: {  	_ =	sdelay $0x3  }
0x429: {  	v12 =	vld.idx.msk [tilespmem:v12+s20+$0x0], $0xffff  }
0x42a: {  	v5 =	vmul.f32 v5, v3;
	v13 =	vld.idx.msk [tilespmem:v13+s20+$0x0], $0xffff;
	v16 =	vor.u32 s1, v21  }
0x42b: {  	v4 =	vmul.f32 v4, v3;
	v10 =	vld.idx.msk [tilespmem:v10+s20+$0x0], $0xffff;
	[tilespmem:v14+s24+$0x0] =	vst.idx.msk $0xffff, v15;
	v14 =	vor.u32 s0, v21  }
0x42c: {  	v6 =	vmul.f32 v6, v3;
	[tilespmem:v8+s24+$0x0] =	vst.idx.msk $0xffff, v5;
	v5 =	vor.u32 s2, v21  }
0x42d: {  	[tilespmem:v9+s24+$0x0] =	vst.idx.msk $0xffff, v4;
	v4 =	vmul.f32 v7, v3;
	v7 =	vor.u32 s31, v21  }
0x42e: {  	[tilespmem:v11+s24+$0x0] =	vst.idx.msk $0xffff, v6;
	v6 =	vmul.f32 v12, v3  }
0x42f: {  	[tilespmem:v16+s24+$0x0] =	vst.idx.msk $0xffff, v4;
	v4 =	vmul.f32 v13, v3  }
0x430: {  	v3 =	vmul.f32 v10, v3;
	[tilespmem:v14+s24+$0x0] =	vst.idx.msk $0xffff, v6  }
0x431: {  	[tilespmem:v5+s24+$0x0] =	vst.idx.msk $0xffff, v4  }
0x432: {  	[tilespmem:v7+s24+$0x0] =	vst.idx.msk $0xffff, v3  }
0x433: {  	v3 =	vld.idx.msk [tilespmem:v32+s22+$0x0], $0xffff;
	_ =	sdelay $0x4  }
0x434: {  	[tilespmem:$0xD700] =	vst v3  }
0x435: {  	v4 =	vld.idx.msk [tilespmem:v37+s22+$0x0], $0xffff;
	_ =	sdelay $0x4  }
0x436: {  	[tilespmem:$0xD710] =	vst v4  }
0x437: {  	v5 =	vld.idx.msk [tilespmem:v38+s22+$0x0], $0xffff;
	_ =	sdelay $0x4  }
0x438: {  	[tilespmem:$0xD720] =	vst v5  }
0x439: {  	v6 =	vld.idx.msk [tilespmem:v39+s22+$0x0], $0xffff;
	_ =	sdelay $0x4  }
0x43a: {  	[tilespmem:$0xD730] =	vst v6  }
0x43b: {  	v7 =	vld.idx.msk [tilespmem:v40+s22+$0x0], $0xffff;
	_ =	sdelay $0x4  }
0x43c: {  	[tilespmem:$0xD740] =	vst v7  }
0x43d: {  	v8 =	vld.idx.msk [tilespmem:v41+s22+$0x0], $0xffff;
	_ =	sdelay $0x4  }
0x43e: {  	[tilespmem:$0xD750] =	vst v8  }
0x43f: {  	v9 =	vld.idx.msk [tilespmem:v43+s22+$0x0], $0xffff;
	_ =	sdelay $0x4  }
0x440: {  	[tilespmem:$0xD760] =	vst v9  }
0x441: {  	v10 =	vld.idx.msk [tilespmem:v44+s22+$0x0], $0xffff;
	_ =	sdelay $0x4  }
0x442: {  	[tilespmem:$0xD770] =	vst v10  }
0x443: {  	v11 =	vld.idx.msk [tilespmem:v45+s22+$0x0], $0xffff;
	_ =	sdelay $0x4  }
0x444: {  	[tilespmem:$0xD780] =	vst v11  }
0x445: {  	v12 =	vld.idx.msk [tilespmem:v46+s22+$0x0], $0xffff;
	_ =	sdelay $0x4  }
0x446: {  	s30 =	simm.s32 $0x0;
	[tilespmem:$0xD790] =	vst v12  }
0x447: {  	[tilespmem:s20], [sflag:$0x2] =	stream.indirect.gather [hbm4b:s3+s16], $0x80, s19, s16, $0xb8;
	[tilespmem:$0x1B800] =	vst v63  }
0x448: {  	v3 =	vld.idx.msk [tilespmem:v3+s30+$0x0], $0xffff  }
0x449: {  	v4 =	vld.idx.msk [tilespmem:v4+s30+$0x0], $0xffff  }
0x44a: {  	v5 =	vld.idx.msk [tilespmem:v5+s30+$0x0], $0xffff  }
0x44b: {  	v6 =	vld.idx.msk [tilespmem:v6+s30+$0x0], $0xffff  }
0x44c: {  	v7 =	vld.idx.msk [tilespmem:v7+s30+$0x0], $0xffff  }
0x44d: {  	v8 =	vld.idx.msk [tilespmem:v8+s30+$0x0], $0xffff  }
0x44e: {  	v9 =	vld.idx.msk [tilespmem:v9+s30+$0x0], $0xffff;
	v13 =	vmax.f32 v3, v4  }
0x44f: {  	v10 =	vld.idx.msk [tilespmem:v10+s30+$0x0], $0xffff;
	v13 =	vmax.f32 v13, v5  }
0x450: {  	v11 =	vld.idx.msk [tilespmem:v11+s30+$0x0], $0xffff;
	v13 =	vmax.f32 v13, v6  }
0x451: {  	v12 =	vld.idx.msk [tilespmem:v12+s30+$0x0], $0xffff;
	v13 =	vmax.f32 v13, v7  }
0x452: {  	v13 =	vmax.f32 v13, v8  }
0x453: {  	v13 =	vmax.f32 v13, v9  }
0x454: {  	v13 =	vmax.f32 v13, v10  }
0x455: {  	v13 =	vmax.f32 v13, v11  }
0x456: {  	v13 =	vmax.f32 v13, v12  }
0x457: {  	v3 =	vsub.f32 v3, v13  }
0x458: {  	v4 =	vsub.f32 v4, v13  }
0x459: {  	v5 =	vsub.f32 v5, v13;
	v3 =	vmul.f32 $1.442695020e+00, v3  }
0x45a: {  	v6 =	vsub.f32 v6, v13;
	v4 =	vmul.f32 $1.442695020e+00, v4  }
0x45b: {  	(erf) = vpow2.f32 v3;
	v3 =	vmul.f32 $1.442695020e+00, v5;
	v5 =	vsub.f32 v7, v13  }
0x45c: {  	(erf) = vpow2.f32 v4;
	v4 =	vmul.f32 $1.442695020e+00, v6;
	v6 =	vsub.f32 v8, v13  }
0x45d: {  	(erf) = vpow2.f32 v3;
	v3 =	vmul.f32 $1.442695020e+00, v5;
	v5 =	vsub.f32 v9, v13  }
0x45e: {  	(erf) = vpow2.f32 v4;
	v4 =	vmul.f32 $1.442695020e+00, v6;
	v6 =	vsub.f32 v10, v13  }
0x45f: {  	(erf) = vpow2.f32 v3;
	v3 =	vmul.f32 $1.442695020e+00, v5  }
0x460: {  	(erf) = vpow2.f32 v4;
	v4 =	vmul.f32 $1.442695020e+00, v6  }
0x461: {  	(erf) = vpow2.f32 v3;
	v3 =	vsub.f32 v11, v13  }
0x462: {  	(erf) = vpow2.f32 v4;
	v4 =	vsub.f32 v12, v13  }
0x463: {  	v3 =	vmul.f32 $1.442695020e+00, v3  }
0x464: {  	v4 =	vmul.f32 $1.442695020e+00, v4  }
0x465: {  	v5 =	vpop (erf)  }
0x466: {  	v6 =	vpop (erf);
	(erf) = vpow2.f32 v3  }
0x467: {  	(erf) = vpow2.f32 v4;
	v3 =	vpop (erf)  }
0x468: {  	v4 =	vpop (erf)  }
0x469: {  	v7 =	vpop (erf)  }
0x46a: {  	v8 =	vpop (erf)  }
0x46b: {  	v9 =	vpop (erf)  }
0x46c: {  	v11 =	vadd.f32 v6, v5;
	v13 =	vadd.f32 v8, v7;
	v10 =	vpop (erf)  }
0x46d: {  	v12 =	vadd.f32 v4, v3;
	v14 =	vadd.f32 v10, v9;
	_ =	sdelay $0x1  }
0x46e: {  	v11 =	vadd.f32 v12, v11;
	v15 =	vpop (erf);
	v12 =	vadd.f32 v14, v13  }
0x46f: {  	v13 =	vpop (erf)  }
0x470: {  	v14 =	vadd.f32 v13, v15;
	v11 =	vadd.f32 v12, v11;
	_ =	sdelay $0x1  }
0x471: {  	v11 =	vadd.f32 v11, v14;
	_ =	sdelay $0x1  }
0x472: {  	(erf) = vrcp.f32 v11;
	_ =	sdelay $0x8  }
0x473: {  	v11 =	vpop (erf)  }
0x474: {  	v5 =	vmul.f32 v11, v5  }
0x475: {  	v6 =	vmul.f32 v11, v6  }
0x476: {  	v3 =	vmul.f32 v11, v3;
	[tilespmem:$0x18000] =	vst v5  }
0x477: {  	v4 =	vmul.f32 v11, v4;
	[tilespmem:$0x18080] =	vst v6  }
0x478: {  	[tilespmem:$0x18100] =	vst v3;
	v3 =	vmul.f32 v11, v7  }
0x479: {  	[tilespmem:$0x18180] =	vst v4;
	v4 =	vmul.f32 v11, v8  }
0x47a: {  	[tilespmem:$0x18200] =	vst v3;
	v3 =	vmul.f32 v11, v9  }
0x47b: {  	[tilespmem:$0x18280] =	vst v4;
	v4 =	vmul.f32 v11, v10  }
0x47c: {  	[tilespmem:$0x18300] =	vst v3;
	v3 =	vmul.f32 v11, v15  }
0x47d: {  	[tilespmem:$0x18380] =	vst v4;
	v4 =	vmul.f32 v11, v13  }
0x47e: {  	[tilespmem:$0x18400] =	vst v3  }
0x47f: {  	s8 =	simm.s32 $0x3;
	[tilespmem:$0x18480] =	vst v4;
	v4 =	vor.u32 s30, v0  }
0x480: {  	s9 =	simm.s32 $0x2;
	v5 =	vor.u32 s8, v0;
	_ =	swait.ge [sflag:s23], $0x5000  }
0x481: {  	s11 =	simm.s32 $0x1;
	v6 =	vor.u32 s9, v0;
	[sflag:s23] =	ssyncset.done $0x0  }
0x482: {  	v7 =	vor.u32 s11, v0;
	[sflag:s23] =	ssyncadd.s32 $0xFFFFB000  }
0x483: {  	s1 =	simm.s32 $0x4;
	v3 =	vld [tilespmem:$0x17800]  }
0x484: {  	s0 =	simm.s32 $0x7;
	v15 =	vor.u32 s1, v0;
	v11 =	vld.idx.msk [tilespmem:v4+s18+$0x0], $0xffff  }
0x485: {  	s2 =	simm.s32 $0x6;
	v12 =	vor.u32 s0, v0;
	v5 =	vld.idx.msk [tilespmem:v5+s18+$0x0], $0xffff  }
0x486: {  	s31 =	simm.s32 $0x5;
	v14 =	vor.u32 s30, v22;
	v13 =	vor.u32 s2, v0;
	v4 =	vld.idx.msk [tilespmem:v6+s18+$0x0], $0xffff  }
0x487: {  	v8 =	vor.u32 s8, v22;
	v10 =	vor.u32 s31, v0;
	v6 =	vld.idx.msk [tilespmem:v7+s18+$0x0], $0xffff  }
0x488: {  	v9 =	vor.u32 s9, v22  }
0x489: {  	s30 =	simm.s32 $0x8;
	v7 =	vld.idx.msk [tilespmem:v15+s18+$0x0], $0xffff;
	v15 =	vmul.f32 v11, v3;
	v11 =	vor.u32 s11, v22  }
.LBB2_19:
0x48a: {  	v16 =	vor.u32 s30, v0;
	s8 =	sadd.s32 $0x3, s30;
	v17 =	vmul.f32 v5, v3;
	v5 =	vld.idx.msk [tilespmem:v12+s18+$0x0], $0xffff;
	s9 =	smov.u32 s30;
	p1 =	slt.u32 s30, $0xC  }
.Ltmp12:
0x48b: {  	s11 =	sadd.s32 $0x2, s30;
	v12 =	vor.u32 s8, v0;
	[tilespmem:v14+s24+$0x0] =	vst.idx.msk $0xffff, v15;
	v15 =	vmul.f32 v4, v3;
	v4 =	vld.idx.msk [tilespmem:v13+s18+$0x0], $0xffff;
	(pc) =	sbr.rel @p1 .LBB2_19-.Ltmp12, $4  }
0x48c: {  	s30 =	sadd.s32 $0x4, s30;
	s13 =	sadd.s32 $0x1, s9;
	v13 =	vor.u32 s11, v0;
	v14 =	vor.u32 s1, v22;
	v18 =	vmul.f32 v6, v3;
	v6 =	vld.idx.msk [tilespmem:v10+s18+$0x0], $0xffff;
	[tilespmem:v8+s24+$0x0] =	vst.idx.msk $0xffff, v17  }
0x48d: {  	s1 =	smov.u32 s9;
	v10 =	vor.u32 s13, v0;
	v8 =	vor.u32 s0, v22;
	s0 =	smov.u32 s8;
	[tilespmem:v9+s24+$0x0] =	vst.idx.msk $0xffff, v15  }
0x48e: {  	v9 =	vor.u32 s2, v22;
	s2 =	smov.u32 s11;
	[tilespmem:v11+s24+$0x0] =	vst.idx.msk $0xffff, v18  }
0x48f: {  	v15 =	vmul.f32 v7, v3;
	v11 =	vor.u32 s31, v22;
	s31 =	smov.u32 s13;
	v7 =	vld.idx.msk [tilespmem:v16+s18+$0x0], $0xffff  }
0x490: {  	_ =	sdelay $0x3  }
0x491: {  	v12 =	vld.idx.msk [tilespmem:v12+s18+$0x0], $0xffff  }
0x492: {  	v5 =	vmul.f32 v5, v3;
	v13 =	vld.idx.msk [tilespmem:v13+s18+$0x0], $0xffff;
	v16 =	vor.u32 s1, v22  }
0x493: {  	v4 =	vmul.f32 v4, v3;
	v10 =	vld.idx.msk [tilespmem:v10+s18+$0x0], $0xffff;
	[tilespmem:v14+s24+$0x0] =	vst.idx.msk $0xffff, v15;
	v14 =	vor.u32 s0, v22  }
0x494: {  	v6 =	vmul.f32 v6, v3;
	[tilespmem:v8+s24+$0x0] =	vst.idx.msk $0xffff, v5;
	v5 =	vor.u32 s2, v22  }
0x495: {  	[tilespmem:v9+s24+$0x0] =	vst.idx.msk $0xffff, v4;
	v4 =	vmul.f32 v7, v3;
	v7 =	vor.u32 s31, v22  }
0x496: {  	[tilespmem:v11+s24+$0x0] =	vst.idx.msk $0xffff, v6;
	v6 =	vmul.f32 v12, v3  }
0x497: {  	[tilespmem:v16+s24+$0x0] =	vst.idx.msk $0xffff, v4;
	v4 =	vmul.f32 v13, v3  }
0x498: {  	v3 =	vmul.f32 v10, v3;
	[tilespmem:v14+s24+$0x0] =	vst.idx.msk $0xffff, v6  }
0x499: {  	[tilespmem:v5+s24+$0x0] =	vst.idx.msk $0xffff, v4  }
0x49a: {  	[tilespmem:v7+s24+$0x0] =	vst.idx.msk $0xffff, v3  }
0x49b: {  	v3 =	vld.idx.msk [tilespmem:v42+s22+$0x0], $0xffff;
	_ =	sdelay $0x4  }
0x49c: {  	[tilespmem:$0xD600] =	vst v3  }
0x49d: {  	v4 =	vld.idx.msk [tilespmem:v47+s22+$0x0], $0xffff;
	_ =	sdelay $0x4  }
0x49e: {  	[tilespmem:$0xD610] =	vst v4  }
0x49f: {  	v5 =	vld.idx.msk [tilespmem:v48+s22+$0x0], $0xffff;
	_ =	sdelay $0x4  }
0x4a0: {  	[tilespmem:$0xD620] =	vst v5  }
0x4a1: {  	v6 =	vld.idx.msk [tilespmem:v49+s22+$0x0], $0xffff;
	_ =	sdelay $0x4  }
0x4a2: {  	[tilespmem:$0xD630] =	vst v6  }
0x4a3: {  	v7 =	vld.idx.msk [tilespmem:v50+s22+$0x0], $0xffff;
	_ =	sdelay $0x4  }
0x4a4: {  	[tilespmem:$0xD640] =	vst v7  }
0x4a5: {  	v8 =	vld.idx.msk [tilespmem:v51+s22+$0x0], $0xffff;
	_ =	sdelay $0x4  }
0x4a6: {  	[tilespmem:$0xD650] =	vst v8  }
0x4a7: {  	v9 =	vld.idx.msk [tilespmem:v53+s22+$0x0], $0xffff;
	_ =	sdelay $0x4  }
0x4a8: {  	[tilespmem:$0xD660] =	vst v9  }
0x4a9: {  	v10 =	vld.idx.msk [tilespmem:v54+s22+$0x0], $0xffff;
	_ =	sdelay $0x4  }
0x4aa: {  	[tilespmem:$0xD670] =	vst v10  }
0x4ab: {  	v11 =	vld.idx.msk [tilespmem:v55+s22+$0x0], $0xffff;
	_ =	sdelay $0x4  }
0x4ac: {  	[tilespmem:$0xD680] =	vst v11  }
0x4ad: {  	v12 =	vld.idx.msk [tilespmem:v56+s22+$0x0], $0xffff;
	_ =	sdelay $0x4  }
0x4ae: {  	s30 =	simm.s32 $0x0;
	[tilespmem:$0xD690] =	vst v12  }
0x4af: {  	[tilespmem:s18], [sflag:$0x1] =	stream.indirect.gather [hbm4b:s3+s16], $0x80, s17, s16, $0xb8;
	[tilespmem:$0x1B800] =	vst v63  }
0x4b0: {  	v3 =	vld.idx.msk [tilespmem:v3+s30+$0x0], $0xffff  }
0x4b1: {  	v4 =	vld.idx.msk [tilespmem:v4+s30+$0x0], $0xffff  }
0x4b2: {  	v5 =	vld.idx.msk [tilespmem:v5+s30+$0x0], $0xffff  }
0x4b3: {  	v6 =	vld.idx.msk [tilespmem:v6+s30+$0x0], $0xffff  }
0x4b4: {  	v7 =	vld.idx.msk [tilespmem:v7+s30+$0x0], $0xffff  }
0x4b5: {  	v8 =	vld.idx.msk [tilespmem:v8+s30+$0x0], $0xffff  }
0x4b6: {  	v9 =	vld.idx.msk [tilespmem:v9+s30+$0x0], $0xffff;
	v13 =	vmax.f32 v3, v4  }
0x4b7: {  	v10 =	vld.idx.msk [tilespmem:v10+s30+$0x0], $0xffff;
	v13 =	vmax.f32 v13, v5  }
0x4b8: {  	v11 =	vld.idx.msk [tilespmem:v11+s30+$0x0], $0xffff;
	v13 =	vmax.f32 v13, v6  }
0x4b9: {  	v12 =	vld.idx.msk [tilespmem:v12+s30+$0x0], $0xffff;
	v13 =	vmax.f32 v13, v7  }
0x4ba: {  	v13 =	vmax.f32 v13, v8  }
0x4bb: {  	v13 =	vmax.f32 v13, v9  }
0x4bc: {  	v13 =	vmax.f32 v13, v10  }
0x4bd: {  	v13 =	vmax.f32 v13, v11  }
0x4be: {  	v13 =	vmax.f32 v13, v12  }
0x4bf: {  	v3 =	vsub.f32 v3, v13  }
0x4c0: {  	v4 =	vsub.f32 v4, v13  }
0x4c1: {  	v5 =	vsub.f32 v5, v13;
	v3 =	vmul.f32 $1.442695020e+00, v3  }
0x4c2: {  	v6 =	vsub.f32 v6, v13;
	v4 =	vmul.f32 $1.442695020e+00, v4  }
0x4c3: {  	(erf) = vpow2.f32 v3;
	v3 =	vmul.f32 $1.442695020e+00, v5;
	v5 =	vsub.f32 v7, v13  }
0x4c4: {  	(erf) = vpow2.f32 v4;
	v4 =	vmul.f32 $1.442695020e+00, v6;
	v6 =	vsub.f32 v8, v13  }
0x4c5: {  	(erf) = vpow2.f32 v3;
	v3 =	vmul.f32 $1.442695020e+00, v5;
	v5 =	vsub.f32 v9, v13  }
0x4c6: {  	(erf) = vpow2.f32 v4;
	v4 =	vmul.f32 $1.442695020e+00, v6;
	v6 =	vsub.f32 v10, v13  }
0x4c7: {  	(erf) = vpow2.f32 v3;
	v3 =	vmul.f32 $1.442695020e+00, v5  }
0x4c8: {  	(erf) = vpow2.f32 v4;
	v4 =	vmul.f32 $1.442695020e+00, v6  }
0x4c9: {  	(erf) = vpow2.f32 v3;
	v3 =	vsub.f32 v11, v13  }
0x4ca: {  	(erf) = vpow2.f32 v4;
	v4 =	vsub.f32 v12, v13  }
0x4cb: {  	v3 =	vmul.f32 $1.442695020e+00, v3  }
0x4cc: {  	v4 =	vmul.f32 $1.442695020e+00, v4  }
0x4cd: {  	v5 =	vpop (erf)  }
0x4ce: {  	v6 =	vpop (erf);
	(erf) = vpow2.f32 v3  }
0x4cf: {  	(erf) = vpow2.f32 v4;
	v3 =	vpop (erf)  }
0x4d0: {  	v4 =	vpop (erf)  }
0x4d1: {  	v7 =	vpop (erf)  }
0x4d2: {  	v8 =	vpop (erf)  }
0x4d3: {  	v9 =	vpop (erf)  }
0x4d4: {  	v11 =	vadd.f32 v6, v5;
	v13 =	vadd.f32 v8, v7;
	v10 =	vpop (erf)  }
0x4d5: {  	v12 =	vadd.f32 v4, v3;
	v14 =	vadd.f32 v10, v9;
	_ =	sdelay $0x1  }
0x4d6: {  	v11 =	vadd.f32 v12, v11;
	v15 =	vpop (erf);
	v12 =	vadd.f32 v14, v13  }
0x4d7: {  	v13 =	vpop (erf)  }
0x4d8: {  	v14 =	vadd.f32 v13, v15;
	v11 =	vadd.f32 v12, v11;
	_ =	sdelay $0x1  }
0x4d9: {  	v11 =	vadd.f32 v11, v14;
	_ =	sdelay $0x1  }
0x4da: {  	(erf) = vrcp.f32 v11;
	_ =	sdelay $0x8  }
0x4db: {  	v11 =	vpop (erf)  }
0x4dc: {  	v5 =	vmul.f32 v11, v5  }
0x4dd: {  	v6 =	vmul.f32 v11, v6  }
0x4de: {  	v3 =	vmul.f32 v11, v3;
	[tilespmem:$0x17800] =	vst v5  }
0x4df: {  	v4 =	vmul.f32 v11, v4;
	[tilespmem:$0x17880] =	vst v6  }
0x4e0: {  	[tilespmem:$0x17900] =	vst v3;
	v3 =	vmul.f32 v11, v7  }
0x4e1: {  	[tilespmem:$0x17980] =	vst v4;
	v4 =	vmul.f32 v11, v8  }
0x4e2: {  	[tilespmem:$0x17A00] =	vst v3;
	v3 =	vmul.f32 v11, v9  }
0x4e3: {  	[tilespmem:$0x17A80] =	vst v4;
	v4 =	vmul.f32 v11, v10  }
0x4e4: {  	[tilespmem:$0x17B00] =	vst v3;
	v3 =	vmul.f32 v11, v15  }
0x4e5: {  	[tilespmem:$0x17B80] =	vst v4;
	v4 =	vmul.f32 v11, v13  }
0x4e6: {  	[tilespmem:$0x17C00] =	vst v3  }
0x4e7: {  	s8 =	simm.s32 $0x3;
	[tilespmem:$0x17C80] =	vst v4;
	v4 =	vor.u32 s30, v0  }
0x4e8: {  	s9 =	simm.s32 $0x2;
	v5 =	vor.u32 s8, v0;
	_ =	swait.ge [sflag:s25], $0x5000  }
0x4e9: {  	s11 =	simm.s32 $0x1;
	v6 =	vor.u32 s9, v0;
	[sflag:s25] =	ssyncset.done $0x0  }
0x4ea: {  	v7 =	vor.u32 s11, v0;
	[sflag:s25] =	ssyncadd.s32 $0xFFFFB000  }
0x4eb: {  	s1 =	simm.s32 $0x4;
	v3 =	vld [tilespmem:$0x18000]  }
0x4ec: {  	s0 =	simm.s32 $0x7;
	v15 =	vor.u32 s1, v0;
	v11 =	vld.idx.msk [tilespmem:v4+s20+$0x0], $0xffff  }
0x4ed: {  	s2 =	simm.s32 $0x6;
	v12 =	vor.u32 s0, v0;
	v5 =	vld.idx.msk [tilespmem:v5+s20+$0x0], $0xffff  }
0x4ee: {  	s31 =	simm.s32 $0x5;
	v14 =	vor.u32 s30, v23;
	v13 =	vor.u32 s2, v0;
	v4 =	vld.idx.msk [tilespmem:v6+s20+$0x0], $0xffff  }
0x4ef: {  	v8 =	vor.u32 s8, v23;
	v10 =	vor.u32 s31, v0;
	v6 =	vld.idx.msk [tilespmem:v7+s20+$0x0], $0xffff  }
0x4f0: {  	v9 =	vor.u32 s9, v23  }
0x4f1: {  	s30 =	simm.s32 $0x8;
	v7 =	vld.idx.msk [tilespmem:v15+s20+$0x0], $0xffff;
	v15 =	vmul.f32 v11, v3;
	v11 =	vor.u32 s11, v23  }
.LBB2_21:
0x4f2: {  	v16 =	vor.u32 s30, v0;
	s8 =	sadd.s32 $0x3, s30;
	v17 =	vmul.f32 v5, v3;
	v5 =	vld.idx.msk [tilespmem:v12+s20+$0x0], $0xffff;
	s9 =	smov.u32 s30;
	p1 =	slt.u32 s30, $0xC  }
.Ltmp13:
0x4f3: {  	s11 =	sadd.s32 $0x2, s30;
	v12 =	vor.u32 s8, v0;
	[tilespmem:v14+s24+$0x0] =	vst.idx.msk $0xffff, v15;
	v15 =	vmul.f32 v4, v3;
	v4 =	vld.idx.msk [tilespmem:v13+s20+$0x0], $0xffff;
	(pc) =	sbr.rel @p1 .LBB2_21-.Ltmp13, $4  }
0x4f4: {  	s30 =	sadd.s32 $0x4, s30;
	s13 =	sadd.s32 $0x1, s9;
	v13 =	vor.u32 s11, v0;
	v14 =	vor.u32 s1, v23;
	v18 =	vmul.f32 v6, v3;
	v6 =	vld.idx.msk [tilespmem:v10+s20+$0x0], $0xffff;
	[tilespmem:v8+s24+$0x0] =	vst.idx.msk $0xffff, v17  }
0x4f5: {  	s1 =	smov.u32 s9;
	v10 =	vor.u32 s13, v0;
	v8 =	vor.u32 s0, v23;
	s0 =	smov.u32 s8;
	[tilespmem:v9+s24+$0x0] =	vst.idx.msk $0xffff, v15  }
0x4f6: {  	v9 =	vor.u32 s2, v23;
	s2 =	smov.u32 s11;
	[tilespmem:v11+s24+$0x0] =	vst.idx.msk $0xffff, v18  }
0x4f7: {  	v15 =	vmul.f32 v7, v3;
	v11 =	vor.u32 s31, v23;
	s31 =	smov.u32 s13;
	v7 =	vld.idx.msk [tilespmem:v16+s20+$0x0], $0xffff  }
0x4f8: {  	_ =	sdelay $0x3  }
0x4f9: {  	v12 =	vld.idx.msk [tilespmem:v12+s20+$0x0], $0xffff  }
0x4fa: {  	v5 =	vmul.f32 v5, v3;
	v13 =	vld.idx.msk [tilespmem:v13+s20+$0x0], $0xffff;
	v16 =	vor.u32 s1, v23  }
0x4fb: {  	v4 =	vmul.f32 v4, v3;
	v10 =	vld.idx.msk [tilespmem:v10+s20+$0x0], $0xffff;
	[tilespmem:v14+s24+$0x0] =	vst.idx.msk $0xffff, v15;
	v14 =	vor.u32 s0, v23  }
0x4fc: {  	v6 =	vmul.f32 v6, v3;
	[tilespmem:v8+s24+$0x0] =	vst.idx.msk $0xffff, v5;
	v5 =	vor.u32 s2, v23  }
0x4fd: {  	[tilespmem:v9+s24+$0x0] =	vst.idx.msk $0xffff, v4;
	v4 =	vmul.f32 v7, v3;
	v7 =	vor.u32 s31, v23  }
0x4fe: {  	[tilespmem:v11+s24+$0x0] =	vst.idx.msk $0xffff, v6;
	v6 =	vmul.f32 v12, v3  }
0x4ff: {  	[tilespmem:v16+s24+$0x0] =	vst.idx.msk $0xffff, v4;
	v4 =	vmul.f32 v13, v3  }
0x500: {  	v3 =	vmul.f32 v10, v3;
	[tilespmem:v14+s24+$0x0] =	vst.idx.msk $0xffff, v6  }
0x501: {  	[tilespmem:v5+s24+$0x0] =	vst.idx.msk $0xffff, v4  }
0x502: {  	[tilespmem:v7+s24+$0x0] =	vst.idx.msk $0xffff, v3  }
0x503: {  	v3 =	vld.idx.msk [tilespmem:v52+s22+$0x0], $0xffff;
	_ =	sdelay $0x4  }
0x504: {  	[tilespmem:$0xD700] =	vst v3  }
0x505: {  	v4 =	vld.idx.msk [tilespmem:v57+s22+$0x0], $0xffff;
	_ =	sdelay $0x4  }
0x506: {  	[tilespmem:$0xD710] =	vst v4  }
0x507: {  	v5 =	vld.idx.msk [tilespmem:v58+s22+$0x0], $0xffff;
	_ =	sdelay $0x4  }
0x508: {  	[tilespmem:$0xD720] =	vst v5  }
0x509: {  	v6 =	vld.idx.msk [tilespmem:v59+s22+$0x0], $0xffff;
	_ =	sdelay $0x4  }
0x50a: {  	[tilespmem:$0xD730] =	vst v6  }
0x50b: {  	v7 =	vld.idx.msk [tilespmem:v60+s22+$0x0], $0xffff;
	_ =	sdelay $0x4  }
0x50c: {  	[tilespmem:$0xD740] =	vst v7  }
0x50d: {  	v8 =	vld.idx.msk [tilespmem:v61+s22+$0x0], $0xffff;
	_ =	sdelay $0x4  }
0x50e: {  	[tilespmem:$0xD750] =	vst v8  }
0x50f: {  	v9 =	vld.idx.msk [tilespmem:v62+s22+$0x0], $0xffff;
	_ =	sdelay $0x4  }
0x510: {  	[tilespmem:$0xD760] =	vst v9  }
0x511: {  	v10 =	vld.idx.msk [tilespmem:v63+s22+$0x0], $0xffff;
	_ =	sdelay $0x4  }
0x512: {  	[tilespmem:$0xD770] =	vst v10  }
0x513: {  	v1 =	vld.idx.msk [tilespmem:v1+s22+$0x0], $0xffff;
	_ =	sdelay $0x4  }
0x514: {  	[tilespmem:$0xD780] =	vst v1  }
0x515: {  	v2 =	vld.idx.msk [tilespmem:v2+s22+$0x0], $0xffff;
	_ =	sdelay $0x4  }
0x516: {  	s30 =	simm.s32 $0x0;
	[tilespmem:$0xD790] =	vst v2  }
0x517: {  	[tilespmem:s20], [sflag:$0x2] =	stream.indirect.gather [hbm4b:s3+s16], $0x80, s19, s16, $0xb8;
	[tilespmem:$0x1B800] =	vst v63  }
0x518: {  	v3 =	vld.idx.msk [tilespmem:v3+s30+$0x0], $0xffff  }
0x519: {  	v4 =	vld.idx.msk [tilespmem:v4+s30+$0x0], $0xffff  }
0x51a: {  	v5 =	vld.idx.msk [tilespmem:v5+s30+$0x0], $0xffff  }
0x51b: {  	v6 =	vld.idx.msk [tilespmem:v6+s30+$0x0], $0xffff  }
0x51c: {  	v7 =	vld.idx.msk [tilespmem:v7+s30+$0x0], $0xffff  }
0x51d: {  	v8 =	vld.idx.msk [tilespmem:v8+s30+$0x0], $0xffff  }
0x51e: {  	v9 =	vld.idx.msk [tilespmem:v9+s30+$0x0], $0xffff;
	v11 =	vmax.f32 v3, v4  }
0x51f: {  	v10 =	vld.idx.msk [tilespmem:v10+s30+$0x0], $0xffff;
	v11 =	vmax.f32 v11, v5  }
0x520: {  	v1 =	vld.idx.msk [tilespmem:v1+s30+$0x0], $0xffff;
	v11 =	vmax.f32 v11, v6  }
0x521: {  	v2 =	vld.idx.msk [tilespmem:v2+s30+$0x0], $0xffff;
	v11 =	vmax.f32 v11, v7  }
0x522: {  	v11 =	vmax.f32 v11, v8  }
0x523: {  	v11 =	vmax.f32 v11, v9  }
0x524: {  	v11 =	vmax.f32 v11, v10  }
0x525: {  	v11 =	vmax.f32 v11, v1  }
0x526: {  	v11 =	vmax.f32 v11, v2  }
0x527: {  	v3 =	vsub.f32 v3, v11  }
0x528: {  	v4 =	vsub.f32 v4, v11  }
0x529: {  	v5 =	vsub.f32 v5, v11;
	v3 =	vmul.f32 $1.442695020e+00, v3  }
0x52a: {  	v6 =	vsub.f32 v6, v11;
	v4 =	vmul.f32 $1.442695020e+00, v4  }
0x52b: {  	(erf) = vpow2.f32 v3;
	v3 =	vmul.f32 $1.442695020e+00, v5;
	v5 =	vsub.f32 v7, v11  }
0x52c: {  	(erf) = vpow2.f32 v4;
	v4 =	vmul.f32 $1.442695020e+00, v6;
	v6 =	vsub.f32 v8, v11  }
0x52d: {  	(erf) = vpow2.f32 v3;
	v3 =	vmul.f32 $1.442695020e+00, v5;
	v5 =	vsub.f32 v9, v11  }
0x52e: {  	(erf) = vpow2.f32 v4;
	v4 =	vmul.f32 $1.442695020e+00, v6;
	v6 =	vsub.f32 v10, v11  }
0x52f: {  	(erf) = vpow2.f32 v3;
	v3 =	vmul.f32 $1.442695020e+00, v5  }
0x530: {  	v1 =	vsub.f32 v1, v11;
	(erf) = vpow2.f32 v4;
	v4 =	vmul.f32 $1.442695020e+00, v6  }
0x531: {  	v2 =	vsub.f32 v2, v11;
	(erf) = vpow2.f32 v3  }
0x532: {  	v1 =	vmul.f32 $1.442695020e+00, v1;
	(erf) = vpow2.f32 v4  }
0x533: {  	v2 =	vmul.f32 $1.442695020e+00, v2  }
0x534: {  	v3 =	vpop (erf)  }
0x535: {  	(erf) = vpow2.f32 v1;
	v4 =	vpop (erf)  }
0x536: {  	(erf) = vpow2.f32 v2;
	v1 =	vpop (erf)  }
0x537: {  	v2 =	vpop (erf)  }
0x538: {  	v5 =	vpop (erf)  }
0x539: {  	v6 =	vpop (erf)  }
0x53a: {  	v7 =	vpop (erf)  }
0x53b: {  	v9 =	vadd.f32 v4, v3;
	v11 =	vadd.f32 v6, v5;
	v8 =	vpop (erf)  }
0x53c: {  	v10 =	vadd.f32 v2, v1;
	v12 =	vadd.f32 v8, v7;
	_ =	sdelay $0x1  }
0x53d: {  	v9 =	vadd.f32 v10, v9;
	v13 =	vpop (erf);
	v10 =	vadd.f32 v12, v11  }
0x53e: {  	v11 =	vpop (erf)  }
0x53f: {  	v12 =	vadd.f32 v11, v13;
	v9 =	vadd.f32 v10, v9;
	_ =	sdelay $0x1  }
0x540: {  	v9 =	vadd.f32 v9, v12;
	_ =	sdelay $0x1  }
0x541: {  	(erf) = vrcp.f32 v9;
	_ =	sdelay $0x8  }
0x542: {  	v9 =	vpop (erf)  }
0x543: {  	v3 =	vmul.f32 v9, v3  }
0x544: {  	v4 =	vmul.f32 v9, v4  }
0x545: {  	v1 =	vmul.f32 v9, v1;
	[tilespmem:$0x18000] =	vst v3  }
0x546: {  	v2 =	vmul.f32 v9, v2;
	[tilespmem:$0x18080] =	vst v4  }
0x547: {  	[tilespmem:$0x18100] =	vst v1;
	v1 =	vmul.f32 v9, v5  }
0x548: {  	[tilespmem:$0x18180] =	vst v2;
	v2 =	vmul.f32 v9, v6  }
0x549: {  	[tilespmem:$0x18200] =	vst v1;
	v1 =	vmul.f32 v9, v7  }
0x54a: {  	[tilespmem:$0x18280] =	vst v2;
	v2 =	vmul.f32 v9, v8  }
0x54b: {  	[tilespmem:$0x18300] =	vst v1;
	v1 =	vmul.f32 v9, v13  }
0x54c: {  	[tilespmem:$0x18380] =	vst v2;
	v2 =	vmul.f32 v9, v11  }
0x54d: {  	[tilespmem:$0x18400] =	vst v1  }
0x54e: {  	s8 =	simm.s32 $0x3;
	[tilespmem:$0x18480] =	vst v2;
	v2 =	vor.u32 s30, v0  }
0x54f: {  	s9 =	simm.s32 $0x2;
	v3 =	vor.u32 s8, v0;
	_ =	swait.ge [sflag:s23], $0x5000  }
0x550: {  	s11 =	simm.s32 $0x1;
	v4 =	vor.u32 s9, v0;
	[sflag:s23] =	ssyncset.done $0x0  }
0x551: {  	v5 =	vor.u32 s11, v0;
	[sflag:s23] =	ssyncadd.s32 $0xFFFFB000  }
0x552: {  	s1 =	simm.s32 $0x4;
	v1 =	vld [tilespmem:$0x17800]  }
0x553: {  	s0 =	simm.s32 $0x7;
	v13 =	vor.u32 s1, v0;
	v9 =	vld.idx.msk [tilespmem:v2+s18+$0x0], $0xffff  }
0x554: {  	s2 =	simm.s32 $0x6;
	v10 =	vor.u32 s0, v0;
	v3 =	vld.idx.msk [tilespmem:v3+s18+$0x0], $0xffff  }
0x555: {  	s31 =	simm.s32 $0x5;
	v12 =	vor.u32 s30, v24;
	v11 =	vor.u32 s2, v0;
	v2 =	vld.idx.msk [tilespmem:v4+s18+$0x0], $0xffff  }
0x556: {  	v6 =	vor.u32 s8, v24;
	v8 =	vor.u32 s31, v0;
	v4 =	vld.idx.msk [tilespmem:v5+s18+$0x0], $0xffff  }
0x557: {  	v7 =	vor.u32 s9, v24  }
0x558: {  	s30 =	simm.s32 $0x8;
	v5 =	vld.idx.msk [tilespmem:v13+s18+$0x0], $0xffff;
	v13 =	vmul.f32 v9, v1;
	v9 =	vor.u32 s11, v24  }
.LBB2_23:
0x559: {  	v14 =	vor.u32 s30, v0;
	s8 =	sadd.s32 $0x3, s30;
	v15 =	vmul.f32 v3, v1;
	v3 =	vld.idx.msk [tilespmem:v10+s18+$0x0], $0xffff;
	s9 =	smov.u32 s30;
	p1 =	slt.u32 s30, $0xC  }
.Ltmp14:
0x55a: {  	s11 =	sadd.s32 $0x2, s30;
	v10 =	vor.u32 s8, v0;
	[tilespmem:v12+s24+$0x0] =	vst.idx.msk $0xffff, v13;
	v13 =	vmul.f32 v2, v1;
	v2 =	vld.idx.msk [tilespmem:v11+s18+$0x0], $0xffff;
	(pc) =	sbr.rel @p1 .LBB2_23-.Ltmp14, $4  }
0x55b: {  	s30 =	sadd.s32 $0x4, s30;
	s13 =	sadd.s32 $0x1, s9;
	v11 =	vor.u32 s11, v0;
	v12 =	vor.u32 s1, v24;
	v16 =	vmul.f32 v4, v1;
	v4 =	vld.idx.msk [tilespmem:v8+s18+$0x0], $0xffff;
	[tilespmem:v6+s24+$0x0] =	vst.idx.msk $0xffff, v15  }
0x55c: {  	s1 =	smov.u32 s9;
	v8 =	vor.u32 s13, v0;
	v6 =	vor.u32 s0, v24;
	s0 =	smov.u32 s8;
	[tilespmem:v7+s24+$0x0] =	vst.idx.msk $0xffff, v13  }
0x55d: {  	v7 =	vor.u32 s2, v24;
	s2 =	smov.u32 s11;
	[tilespmem:v9+s24+$0x0] =	vst.idx.msk $0xffff, v16  }
0x55e: {  	v13 =	vmul.f32 v5, v1;
	v9 =	vor.u32 s31, v24;
	s31 =	smov.u32 s13;
	v5 =	vld.idx.msk [tilespmem:v14+s18+$0x0], $0xffff  }
0x55f: {  	_ =	sdelay $0x3  }
0x560: {  	v10 =	vld.idx.msk [tilespmem:v10+s18+$0x0], $0xffff  }
0x561: {  	v3 =	vmul.f32 v3, v1;
	v11 =	vld.idx.msk [tilespmem:v11+s18+$0x0], $0xffff;
	v14 =	vor.u32 s1, v24  }
0x562: {  	v2 =	vmul.f32 v2, v1;
	v8 =	vld.idx.msk [tilespmem:v8+s18+$0x0], $0xffff;
	v61 =	vor.u32 s0, v24;
	[tilespmem:v12+s24+$0x0] =	vst.idx.msk $0xffff, v13  }
0x563: {  	v4 =	vmul.f32 v4, v1;
	[tilespmem:v6+s24+$0x0] =	vst.idx.msk $0xffff, v3;
	v3 =	vor.u32 s2, v24  }
0x564: {  	v62 =	vor.u32 s31, v24;
	[tilespmem:v7+s24+$0x0] =	vst.idx.msk $0xffff, v2;
	v2 =	vmul.f32 v5, v1  }
.Ltmp15:
0x565: {  	[tilespmem:v9+s24+$0x0] =	vst.idx.msk $0xffff, v4;
	v63 =	vmul.f32 v10, v1;
	(pc) =	sbr.rel @p0 .LBB2_26-.Ltmp15, $4  }
0x566: {  	[tilespmem:v14+s24+$0x0] =	vst.idx.msk $0xffff, v2;
	v2 =	vmul.f32 v11, v1  }
0x567: {  	v1 =	vmul.f32 v8, v1;
	[tilespmem:v61+s24+$0x0] =	vst.idx.msk $0xffff, v63  }
0x568: {  	[tilespmem:v3+s24+$0x0] =	vst.idx.msk $0xffff, v2  }
0x569: {  	[tilespmem:v62+s24+$0x0] =	vst.idx.msk $0xffff, v1  }
0x56a: {  	_ = 	snop  }
0x56b: {  	_ =	swait.ge [sflag:s15], $0x800  }
0x56c: {  	[sflag:s15] =	ssyncset.done $0x0;
	v2 =	vld [tilespmem:$0x1FEE0]  }
0x56d: {  	[sflag:s15] =	ssyncadd.s32 $0xFFFFF800  }
0x56e: {  	v1 =	vld.idx.msk [tilespmem:v0+s14+$0x0], $0xffff;
	_ =	sdelay $0x3  }
0x56f: {  	v3 =	vld [tilespmem:$0x1FEF0]  }
0x570: {  	[tilespmem:$0xD600] =	vst v1  }
0x571: {  	v2 =	vld.idx.msk [tilespmem:v2+s14+$0x0], $0xffff;
	_ =	sdelay $0x3  }
0x572: {  	v4 =	vld [tilespmem:$0x1FF00]  }
0x573: {  	[tilespmem:$0xD610] =	vst v2  }
0x574: {  	v3 =	vld.idx.msk [tilespmem:v3+s14+$0x0], $0xffff;
	_ =	sdelay $0x3  }
0x575: {  	v5 =	vld [tilespmem:$0x1FF10]  }
0x576: {  	[tilespmem:$0xD620] =	vst v3  }
0x577: {  	v4 =	vld.idx.msk [tilespmem:v4+s14+$0x0], $0xffff;
	_ =	sdelay $0x3  }
0x578: {  	v6 =	vld [tilespmem:$0x1FF20]  }
0x579: {  	[tilespmem:$0xD630] =	vst v4  }
0x57a: {  	v5 =	vld.idx.msk [tilespmem:v5+s14+$0x0], $0xffff;
	_ =	sdelay $0x3  }
0x57b: {  	v7 =	vld [tilespmem:$0x1FF30]  }
0x57c: {  	[tilespmem:$0xD640] =	vst v5  }
0x57d: {  	v6 =	vld.idx.msk [tilespmem:v6+s14+$0x0], $0xffff;
	_ =	sdelay $0x3  }
0x57e: {  	v8 =	vld [tilespmem:$0x1FF40]  }
0x57f: {  	[tilespmem:$0xD650] =	vst v6  }
0x580: {  	v7 =	vld.idx.msk [tilespmem:v7+s14+$0x0], $0xffff;
	_ =	sdelay $0x3  }
0x581: {  	v9 =	vld [tilespmem:$0x1FF50]  }
0x582: {  	[tilespmem:$0xD660] =	vst v7  }
0x583: {  	v8 =	vld.idx.msk [tilespmem:v8+s14+$0x0], $0xffff;
	_ =	sdelay $0x3  }
0x584: {  	v10 =	vld [tilespmem:$0x1FF60]  }
0x585: {  	[tilespmem:$0xD670] =	vst v8  }
0x586: {  	v9 =	vld.idx.msk [tilespmem:v9+s14+$0x0], $0xffff;
	_ =	sdelay $0x4  }
0x587: {  	[tilespmem:$0xD680] =	vst v9  }
0x588: {  	v10 =	vld.idx.msk [tilespmem:v10+s14+$0x0], $0xffff;
	_ =	sdelay $0x4  }
0x589: {  	[tilespmem:$0xD690] =	vst v10  }
0x58a: {  	[tilespmem:s18], [sflag:$0x1] =	stream.indirect.gather [hbm4b:s3+s16], $0x80, s17, s16, $0xb8;
	[tilespmem:$0x1B800] =	vst v63  }
0x58b: {  	v1 =	vld.idx.msk [tilespmem:v1+s4+$0x0], $0xffff  }
0x58c: {  	v2 =	vld.idx.msk [tilespmem:v2+s4+$0x0], $0xffff  }
0x58d: {  	v3 =	vld.idx.msk [tilespmem:v3+s4+$0x0], $0xffff  }
0x58e: {  	v4 =	vld.idx.msk [tilespmem:v4+s4+$0x0], $0xffff  }
0x58f: {  	v5 =	vld.idx.msk [tilespmem:v5+s4+$0x0], $0xffff  }
0x590: {  	v6 =	vld.idx.msk [tilespmem:v6+s4+$0x0], $0xffff  }
0x591: {  	v7 =	vld.idx.msk [tilespmem:v7+s4+$0x0], $0xffff;
	v11 =	vmax.f32 v1, v2  }
0x592: {  	v8 =	vld.idx.msk [tilespmem:v8+s4+$0x0], $0xffff;
	v11 =	vmax.f32 v11, v3  }
0x593: {  	v9 =	vld.idx.msk [tilespmem:v9+s4+$0x0], $0xffff;
	v11 =	vmax.f32 v11, v4  }
0x594: {  	v10 =	vld.idx.msk [tilespmem:v10+s4+$0x0], $0xffff;
	v11 =	vmax.f32 v11, v5  }
0x595: {  	v11 =	vmax.f32 v11, v6  }
0x596: {  	v11 =	vmax.f32 v11, v7  }
0x597: {  	v11 =	vmax.f32 v11, v8  }
0x598: {  	v11 =	vmax.f32 v11, v9  }
0x599: {  	v11 =	vmax.f32 v11, v10  }
0x59a: {  	v1 =	vsub.f32 v1, v11  }
0x59b: {  	v2 =	vsub.f32 v2, v11  }
0x59c: {  	v3 =	vsub.f32 v3, v11;
	v1 =	vmul.f32 $1.442695020e+00, v1  }
0x59d: {  	v4 =	vsub.f32 v4, v11;
	v2 =	vmul.f32 $1.442695020e+00, v2  }
0x59e: {  	(erf) = vpow2.f32 v1;
	v1 =	vmul.f32 $1.442695020e+00, v3;
	v3 =	vsub.f32 v5, v11  }
0x59f: {  	v51 =	vsub.f32 v6, v11;
	(erf) = vpow2.f32 v2;
	v2 =	vmul.f32 $1.442695020e+00, v4  }
0x5a0: {  	(erf) = vpow2.f32 v1;
	v1 =	vmul.f32 $1.442695020e+00, v3;
	v3 =	vsub.f32 v7, v11  }
0x5a1: {  	v52 =	vsub.f32 v8, v11;
	(erf) = vpow2.f32 v2;
	v2 =	vmul.f32 $1.442695020e+00, v51  }
0x5a2: {  	(erf) = vpow2.f32 v1;
	v1 =	vmul.f32 $1.442695020e+00, v3  }
0x5a3: {  	(erf) = vpow2.f32 v2;
	v2 =	vmul.f32 $1.442695020e+00, v52  }
0x5a4: {  	(erf) = vpow2.f32 v1;
	v1 =	vsub.f32 v9, v11  }
0x5a5: {  	(erf) = vpow2.f32 v2;
	v2 =	vsub.f32 v10, v11  }
0x5a6: {  	v1 =	vmul.f32 $1.442695020e+00, v1  }
0x5a7: {  	v2 =	vmul.f32 $1.442695020e+00, v2  }
0x5a8: {  	v3 =	vpop (erf)  }
0x5a9: {  	v53 =	vpop (erf);
	(erf) = vpow2.f32 v1  }
0x5aa: {  	(erf) = vpow2.f32 v2;
	v1 =	vpop (erf)  }
0x5ab: {  	v2 =	vpop (erf)  }
0x5ac: {  	v54 =	vpop (erf)  }
0x5ad: {  	v55 =	vpop (erf)  }
0x5ae: {  	v56 =	vpop (erf)  }
0x5af: {  	v58 =	vadd.f32 v53, v3;
	v59 =	vadd.f32 v2, v1;
	v57 =	vpop (erf)  }
0x5b0: {  	v60 =	vadd.f32 v55, v54;
	v12 =	vadd.f32 v57, v56;
	_ =	sdelay $0x1  }
0x5b1: {  	v9 =	vadd.f32 v59, v58;
	v13 =	vpop (erf);
	v61 =	vadd.f32 v12, v60  }
0x5b2: {  	v62 =	vpop (erf)  }
0x5b3: {  	v63 =	vadd.f32 v62, v13;
	v9 =	vadd.f32 v61, v9;
	_ =	sdelay $0x1  }
0x5b4: {  	v9 =	vadd.f32 v9, v63;
	_ =	sdelay $0x1  }
0x5b5: {  	(erf) = vrcp.f32 v9;
	_ =	sdelay $0x8  }
0x5b6: {  	v9 =	vpop (erf)  }
0x5b7: {  	v3 =	vmul.f32 v9, v3  }
0x5b8: {  	v4 =	vmul.f32 v9, v53  }
0x5b9: {  	v1 =	vmul.f32 v9, v1;
	[tilespmem:$0x17800] =	vst v3  }
0x5ba: {  	v2 =	vmul.f32 v9, v2;
	[tilespmem:$0x17880] =	vst v4  }
0x5bb: {  	[tilespmem:$0x17900] =	vst v1;
	v1 =	vmul.f32 v9, v54  }
0x5bc: {  	[tilespmem:$0x17980] =	vst v2;
	v2 =	vmul.f32 v9, v55  }
0x5bd: {  	[tilespmem:$0x17A00] =	vst v1;
	v1 =	vmul.f32 v9, v56  }
0x5be: {  	[tilespmem:$0x17A80] =	vst v2;
	v2 =	vmul.f32 v9, v57  }
0x5bf: {  	[tilespmem:$0x17B00] =	vst v1;
	v1 =	vmul.f32 v9, v13  }
0x5c0: {  	[tilespmem:$0x17B80] =	vst v2;
	v2 =	vmul.f32 v9, v62  }
0x5c1: {  	[tilespmem:$0x17C00] =	vst v1  }
0x5c2: {  	[tilespmem:$0x17C80] =	vst v2  }
.LBB2_26:
0x5c3: {  	s8 =	simm.s32 $0x0  }
0x5c4: {  	s9 =	simm.s32 $0x3;
	v2 =	vor.u32 s8, v0  }
0x5c5: {  	_ =	swait.ge [sflag:s25], $0x5000;
	s11 =	simm.s32 $0x2;
	v3 =	vor.u32 s9, v0  }
0x5c6: {  	s13 =	simm.s32 $0x1;
	[sflag:s25] =	ssyncset.done $0x0;
	v4 =	vor.u32 s11, v0  }
0x5c7: {  	v5 =	vor.u32 s13, v0;
	[sflag:s25] =	ssyncadd.s32 $0xFFFFB000  }
0x5c8: {  	s1 =	simm.s32 $0x4;
	v1 =	vld [tilespmem:$0x18000]  }
0x5c9: {  	s0 =	simm.s32 $0x7;
	v13 =	vor.u32 s1, v0;
	v9 =	vld.idx.msk [tilespmem:v2+s20+$0x0], $0xffff  }
0x5ca: {  	s2 =	simm.s32 $0x6;
	v10 =	vor.u32 s0, v0;
	v3 =	vld.idx.msk [tilespmem:v3+s20+$0x0], $0xffff  }
0x5cb: {  	s30 =	simm.s32 $0x5;
	v11 =	vor.u32 s2, v0;
	v12 =	vor.u32 s8, v25;
	v2 =	vld.idx.msk [tilespmem:v4+s20+$0x0], $0xffff  }
0x5cc: {  	v8 =	vor.u32 s30, v0;
	v6 =	vor.u32 s9, v25;
	v4 =	vld.idx.msk [tilespmem:v5+s20+$0x0], $0xffff  }
0x5cd: {  	v7 =	vor.u32 s11, v25  }
0x5ce: {  	s31 =	simm.s32 $0x8;
	v5 =	vld.idx.msk [tilespmem:v13+s20+$0x0], $0xffff;
	v13 =	vmul.f32 v9, v1;
	v9 =	vor.u32 s13, v25  }
.LBB2_27:
0x5cf: {  	v14 =	vor.u32 s31, v0;
	s8 =	sadd.s32 $0x3, s31;
	v15 =	vmul.f32 v3, v1;
	v3 =	vld.idx.msk [tilespmem:v10+s20+$0x0], $0xffff;
	s9 =	smov.u32 s31;
	p1 =	slt.u32 s31, $0xC  }
.Ltmp16:
0x5d0: {  	s11 =	sadd.s32 $0x2, s31;
	v10 =	vor.u32 s8, v0;
	[tilespmem:v12+s24+$0x0] =	vst.idx.msk $0xffff, v13;
	v13 =	vmul.f32 v2, v1;
	v2 =	vld.idx.msk [tilespmem:v11+s20+$0x0], $0xffff;
	(pc) =	sbr.rel @p1 .LBB2_27-.Ltmp16, $4  }
0x5d1: {  	s31 =	sadd.s32 $0x4, s31;
	s13 =	sadd.s32 $0x1, s9;
	v11 =	vor.u32 s11, v0;
	v12 =	vor.u32 s1, v25;
	v16 =	vmul.f32 v4, v1;
	v4 =	vld.idx.msk [tilespmem:v8+s20+$0x0], $0xffff;
	[tilespmem:v6+s24+$0x0] =	vst.idx.msk $0xffff, v15  }
0x5d2: {  	s1 =	smov.u32 s9;
	v8 =	vor.u32 s13, v0;
	v6 =	vor.u32 s0, v25;
	s0 =	smov.u32 s8;
	[tilespmem:v7+s24+$0x0] =	vst.idx.msk $0xffff, v13  }
0x5d3: {  	v7 =	vor.u32 s2, v25;
	s2 =	smov.u32 s11;
	[tilespmem:v9+s24+$0x0] =	vst.idx.msk $0xffff, v16  }
0x5d4: {  	v13 =	vmul.f32 v5, v1;
	v9 =	vor.u32 s30, v25;
	s30 =	smov.u32 s13;
	v5 =	vld.idx.msk [tilespmem:v14+s20+$0x0], $0xffff  }
0x5d5: {  	_ =	sdelay $0x3  }
0x5d6: {  	v10 =	vld.idx.msk [tilespmem:v10+s20+$0x0], $0xffff  }
0x5d7: {  	v3 =	vmul.f32 v3, v1;
	v11 =	vld.idx.msk [tilespmem:v11+s20+$0x0], $0xffff;
	v14 =	vor.u32 s1, v25  }
0x5d8: {  	v2 =	vmul.f32 v2, v1;
	v8 =	vld.idx.msk [tilespmem:v8+s20+$0x0], $0xffff;
	v61 =	vor.u32 s0, v25;
	[tilespmem:v12+s24+$0x0] =	vst.idx.msk $0xffff, v13  }
0x5d9: {  	v4 =	vmul.f32 v4, v1;
	[tilespmem:v6+s24+$0x0] =	vst.idx.msk $0xffff, v3;
	v3 =	vor.u32 s2, v25  }
0x5da: {  	v62 =	vor.u32 s30, v25;
	[tilespmem:v7+s24+$0x0] =	vst.idx.msk $0xffff, v2;
	v2 =	vmul.f32 v5, v1  }
.Ltmp17:
0x5db: {  	[tilespmem:v9+s24+$0x0] =	vst.idx.msk $0xffff, v4;
	v63 =	vmul.f32 v10, v1;
	(pc) =	sbr.rel @p0 .LBB2_30-.Ltmp17, $4  }
0x5dc: {  	[tilespmem:v14+s24+$0x0] =	vst.idx.msk $0xffff, v2;
	v2 =	vmul.f32 v11, v1  }
0x5dd: {  	v1 =	vmul.f32 v8, v1;
	[tilespmem:v61+s24+$0x0] =	vst.idx.msk $0xffff, v63  }
0x5de: {  	[tilespmem:v3+s24+$0x0] =	vst.idx.msk $0xffff, v2  }
0x5df: {  	[tilespmem:v62+s24+$0x0] =	vst.idx.msk $0xffff, v1  }
0x5e0: {  	v1 =	vld [tilespmem:$0x1FF70];
	_ =	sdelay $0x5  }
0x5e1: {  	v2 =	vld [tilespmem:$0x1FF80];
	_ =	sdelay $0x1  }
0x5e2: {  	v1 =	vld.idx.msk [tilespmem:v1+s14+$0x0], $0xffff;
	_ =	sdelay $0x3  }
0x5e3: {  	v3 =	vld [tilespmem:$0x1FF90]  }
0x5e4: {  	[tilespmem:$0xD700] =	vst v1  }
0x5e5: {  	v2 =	vld.idx.msk [tilespmem:v2+s14+$0x0], $0xffff;
	_ =	sdelay $0x3  }
0x5e6: {  	v4 =	vld [tilespmem:$0x1FFA0]  }
0x5e7: {  	[tilespmem:$0xD710] =	vst v2  }
0x5e8: {  	v3 =	vld.idx.msk [tilespmem:v3+s14+$0x0], $0xffff;
	_ =	sdelay $0x3  }
0x5e9: {  	v5 =	vld [tilespmem:$0x1FFB0]  }
0x5ea: {  	[tilespmem:$0xD720] =	vst v3  }
0x5eb: {  	v4 =	vld.idx.msk [tilespmem:v4+s14+$0x0], $0xffff;
	_ =	sdelay $0x3  }
0x5ec: {  	v6 =	vld [tilespmem:$0x1FFC0]  }
0x5ed: {  	[tilespmem:$0xD730] =	vst v4  }
0x5ee: {  	v5 =	vld.idx.msk [tilespmem:v5+s14+$0x0], $0xffff;
	_ =	sdelay $0x3  }
0x5ef: {  	v7 =	vld [tilespmem:$0x1FFD0]  }
0x5f0: {  	[tilespmem:$0xD740] =	vst v5  }
0x5f1: {  	v6 =	vld.idx.msk [tilespmem:v6+s14+$0x0], $0xffff;
	_ =	sdelay $0x3  }
0x5f2: {  	v8 =	vld [tilespmem:$0x1FFE0]  }
0x5f3: {  	[tilespmem:$0xD750] =	vst v6  }
0x5f4: {  	v7 =	vld.idx.msk [tilespmem:v7+s14+$0x0], $0xffff;
	_ =	sdelay $0x3  }
0x5f5: {  	v9 =	vld [tilespmem:$0x1FFF0]  }
0x5f6: {  	[tilespmem:$0xD760] =	vst v7  }
0x5f7: {  	v8 =	vld.idx.msk [tilespmem:v8+s14+$0x0], $0xffff;
	_ =	sdelay $0x4  }
0x5f8: {  	[tilespmem:$0xD770] =	vst v8  }
0x5f9: {  	v9 =	vld.idx.msk [tilespmem:v9+s14+$0x0], $0xffff;
	_ =	sdelay $0x4  }
0x5fa: {  	[tilespmem:$0xD780] =	vst v9  }
0x5fb: {  	v10 =	vld.idx.msk [tilespmem:v19+s14+$0x0], $0xffff;
	_ =	sdelay $0x4  }
0x5fc: {  	[tilespmem:$0xD790] =	vst v10  }
0x5fd: {  	[tilespmem:s20], [sflag:$0x2] =	stream.indirect.gather [hbm4b:s3+s16], $0x80, s19, s16, $0xb8;
	[tilespmem:$0x1B800] =	vst v63  }
0x5fe: {  	v1 =	vld.idx.msk [tilespmem:v1+s4+$0x0], $0xffff  }
0x5ff: {  	v2 =	vld.idx.msk [tilespmem:v2+s4+$0x0], $0xffff  }
0x600: {  	v3 =	vld.idx.msk [tilespmem:v3+s4+$0x0], $0xffff  }
0x601: {  	v4 =	vld.idx.msk [tilespmem:v4+s4+$0x0], $0xffff  }
0x602: {  	v5 =	vld.idx.msk [tilespmem:v5+s4+$0x0], $0xffff  }
0x603: {  	v6 =	vld.idx.msk [tilespmem:v6+s4+$0x0], $0xffff  }
0x604: {  	v7 =	vld.idx.msk [tilespmem:v7+s4+$0x0], $0xffff;
	v11 =	vmax.f32 v1, v2  }
0x605: {  	v8 =	vld.idx.msk [tilespmem:v8+s4+$0x0], $0xffff;
	v11 =	vmax.f32 v11, v3  }
0x606: {  	v9 =	vld.idx.msk [tilespmem:v9+s4+$0x0], $0xffff;
	v11 =	vmax.f32 v11, v4  }
0x607: {  	v10 =	vld.idx.msk [tilespmem:v10+s4+$0x0], $0xffff;
	v11 =	vmax.f32 v11, v5  }
0x608: {  	v11 =	vmax.f32 v11, v6  }
0x609: {  	v11 =	vmax.f32 v11, v7  }
0x60a: {  	v11 =	vmax.f32 v11, v8  }
0x60b: {  	v11 =	vmax.f32 v11, v9  }
0x60c: {  	v11 =	vmax.f32 v11, v10  }
0x60d: {  	v1 =	vsub.f32 v1, v11  }
0x60e: {  	v2 =	vsub.f32 v2, v11  }
0x60f: {  	v3 =	vsub.f32 v3, v11;
	v1 =	vmul.f32 $1.442695020e+00, v1  }
0x610: {  	v4 =	vsub.f32 v4, v11;
	v2 =	vmul.f32 $1.442695020e+00, v2  }
0x611: {  	(erf) = vpow2.f32 v1;
	v1 =	vmul.f32 $1.442695020e+00, v3;
	v3 =	vsub.f32 v5, v11  }
0x612: {  	v51 =	vsub.f32 v6, v11;
	(erf) = vpow2.f32 v2;
	v2 =	vmul.f32 $1.442695020e+00, v4  }
0x613: {  	(erf) = vpow2.f32 v1;
	v1 =	vmul.f32 $1.442695020e+00, v3;
	v3 =	vsub.f32 v7, v11  }
0x614: {  	v52 =	vsub.f32 v8, v11;
	(erf) = vpow2.f32 v2;
	v2 =	vmul.f32 $1.442695020e+00, v51  }
0x615: {  	(erf) = vpow2.f32 v1;
	v1 =	vmul.f32 $1.442695020e+00, v3  }
0x616: {  	(erf) = vpow2.f32 v2;
	v2 =	vmul.f32 $1.442695020e+00, v52  }
0x617: {  	(erf) = vpow2.f32 v1;
	v1 =	vsub.f32 v9, v11  }
0x618: {  	(erf) = vpow2.f32 v2;
	v2 =	vsub.f32 v10, v11  }
0x619: {  	v1 =	vmul.f32 $1.442695020e+00, v1  }
0x61a: {  	v2 =	vmul.f32 $1.442695020e+00, v2  }
0x61b: {  	v3 =	vpop (erf)  }
0x61c: {  	v53 =	vpop (erf);
	(erf) = vpow2.f32 v1  }
0x61d: {  	(erf) = vpow2.f32 v2;
	v1 =	vpop (erf)  }
0x61e: {  	v2 =	vpop (erf)  }
0x61f: {  	v54 =	vpop (erf)  }
0x620: {  	v55 =	vpop (erf)  }
0x621: {  	v56 =	vpop (erf)  }
0x622: {  	v58 =	vadd.f32 v53, v3;
	v59 =	vadd.f32 v2, v1;
	v57 =	vpop (erf)  }
0x623: {  	v60 =	vadd.f32 v55, v54;
	v12 =	vadd.f32 v57, v56;
	_ =	sdelay $0x1  }
0x624: {  	v9 =	vadd.f32 v59, v58;
	v13 =	vpop (erf);
	v61 =	vadd.f32 v12, v60  }
0x625: {  	v62 =	vpop (erf)  }
0x626: {  	v63 =	vadd.f32 v62, v13;
	v9 =	vadd.f32 v61, v9;
	_ =	sdelay $0x1  }
0x627: {  	v9 =	vadd.f32 v9, v63;
	_ =	sdelay $0x1  }
0x628: {  	(erf) = vrcp.f32 v9;
	_ =	sdelay $0x8  }
0x629: {  	v9 =	vpop (erf)  }
0x62a: {  	v3 =	vmul.f32 v9, v3  }
0x62b: {  	v4 =	vmul.f32 v9, v53  }
0x62c: {  	v1 =	vmul.f32 v9, v1;
	[tilespmem:$0x18000] =	vst v3  }
0x62d: {  	v2 =	vmul.f32 v9, v2;
	[tilespmem:$0x18080] =	vst v4  }
0x62e: {  	[tilespmem:$0x18100] =	vst v1;
	v1 =	vmul.f32 v9, v54  }
0x62f: {  	[tilespmem:$0x18180] =	vst v2;
	v2 =	vmul.f32 v9, v55  }
0x630: {  	[tilespmem:$0x18200] =	vst v1;
	v1 =	vmul.f32 v9, v56  }
.Ltmp18:
0x631: {  	[tilespmem:$0x18280] =	vst v2;
	v2 =	vmul.f32 v9, v57;
	(pc) =	sbr.rel .LBB2_30-.Ltmp18, $4  }
0x632: {  	[tilespmem:$0x18300] =	vst v1;
	v1 =	vmul.f32 v9, v13  }
0x633: {  	[tilespmem:$0x18380] =	vst v2;
	v2 =	vmul.f32 v9, v62  }
0x634: {  	[tilespmem:$0x18400] =	vst v1  }
0x635: {  	[tilespmem:$0x18480] =	vst v2  }
.LBB2_32:
0x636: {  	_ =	sfence.sel $0x180000  }
0x637: {  	[bflag:$0x0] =	sbarrier.arrive $0xFFFF  }
0x638: {  	_ =	strace $0x90000047  }
0x639: {  	s0 =	stileid.u32;
	[bflag:$0x2] =	sbarrier.arrive $0xFFFF  }
0x63a: {  	p0 =	sne.s32 s0, $0x0;
	s0 =	rddreg [dreg:$0x3]  }
0x63b: {  	s0 =	sadd.s32 @!p0 $0x100000, s0  }
0x63c: {  	[sflag:s0] =	ssyncadd.tile.s32 @!p0 $0x1;
	_ =	shalt  }
.Lfunc_end2:
_tile_overlayer_lowered:
.L_overlay_start_2:
0x63d: {  	(tag) =	ssettag $0x2  }
0x63e: {  	s0 =	rddreg [dreg:$0x0];
	s2 =	stileid.u32  }
0x63f: {  	s1 =	rddreg [dreg:$0x1];
	p0 =	sne.s32 s2, $0x0  }
0x640: {  	s3 =	rddreg [dreg:$0x2];
	[bflag:$0x3] =	sbarrier.arrive $0xFFFF;
	s2 =	simm.s32 @!p0 $0x1C04  }
0x641: {  	[timem:s3], [sflag:s2] =	dma.local @!p0 [hbm:s0], s1  }
0x642: {  	s0 =	simm.s32 @!p0 $0x4  }
0x643: {  	_ =	swait.ge @!p0 [sflag:s0], s1  }
0x644: {  	s1 =	ssub.s32 @!p0 $0x0, s1;
	[sflag:s0] =	ssyncset.done @!p0 $0x0  }
0x645: {  	[sflag:s0] =	ssyncadd.s32 @!p0 s1  }
0x646: {  	[bflag:$0x3] =	sbarrier.arrive $0xFFFF  }
0x647: {  	_ =	shalt  }

</sc_bundles>
